<compile_context>
chip_gen: v7x
topology: tpu7x:2x2x1
jax: 0.10.2.dev20260603
libtpu: 0.0.44.dev20260713+nightly
codegen_flags: <defaults>
</compile_context>

<pallas_src>
import functools

import jax
import jax.numpy as jnp
from jax import lax
from jax.experimental import pallas as pl
from jax.experimental.pallas import tpu as pltpu
from jax.experimental.pallas import tpu_sc as plsc

_N_EMBD = 1024
_NUM_EXPERTS = 64
_EXPERT_WIDTH = 128
_TOP_K = 8
_E_BLK = 16

_NW = 32
_L = 16


def _router_kernel(x_ref, rw_ref, logits_ref):
    logits_ref[...] = jax.lax.dot_general(
        rw_ref[...], x_ref[...], (((1,), (1,)), ((), ())),
        preferred_element_type=jnp.float32)


_TPW = 64


def _gate_sc_body(logits_hbm, gate_hbm, lg_v, gate_v):
    wid = lax.axis_index("s") * 2 + lax.axis_index("c")
    _gate_sc_stripe(logits_hbm, gate_hbm, lg_v, gate_v, wid)


def _gate_sc_stripe(logits_hbm, gate_hbm, lg_v, gate_v, wid):
    pltpu.sync_copy(logits_hbm.at[wid], lg_v)
    ng = _TPW // _L
    sls = [pl.ds(g * _L, _L) for g in range(ng)]
    zeros = [jnp.zeros((_L,), jnp.float32)] * ng

    unroll = 2

    def _maxpass(i, ms):
        ms = list(ms)
        for u in range(unroll):
            e = i * unroll + u
            for g in range(ng):
                ms[g] = jnp.maximum(ms[g], lg_v[e, sls[g]])
        return tuple(ms)
    m = lax.fori_loop(0, _NUM_EXPERTS // unroll, _maxpass,
                      tuple([jnp.full((_L,), -jnp.inf, jnp.float32)] * ng))

    def _exppass(i, cs):
        cs = list(cs)
        for u in range(unroll):
            e = i * unroll + u
            for g in range(ng):
                p = jnp.exp(lg_v[e, sls[g]] - m[g])
                lg_v[e, sls[g]] = p
                cs[g] = jnp.maximum(cs[g], p)
        return tuple(cs)
    cur = list(lax.fori_loop(0, _NUM_EXPERTS // unroll, _exppass,
                             tuple(zeros)))
    topsum = list(zeros)
    for _ in range(_TOP_K):
        def _selpass(i, carry):
            found, nxt = list(carry[:ng]), list(carry[ng:])
            for u in range(unroll):
                e = i * unroll + u
                for g in range(ng):
                    v = lg_v[e, sls[g]]
                    sel = (v == cur[g]) & (found[g] < 0.5)
                    nv = jnp.where(sel, -v, v)
                    lg_v[e, sls[g]] = nv
                    found[g] = jnp.where(sel, 1.0, found[g])
                    nxt[g] = jnp.maximum(nxt[g], nv)
            return tuple(found + nxt)
        res = lax.fori_loop(0, _NUM_EXPERTS // unroll, _selpass,
                            tuple(zeros + zeros))
        topsum = [topsum[g] + cur[g] for g in range(ng)]
        cur = list(res[ng:])

    inv = [1.0 / topsum[g] for g in range(ng)]

    def _gatepass(i, c):
        for u in range(unroll):
            e = i * unroll + u
            for g in range(ng):
                v = lg_v[e, sls[g]]
                gate_v[e, sls[g]] = jnp.where(v < 0.0, -v * inv[g], 0.0)
        return c
    lax.fori_loop(0, _NUM_EXPERTS // unroll, _gatepass, 0)

    pltpu.sync_copy(gate_v, gate_hbm.at[wid])


def _gate_sc(logitsT):
    e, t = logitsT.shape
    logits3 = logitsT.reshape(e, _NW, _TPW).transpose(1, 0, 2)
    mesh = plsc.VectorSubcoreMesh(core_axis_name="c", subcore_axis_name="s")
    gate4 = pl.kernel(
        _gate_sc_body,
        mesh=mesh,
        out_type=jax.ShapeDtypeStruct((_NW, e, _TPW), jnp.float32),
        scratch_types=[
            pltpu.VMEM((e, _TPW), jnp.float32),
            pltpu.VMEM((e, _TPW), jnp.float32),
        ],
    )(logits3)
    return gate4


_SQRT_2_OVER_PI = 0.7978845608028654
_GELU_C = 0.044715


_T_CHUNK = 512


def _mlp_kernel(xbf_ref, gate_ref, w1_ref, w2_ref, out_ref, *hg_refs):
    eb = pl.program_id(0)
    w1 = w1_ref[...].astype(jnp.bfloat16)
    w2 = w2_ref[...].astype(jnp.bfloat16)
    f = _EXPERT_WIDTH
    t = xbf_ref.shape[0]
    for c in range(t // _T_CHUNK):
        ts = pl.ds(c * _T_CHUNK, _T_CHUNK)
        hg_ref = hg_refs[c % 3]
        x = xbf_ref[ts, :]
        h = jnp.dot(x, w1, preferred_element_type=jnp.float32)
        gate = gate_ref[0, ts, :]
        for e in range(_E_BLK):
            he = h[:, e * f:(e + 1) * f]
            ge = gate[:, e:e + 1] * 0.5
            u = (_SQRT_2_OVER_PI * he) * (1.0 + _GELU_C * (he * he))
            hg = (ge * he) * (1.0 + jnp.tanh(u))
            hg_ref[:, e * f:(e + 1) * f] = hg.astype(jnp.bfloat16)
        part = jnp.dot(hg_ref[...], w2, preferred_element_type=jnp.float32)

        @pl.when(eb == 0)
        def _():
            out_ref[ts, :] = part

        @pl.when(eb != 0)
        def _():
            out_ref[ts, :] += part


def kernel(x, router_w, w1, w2):
    b, s, d = x.shape
    t = b * s
    xt = x.reshape(t, d)

    logitsT = pl.pallas_call(
        _router_kernel,
        out_shape=jax.ShapeDtypeStruct((_NUM_EXPERTS, t), jnp.float32),
    )(xt, router_w)
    xbf = xt.astype(jnp.bfloat16)
    gate4 = _gate_sc(logitsT)

    neb = _NUM_EXPERTS // _E_BLK
    bw = _E_BLK * _EXPERT_WIDTH
    gate3 = (gate4.reshape(_NW, neb, _E_BLK, _TPW)
             .transpose(1, 0, 3, 2).reshape(neb, t, _E_BLK))
    out = pl.pallas_call(
        _mlp_kernel,
        grid=(neb,),
        in_specs=[
            pl.BlockSpec((t, d), lambda i: (0, 0)),
            pl.BlockSpec((1, t, _E_BLK), lambda i: (i, 0, 0)),
            pl.BlockSpec((d, bw), lambda i: (0, i)),
            pl.BlockSpec((bw, d), lambda i: (i, 0)),
        ],
        out_specs=pl.BlockSpec((t, d), lambda i: (0, 0)),
        out_shape=jax.ShapeDtypeStruct((t, d), jnp.float32),
        scratch_shapes=[pltpu.VMEM((_T_CHUNK, bw), jnp.bfloat16)
                        for _ in range(3)],
        compiler_params=pltpu.CompilerParams(
            dimension_semantics=("arbitrary",),
            vmem_limit_bytes=64 * 1024 * 1024),
    )(xbf, gate3, w1, w2)
    return out.reshape(b, s, d)

# --- scband reference (transcript-rebuilt; emitter-appended) ---
"""Pipeline reference for scband-triton-mo-emlp-58110907515445 (READ-ONLY COPY).

The authoritative reference and input builder live on the scoring server;
editing this copy changes nothing except your own understanding.
"""

import jax, jax.numpy as jnp
import numpy as np

N_EMBD = 1024
NUM_EXPERTS = 64
EXPERT_WIDTH = 128
TOTAL_WIDTH = NUM_EXPERTS * EXPERT_WIDTH
TOP_K = 8
NORM_TOPK_PROB = True
B, S = 1, 2048


def _trunc_normal(key, shape, std=0.02, lo=-0.06, hi=0.06):
    return jnp.clip(jax.random.normal(key, shape, dtype=jnp.float32) * std, lo, hi)


def setup_inputs(seed: int = 0) -> dict:
    key = jax.random.key(seed)
    k1, k2, k3, k4 = jax.random.split(key, 4)
    x = jax.random.normal(k1, (B, S, N_EMBD), dtype=jnp.float32)
    # nn.Linear(n_embd, num_experts, bias=False) default init: U(-1/sqrt(in), 1/sqrt(in)), weight shape [E, D]
    bound = 1.0 / np.sqrt(N_EMBD)
    router_w = jax.random.uniform(k2, (NUM_EXPERTS, N_EMBD), minval=-bound, maxval=bound, dtype=jnp.float32)
    w1 = _trunc_normal(k3, (N_EMBD, TOTAL_WIDTH))
    w2 = _trunc_normal(k4, (TOTAL_WIDTH, N_EMBD))
    return {"x": x, "router_w": router_w, "w1": w1, "w2": w2}


def reference(x, router_w, w1, w2):
    B_, S_, D = x.shape
    T = B_ * S_
    xt = x.reshape(T, D)
    # 1. route tokens: top-k over softmax router probs
    logits = xt @ router_w.T                      # [T, E]
    probs = jax.nn.softmax(logits, axis=-1)
    topw, topi = jax.lax.top_k(probs, TOP_K)      # [T, K]
    if NORM_TOPK_PROB:
        topw = topw / jnp.sum(topw, axis=-1, keepdims=True)
    # scatter top-k weights into dense [T, E] gate (combine weights)
    rows = jnp.repeat(jnp.arange(T), TOP_K)
    gate = jnp.zeros((T, NUM_EXPERTS), dtype=x.dtype).at[rows, topi.reshape(-1)].add(topw.reshape(-1))
    # 2-5. grouped expert MLP: experts are contiguous column slices of w1 / row slices of w2
    w1r = w1.reshape(D, NUM_EXPERTS, EXPERT_WIDTH).transpose(1, 0, 2)   # [E, D, F]
    w2r = w2.reshape(NUM_EXPERTS, EXPERT_WIDTH, D)                       # [E, F, D]
    h = jnp.einsum('td,edf->etf', xt, w1r)        # grouped_gemm_up
    a = jax.nn.gelu(h)                            # activation
    hg = a * gate.T[:, :, None]                   # apply routing weights (zero for unrouted pairs)
    out = jnp.einsum('etf,efd->td', hg, w2r)      # grouped_gemm_down + combine (scatter back)
    return out.reshape(B_, S_, D)

if __name__ == "__main__":
    import jax
    _d = setup_inputs()
    print(jax.jit(kernel)(*tuple(_d.values())))

</pallas_src>

<mosaic_0001>
#map = affine_map<(d0, d1) -> (0, 0, 0)>
module attributes {stable_mosaic.version = 14 : i64} {
  func.func @_gate_sc_body(%arg0: i32, %arg1: i32, %arg2: memref<32x64x64xf32, #tpu.memory_space<hbm>>, %arg3: memref<32x64x64xf32, #tpu.memory_space<hbm>>, %arg4: memref<64x64xf32, #tpu.memory_space<vmem>>, %arg5: memref<64x64xf32, #tpu.memory_space<vmem>>) attributes {dimension_semantics = [#tpu.dimension_semantics<core_parallel>, #tpu.dimension_semantics<subcore_parallel>], iteration_bounds = array<i64: 2, 16>, scalar_prefetch = 0 : i64, scratch_operands = 2 : i64, tpu.core_type = #tpu.core_type<sc_vector_subcore>, window_params = [{transform_indices = #map}, {transform_indices = #map}]} {
    %mul3A = arith.constant 2 : i32
    %mul3A_0 = arith.muli %arg1, %mul3A : i32
    %add3A = arith.addi %mul3A_0, %arg0 : i32
    "tpu.region"() ({
      %run_scoped3A = tpu.sem_alloc : memref<!tpu.dma_semaphore, #tpu.memory_space<semaphore_mem>>
      %dma_start3A = arith.constant 0 : i32
      %dma_start3A_112 = arith.constant 0 : i32
      %dma_start3A_113 = tpu.memref_slice %arg2[%add3A, %dma_start3A, %dma_start3A_112] : memref<32x64x64xf32, #tpu.memory_space<hbm>> -> memref<1x64x64xf32, #tpu.memory_space<hbm>>
      %dma_start3A_114 = tpu.memref_squeeze %dma_start3A_113 : memref<1x64x64xf32, #tpu.memory_space<hbm>> -> memref<64x64xf32, #tpu.memory_space<hbm>>
      %dma_start3A_115 = arith.constant 0 : i32
      %dma_start3A_116 = arith.constant 0 : i32
      %dma_start3A_117 = tpu.memref_slice %arg2[%add3A, %dma_start3A_115, %dma_start3A_116] : memref<32x64x64xf32, #tpu.memory_space<hbm>> -> memref<1x64x64xf32, #tpu.memory_space<hbm>>
      %dma_start3A_118 = tpu.memref_squeeze %dma_start3A_117 : memref<1x64x64xf32, #tpu.memory_space<hbm>> -> memref<64x64xf32, #tpu.memory_space<hbm>>
      tpu.enqueue_dma source(%dma_start3A_118 : memref<64x64xf32, #tpu.memory_space<hbm>>) target(%arg4 : memref<64x64xf32, #tpu.memory_space<vmem>>) target_semaphore(%run_scoped3A : memref<!tpu.dma_semaphore, #tpu.memory_space<semaphore_mem>>)
      %dma_wait3A = arith.constant 0 : i32
      %dma_wait3A_119 = arith.constant 0 : i32
      %dma_wait3A_120 = tpu.memref_slice %arg2[%add3A, %dma_wait3A, %dma_wait3A_119] : memref<32x64x64xf32, #tpu.memory_space<hbm>> -> memref<1x64x64xf32, #tpu.memory_space<hbm>>
      %dma_wait3A_121 = tpu.memref_squeeze %dma_wait3A_120 : memref<1x64x64xf32, #tpu.memory_space<hbm>> -> memref<64x64xf32, #tpu.memory_space<hbm>>
      %dma_wait3A_122 = arith.constant 0 : i32
      %dma_wait3A_123 = arith.constant 0 : i32
      %dma_wait3A_124 = tpu.memref_slice %arg2[%add3A, %dma_wait3A_122, %dma_wait3A_123] : memref<32x64x64xf32, #tpu.memory_space<hbm>> -> memref<1x64x64xf32, #tpu.memory_space<hbm>>
      %dma_wait3A_125 = tpu.memref_squeeze %dma_wait3A_124 : memref<1x64x64xf32, #tpu.memory_space<hbm>> -> memref<64x64xf32, #tpu.memory_space<hbm>>
      tpu.wait_dma2 semaphore(%run_scoped3A : memref<!tpu.dma_semaphore, #tpu.memory_space<semaphore_mem>>) src(%dma_wait3A_125 : memref<64x64xf32, #tpu.memory_space<hbm>>) dst(%arg4 : memref<64x64xf32, #tpu.memory_space<vmem>>)
      tpu.yield
    }) : () -> ()
    %broadcast_in_dim3A = arith.constant 0.000000e+00 : f32
    %broadcast_in_dim3A_1 = vector.broadcast %broadcast_in_dim3A : f32 to vector<16xf32>
    %broadcast_in_dim3A_2 = arith.constant 0xFF800000 : f32
    %broadcast_in_dim3A_3 = vector.broadcast %broadcast_in_dim3A_2 : f32 to vector<16xf32>
    %scan3A = arith.constant 0 : i32
    %scan3A_4 = arith.constant 32 : i32
    %scan3A_5 = arith.addi %scan3A, %scan3A_4 : i32
    %scan3A_6 = arith.constant 1 : i32
    %scan3A_7:4 = scf.for %scan3A_112 = %scan3A to %scan3A_5 step %scan3A_6 iter_args(%scan3A_113 = %broadcast_in_dim3A_3, %scan3A_114 = %broadcast_in_dim3A_3, %scan3A_115 = %broadcast_in_dim3A_3, %scan3A_116 = %broadcast_in_dim3A_3) -> (vector<16xf32>, vector<16xf32>, vector<16xf32>, vector<16xf32>)  : i32 {
      %mul3A_117 = arith.constant 2 : i32
      %mul3A_118 = arith.muli %scan3A_112, %mul3A_117 : i32
      %add3A_119 = arith.constant 0 : i32
      %add3A_120 = arith.addi %mul3A_118, %add3A_119 : i32
      %get3A = arith.index_cast %add3A_120 : i32 to index
      %get3A_121 = arith.constant 0 : index
      %get3A_122 = tpu.vector_load %arg4[%get3A, %get3A_121] {strides = array<i32>} : memref<64x64xf32, #tpu.memory_space<vmem>>, vector<1x16xf32>,
      %get3A_123 = vector.shape_cast %get3A_122 : vector<1x16xf32> to vector<16xf32>
      %max3A = arith.maximumf %scan3A_113, %get3A_123 : vector<16xf32>
      %get3A_124 = arith.index_cast %add3A_120 : i32 to index
      %get3A_125 = arith.constant 16 : index
      %get3A_126 = tpu.vector_load %arg4[%get3A_124, %get3A_125] {strides = array<i32>} : memref<64x64xf32, #tpu.memory_space<vmem>>, vector<1x16xf32>,
      %get3A_127 = vector.shape_cast %get3A_126 : vector<1x16xf32> to vector<16xf32>
      %max3A_128 = arith.maximumf %scan3A_114, %get3A_127 : vector<16xf32>
      %get3A_129 = arith.index_cast %add3A_120 : i32 to index
      %get3A_130 = arith.constant 32 : index
      %get3A_131 = tpu.vector_load %arg4[%get3A_129, %get3A_130] {strides = array<i32>} : memref<64x64xf32, #tpu.memory_space<vmem>>, vector<1x16xf32>,
      %get3A_132 = vector.shape_cast %get3A_131 : vector<1x16xf32> to vector<16xf32>
      %max3A_133 = arith.maximumf %scan3A_115, %get3A_132 : vector<16xf32>
      %get3A_134 = arith.index_cast %add3A_120 : i32 to index
      %get3A_135 = arith.constant 48 : index
      %get3A_136 = tpu.vector_load %arg4[%get3A_134, %get3A_135] {strides = array<i32>} : memref<64x64xf32, #tpu.memory_space<vmem>>, vector<1x16xf32>,
      %get3A_137 = vector.shape_cast %get3A_136 : vector<1x16xf32> to vector<16xf32>
      %max3A_138 = arith.maximumf %scan3A_116, %get3A_137 : vector<16xf32>
      %mul3A_139 = arith.constant 2 : i32
      %mul3A_140 = arith.muli %scan3A_112, %mul3A_139 : i32
      %add3A_141 = arith.constant 1 : i32
      %add3A_142 = arith.addi %mul3A_140, %add3A_141 : i32
      %get3A_143 = arith.index_cast %add3A_142 : i32 to index
      %get3A_144 = arith.constant 0 : index
      %get3A_145 = tpu.vector_load %arg4[%get3A_143, %get3A_144] {strides = array<i32>} : memref<64x64xf32, #tpu.memory_space<vmem>>, vector<1x16xf32>,
      %get3A_146 = vector.shape_cast %get3A_145 : vector<1x16xf32> to vector<16xf32>
      %max3A_147 = arith.maximumf %max3A, %get3A_146 : vector<16xf32>
      %get3A_148 = arith.index_cast %add3A_142 : i32 to index
      %get3A_149 = arith.constant 16 : index
      %get3A_150 = tpu.vector_load %arg4[%get3A_148, %get3A_149] {strides = array<i32>} : memref<64x64xf32, #tpu.memory_space<vmem>>, vector<1x16xf32>,
      %get3A_151 = vector.shape_cast %get3A_150 : vector<1x16xf32> to vector<16xf32>
      %max3A_152 = arith.maximumf %max3A_128, %get3A_151 : vector<16xf32>
      %get3A_153 = arith.index_cast %add3A_142 : i32 to index
      %get3A_154 = arith.constant 32 : index
      %get3A_155 = tpu.vector_load %arg4[%get3A_153, %get3A_154] {strides = array<i32>} : memref<64x64xf32, #tpu.memory_space<vmem>>, vector<1x16xf32>,
      %get3A_156 = vector.shape_cast %get3A_155 : vector<1x16xf32> to vector<16xf32>
      %max3A_157 = arith.maximumf %max3A_133, %get3A_156 : vector<16xf32>
      %get3A_158 = arith.index_cast %add3A_142 : i32 to index
      %get3A_159 = arith.constant 48 : index
      %get3A_160 = tpu.vector_load %arg4[%get3A_158, %get3A_159] {strides = array<i32>} : memref<64x64xf32, #tpu.memory_space<vmem>>, vector<1x16xf32>,
      %get3A_161 = vector.shape_cast %get3A_160 : vector<1x16xf32> to vector<16xf32>
      %max3A_162 = arith.maximumf %max3A_138, %get3A_161 : vector<16xf32>
      scf.yield %max3A_147, %max3A_152, %max3A_157, %max3A_162 : vector<16xf32>, vector<16xf32>, vector<16xf32>, vector<16xf32>
    }
    %scan3A_8 = arith.constant 32 : i32
    %scan3A_9 = arith.constant 0 : i32
    %scan3A_10 = arith.constant 32 : i32
    %scan3A_11 = arith.addi %scan3A_9, %scan3A_10 : i32
    %scan3A_12 = arith.constant 1 : i32
    %scan3A_13:4 = scf.for %scan3A_112 = %scan3A_9 to %scan3A_11 step %scan3A_12 iter_args(%scan3A_113 = %broadcast_in_dim3A_1, %scan3A_114 = %broadcast_in_dim3A_1, %scan3A_115 = %broadcast_in_dim3A_1, %scan3A_116 = %broadcast_in_dim3A_1) -> (vector<16xf32>, vector<16xf32>, vector<16xf32>, vector<16xf32>)  : i32 {
      %mul3A_117 = arith.constant 2 : i32
      %mul3A_118 = arith.muli %scan3A_112, %mul3A_117 : i32
      %add3A_119 = arith.constant 0 : i32
      %add3A_120 = arith.addi %mul3A_118, %add3A_119 : i32
      %get3A = arith.index_cast %add3A_120 : i32 to index
      %get3A_121 = arith.constant 0 : index
      %get3A_122 = tpu.vector_load %arg4[%get3A, %get3A_121] {strides = array<i32>} : memref<64x64xf32, #tpu.memory_space<vmem>>, vector<1x16xf32>,
      %get3A_123 = vector.shape_cast %get3A_122 : vector<1x16xf32> to vector<16xf32>
      %sub3A = arith.subf %get3A_123, %scan3A_7#0 : vector<16xf32>
      %exp3A = math.exp %sub3A : vector<16xf32>
      %swap3A = arith.index_cast %add3A_120 : i32 to index
      %swap3A_124 = arith.constant 0 : index
      %swap3A_125 = tpu.vector_load %arg4[%swap3A, %swap3A_124] {strides = array<i32>} : memref<64x64xf32, #tpu.memory_space<vmem>>, vector<1x16xf32>,
      %swap3A_126 = vector.shape_cast %swap3A_125 : vector<1x16xf32> to vector<16xf32>
      %swap3A_127 = vector.shape_cast %exp3A : vector<16xf32> to vector<1x16xf32>
      tpu.vector_store %arg4[%swap3A, %swap3A_124], %swap3A_127 {strides = array<i32>} : memref<64x64xf32, #tpu.memory_space<vmem>>, vector<1x16xf32>,
      %max3A = arith.maximumf %scan3A_113, %exp3A : vector<16xf32>
      %get3A_128 = arith.index_cast %add3A_120 : i32 to index
      %get3A_129 = arith.constant 16 : index
      %get3A_130 = tpu.vector_load %arg4[%get3A_128, %get3A_129] {strides = array<i32>} : memref<64x64xf32, #tpu.memory_space<vmem>>, vector<1x16xf32>,
      %get3A_131 = vector.shape_cast %get3A_130 : vector<1x16xf32> to vector<16xf32>
      %sub3A_132 = arith.subf %get3A_131, %scan3A_7#1 : vector<16xf32>
      %exp3A_133 = math.exp %sub3A_132 : vector<16xf32>
      %swap3A_134 = arith.index_cast %add3A_120 : i32 to index
      %swap3A_135 = arith.constant 16 : index
      %swap3A_136 = tpu.vector_load %arg4[%swap3A_134, %swap3A_135] {strides = array<i32>} : memref<64x64xf32, #tpu.memory_space<vmem>>, vector<1x16xf32>,
      %swap3A_137 = vector.shape_cast %swap3A_136 : vector<1x16xf32> to vector<16xf32>
      %swap3A_138 = vector.shape_cast %exp3A_133 : vector<16xf32> to vector<1x16xf32>
      tpu.vector_store %arg4[%swap3A_134, %swap3A_135], %swap3A_138 {strides = array<i32>} : memref<64x64xf32, #tpu.memory_space<vmem>>, vector<1x16xf32>,
      %max3A_139 = arith.maximumf %scan3A_114, %exp3A_133 : vector<16xf32>
      %get3A_140 = arith.index_cast %add3A_120 : i32 to index
      %get3A_141 = arith.constant 32 : index
      %get3A_142 = tpu.vector_load %arg4[%get3A_140, %get3A_141] {strides = array<i32>} : memref<64x64xf32, #tpu.memory_space<vmem>>, vector<1x16xf32>,
      %get3A_143 = vector.shape_cast %get3A_142 : vector<1x16xf32> to vector<16xf32>
      %sub3A_144 = arith.subf %get3A_143, %scan3A_7#2 : vector<16xf32>
      %exp3A_145 = math.exp %sub3A_144 : vector<16xf32>
      %swap3A_146 = arith.index_cast %add3A_120 : i32 to index
      %swap3A_147 = arith.constant 32 : index
      %swap3A_148 = tpu.vector_load %arg4[%swap3A_146, %swap3A_147] {strides = array<i32>} : memref<64x64xf32, #tpu.memory_space<vmem>>, vector<1x16xf32>,
      %swap3A_149 = vector.shape_cast %swap3A_148 : vector<1x16xf32> to vector<16xf32>
      %swap3A_150 = vector.shape_cast %exp3A_145 : vector<16xf32> to vector<1x16xf32>
      tpu.vector_store %arg4[%swap3A_146, %swap3A_147], %swap3A_150 {strides = array<i32>} : memref<64x64xf32, #tpu.memory_space<vmem>>, vector<1x16xf32>,
      %max3A_151 = arith.maximumf %scan3A_115, %exp3A_145 : vector<16xf32>
      %get3A_152 = arith.index_cast %add3A_120 : i32 to index
      %get3A_153 = arith.constant 48 : index
      %get3A_154 = tpu.vector_load %arg4[%get3A_152, %get3A_153] {strides = array<i32>} : memref<64x64xf32, #tpu.memory_space<vmem>>, vector<1x16xf32>,
      %get3A_155 = vector.shape_cast %get3A_154 : vector<1x16xf32> to vector<16xf32>
      %sub3A_156 = arith.subf %get3A_155, %scan3A_7#3 : vector<16xf32>
      %exp3A_157 = math.exp %sub3A_156 : vector<16xf32>
      %swap3A_158 = arith.index_cast %add3A_120 : i32 to index
      %swap3A_159 = arith.constant 48 : index
      %swap3A_160 = tpu.vector_load %arg4[%swap3A_158, %swap3A_159] {strides = array<i32>} : memref<64x64xf32, #tpu.memory_space<vmem>>, vector<1x16xf32>,
      %swap3A_161 = vector.shape_cast %swap3A_160 : vector<1x16xf32> to vector<16xf32>
      %swap3A_162 = vector.shape_cast %exp3A_157 : vector<16xf32> to vector<1x16xf32>
      tpu.vector_store %arg4[%swap3A_158, %swap3A_159], %swap3A_162 {strides = array<i32>} : memref<64x64xf32, #tpu.memory_space<vmem>>, vector<1x16xf32>,
      %max3A_163 = arith.maximumf %scan3A_116, %exp3A_157 : vector<16xf32>
      %mul3A_164 = arith.constant 2 : i32
      %mul3A_165 = arith.muli %scan3A_112, %mul3A_164 : i32
      %add3A_166 = arith.constant 1 : i32
      %add3A_167 = arith.addi %mul3A_165, %add3A_166 : i32
      %get3A_168 = arith.index_cast %add3A_167 : i32 to index
      %get3A_169 = arith.constant 0 : index
      %get3A_170 = tpu.vector_load %arg4[%get3A_168, %get3A_169] {strides = array<i32>} : memref<64x64xf32, #tpu.memory_space<vmem>>, vector<1x16xf32>,
      %get3A_171 = vector.shape_cast %get3A_170 : vector<1x16xf32> to vector<16xf32>
      %sub3A_172 = arith.subf %get3A_171, %scan3A_7#0 : vector<16xf32>
      %exp3A_173 = math.exp %sub3A_172 : vector<16xf32>
      %swap3A_174 = arith.index_cast %add3A_167 : i32 to index
      %swap3A_175 = arith.constant 0 : index
      %swap3A_176 = tpu.vector_load %arg4[%swap3A_174, %swap3A_175] {strides = array<i32>} : memref<64x64xf32, #tpu.memory_space<vmem>>, vector<1x16xf32>,
      %swap3A_177 = vector.shape_cast %swap3A_176 : vector<1x16xf32> to vector<16xf32>
      %swap3A_178 = vector.shape_cast %exp3A_173 : vector<16xf32> to vector<1x16xf32>
      tpu.vector_store %arg4[%swap3A_174, %swap3A_175], %swap3A_178 {strides = array<i32>} : memref<64x64xf32, #tpu.memory_space<vmem>>, vector<1x16xf32>,
      %max3A_179 = arith.maximumf %max3A, %exp3A_173 : vector<16xf32>
      %get3A_180 = arith.index_cast %add3A_167 : i32 to index
      %get3A_181 = arith.constant 16 : index
      %get3A_182 = tpu.vector_load %arg4[%get3A_180, %get3A_181] {strides = array<i32>} : memref<64x64xf32, #tpu.memory_space<vmem>>, vector<1x16xf32>,
      %get3A_183 = vector.shape_cast %get3A_182 : vector<1x16xf32> to vector<16xf32>
      %sub3A_184 = arith.subf %get3A_183, %scan3A_7#1 : vector<16xf32>
      %exp3A_185 = math.exp %sub3A_184 : vector<16xf32>
      %swap3A_186 = arith.index_cast %add3A_167 : i32 to index
      %swap3A_187 = arith.constant 16 : index
      %swap3A_188 = tpu.vector_load %arg4[%swap3A_186, %swap3A_187] {strides = array<i32>} : memref<64x64xf32, #tpu.memory_space<vmem>>, vector<1x16xf32>,
      %swap3A_189 = vector.shape_cast %swap3A_188 : vector<1x16xf32> to vector<16xf32>
      %swap3A_190 = vector.shape_cast %exp3A_185 : vector<16xf32> to vector<1x16xf32>
      tpu.vector_store %arg4[%swap3A_186, %swap3A_187], %swap3A_190 {strides = array<i32>} : memref<64x64xf32, #tpu.memory_space<vmem>>, vector<1x16xf32>,
      %max3A_191 = arith.maximumf %max3A_139, %exp3A_185 : vector<16xf32>
      %get3A_192 = arith.index_cast %add3A_167 : i32 to index
      %get3A_193 = arith.constant 32 : index
      %get3A_194 = tpu.vector_load %arg4[%get3A_192, %get3A_193] {strides = array<i32>} : memref<64x64xf32, #tpu.memory_space<vmem>>, vector<1x16xf32>,
      %get3A_195 = vector.shape_cast %get3A_194 : vector<1x16xf32> to vector<16xf32>
      %sub3A_196 = arith.subf %get3A_195, %scan3A_7#2 : vector<16xf32>
      %exp3A_197 = math.exp %sub3A_196 : vector<16xf32>
      %swap3A_198 = arith.index_cast %add3A_167 : i32 to index
      %swap3A_199 = arith.constant 32 : index
      %swap3A_200 = tpu.vector_load %arg4[%swap3A_198, %swap3A_199] {strides = array<i32>} : memref<64x64xf32, #tpu.memory_space<vmem>>, vector<1x16xf32>,
      %swap3A_201 = vector.shape_cast %swap3A_200 : vector<1x16xf32> to vector<16xf32>
      %swap3A_202 = vector.shape_cast %exp3A_197 : vector<16xf32> to vector<1x16xf32>
      tpu.vector_store %arg4[%swap3A_198, %swap3A_199], %swap3A_202 {strides = array<i32>} : memref<64x64xf32, #tpu.memory_space<vmem>>, vector<1x16xf32>,
      %max3A_203 = arith.maximumf %max3A_151, %exp3A_197 : vector<16xf32>
      %get3A_204 = arith.index_cast %add3A_167 : i32 to index
      %get3A_205 = arith.constant 48 : index
      %get3A_206 = tpu.vector_load %arg4[%get3A_204, %get3A_205] {strides = array<i32>} : memref<64x64xf32, #tpu.memory_space<vmem>>, vector<1x16xf32>,
      %get3A_207 = vector.shape_cast %get3A_206 : vector<1x16xf32> to vector<16xf32>
      %sub3A_208 = arith.subf %get3A_207, %scan3A_7#3 : vector<16xf32>
      %exp3A_209 = math.exp %sub3A_208 : vector<16xf32>
      %swap3A_210 = arith.index_cast %add3A_167 : i32 to index
      %swap3A_211 = arith.constant 48 : index
      %swap3A_212 = tpu.vector_load %arg4[%swap3A_210, %swap3A_211] {strides = array<i32>} : memref<64x64xf32, #tpu.memory_space<vmem>>, vector<1x16xf32>,
      %swap3A_213 = vector.shape_cast %swap3A_212 : vector<1x16xf32> to vector<16xf32>
      %swap3A_214 = vector.shape_cast %exp3A_209 : vector<16xf32> to vector<1x16xf32>
      tpu.vector_store %arg4[%swap3A_210, %swap3A_211], %swap3A_214 {strides = array<i32>} : memref<64x64xf32, #tpu.memory_space<vmem>>, vector<1x16xf32>,
      %max3A_215 = arith.maximumf %max3A_163, %exp3A_209 : vector<16xf32>
      scf.yield %max3A_179, %max3A_191, %max3A_203, %max3A_215 : vector<16xf32>, vector<16xf32>, vector<16xf32>, vector<16xf32>
    }
    %scan3A_14 = arith.constant 32 : i32
    %scan3A_15 = arith.constant 0 : i32
    %scan3A_16 = arith.constant 32 : i32
    %scan3A_17 = arith.addi %scan3A_15, %scan3A_16 : i32
    %scan3A_18 = arith.constant 1 : i32
    %scan3A_19:8 = scf.for %scan3A_112 = %scan3A_15 to %scan3A_17 step %scan3A_18 iter_args(%scan3A_113 = %broadcast_in_dim3A_1, %scan3A_114 = %broadcast_in_dim3A_1, %scan3A_115 = %broadcast_in_dim3A_1, %scan3A_116 = %broadcast_in_dim3A_1, %scan3A_117 = %broadcast_in_dim3A_1, %scan3A_118 = %broadcast_in_dim3A_1, %scan3A_119 = %broadcast_in_dim3A_1, %scan3A_120 = %broadcast_in_dim3A_1) -> (vector<16xf32>, vector<16xf32>, vector<16xf32>, vector<16xf32>, vector<16xf32>, vector<16xf32>, vector<16xf32>, vector<16xf32>)  : i32 {
      %mul3A_121 = arith.constant 2 : i32
      %mul3A_122 = arith.muli %scan3A_112, %mul3A_121 : i32
      %add3A_123 = arith.constant 0 : i32
      %add3A_124 = arith.addi %mul3A_122, %add3A_123 : i32
      %get3A = arith.index_cast %add3A_124 : i32 to index
      %get3A_125 = arith.constant 0 : index
      %get3A_126 = tpu.vector_load %arg4[%get3A, %get3A_125] {strides = array<i32>} : memref<64x64xf32, #tpu.memory_space<vmem>>, vector<1x16xf32>,
      %get3A_127 = vector.shape_cast %get3A_126 : vector<1x16xf32> to vector<16xf32>
      %eq3A = arith.cmpf oeq, %get3A_127, %scan3A_13#0 : vector<16xf32>
      %lt3A = arith.constant 5.000000e-01 : f32
      %lt3A_128 = vector.broadcast %lt3A : f32 to vector<16xf32>
      %lt3A_129 = arith.cmpf olt, %scan3A_113, %lt3A_128 : vector<16xf32>
      %and3A = arith.andi %eq3A, %lt3A_129 : vector<16xi1>
      %neg3A = arith.constant 0.000000e+00 : f32
      %neg3A_130 = vector.broadcast %neg3A : f32 to vector<16xf32>
      %neg3A_131 = arith.subf %neg3A_130, %get3A_127 : vector<16xf32>
      %select_n3A = arith.select %and3A, %neg3A_131, %get3A_127 : vector<16xi1>, vector<16xf32>
      %swap3A = arith.index_cast %add3A_124 : i32 to index
      %swap3A_132 = arith.constant 0 : index
      %swap3A_133 = tpu.vector_load %arg4[%swap3A, %swap3A_132] {strides = array<i32>} : memref<64x64xf32, #tpu.memory_space<vmem>>, vector<1x16xf32>,
      %swap3A_134 = vector.shape_cast %swap3A_133 : vector<1x16xf32> to vector<16xf32>
      %swap3A_135 = vector.shape_cast %select_n3A : vector<16xf32> to vector<1x16xf32>
      tpu.vector_store %arg4[%swap3A, %swap3A_132], %swap3A_135 {strides = array<i32>} : memref<64x64xf32, #tpu.memory_space<vmem>>, vector<1x16xf32>,
      %jit3A = arith.constant 1.000000e+00 : f32
      %broadcast_in_dim3A_136 = vector.broadcast %jit3A : f32 to vector<16xf32>
      %select_n3A_137 = arith.select %and3A, %broadcast_in_dim3A_136, %scan3A_113 : vector<16xi1>, vector<16xf32>
      %max3A = arith.maximumf %scan3A_117, %select_n3A : vector<16xf32>
      %get3A_138 = arith.index_cast %add3A_124 : i32 to index
      %get3A_139 = arith.constant 16 : index
      %get3A_140 = tpu.vector_load %arg4[%get3A_138, %get3A_139] {strides = array<i32>} : memref<64x64xf32, #tpu.memory_space<vmem>>, vector<1x16xf32>,
      %get3A_141 = vector.shape_cast %get3A_140 : vector<1x16xf32> to vector<16xf32>
      %eq3A_142 = arith.cmpf oeq, %get3A_141, %scan3A_13#1 : vector<16xf32>
      %lt3A_143 = arith.constant 5.000000e-01 : f32
      %lt3A_144 = vector.broadcast %lt3A_143 : f32 to vector<16xf32>
      %lt3A_145 = arith.cmpf olt, %scan3A_114, %lt3A_144 : vector<16xf32>
      %and3A_146 = arith.andi %eq3A_142, %lt3A_145 : vector<16xi1>
      %neg3A_147 = arith.constant 0.000000e+00 : f32
      %neg3A_148 = vector.broadcast %neg3A_147 : f32 to vector<16xf32>
      %neg3A_149 = arith.subf %neg3A_148, %get3A_141 : vector<16xf32>
      %select_n3A_150 = arith.select %and3A_146, %neg3A_149, %get3A_141 : vector<16xi1>, vector<16xf32>
      %swap3A_151 = arith.index_cast %add3A_124 : i32 to index
      %swap3A_152 = arith.constant 16 : index
      %swap3A_153 = tpu.vector_load %arg4[%swap3A_151, %swap3A_152] {strides = array<i32>} : memref<64x64xf32, #tpu.memory_space<vmem>>, vector<1x16xf32>,
      %swap3A_154 = vector.shape_cast %swap3A_153 : vector<1x16xf32> to vector<16xf32>
      %swap3A_155 = vector.shape_cast %select_n3A_150 : vector<16xf32> to vector<1x16xf32>
      tpu.vector_store %arg4[%swap3A_151, %swap3A_152], %swap3A_155 {strides = array<i32>} : memref<64x64xf32, #tpu.memory_space<vmem>>, vector<1x16xf32>,
      %jit3A_156 = arith.constant 1.000000e+00 : f32
      %broadcast_in_dim3A_157 = vector.broadcast %jit3A_156 : f32 to vector<16xf32>
      %select_n3A_158 = arith.select %and3A_146, %broadcast_in_dim3A_157, %scan3A_114 : vector<16xi1>, vector<16xf32>
      %max3A_159 = arith.maximumf %scan3A_118, %select_n3A_150 : vector<16xf32>
      %get3A_160 = arith.index_cast %add3A_124 : i32 to index
      %get3A_161 = arith.constant 32 : index
      %get3A_162 = tpu.vector_load %arg4[%get3A_160, %get3A_161] {strides = array<i32>} : memref<64x64xf32, #tpu.memory_space<vmem>>, vector<1x16xf32>,
      %get3A_163 = vector.shape_cast %get3A_162 : vector<1x16xf32> to vector<16xf32>
      %eq3A_164 = arith.cmpf oeq, %get3A_163, %scan3A_13#2 : vector<16xf32>
      %lt3A_165 = arith.constant 5.000000e-01 : f32
      %lt3A_166 = vector.broadcast %lt3A_165 : f32 to vector<16xf32>
      %lt3A_167 = arith.cmpf olt, %scan3A_115, %lt3A_166 : vector<16xf32>
      %and3A_168 = arith.andi %eq3A_164, %lt3A_167 : vector<16xi1>
      %neg3A_169 = arith.constant 0.000000e+00 : f32
      %neg3A_170 = vector.broadcast %neg3A_169 : f32 to vector<16xf32>
      %neg3A_171 = arith.subf %neg3A_170, %get3A_163 : vector<16xf32>
      %select_n3A_172 = arith.select %and3A_168, %neg3A_171, %get3A_163 : vector<16xi1>, vector<16xf32>
      %swap3A_173 = arith.index_cast %add3A_124 : i32 to index
      %swap3A_174 = arith.constant 32 : index
      %swap3A_175 = tpu.vector_load %arg4[%swap3A_173, %swap3A_174] {strides = array<i32>} : memref<64x64xf32, #tpu.memory_space<vmem>>, vector<1x16xf32>,
      %swap3A_176 = vector.shape_cast %swap3A_175 : vector<1x16xf32> to vector<16xf32>
      %swap3A_177 = vector.shape_cast %select_n3A_172 : vector<16xf32> to vector<1x16xf32>
      tpu.vector_store %arg4[%swap3A_173, %swap3A_174], %swap3A_177 {strides = array<i32>} : memref<64x64xf32, #tpu.memory_space<vmem>>, vector<1x16xf32>,
      %jit3A_178 = arith.constant 1.000000e+00 : f32
      %broadcast_in_dim3A_179 = vector.broadcast %jit3A_178 : f32 to vector<16xf32>
      %select_n3A_180 = arith.select %and3A_168, %broadcast_in_dim3A_179, %scan3A_115 : vector<16xi1>, vector<16xf32>
      %max3A_181 = arith.maximumf %scan3A_119, %select_n3A_172 : vector<16xf32>
      %get3A_182 = arith.index_cast %add3A_124 : i32 to index
      %get3A_183 = arith.constant 48 : index
      %get3A_184 = tpu.vector_load %arg4[%get3A_182, %get3A_183] {strides = array<i32>} : memref<64x64xf32, #tpu.memory_space<vmem>>, vector<1x16xf32>,
      %get3A_185 = vector.shape_cast %get3A_184 : vector<1x16xf32> to vector<16xf32>
      %eq3A_186 = arith.cmpf oeq, %get3A_185, %scan3A_13#3 : vector<16xf32>
      %lt3A_187 = arith.constant 5.000000e-01 : f32
      %lt3A_188 = vector.broadcast %lt3A_187 : f32 to vector<16xf32>
      %lt3A_189 = arith.cmpf olt, %scan3A_116, %lt3A_188 : vector<16xf32>
      %and3A_190 = arith.andi %eq3A_186, %lt3A_189 : vector<16xi1>
      %neg3A_191 = arith.constant 0.000000e+00 : f32
      %neg3A_192 = vector.broadcast %neg3A_191 : f32 to vector<16xf32>
      %neg3A_193 = arith.subf %neg3A_192, %get3A_185 : vector<16xf32>
      %select_n3A_194 = arith.select %and3A_190, %neg3A_193, %get3A_185 : vector<16xi1>, vector<16xf32>
      %swap3A_195 = arith.index_cast %add3A_124 : i32 to index
      %swap3A_196 = arith.constant 48 : index
      %swap3A_197 = tpu.vector_load %arg4[%swap3A_195, %swap3A_196] {strides = array<i32>} : memref<64x64xf32, #tpu.memory_space<vmem>>, vector<1x16xf32>,
      %swap3A_198 = vector.shape_cast %swap3A_197 : vector<1x16xf32> to vector<16xf32>
      %swap3A_199 = vector.shape_cast %select_n3A_194 : vector<16xf32> to vector<1x16xf32>
      tpu.vector_store %arg4[%swap3A_195, %swap3A_196], %swap3A_199 {strides = array<i32>} : memref<64x64xf32, #tpu.memory_space<vmem>>, vector<1x16xf32>,
      %jit3A_200 = arith.constant 1.000000e+00 : f32
      %broadcast_in_dim3A_201 = vector.broadcast %jit3A_200 : f32 to vector<16xf32>
      %select_n3A_202 = arith.select %and3A_190, %broadcast_in_dim3A_201, %scan3A_116 : vector<16xi1>, vector<16xf32>
      %max3A_203 = arith.maximumf %scan3A_120, %select_n3A_194 : vector<16xf32>
      %mul3A_204 = arith.constant 2 : i32
      %mul3A_205 = arith.muli %scan3A_112, %mul3A_204 : i32
      %add3A_206 = arith.constant 1 : i32
      %add3A_207 = arith.addi %mul3A_205, %add3A_206 : i32
      %get3A_208 = arith.index_cast %add3A_207 : i32 to index
      %get3A_209 = arith.constant 0 : index
      %get3A_210 = tpu.vector_load %arg4[%get3A_208, %get3A_209] {strides = array<i32>} : memref<64x64xf32, #tpu.memory_space<vmem>>, vector<1x16xf32>,
      %get3A_211 = vector.shape_cast %get3A_210 : vector<1x16xf32> to vector<16xf32>
      %eq3A_212 = arith.cmpf oeq, %get3A_211, %scan3A_13#0 : vector<16xf32>
      %lt3A_213 = arith.constant 5.000000e-01 : f32
      %lt3A_214 = vector.broadcast %lt3A_213 : f32 to vector<16xf32>
      %lt3A_215 = arith.cmpf olt, %select_n3A_137, %lt3A_214 : vector<16xf32>
      %and3A_216 = arith.andi %eq3A_212, %lt3A_215 : vector<16xi1>
      %neg3A_217 = arith.constant 0.000000e+00 : f32
      %neg3A_218 = vector.broadcast %neg3A_217 : f32 to vector<16xf32>
      %neg3A_219 = arith.subf %neg3A_218, %get3A_211 : vector<16xf32>
      %select_n3A_220 = arith.select %and3A_216, %neg3A_219, %get3A_211 : vector<16xi1>, vector<16xf32>
      %swap3A_221 = arith.index_cast %add3A_207 : i32 to index
      %swap3A_222 = arith.constant 0 : index
      %swap3A_223 = tpu.vector_load %arg4[%swap3A_221, %swap3A_222] {strides = array<i32>} : memref<64x64xf32, #tpu.memory_space<vmem>>, vector<1x16xf32>,
      %swap3A_224 = vector.shape_cast %swap3A_223 : vector<1x16xf32> to vector<16xf32>
      %swap3A_225 = vector.shape_cast %select_n3A_220 : vector<16xf32> to vector<1x16xf32>
      tpu.vector_store %arg4[%swap3A_221, %swap3A_222], %swap3A_225 {strides = array<i32>} : memref<64x64xf32, #tpu.memory_space<vmem>>, vector<1x16xf32>,
      %jit3A_226 = arith.constant 1.000000e+00 : f32
      %broadcast_in_dim3A_227 = vector.broadcast %jit3A_226 : f32 to vector<16xf32>
      %select_n3A_228 = arith.select %and3A_216, %broadcast_in_dim3A_227, %select_n3A_137 : vector<16xi1>, vector<16xf32>
      %max3A_229 = arith.maximumf %max3A, %select_n3A_220 : vector<16xf32>
      %get3A_230 = arith.index_cast %add3A_207 : i32 to index
      %get3A_231 = arith.constant 16 : index
      %get3A_232 = tpu.vector_load %arg4[%get3A_230, %get3A_231] {strides = array<i32>} : memref<64x64xf32, #tpu.memory_space<vmem>>, vector<1x16xf32>,
      %get3A_233 = vector.shape_cast %get3A_232 : vector<1x16xf32> to vector<16xf32>
      %eq3A_234 = arith.cmpf oeq, %get3A_233, %scan3A_13#1 : vector<16xf32>
      %lt3A_235 = arith.constant 5.000000e-01 : f32
      %lt3A_236 = vector.broadcast %lt3A_235 : f32 to vector<16xf32>
      %lt3A_237 = arith.cmpf olt, %select_n3A_158, %lt3A_236 : vector<16xf32>
      %and3A_238 = arith.andi %eq3A_234, %lt3A_237 : vector<16xi1>
      %neg3A_239 = arith.constant 0.000000e+00 : f32
      %neg3A_240 = vector.broadcast %neg3A_239 : f32 to vector<16xf32>
      %neg3A_241 = arith.subf %neg3A_240, %get3A_233 : vector<16xf32>
      %select_n3A_242 = arith.select %and3A_238, %neg3A_241, %get3A_233 : vector<16xi1>, vector<16xf32>
      %swap3A_243 = arith.index_cast %add3A_207 : i32 to index
      %swap3A_244 = arith.constant 16 : index
      %swap3A_245 = tpu.vector_load %arg4[%swap3A_243, %swap3A_244] {strides = array<i32>} : memref<64x64xf32, #tpu.memory_space<vmem>>, vector<1x16xf32>,
      %swap3A_246 = vector.shape_cast %swap3A_245 : vector<1x16xf32> to vector<16xf32>
      %swap3A_247 = vector.shape_cast %select_n3A_242 : vector<16xf32> to vector<1x16xf32>
      tpu.vector_store %arg4[%swap3A_243, %swap3A_244], %swap3A_247 {strides = array<i32>} : memref<64x64xf32, #tpu.memory_space<vmem>>, vector<1x16xf32>,
      %jit3A_248 = arith.constant 1.000000e+00 : f32
      %broadcast_in_dim3A_249 = vector.broadcast %jit3A_248 : f32 to vector<16xf32>
      %select_n3A_250 = arith.select %and3A_238, %broadcast_in_dim3A_249, %select_n3A_158 : vector<16xi1>, vector<16xf32>
      %max3A_251 = arith.maximumf %max3A_159, %select_n3A_242 : vector<16xf32>
      %get3A_252 = arith.index_cast %add3A_207 : i32 to index
      %get3A_253 = arith.constant 32 : index
      %get3A_254 = tpu.vector_load %arg4[%get3A_252, %get3A_253] {strides = array<i32>} : memref<64x64xf32, #tpu.memory_space<vmem>>, vector<1x16xf32>,
      %get3A_255 = vector.shape_cast %get3A_254 : vector<1x16xf32> to vector<16xf32>
      %eq3A_256 = arith.cmpf oeq, %get3A_255, %scan3A_13#2 : vector<16xf32>
      %lt3A_257 = arith.constant 5.000000e-01 : f32
      %lt3A_258 = vector.broadcast %lt3A_257 : f32 to vector<16xf32>
      %lt3A_259 = arith.cmpf olt, %select_n3A_180, %lt3A_258 : vector<16xf32>
      %and3A_260 = arith.andi %eq3A_256, %lt3A_259 : vector<16xi1>
      %neg3A_261 = arith.constant 0.000000e+00 : f32
      %neg3A_262 = vector.broadcast %neg3A_261 : f32 to vector<16xf32>
      %neg3A_263 = arith.subf %neg3A_262, %get3A_255 : vector<16xf32>
      %select_n3A_264 = arith.select %and3A_260, %neg3A_263, %get3A_255 : vector<16xi1>, vector<16xf32>
      %swap3A_265 = arith.index_cast %add3A_207 : i32 to index
      %swap3A_266 = arith.constant 32 : index
      %swap3A_267 = tpu.vector_load %arg4[%swap3A_265, %swap3A_266] {strides = array<i32>} : memref<64x64xf32, #tpu.memory_space<vmem>>, vector<1x16xf32>,
      %swap3A_268 = vector.shape_cast %swap3A_267 : vector<1x16xf32> to vector<16xf32>
      %swap3A_269 = vector.shape_cast %select_n3A_264 : vector<16xf32> to vector<1x16xf32>
      tpu.vector_store %arg4[%swap3A_265, %swap3A_266], %swap3A_269 {strides = array<i32>} : memref<64x64xf32, #tpu.memory_space<vmem>>, vector<1x16xf32>,
      %jit3A_270 = arith.constant 1.000000e+00 : f32
      %broadcast_in_dim3A_271 = vector.broadcast %jit3A_270 : f32 to vector<16xf32>
      %select_n3A_272 = arith.select %and3A_260, %broadcast_in_dim3A_271, %select_n3A_180 : vector<16xi1>, vector<16xf32>
      %max3A_273 = arith.maximumf %max3A_181, %select_n3A_264 : vector<16xf32>
      %get3A_274 = arith.index_cast %add3A_207 : i32 to index
      %get3A_275 = arith.constant 48 : index
      %get3A_276 = tpu.vector_load %arg4[%get3A_274, %get3A_275] {strides = array<i32>} : memref<64x64xf32, #tpu.memory_space<vmem>>, vector<1x16xf32>,
      %get3A_277 = vector.shape_cast %get3A_276 : vector<1x16xf32> to vector<16xf32>
      %eq3A_278 = arith.cmpf oeq, %get3A_277, %scan3A_13#3 : vector<16xf32>
      %lt3A_279 = arith.constant 5.000000e-01 : f32
      %lt3A_280 = vector.broadcast %lt3A_279 : f32 to vector<16xf32>
      %lt3A_281 = arith.cmpf olt, %select_n3A_202, %lt3A_280 : vector<16xf32>
      %and3A_282 = arith.andi %eq3A_278, %lt3A_281 : vector<16xi1>
      %neg3A_283 = arith.constant 0.000000e+00 : f32
      %neg3A_284 = vector.broadcast %neg3A_283 : f32 to vector<16xf32>
      %neg3A_285 = arith.subf %neg3A_284, %get3A_277 : vector<16xf32>
      %select_n3A_286 = arith.select %and3A_282, %neg3A_285, %get3A_277 : vector<16xi1>, vector<16xf32>
      %swap3A_287 = arith.index_cast %add3A_207 : i32 to index
      %swap3A_288 = arith.constant 48 : index
      %swap3A_289 = tpu.vector_load %arg4[%swap3A_287, %swap3A_288] {strides = array<i32>} : memref<64x64xf32, #tpu.memory_space<vmem>>, vector<1x16xf32>,
      %swap3A_290 = vector.shape_cast %swap3A_289 : vector<1x16xf32> to vector<16xf32>
      %swap3A_291 = vector.shape_cast %select_n3A_286 : vector<16xf32> to vector<1x16xf32>
      tpu.vector_store %arg4[%swap3A_287, %swap3A_288], %swap3A_291 {strides = array<i32>} : memref<64x64xf32, #tpu.memory_space<vmem>>, vector<1x16xf32>,
      %jit3A_292 = arith.constant 1.000000e+00 : f32
      %broadcast_in_dim3A_293 = vector.broadcast %jit3A_292 : f32 to vector<16xf32>
      %select_n3A_294 = arith.select %and3A_282, %broadcast_in_dim3A_293, %select_n3A_202 : vector<16xi1>, vector<16xf32>
      %max3A_295 = arith.maximumf %max3A_203, %select_n3A_286 : vector<16xf32>
      scf.yield %select_n3A_228, %select_n3A_250, %select_n3A_272, %select_n3A_294, %max3A_229, %max3A_251, %max3A_273, %max3A_295 : vector<16xf32>, vector<16xf32>, vector<16xf32>, vector<16xf32>, vector<16xf32>, vector<16xf32>, vector<16xf32>, vector<16xf32>
    }
    %scan3A_20 = arith.constant 32 : i32
    %add3A_21 = arith.addf %broadcast_in_dim3A_1, %scan3A_13#0 : vector<16xf32>
    %add3A_22 = arith.addf %broadcast_in_dim3A_1, %scan3A_13#1 : vector<16xf32>
    %add3A_23 = arith.addf %broadcast_in_dim3A_1, %scan3A_13#2 : vector<16xf32>
    %add3A_24 = arith.addf %broadcast_in_dim3A_1, %scan3A_13#3 : vector<16xf32>
    %scan3A_25 = arith.constant 0 : i32
    %scan3A_26 = arith.constant 32 : i32
    %scan3A_27 = arith.addi %scan3A_25, %scan3A_26 : i32
    %scan3A_28 = arith.constant 1 : i32
    %scan3A_29:8 = scf.for %scan3A_112 = %scan3A_25 to %scan3A_27 step %scan3A_28 iter_args(%scan3A_113 = %broadcast_in_dim3A_1, %scan3A_114 = %broadcast_in_dim3A_1, %scan3A_115 = %broadcast_in_dim3A_1, %scan3A_116 = %broadcast_in_dim3A_1, %scan3A_117 = %broadcast_in_dim3A_1, %scan3A_118 = %broadcast_in_dim3A_1, %scan3A_119 = %broadcast_in_dim3A_1, %scan3A_120 = %broadcast_in_dim3A_1) -> (vector<16xf32>, vector<16xf32>, vector<16xf32>, vector<16xf32>, vector<16xf32>, vector<16xf32>, vector<16xf32>, vector<16xf32>)  : i32 {
      %mul3A_121 = arith.constant 2 : i32
      %mul3A_122 = arith.muli %scan3A_112, %mul3A_121 : i32
      %add3A_123 = arith.constant 0 : i32
      %add3A_124 = arith.addi %mul3A_122, %add3A_123 : i32
      %get3A = arith.index_cast %add3A_124 : i32 to index
      %get3A_125 = arith.constant 0 : index
      %get3A_126 = tpu.vector_load %arg4[%get3A, %get3A_125] {strides = array<i32>} : memref<64x64xf32, #tpu.memory_space<vmem>>, vector<1x16xf32>,
      %get3A_127 = vector.shape_cast %get3A_126 : vector<1x16xf32> to vector<16xf32>
      %eq3A = arith.cmpf oeq, %get3A_127, %scan3A_19#4 : vector<16xf32>
      %lt3A = arith.constant 5.000000e-01 : f32
      %lt3A_128 = vector.broadcast %lt3A : f32 to vector<16xf32>
      %lt3A_129 = arith.cmpf olt, %scan3A_113, %lt3A_128 : vector<16xf32>
      %and3A = arith.andi %eq3A, %lt3A_129 : vector<16xi1>
      %neg3A = arith.constant 0.000000e+00 : f32
      %neg3A_130 = vector.broadcast %neg3A : f32 to vector<16xf32>
      %neg3A_131 = arith.subf %neg3A_130, %get3A_127 : vector<16xf32>
      %select_n3A = arith.select %and3A, %neg3A_131, %get3A_127 : vector<16xi1>, vector<16xf32>
      %swap3A = arith.index_cast %add3A_124 : i32 to index
      %swap3A_132 = arith.constant 0 : index
      %swap3A_133 = tpu.vector_load %arg4[%swap3A, %swap3A_132] {strides = array<i32>} : memref<64x64xf32, #tpu.memory_space<vmem>>, vector<1x16xf32>,
      %swap3A_134 = vector.shape_cast %swap3A_133 : vector<1x16xf32> to vector<16xf32>
      %swap3A_135 = vector.shape_cast %select_n3A : vector<16xf32> to vector<1x16xf32>
      tpu.vector_store %arg4[%swap3A, %swap3A_132], %swap3A_135 {strides = array<i32>} : memref<64x64xf32, #tpu.memory_space<vmem>>, vector<1x16xf32>,
      %jit3A = arith.constant 1.000000e+00 : f32
      %broadcast_in_dim3A_136 = vector.broadcast %jit3A : f32 to vector<16xf32>
      %select_n3A_137 = arith.select %and3A, %broadcast_in_dim3A_136, %scan3A_113 : vector<16xi1>, vector<16xf32>
      %max3A = arith.maximumf %scan3A_117, %select_n3A : vector<16xf32>
      %get3A_138 = arith.index_cast %add3A_124 : i32 to index
      %get3A_139 = arith.constant 16 : index
      %get3A_140 = tpu.vector_load %arg4[%get3A_138, %get3A_139] {strides = array<i32>} : memref<64x64xf32, #tpu.memory_space<vmem>>, vector<1x16xf32>,
      %get3A_141 = vector.shape_cast %get3A_140 : vector<1x16xf32> to vector<16xf32>
      %eq3A_142 = arith.cmpf oeq, %get3A_141, %scan3A_19#5 : vector<16xf32>
      %lt3A_143 = arith.constant 5.000000e-01 : f32
      %lt3A_144 = vector.broadcast %lt3A_143 : f32 to vector<16xf32>
      %lt3A_145 = arith.cmpf olt, %scan3A_114, %lt3A_144 : vector<16xf32>
      %and3A_146 = arith.andi %eq3A_142, %lt3A_145 : vector<16xi1>
      %neg3A_147 = arith.constant 0.000000e+00 : f32
      %neg3A_148 = vector.broadcast %neg3A_147 : f32 to vector<16xf32>
      %neg3A_149 = arith.subf %neg3A_148, %get3A_141 : vector<16xf32>
      %select_n3A_150 = arith.select %and3A_146, %neg3A_149, %get3A_141 : vector<16xi1>, vector<16xf32>
      %swap3A_151 = arith.index_cast %add3A_124 : i32 to index
      %swap3A_152 = arith.constant 16 : index
      %swap3A_153 = tpu.vector_load %arg4[%swap3A_151, %swap3A_152] {strides = array<i32>} : memref<64x64xf32, #tpu.memory_space<vmem>>, vector<1x16xf32>,
      %swap3A_154 = vector.shape_cast %swap3A_153 : vector<1x16xf32> to vector<16xf32>
      %swap3A_155 = vector.shape_cast %select_n3A_150 : vector<16xf32> to vector<1x16xf32>
      tpu.vector_store %arg4[%swap3A_151, %swap3A_152], %swap3A_155 {strides = array<i32>} : memref<64x64xf32, #tpu.memory_space<vmem>>, vector<1x16xf32>,
      %jit3A_156 = arith.constant 1.000000e+00 : f32
      %broadcast_in_dim3A_157 = vector.broadcast %jit3A_156 : f32 to vector<16xf32>
      %select_n3A_158 = arith.select %and3A_146, %broadcast_in_dim3A_157, %scan3A_114 : vector<16xi1>, vector<16xf32>
      %max3A_159 = arith.maximumf %scan3A_118, %select_n3A_150 : vector<16xf32>
      %get3A_160 = arith.index_cast %add3A_124 : i32 to index
      %get3A_161 = arith.constant 32 : index
      %get3A_162 = tpu.vector_load %arg4[%get3A_160, %get3A_161] {strides = array<i32>} : memref<64x64xf32, #tpu.memory_space<vmem>>, vector<1x16xf32>,
      %get3A_163 = vector.shape_cast %get3A_162 : vector<1x16xf32> to vector<16xf32>
      %eq3A_164 = arith.cmpf oeq, %get3A_163, %scan3A_19#6 : vector<16xf32>
      %lt3A_165 = arith.constant 5.000000e-01 : f32
      %lt3A_166 = vector.broadcast %lt3A_165 : f32 to vector<16xf32>
      %lt3A_167 = arith.cmpf olt, %scan3A_115, %lt3A_166 : vector<16xf32>
      %and3A_168 = arith.andi %eq3A_164, %lt3A_167 : vector<16xi1>
      %neg3A_169 = arith.constant 0.000000e+00 : f32
      %neg3A_170 = vector.broadcast %neg3A_169 : f32 to vector<16xf32>
      %neg3A_171 = arith.subf %neg3A_170, %get3A_163 : vector<16xf32>
      %select_n3A_172 = arith.select %and3A_168, %neg3A_171, %get3A_163 : vector<16xi1>, vector<16xf32>
      %swap3A_173 = arith.index_cast %add3A_124 : i32 to index
      %swap3A_174 = arith.constant 32 : index
      %swap3A_175 = tpu.vector_load %arg4[%swap3A_173, %swap3A_174] {strides = array<i32>} : memref<64x64xf32, #tpu.memory_space<vmem>>, vector<1x16xf32>,
      %swap3A_176 = vector.shape_cast %swap3A_175 : vector<1x16xf32> to vector<16xf32>
      %swap3A_177 = vector.shape_cast %select_n3A_172 : vector<16xf32> to vector<1x16xf32>
      tpu.vector_store %arg4[%swap3A_173, %swap3A_174], %swap3A_177 {strides = array<i32>} : memref<64x64xf32, #tpu.memory_space<vmem>>, vector<1x16xf32>,
      %jit3A_178 = arith.constant 1.000000e+00 : f32
      %broadcast_in_dim3A_179 = vector.broadcast %jit3A_178 : f32 to vector<16xf32>
      %select_n3A_180 = arith.select %and3A_168, %broadcast_in_dim3A_179, %scan3A_115 : vector<16xi1>, vector<16xf32>
      %max3A_181 = arith.maximumf %scan3A_119, %select_n3A_172 : vector<16xf32>
      %get3A_182 = arith.index_cast %add3A_124 : i32 to index
      %get3A_183 = arith.constant 48 : index
      %get3A_184 = tpu.vector_load %arg4[%get3A_182, %get3A_183] {strides = array<i32>} : memref<64x64xf32, #tpu.memory_space<vmem>>, vector<1x16xf32>,
      %get3A_185 = vector.shape_cast %get3A_184 : vector<1x16xf32> to vector<16xf32>
      %eq3A_186 = arith.cmpf oeq, %get3A_185, %scan3A_19#7 : vector<16xf32>
      %lt3A_187 = arith.constant 5.000000e-01 : f32
      %lt3A_188 = vector.broadcast %lt3A_187 : f32 to vector<16xf32>
      %lt3A_189 = arith.cmpf olt, %scan3A_116, %lt3A_188 : vector<16xf32>
      %and3A_190 = arith.andi %eq3A_186, %lt3A_189 : vector<16xi1>
      %neg3A_191 = arith.constant 0.000000e+00 : f32
      %neg3A_192 = vector.broadcast %neg3A_191 : f32 to vector<16xf32>
      %neg3A_193 = arith.subf %neg3A_192, %get3A_185 : vector<16xf32>
      %select_n3A_194 = arith.select %and3A_190, %neg3A_193, %get3A_185 : vector<16xi1>, vector<16xf32>
      %swap3A_195 = arith.index_cast %add3A_124 : i32 to index
      %swap3A_196 = arith.constant 48 : index
      %swap3A_197 = tpu.vector_load %arg4[%swap3A_195, %swap3A_196] {strides = array<i32>} : memref<64x64xf32, #tpu.memory_space<vmem>>, vector<1x16xf32>,
      %swap3A_198 = vector.shape_cast %swap3A_197 : vector<1x16xf32> to vector<16xf32>
      %swap3A_199 = vector.shape_cast %select_n3A_194 : vector<16xf32> to vector<1x16xf32>
      tpu.vector_store %arg4[%swap3A_195, %swap3A_196], %swap3A_199 {strides = array<i32>} : memref<64x64xf32, #tpu.memory_space<vmem>>, vector<1x16xf32>,
      %jit3A_200 = arith.constant 1.000000e+00 : f32
      %broadcast_in_dim3A_201 = vector.broadcast %jit3A_200 : f32 to vector<16xf32>
      %select_n3A_202 = arith.select %and3A_190, %broadcast_in_dim3A_201, %scan3A_116 : vector<16xi1>, vector<16xf32>
      %max3A_203 = arith.maximumf %scan3A_120, %select_n3A_194 : vector<16xf32>
      %mul3A_204 = arith.constant 2 : i32
      %mul3A_205 = arith.muli %scan3A_112, %mul3A_204 : i32
      %add3A_206 = arith.constant 1 : i32
      %add3A_207 = arith.addi %mul3A_205, %add3A_206 : i32
      %get3A_208 = arith.index_cast %add3A_207 : i32 to index
      %get3A_209 = arith.constant 0 : index
      %get3A_210 = tpu.vector_load %arg4[%get3A_208, %get3A_209] {strides = array<i32>} : memref<64x64xf32, #tpu.memory_space<vmem>>, vector<1x16xf32>,
      %get3A_211 = vector.shape_cast %get3A_210 : vector<1x16xf32> to vector<16xf32>
      %eq3A_212 = arith.cmpf oeq, %get3A_211, %scan3A_19#4 : vector<16xf32>
      %lt3A_213 = arith.constant 5.000000e-01 : f32
      %lt3A_214 = vector.broadcast %lt3A_213 : f32 to vector<16xf32>
      %lt3A_215 = arith.cmpf olt, %select_n3A_137, %lt3A_214 : vector<16xf32>
      %and3A_216 = arith.andi %eq3A_212, %lt3A_215 : vector<16xi1>
      %neg3A_217 = arith.constant 0.000000e+00 : f32
      %neg3A_218 = vector.broadcast %neg3A_217 : f32 to vector<16xf32>
      %neg3A_219 = arith.subf %neg3A_218, %get3A_211 : vector<16xf32>
      %select_n3A_220 = arith.select %and3A_216, %neg3A_219, %get3A_211 : vector<16xi1>, vector<16xf32>
      %swap3A_221 = arith.index_cast %add3A_207 : i32 to index
      %swap3A_222 = arith.constant 0 : index
      %swap3A_223 = tpu.vector_load %arg4[%swap3A_221, %swap3A_222] {strides = array<i32>} : memref<64x64xf32, #tpu.memory_space<vmem>>, vector<1x16xf32>,
      %swap3A_224 = vector.shape_cast %swap3A_223 : vector<1x16xf32> to vector<16xf32>
      %swap3A_225 = vector.shape_cast %select_n3A_220 : vector<16xf32> to vector<1x16xf32>
      tpu.vector_store %arg4[%swap3A_221, %swap3A_222], %swap3A_225 {strides = array<i32>} : memref<64x64xf32, #tpu.memory_space<vmem>>, vector<1x16xf32>,
      %jit3A_226 = arith.constant 1.000000e+00 : f32
      %broadcast_in_dim3A_227 = vector.broadcast %jit3A_226 : f32 to vector<16xf32>
      %select_n3A_228 = arith.select %and3A_216, %broadcast_in_dim3A_227, %select_n3A_137 : vector<16xi1>, vector<16xf32>
      %max3A_229 = arith.maximumf %max3A, %select_n3A_220 : vector<16xf32>
      %get3A_230 = arith.index_cast %add3A_207 : i32 to index
      %get3A_231 = arith.constant 16 : index
      %get3A_232 = tpu.vector_load %arg4[%get3A_230, %get3A_231] {strides = array<i32>} : memref<64x64xf32, #tpu.memory_space<vmem>>, vector<1x16xf32>,
      %get3A_233 = vector.shape_cast %get3A_232 : vector<1x16xf32> to vector<16xf32>
      %eq3A_234 = arith.cmpf oeq, %get3A_233, %scan3A_19#5 : vector<16xf32>
      %lt3A_235 = arith.constant 5.000000e-01 : f32
      %lt3A_236 = vector.broadcast %lt3A_235 : f32 to vector<16xf32>
      %lt3A_237 = arith.cmpf olt, %select_n3A_158, %lt3A_236 : vector<16xf32>
      %and3A_238 = arith.andi %eq3A_234, %lt3A_237 : vector<16xi1>
      %neg3A_239 = arith.constant 0.000000e+00 : f32
      %neg3A_240 = vector.broadcast %neg3A_239 : f32 to vector<16xf32>
      %neg3A_241 = arith.subf %neg3A_240, %get3A_233 : vector<16xf32>
      %select_n3A_242 = arith.select %and3A_238, %neg3A_241, %get3A_233 : vector<16xi1>, vector<16xf32>
      %swap3A_243 = arith.index_cast %add3A_207 : i32 to index
      %swap3A_244 = arith.constant 16 : index
      %swap3A_245 = tpu.vector_load %arg4[%swap3A_243, %swap3A_244] {strides = array<i32>} : memref<64x64xf32, #tpu.memory_space<vmem>>, vector<1x16xf32>,
      %swap3A_246 = vector.shape_cast %swap3A_245 : vector<1x16xf32> to vector<16xf32>
      %swap3A_247 = vector.shape_cast %select_n3A_242 : vector<16xf32> to vector<1x16xf32>
      tpu.vector_store %arg4[%swap3A_243, %swap3A_244], %swap3A_247 {strides = array<i32>} : memref<64x64xf32, #tpu.memory_space<vmem>>, vector<1x16xf32>,
      %jit3A_248 = arith.constant 1.000000e+00 : f32
      %broadcast_in_dim3A_249 = vector.broadcast %jit3A_248 : f32 to vector<16xf32>
      %select_n3A_250 = arith.select %and3A_238, %broadcast_in_dim3A_249, %select_n3A_158 : vector<16xi1>, vector<16xf32>
      %max3A_251 = arith.maximumf %max3A_159, %select_n3A_242 : vector<16xf32>
      %get3A_252 = arith.index_cast %add3A_207 : i32 to index
      %get3A_253 = arith.constant 32 : index
      %get3A_254 = tpu.vector_load %arg4[%get3A_252, %get3A_253] {strides = array<i32>} : memref<64x64xf32, #tpu.memory_space<vmem>>, vector<1x16xf32>,
      %get3A_255 = vector.shape_cast %get3A_254 : vector<1x16xf32> to vector<16xf32>
      %eq3A_256 = arith.cmpf oeq, %get3A_255, %scan3A_19#6 : vector<16xf32>
      %lt3A_257 = arith.constant 5.000000e-01 : f32
      %lt3A_258 = vector.broadcast %lt3A_257 : f32 to vector<16xf32>
      %lt3A_259 = arith.cmpf olt, %select_n3A_180, %lt3A_258 : vector<16xf32>
      %and3A_260 = arith.andi %eq3A_256, %lt3A_259 : vector<16xi1>
      %neg3A_261 = arith.constant 0.000000e+00 : f32
      %neg3A_262 = vector.broadcast %neg3A_261 : f32 to vector<16xf32>
      %neg3A_263 = arith.subf %neg3A_262, %get3A_255 : vector<16xf32>
      %select_n3A_264 = arith.select %and3A_260, %neg3A_263, %get3A_255 : vector<16xi1>, vector<16xf32>
      %swap3A_265 = arith.index_cast %add3A_207 : i32 to index
      %swap3A_266 = arith.constant 32 : index
      %swap3A_267 = tpu.vector_load %arg4[%swap3A_265, %swap3A_266] {strides = array<i32>} : memref<64x64xf32, #tpu.memory_space<vmem>>, vector<1x16xf32>,
      %swap3A_268 = vector.shape_cast %swap3A_267 : vector<1x16xf32> to vector<16xf32>
      %swap3A_269 = vector.shape_cast %select_n3A_264 : vector<16xf32> to vector<1x16xf32>
      tpu.vector_store %arg4[%swap3A_265, %swap3A_266], %swap3A_269 {strides = array<i32>} : memref<64x64xf32, #tpu.memory_space<vmem>>, vector<1x16xf32>,
      %jit3A_270 = arith.constant 1.000000e+00 : f32
      %broadcast_in_dim3A_271 = vector.broadcast %jit3A_270 : f32 to vector<16xf32>
      %select_n3A_272 = arith.select %and3A_260, %broadcast_in_dim3A_271, %select_n3A_180 : vector<16xi1>, vector<16xf32>
      %max3A_273 = arith.maximumf %max3A_181, %select_n3A_264 : vector<16xf32>
      %get3A_274 = arith.index_cast %add3A_207 : i32 to index
      %get3A_275 = arith.constant 48 : index
      %get3A_276 = tpu.vector_load %arg4[%get3A_274, %get3A_275] {strides = array<i32>} : memref<64x64xf32, #tpu.memory_space<vmem>>, vector<1x16xf32>,
      %get3A_277 = vector.shape_cast %get3A_276 : vector<1x16xf32> to vector<16xf32>
      %eq3A_278 = arith.cmpf oeq, %get3A_277, %scan3A_19#7 : vector<16xf32>
      %lt3A_279 = arith.constant 5.000000e-01 : f32
      %lt3A_280 = vector.broadcast %lt3A_279 : f32 to vector<16xf32>
      %lt3A_281 = arith.cmpf olt, %select_n3A_202, %lt3A_280 : vector<16xf32>
      %and3A_282 = arith.andi %eq3A_278, %lt3A_281 : vector<16xi1>
      %neg3A_283 = arith.constant 0.000000e+00 : f32
      %neg3A_284 = vector.broadcast %neg3A_283 : f32 to vector<16xf32>
      %neg3A_285 = arith.subf %neg3A_284, %get3A_277 : vector<16xf32>
      %select_n3A_286 = arith.select %and3A_282, %neg3A_285, %get3A_277 : vector<16xi1>, vector<16xf32>
      %swap3A_287 = arith.index_cast %add3A_207 : i32 to index
      %swap3A_288 = arith.constant 48 : index
      %swap3A_289 = tpu.vector_load %arg4[%swap3A_287, %swap3A_288] {strides = array<i32>} : memref<64x64xf32, #tpu.memory_space<vmem>>, vector<1x16xf32>,
      %swap3A_290 = vector.shape_cast %swap3A_289 : vector<1x16xf32> to vector<16xf32>
      %swap3A_291 = vector.shape_cast %select_n3A_286 : vector<16xf32> to vector<1x16xf32>
      tpu.vector_store %arg4[%swap3A_287, %swap3A_288], %swap3A_291 {strides = array<i32>} : memref<64x64xf32, #tpu.memory_space<vmem>>, vector<1x16xf32>,
      %jit3A_292 = arith.constant 1.000000e+00 : f32
      %broadcast_in_dim3A_293 = vector.broadcast %jit3A_292 : f32 to vector<16xf32>
      %select_n3A_294 = arith.select %and3A_282, %broadcast_in_dim3A_293, %select_n3A_202 : vector<16xi1>, vector<16xf32>
      %max3A_295 = arith.maximumf %max3A_203, %select_n3A_286 : vector<16xf32>
      scf.yield %select_n3A_228, %select_n3A_250, %select_n3A_272, %select_n3A_294, %max3A_229, %max3A_251, %max3A_273, %max3A_295 : vector<16xf32>, vector<16xf32>, vector<16xf32>, vector<16xf32>, vector<16xf32>, vector<16xf32>, vector<16xf32>, vector<16xf32>
    }
    %scan3A_30 = arith.constant 32 : i32
    %add3A_31 = arith.addf %add3A_21, %scan3A_19#4 : vector<16xf32>
    %add3A_32 = arith.addf %add3A_22, %scan3A_19#5 : vector<16xf32>
    %add3A_33 = arith.addf %add3A_23, %scan3A_19#6 : vector<16xf32>
    %add3A_34 = arith.addf %add3A_24, %scan3A_19#7 : vector<16xf32>
    %scan3A_35 = arith.constant 0 : i32
    %scan3A_36 = arith.constant 32 : i32
    %scan3A_37 = arith.addi %scan3A_35, %scan3A_36 : i32
    %scan3A_38 = arith.constant 1 : i32
    %scan3A_39:8 = scf.for %scan3A_112 = %scan3A_35 to %scan3A_37 step %scan3A_38 iter_args(%scan3A_113 = %broadcast_in_dim3A_1, %scan3A_114 = %broadcast_in_dim3A_1, %scan3A_115 = %broadcast_in_dim3A_1, %scan3A_116 = %broadcast_in_dim3A_1, %scan3A_117 = %broadcast_in_dim3A_1, %scan3A_118 = %broadcast_in_dim3A_1, %scan3A_119 = %broadcast_in_dim3A_1, %scan3A_120 = %broadcast_in_dim3A_1) -> (vector<16xf32>, vector<16xf32>, vector<16xf32>, vector<16xf32>, vector<16xf32>, vector<16xf32>, vector<16xf32>, vector<16xf32>)  : i32 {
      %mul3A_121 = arith.constant 2 : i32
      %mul3A_122 = arith.muli %scan3A_112, %mul3A_121 : i32
      %add3A_123 = arith.constant 0 : i32
      %add3A_124 = arith.addi %mul3A_122, %add3A_123 : i32
      %get3A = arith.index_cast %add3A_124 : i32 to index
      %get3A_125 = arith.constant 0 : index
      %get3A_126 = tpu.vector_load %arg4[%get3A, %get3A_125] {strides = array<i32>} : memref<64x64xf32, #tpu.memory_space<vmem>>, vector<1x16xf32>,
      %get3A_127 = vector.shape_cast %get3A_126 : vector<1x16xf32> to vector<16xf32>
      %eq3A = arith.cmpf oeq, %get3A_127, %scan3A_29#4 : vector<16xf32>
      %lt3A = arith.constant 5.000000e-01 : f32
      %lt3A_128 = vector.broadcast %lt3A : f32 to vector<16xf32>
      %lt3A_129 = arith.cmpf olt, %scan3A_113, %lt3A_128 : vector<16xf32>
      %and3A = arith.andi %eq3A, %lt3A_129 : vector<16xi1>
      %neg3A = arith.constant 0.000000e+00 : f32
      %neg3A_130 = vector.broadcast %neg3A : f32 to vector<16xf32>
      %neg3A_131 = arith.subf %neg3A_130, %get3A_127 : vector<16xf32>
      %select_n3A = arith.select %and3A, %neg3A_131, %get3A_127 : vector<16xi1>, vector<16xf32>
      %swap3A = arith.index_cast %add3A_124 : i32 to index
      %swap3A_132 = arith.constant 0 : index
      %swap3A_133 = tpu.vector_load %arg4[%swap3A, %swap3A_132] {strides = array<i32>} : memref<64x64xf32, #tpu.memory_space<vmem>>, vector<1x16xf32>,
      %swap3A_134 = vector.shape_cast %swap3A_133 : vector<1x16xf32> to vector<16xf32>
      %swap3A_135 = vector.shape_cast %select_n3A : vector<16xf32> to vector<1x16xf32>
      tpu.vector_store %arg4[%swap3A, %swap3A_132], %swap3A_135 {strides = array<i32>} : memref<64x64xf32, #tpu.memory_space<vmem>>, vector<1x16xf32>,
      %jit3A = arith.constant 1.000000e+00 : f32
      %broadcast_in_dim3A_136 = vector.broadcast %jit3A : f32 to vector<16xf32>
      %select_n3A_137 = arith.select %and3A, %broadcast_in_dim3A_136, %scan3A_113 : vector<16xi1>, vector<16xf32>
      %max3A = arith.maximumf %scan3A_117, %select_n3A : vector<16xf32>
      %get3A_138 = arith.index_cast %add3A_124 : i32 to index
      %get3A_139 = arith.constant 16 : index
      %get3A_140 = tpu.vector_load %arg4[%get3A_138, %get3A_139] {strides = array<i32>} : memref<64x64xf32, #tpu.memory_space<vmem>>, vector<1x16xf32>,
      %get3A_141 = vector.shape_cast %get3A_140 : vector<1x16xf32> to vector<16xf32>
      %eq3A_142 = arith.cmpf oeq, %get3A_141, %scan3A_29#5 : vector<16xf32>
      %lt3A_143 = arith.constant 5.000000e-01 : f32
      %lt3A_144 = vector.broadcast %lt3A_143 : f32 to vector<16xf32>
      %lt3A_145 = arith.cmpf olt, %scan3A_114, %lt3A_144 : vector<16xf32>
      %and3A_146 = arith.andi %eq3A_142, %lt3A_145 : vector<16xi1>
      %neg3A_147 = arith.constant 0.000000e+00 : f32
      %neg3A_148 = vector.broadcast %neg3A_147 : f32 to vector<16xf32>
      %neg3A_149 = arith.subf %neg3A_148, %get3A_141 : vector<16xf32>
      %select_n3A_150 = arith.select %and3A_146, %neg3A_149, %get3A_141 : vector<16xi1>, vector<16xf32>
      %swap3A_151 = arith.index_cast %add3A_124 : i32 to index
      %swap3A_152 = arith.constant 16 : index
      %swap3A_153 = tpu.vector_load %arg4[%swap3A_151, %swap3A_152] {strides = array<i32>} : memref<64x64xf32, #tpu.memory_space<vmem>>, vector<1x16xf32>,
      %swap3A_154 = vector.shape_cast %swap3A_153 : vector<1x16xf32> to vector<16xf32>
      %swap3A_155 = vector.shape_cast %select_n3A_150 : vector<16xf32> to vector<1x16xf32>
      tpu.vector_store %arg4[%swap3A_151, %swap3A_152], %swap3A_155 {strides = array<i32>} : memref<64x64xf32, #tpu.memory_space<vmem>>, vector<1x16xf32>,
      %jit3A_156 = arith.constant 1.000000e+00 : f32
      %broadcast_in_dim3A_157 = vector.broadcast %jit3A_156 : f32 to vector<16xf32>
      %select_n3A_158 = arith.select %and3A_146, %broadcast_in_dim3A_157, %scan3A_114 : vector<16xi1>, vector<16xf32>
      %max3A_159 = arith.maximumf %scan3A_118, %select_n3A_150 : vector<16xf32>
      %get3A_160 = arith.index_cast %add3A_124 : i32 to index
      %get3A_161 = arith.constant 32 : index
      %get3A_162 = tpu.vector_load %arg4[%get3A_160, %get3A_161] {strides = array<i32>} : memref<64x64xf32, #tpu.memory_space<vmem>>, vector<1x16xf32>,
      %get3A_163 = vector.shape_cast %get3A_162 : vector<1x16xf32> to vector<16xf32>
      %eq3A_164 = arith.cmpf oeq, %get3A_163, %scan3A_29#6 : vector<16xf32>
      %lt3A_165 = arith.constant 5.000000e-01 : f32
      %lt3A_166 = vector.broadcast %lt3A_165 : f32 to vector<16xf32>
      %lt3A_167 = arith.cmpf olt, %scan3A_115, %lt3A_166 : vector<16xf32>
      %and3A_168 = arith.andi %eq3A_164, %lt3A_167 : vector<16xi1>
      %neg3A_169 = arith.constant 0.000000e+00 : f32
      %neg3A_170 = vector.broadcast %neg3A_169 : f32 to vector<16xf32>
      %neg3A_171 = arith.subf %neg3A_170, %get3A_163 : vector<16xf32>
      %select_n3A_172 = arith.select %and3A_168, %neg3A_171, %get3A_163 : vector<16xi1>, vector<16xf32>
      %swap3A_173 = arith.index_cast %add3A_124 : i32 to index
      %swap3A_174 = arith.constant 32 : index
      %swap3A_175 = tpu.vector_load %arg4[%swap3A_173, %swap3A_174] {strides = array<i32>} : memref<64x64xf32, #tpu.memory_space<vmem>>, vector<1x16xf32>,
      %swap3A_176 = vector.shape_cast %swap3A_175 : vector<1x16xf32> to vector<16xf32>
      %swap3A_177 = vector.shape_cast %select_n3A_172 : vector<16xf32> to vector<1x16xf32>
      tpu.vector_store %arg4[%swap3A_173, %swap3A_174], %swap3A_177 {strides = array<i32>} : memref<64x64xf32, #tpu.memory_space<vmem>>, vector<1x16xf32>,
      %jit3A_178 = arith.constant 1.000000e+00 : f32
      %broadcast_in_dim3A_179 = vector.broadcast %jit3A_178 : f32 to vector<16xf32>
      %select_n3A_180 = arith.select %and3A_168, %broadcast_in_dim3A_179, %scan3A_115 : vector<16xi1>, vector<16xf32>
      %max3A_181 = arith.maximumf %scan3A_119, %select_n3A_172 : vector<16xf32>
      %get3A_182 = arith.index_cast %add3A_124 : i32 to index
      %get3A_183 = arith.constant 48 : index
      %get3A_184 = tpu.vector_load %arg4[%get3A_182, %get3A_183] {strides = array<i32>} : memref<64x64xf32, #tpu.memory_space<vmem>>, vector<1x16xf32>,
      %get3A_185 = vector.shape_cast %get3A_184 : vector<1x16xf32> to vector<16xf32>
      %eq3A_186 = arith.cmpf oeq, %get3A_185, %scan3A_29#7 : vector<16xf32>
      %lt3A_187 = arith.constant 5.000000e-01 : f32
      %lt3A_188 = vector.broadcast %lt3A_187 : f32 to vector<16xf32>
      %lt3A_189 = arith.cmpf olt, %scan3A_116, %lt3A_188 : vector<16xf32>
      %and3A_190 = arith.andi %eq3A_186, %lt3A_189 : vector<16xi1>
      %neg3A_191 = arith.constant 0.000000e+00 : f32
      %neg3A_192 = vector.broadcast %neg3A_191 : f32 to vector<16xf32>
      %neg3A_193 = arith.subf %neg3A_192, %get3A_185 : vector<16xf32>
      %select_n3A_194 = arith.select %and3A_190, %neg3A_193, %get3A_185 : vector<16xi1>, vector<16xf32>
      %swap3A_195 = arith.index_cast %add3A_124 : i32 to index
      %swap3A_196 = arith.constant 48 : index
      %swap3A_197 = tpu.vector_load %arg4[%swap3A_195, %swap3A_196] {strides = array<i32>} : memref<64x64xf32, #tpu.memory_space<vmem>>, vector<1x16xf32>,
      %swap3A_198 = vector.shape_cast %swap3A_197 : vector<1x16xf32> to vector<16xf32>
      %swap3A_199 = vector.shape_cast %select_n3A_194 : vector<16xf32> to vector<1x16xf32>
      tpu.vector_store %arg4[%swap3A_195, %swap3A_196], %swap3A_199 {strides = array<i32>} : memref<64x64xf32, #tpu.memory_space<vmem>>, vector<1x16xf32>,
      %jit3A_200 = arith.constant 1.000000e+00 : f32
      %broadcast_in_dim3A_201 = vector.broadcast %jit3A_200 : f32 to vector<16xf32>
      %select_n3A_202 = arith.select %and3A_190, %broadcast_in_dim3A_201, %scan3A_116 : vector<16xi1>, vector<16xf32>
      %max3A_203 = arith.maximumf %scan3A_120, %select_n3A_194 : vector<16xf32>
      %mul3A_204 = arith.constant 2 : i32
      %mul3A_205 = arith.muli %scan3A_112, %mul3A_204 : i32
      %add3A_206 = arith.constant 1 : i32
      %add3A_207 = arith.addi %mul3A_205, %add3A_206 : i32
      %get3A_208 = arith.index_cast %add3A_207 : i32 to index
      %get3A_209 = arith.constant 0 : index
      %get3A_210 = tpu.vector_load %arg4[%get3A_208, %get3A_209] {strides = array<i32>} : memref<64x64xf32, #tpu.memory_space<vmem>>, vector<1x16xf32>,
      %get3A_211 = vector.shape_cast %get3A_210 : vector<1x16xf32> to vector<16xf32>
      %eq3A_212 = arith.cmpf oeq, %get3A_211, %scan3A_29#4 : vector<16xf32>
      %lt3A_213 = arith.constant 5.000000e-01 : f32
      %lt3A_214 = vector.broadcast %lt3A_213 : f32 to vector<16xf32>
      %lt3A_215 = arith.cmpf olt, %select_n3A_137, %lt3A_214 : vector<16xf32>
      %and3A_216 = arith.andi %eq3A_212, %lt3A_215 : vector<16xi1>
      %neg3A_217 = arith.constant 0.000000e+00 : f32
      %neg3A_218 = vector.broadcast %neg3A_217 : f32 to vector<16xf32>
      %neg3A_219 = arith.subf %neg3A_218, %get3A_211 : vector<16xf32>
      %select_n3A_220 = arith.select %and3A_216, %neg3A_219, %get3A_211 : vector<16xi1>, vector<16xf32>
      %swap3A_221 = arith.index_cast %add3A_207 : i32 to index
      %swap3A_222 = arith.constant 0 : index
      %swap3A_223 = tpu.vector_load %arg4[%swap3A_221, %swap3A_222] {strides = array<i32>} : memref<64x64xf32, #tpu.memory_space<vmem>>, vector<1x16xf32>,
      %swap3A_224 = vector.shape_cast %swap3A_223 : vector<1x16xf32> to vector<16xf32>
      %swap3A_225 = vector.shape_cast %select_n3A_220 : vector<16xf32> to vector<1x16xf32>
      tpu.vector_store %arg4[%swap3A_221, %swap3A_222], %swap3A_225 {strides = array<i32>} : memref<64x64xf32, #tpu.memory_space<vmem>>, vector<1x16xf32>,
      %jit3A_226 = arith.constant 1.000000e+00 : f32
      %broadcast_in_dim3A_227 = vector.broadcast %jit3A_226 : f32 to vector<16xf32>
      %select_n3A_228 = arith.select %and3A_216, %broadcast_in_dim3A_227, %select_n3A_137 : vector<16xi1>, vector<16xf32>
      %max3A_229 = arith.maximumf %max3A, %select_n3A_220 : vector<16xf32>
      %get3A_230 = arith.index_cast %add3A_207 : i32 to index
      %get3A_231 = arith.constant 16 : index
      %get3A_232 = tpu.vector_load %arg4[%get3A_230, %get3A_231] {strides = array<i32>} : memref<64x64xf32, #tpu.memory_space<vmem>>, vector<1x16xf32>,
      %get3A_233 = vector.shape_cast %get3A_232 : vector<1x16xf32> to vector<16xf32>
      %eq3A_234 = arith.cmpf oeq, %get3A_233, %scan3A_29#5 : vector<16xf32>
      %lt3A_235 = arith.constant 5.000000e-01 : f32
      %lt3A_236 = vector.broadcast %lt3A_235 : f32 to vector<16xf32>
      %lt3A_237 = arith.cmpf olt, %select_n3A_158, %lt3A_236 : vector<16xf32>
      %and3A_238 = arith.andi %eq3A_234, %lt3A_237 : vector<16xi1>
      %neg3A_239 = arith.constant 0.000000e+00 : f32
      %neg3A_240 = vector.broadcast %neg3A_239 : f32 to vector<16xf32>
      %neg3A_241 = arith.subf %neg3A_240, %get3A_233 : vector<16xf32>
      %select_n3A_242 = arith.select %and3A_238, %neg3A_241, %get3A_233 : vector<16xi1>, vector<16xf32>
      %swap3A_243 = arith.index_cast %add3A_207 : i32 to index
      %swap3A_244 = arith.constant 16 : index
      %swap3A_245 = tpu.vector_load %arg4[%swap3A_243, %swap3A_244] {strides = array<i32>} : memref<64x64xf32, #tpu.memory_space<vmem>>, vector<1x16xf32>,
      %swap3A_246 = vector.shape_cast %swap3A_245 : vector<1x16xf32> to vector<16xf32>
      %swap3A_247 = vector.shape_cast %select_n3A_242 : vector<16xf32> to vector<1x16xf32>
      tpu.vector_store %arg4[%swap3A_243, %swap3A_244], %swap3A_247 {strides = array<i32>} : memref<64x64xf32, #tpu.memory_space<vmem>>, vector<1x16xf32>,
      %jit3A_248 = arith.constant 1.000000e+00 : f32
      %broadcast_in_dim3A_249 = vector.broadcast %jit3A_248 : f32 to vector<16xf32>
      %select_n3A_250 = arith.select %and3A_238, %broadcast_in_dim3A_249, %select_n3A_158 : vector<16xi1>, vector<16xf32>
      %max3A_251 = arith.maximumf %max3A_159, %select_n3A_242 : vector<16xf32>
      %get3A_252 = arith.index_cast %add3A_207 : i32 to index
      %get3A_253 = arith.constant 32 : index
      %get3A_254 = tpu.vector_load %arg4[%get3A_252, %get3A_253] {strides = array<i32>} : memref<64x64xf32, #tpu.memory_space<vmem>>, vector<1x16xf32>,
      %get3A_255 = vector.shape_cast %get3A_254 : vector<1x16xf32> to vector<16xf32>
      %eq3A_256 = arith.cmpf oeq, %get3A_255, %scan3A_29#6 : vector<16xf32>
      %lt3A_257 = arith.constant 5.000000e-01 : f32
      %lt3A_258 = vector.broadcast %lt3A_257 : f32 to vector<16xf32>
      %lt3A_259 = arith.cmpf olt, %select_n3A_180, %lt3A_258 : vector<16xf32>
      %and3A_260 = arith.andi %eq3A_256, %lt3A_259 : vector<16xi1>
      %neg3A_261 = arith.constant 0.000000e+00 : f32
      %neg3A_262 = vector.broadcast %neg3A_261 : f32 to vector<16xf32>
      %neg3A_263 = arith.subf %neg3A_262, %get3A_255 : vector<16xf32>
      %select_n3A_264 = arith.select %and3A_260, %neg3A_263, %get3A_255 : vector<16xi1>, vector<16xf32>
      %swap3A_265 = arith.index_cast %add3A_207 : i32 to index
      %swap3A_266 = arith.constant 32 : index
      %swap3A_267 = tpu.vector_load %arg4[%swap3A_265, %swap3A_266] {strides = array<i32>} : memref<64x64xf32, #tpu.memory_space<vmem>>, vector<1x16xf32>,
      %swap3A_268 = vector.shape_cast %swap3A_267 : vector<1x16xf32> to vector<16xf32>
      %swap3A_269 = vector.shape_cast %select_n3A_264 : vector<16xf32> to vector<1x16xf32>
      tpu.vector_store %arg4[%swap3A_265, %swap3A_266], %swap3A_269 {strides = array<i32>} : memref<64x64xf32, #tpu.memory_space<vmem>>, vector<1x16xf32>,
      %jit3A_270 = arith.constant 1.000000e+00 : f32
      %broadcast_in_dim3A_271 = vector.broadcast %jit3A_270 : f32 to vector<16xf32>
      %select_n3A_272 = arith.select %and3A_260, %broadcast_in_dim3A_271, %select_n3A_180 : vector<16xi1>, vector<16xf32>
      %max3A_273 = arith.maximumf %max3A_181, %select_n3A_264 : vector<16xf32>
      %get3A_274 = arith.index_cast %add3A_207 : i32 to index
      %get3A_275 = arith.constant 48 : index
      %get3A_276 = tpu.vector_load %arg4[%get3A_274, %get3A_275] {strides = array<i32>} : memref<64x64xf32, #tpu.memory_space<vmem>>, vector<1x16xf32>,
      %get3A_277 = vector.shape_cast %get3A_276 : vector<1x16xf32> to vector<16xf32>
      %eq3A_278 = arith.cmpf oeq, %get3A_277, %scan3A_29#7 : vector<16xf32>
      %lt3A_279 = arith.constant 5.000000e-01 : f32
      %lt3A_280 = vector.broadcast %lt3A_279 : f32 to vector<16xf32>
      %lt3A_281 = arith.cmpf olt, %select_n3A_202, %lt3A_280 : vector<16xf32>
      %and3A_282 = arith.andi %eq3A_278, %lt3A_281 : vector<16xi1>
      %neg3A_283 = arith.constant 0.000000e+00 : f32
      %neg3A_284 = vector.broadcast %neg3A_283 : f32 to vector<16xf32>
      %neg3A_285 = arith.subf %neg3A_284, %get3A_277 : vector<16xf32>
      %select_n3A_286 = arith.select %and3A_282, %neg3A_285, %get3A_277 : vector<16xi1>, vector<16xf32>
      %swap3A_287 = arith.index_cast %add3A_207 : i32 to index
      %swap3A_288 = arith.constant 48 : index
      %swap3A_289 = tpu.vector_load %arg4[%swap3A_287, %swap3A_288] {strides = array<i32>} : memref<64x64xf32, #tpu.memory_space<vmem>>, vector<1x16xf32>,
      %swap3A_290 = vector.shape_cast %swap3A_289 : vector<1x16xf32> to vector<16xf32>
      %swap3A_291 = vector.shape_cast %select_n3A_286 : vector<16xf32> to vector<1x16xf32>
      tpu.vector_store %arg4[%swap3A_287, %swap3A_288], %swap3A_291 {strides = array<i32>} : memref<64x64xf32, #tpu.memory_space<vmem>>, vector<1x16xf32>,
      %jit3A_292 = arith.constant 1.000000e+00 : f32
      %broadcast_in_dim3A_293 = vector.broadcast %jit3A_292 : f32 to vector<16xf32>
      %select_n3A_294 = arith.select %and3A_282, %broadcast_in_dim3A_293, %select_n3A_202 : vector<16xi1>, vector<16xf32>
      %max3A_295 = arith.maximumf %max3A_203, %select_n3A_286 : vector<16xf32>
      scf.yield %select_n3A_228, %select_n3A_250, %select_n3A_272, %select_n3A_294, %max3A_229, %max3A_251, %max3A_273, %max3A_295 : vector<16xf32>, vector<16xf32>, vector<16xf32>, vector<16xf32>, vector<16xf32>, vector<16xf32>, vector<16xf32>, vector<16xf32>
    }
    %scan3A_40 = arith.constant 32 : i32
    %add3A_41 = arith.addf %add3A_31, %scan3A_29#4 : vector<16xf32>
    %add3A_42 = arith.addf %add3A_32, %scan3A_29#5 : vector<16xf32>
    %add3A_43 = arith.addf %add3A_33, %scan3A_29#6 : vector<16xf32>
    %add3A_44 = arith.addf %add3A_34, %scan3A_29#7 : vector<16xf32>
    %scan3A_45 = arith.constant 0 : i32
    %scan3A_46 = arith.constant 32 : i32
    %scan3A_47 = arith.addi %scan3A_45, %scan3A_46 : i32
    %scan3A_48 = arith.constant 1 : i32
    %scan3A_49:8 = scf.for %scan3A_112 = %scan3A_45 to %scan3A_47 step %scan3A_48 iter_args(%scan3A_113 = %broadcast_in_dim3A_1, %scan3A_114 = %broadcast_in_dim3A_1, %scan3A_115 = %broadcast_in_dim3A_1, %scan3A_116 = %broadcast_in_dim3A_1, %scan3A_117 = %broadcast_in_dim3A_1, %scan3A_118 = %broadcast_in_dim3A_1, %scan3A_119 = %broadcast_in_dim3A_1, %scan3A_120 = %broadcast_in_dim3A_1) -> (vector<16xf32>, vector<16xf32>, vector<16xf32>, vector<16xf32>, vector<16xf32>, vector<16xf32>, vector<16xf32>, vector<16xf32>)  : i32 {
      %mul3A_121 = arith.constant 2 : i32
      %mul3A_122 = arith.muli %scan3A_112, %mul3A_121 : i32
      %add3A_123 = arith.constant 0 : i32
      %add3A_124 = arith.addi %mul3A_122, %add3A_123 : i32
      %get3A = arith.index_cast %add3A_124 : i32 to index
      %get3A_125 = arith.constant 0 : index
      %get3A_126 = tpu.vector_load %arg4[%get3A, %get3A_125] {strides = array<i32>} : memref<64x64xf32, #tpu.memory_space<vmem>>, vector<1x16xf32>,
      %get3A_127 = vector.shape_cast %get3A_126 : vector<1x16xf32> to vector<16xf32>
      %eq3A = arith.cmpf oeq, %get3A_127, %scan3A_39#4 : vector<16xf32>
      %lt3A = arith.constant 5.000000e-01 : f32
      %lt3A_128 = vector.broadcast %lt3A : f32 to vector<16xf32>
      %lt3A_129 = arith.cmpf olt, %scan3A_113, %lt3A_128 : vector<16xf32>
      %and3A = arith.andi %eq3A, %lt3A_129 : vector<16xi1>
      %neg3A = arith.constant 0.000000e+00 : f32
      %neg3A_130 = vector.broadcast %neg3A : f32 to vector<16xf32>
      %neg3A_131 = arith.subf %neg3A_130, %get3A_127 : vector<16xf32>
      %select_n3A = arith.select %and3A, %neg3A_131, %get3A_127 : vector<16xi1>, vector<16xf32>
      %swap3A = arith.index_cast %add3A_124 : i32 to index
      %swap3A_132 = arith.constant 0 : index
      %swap3A_133 = tpu.vector_load %arg4[%swap3A, %swap3A_132] {strides = array<i32>} : memref<64x64xf32, #tpu.memory_space<vmem>>, vector<1x16xf32>,
      %swap3A_134 = vector.shape_cast %swap3A_133 : vector<1x16xf32> to vector<16xf32>
      %swap3A_135 = vector.shape_cast %select_n3A : vector<16xf32> to vector<1x16xf32>
      tpu.vector_store %arg4[%swap3A, %swap3A_132], %swap3A_135 {strides = array<i32>} : memref<64x64xf32, #tpu.memory_space<vmem>>, vector<1x16xf32>,
      %jit3A = arith.constant 1.000000e+00 : f32
      %broadcast_in_dim3A_136 = vector.broadcast %jit3A : f32 to vector<16xf32>
      %select_n3A_137 = arith.select %and3A, %broadcast_in_dim3A_136, %scan3A_113 : vector<16xi1>, vector<16xf32>
      %max3A = arith.maximumf %scan3A_117, %select_n3A : vector<16xf32>
      %get3A_138 = arith.index_cast %add3A_124 : i32 to index
      %get3A_139 = arith.constant 16 : index
      %get3A_140 = tpu.vector_load %arg4[%get3A_138, %get3A_139] {strides = array<i32>} : memref<64x64xf32, #tpu.memory_space<vmem>>, vector<1x16xf32>,
      %get3A_141 = vector.shape_cast %get3A_140 : vector<1x16xf32> to vector<16xf32>
      %eq3A_142 = arith.cmpf oeq, %get3A_141, %scan3A_39#5 : vector<16xf32>
      %lt3A_143 = arith.constant 5.000000e-01 : f32
      %lt3A_144 = vector.broadcast %lt3A_143 : f32 to vector<16xf32>
      %lt3A_145 = arith.cmpf olt, %scan3A_114, %lt3A_144 : vector<16xf32>
      %and3A_146 = arith.andi %eq3A_142, %lt3A_145 : vector<16xi1>
      %neg3A_147 = arith.constant 0.000000e+00 : f32
      %neg3A_148 = vector.broadcast %neg3A_147 : f32 to vector<16xf32>
      %neg3A_149 = arith.subf %neg3A_148, %get3A_141 : vector<16xf32>
      %select_n3A_150 = arith.select %and3A_146, %neg3A_149, %get3A_141 : vector<16xi1>, vector<16xf32>
      %swap3A_151 = arith.index_cast %add3A_124 : i32 to index
      %swap3A_152 = arith.constant 16 : index
      %swap3A_153 = tpu.vector_load %arg4[%swap3A_151, %swap3A_152] {strides = array<i32>} : memref<64x64xf32, #tpu.memory_space<vmem>>, vector<1x16xf32>,
      %swap3A_154 = vector.shape_cast %swap3A_153 : vector<1x16xf32> to vector<16xf32>
      %swap3A_155 = vector.shape_cast %select_n3A_150 : vector<16xf32> to vector<1x16xf32>
      tpu.vector_store %arg4[%swap3A_151, %swap3A_152], %swap3A_155 {strides = array<i32>} : memref<64x64xf32, #tpu.memory_space<vmem>>, vector<1x16xf32>,
      %jit3A_156 = arith.constant 1.000000e+00 : f32
      %broadcast_in_dim3A_157 = vector.broadcast %jit3A_156 : f32 to vector<16xf32>
      %select_n3A_158 = arith.select %and3A_146, %broadcast_in_dim3A_157, %scan3A_114 : vector<16xi1>, vector<16xf32>
      %max3A_159 = arith.maximumf %scan3A_118, %select_n3A_150 : vector<16xf32>
      %get3A_160 = arith.index_cast %add3A_124 : i32 to index
      %get3A_161 = arith.constant 32 : index
      %get3A_162 = tpu.vector_load %arg4[%get3A_160, %get3A_161] {strides = array<i32>} : memref<64x64xf32, #tpu.memory_space<vmem>>, vector<1x16xf32>,
      %get3A_163 = vector.shape_cast %get3A_162 : vector<1x16xf32> to vector<16xf32>
      %eq3A_164 = arith.cmpf oeq, %get3A_163, %scan3A_39#6 : vector<16xf32>
      %lt3A_165 = arith.constant 5.000000e-01 : f32
      %lt3A_166 = vector.broadcast %lt3A_165 : f32 to vector<16xf32>
      %lt3A_167 = arith.cmpf olt, %scan3A_115, %lt3A_166 : vector<16xf32>
      %and3A_168 = arith.andi %eq3A_164, %lt3A_167 : vector<16xi1>
      %neg3A_169 = arith.constant 0.000000e+00 : f32
      %neg3A_170 = vector.broadcast %neg3A_169 : f32 to vector<16xf32>
      %neg3A_171 = arith.subf %neg3A_170, %get3A_163 : vector<16xf32>
      %select_n3A_172 = arith.select %and3A_168, %neg3A_171, %get3A_163 : vector<16xi1>, vector<16xf32>
      %swap3A_173 = arith.index_cast %add3A_124 : i32 to index
      %swap3A_174 = arith.constant 32 : index
      %swap3A_175 = tpu.vector_load %arg4[%swap3A_173, %swap3A_174] {strides = array<i32>} : memref<64x64xf32, #tpu.memory_space<vmem>>, vector<1x16xf32>,
      %swap3A_176 = vector.shape_cast %swap3A_175 : vector<1x16xf32> to vector<16xf32>
      %swap3A_177 = vector.shape_cast %select_n3A_172 : vector<16xf32> to vector<1x16xf32>
      tpu.vector_store %arg4[%swap3A_173, %swap3A_174], %swap3A_177 {strides = array<i32>} : memref<64x64xf32, #tpu.memory_space<vmem>>, vector<1x16xf32>,
      %jit3A_178 = arith.constant 1.000000e+00 : f32
      %broadcast_in_dim3A_179 = vector.broadcast %jit3A_178 : f32 to vector<16xf32>
      %select_n3A_180 = arith.select %and3A_168, %broadcast_in_dim3A_179, %scan3A_115 : vector<16xi1>, vector<16xf32>
      %max3A_181 = arith.maximumf %scan3A_119, %select_n3A_172 : vector<16xf32>
      %get3A_182 = arith.index_cast %add3A_124 : i32 to index
      %get3A_183 = arith.constant 48 : index
      %get3A_184 = tpu.vector_load %arg4[%get3A_182, %get3A_183] {strides = array<i32>} : memref<64x64xf32, #tpu.memory_space<vmem>>, vector<1x16xf32>,
      %get3A_185 = vector.shape_cast %get3A_184 : vector<1x16xf32> to vector<16xf32>
      %eq3A_186 = arith.cmpf oeq, %get3A_185, %scan3A_39#7 : vector<16xf32>
      %lt3A_187 = arith.constant 5.000000e-01 : f32
      %lt3A_188 = vector.broadcast %lt3A_187 : f32 to vector<16xf32>
      %lt3A_189 = arith.cmpf olt, %scan3A_116, %lt3A_188 : vector<16xf32>
      %and3A_190 = arith.andi %eq3A_186, %lt3A_189 : vector<16xi1>
      %neg3A_191 = arith.constant 0.000000e+00 : f32
      %neg3A_192 = vector.broadcast %neg3A_191 : f32 to vector<16xf32>
      %neg3A_193 = arith.subf %neg3A_192, %get3A_185 : vector<16xf32>
      %select_n3A_194 = arith.select %and3A_190, %neg3A_193, %get3A_185 : vector<16xi1>, vector<16xf32>
      %swap3A_195 = arith.index_cast %add3A_124 : i32 to index
      %swap3A_196 = arith.constant 48 : index
      %swap3A_197 = tpu.vector_load %arg4[%swap3A_195, %swap3A_196] {strides = array<i32>} : memref<64x64xf32, #tpu.memory_space<vmem>>, vector<1x16xf32>,
      %swap3A_198 = vector.shape_cast %swap3A_197 : vector<1x16xf32> to vector<16xf32>
      %swap3A_199 = vector.shape_cast %select_n3A_194 : vector<16xf32> to vector<1x16xf32>
      tpu.vector_store %arg4[%swap3A_195, %swap3A_196], %swap3A_199 {strides = array<i32>} : memref<64x64xf32, #tpu.memory_space<vmem>>, vector<1x16xf32>,
      %jit3A_200 = arith.constant 1.000000e+00 : f32
      %broadcast_in_dim3A_201 = vector.broadcast %jit3A_200 : f32 to vector<16xf32>
      %select_n3A_202 = arith.select %and3A_190, %broadcast_in_dim3A_201, %scan3A_116 : vector<16xi1>, vector<16xf32>
      %max3A_203 = arith.maximumf %scan3A_120, %select_n3A_194 : vector<16xf32>
      %mul3A_204 = arith.constant 2 : i32
      %mul3A_205 = arith.muli %scan3A_112, %mul3A_204 : i32
      %add3A_206 = arith.constant 1 : i32
      %add3A_207 = arith.addi %mul3A_205, %add3A_206 : i32
      %get3A_208 = arith.index_cast %add3A_207 : i32 to index
      %get3A_209 = arith.constant 0 : index
      %get3A_210 = tpu.vector_load %arg4[%get3A_208, %get3A_209] {strides = array<i32>} : memref<64x64xf32, #tpu.memory_space<vmem>>, vector<1x16xf32>,
      %get3A_211 = vector.shape_cast %get3A_210 : vector<1x16xf32> to vector<16xf32>
      %eq3A_212 = arith.cmpf oeq, %get3A_211, %scan3A_39#4 : vector<16xf32>
      %lt3A_213 = arith.constant 5.000000e-01 : f32
      %lt3A_214 = vector.broadcast %lt3A_213 : f32 to vector<16xf32>
      %lt3A_215 = arith.cmpf olt, %select_n3A_137, %lt3A_214 : vector<16xf32>
      %and3A_216 = arith.andi %eq3A_212, %lt3A_215 : vector<16xi1>
      %neg3A_217 = arith.constant 0.000000e+00 : f32
      %neg3A_218 = vector.broadcast %neg3A_217 : f32 to vector<16xf32>
      %neg3A_219 = arith.subf %neg3A_218, %get3A_211 : vector<16xf32>
      %select_n3A_220 = arith.select %and3A_216, %neg3A_219, %get3A_211 : vector<16xi1>, vector<16xf32>
      %swap3A_221 = arith.index_cast %add3A_207 : i32 to index
      %swap3A_222 = arith.constant 0 : index
      %swap3A_223 = tpu.vector_load %arg4[%swap3A_221, %swap3A_222] {strides = array<i32>} : memref<64x64xf32, #tpu.memory_space<vmem>>, vector<1x16xf32>,
      %swap3A_224 = vector.shape_cast %swap3A_223 : vector<1x16xf32> to vector<16xf32>
      %swap3A_225 = vector.shape_cast %select_n3A_220 : vector<16xf32> to vector<1x16xf32>
      tpu.vector_store %arg4[%swap3A_221, %swap3A_222], %swap3A_225 {strides = array<i32>} : memref<64x64xf32, #tpu.memory_space<vmem>>, vector<1x16xf32>,
      %jit3A_226 = arith.constant 1.000000e+00 : f32
      %broadcast_in_dim3A_227 = vector.broadcast %jit3A_226 : f32 to vector<16xf32>
      %select_n3A_228 = arith.select %and3A_216, %broadcast_in_dim3A_227, %select_n3A_137 : vector<16xi1>, vector<16xf32>
      %max3A_229 = arith.maximumf %max3A, %select_n3A_220 : vector<16xf32>
      %get3A_230 = arith.index_cast %add3A_207 : i32 to index
      %get3A_231 = arith.constant 16 : index
      %get3A_232 = tpu.vector_load %arg4[%get3A_230, %get3A_231] {strides = array<i32>} : memref<64x64xf32, #tpu.memory_space<vmem>>, vector<1x16xf32>,
      %get3A_233 = vector.shape_cast %get3A_232 : vector<1x16xf32> to vector<16xf32>
      %eq3A_234 = arith.cmpf oeq, %get3A_233, %scan3A_39#5 : vector<16xf32>
      %lt3A_235 = arith.constant 5.000000e-01 : f32
      %lt3A_236 = vector.broadcast %lt3A_235 : f32 to vector<16xf32>
      %lt3A_237 = arith.cmpf olt, %select_n3A_158, %lt3A_236 : vector<16xf32>
      %and3A_238 = arith.andi %eq3A_234, %lt3A_237 : vector<16xi1>
      %neg3A_239 = arith.constant 0.000000e+00 : f32
      %neg3A_240 = vector.broadcast %neg3A_239 : f32 to vector<16xf32>
      %neg3A_241 = arith.subf %neg3A_240, %get3A_233 : vector<16xf32>
      %select_n3A_242 = arith.select %and3A_238, %neg3A_241, %get3A_233 : vector<16xi1>, vector<16xf32>
      %swap3A_243 = arith.index_cast %add3A_207 : i32 to index
      %swap3A_244 = arith.constant 16 : index
      %swap3A_245 = tpu.vector_load %arg4[%swap3A_243, %swap3A_244] {strides = array<i32>} : memref<64x64xf32, #tpu.memory_space<vmem>>, vector<1x16xf32>,
      %swap3A_246 = vector.shape_cast %swap3A_245 : vector<1x16xf32> to vector<16xf32>
      %swap3A_247 = vector.shape_cast %select_n3A_242 : vector<16xf32> to vector<1x16xf32>
      tpu.vector_store %arg4[%swap3A_243, %swap3A_244], %swap3A_247 {strides = array<i32>} : memref<64x64xf32, #tpu.memory_space<vmem>>, vector<1x16xf32>,
      %jit3A_248 = arith.constant 1.000000e+00 : f32
      %broadcast_in_dim3A_249 = vector.broadcast %jit3A_248 : f32 to vector<16xf32>
      %select_n3A_250 = arith.select %and3A_238, %broadcast_in_dim3A_249, %select_n3A_158 : vector<16xi1>, vector<16xf32>
      %max3A_251 = arith.maximumf %max3A_159, %select_n3A_242 : vector<16xf32>
      %get3A_252 = arith.index_cast %add3A_207 : i32 to index
      %get3A_253 = arith.constant 32 : index
      %get3A_254 = tpu.vector_load %arg4[%get3A_252, %get3A_253] {strides = array<i32>} : memref<64x64xf32, #tpu.memory_space<vmem>>, vector<1x16xf32>,
      %get3A_255 = vector.shape_cast %get3A_254 : vector<1x16xf32> to vector<16xf32>
      %eq3A_256 = arith.cmpf oeq, %get3A_255, %scan3A_39#6 : vector<16xf32>
      %lt3A_257 = arith.constant 5.000000e-01 : f32
      %lt3A_258 = vector.broadcast %lt3A_257 : f32 to vector<16xf32>
      %lt3A_259 = arith.cmpf olt, %select_n3A_180, %lt3A_258 : vector<16xf32>
      %and3A_260 = arith.andi %eq3A_256, %lt3A_259 : vector<16xi1>
      %neg3A_261 = arith.constant 0.000000e+00 : f32
      %neg3A_262 = vector.broadcast %neg3A_261 : f32 to vector<16xf32>
      %neg3A_263 = arith.subf %neg3A_262, %get3A_255 : vector<16xf32>
      %select_n3A_264 = arith.select %and3A_260, %neg3A_263, %get3A_255 : vector<16xi1>, vector<16xf32>
      %swap3A_265 = arith.index_cast %add3A_207 : i32 to index
      %swap3A_266 = arith.constant 32 : index
      %swap3A_267 = tpu.vector_load %arg4[%swap3A_265, %swap3A_266] {strides = array<i32>} : memref<64x64xf32, #tpu.memory_space<vmem>>, vector<1x16xf32>,
      %swap3A_268 = vector.shape_cast %swap3A_267 : vector<1x16xf32> to vector<16xf32>
      %swap3A_269 = vector.shape_cast %select_n3A_264 : vector<16xf32> to vector<1x16xf32>
      tpu.vector_store %arg4[%swap3A_265, %swap3A_266], %swap3A_269 {strides = array<i32>} : memref<64x64xf32, #tpu.memory_space<vmem>>, vector<1x16xf32>,
      %jit3A_270 = arith.constant 1.000000e+00 : f32
      %broadcast_in_dim3A_271 = vector.broadcast %jit3A_270 : f32 to vector<16xf32>
      %select_n3A_272 = arith.select %and3A_260, %broadcast_in_dim3A_271, %select_n3A_180 : vector<16xi1>, vector<16xf32>
      %max3A_273 = arith.maximumf %max3A_181, %select_n3A_264 : vector<16xf32>
      %get3A_274 = arith.index_cast %add3A_207 : i32 to index
      %get3A_275 = arith.constant 48 : index
      %get3A_276 = tpu.vector_load %arg4[%get3A_274, %get3A_275] {strides = array<i32>} : memref<64x64xf32, #tpu.memory_space<vmem>>, vector<1x16xf32>,
      %get3A_277 = vector.shape_cast %get3A_276 : vector<1x16xf32> to vector<16xf32>
      %eq3A_278 = arith.cmpf oeq, %get3A_277, %scan3A_39#7 : vector<16xf32>
      %lt3A_279 = arith.constant 5.000000e-01 : f32
      %lt3A_280 = vector.broadcast %lt3A_279 : f32 to vector<16xf32>
      %lt3A_281 = arith.cmpf olt, %select_n3A_202, %lt3A_280 : vector<16xf32>
      %and3A_282 = arith.andi %eq3A_278, %lt3A_281 : vector<16xi1>
      %neg3A_283 = arith.constant 0.000000e+00 : f32
      %neg3A_284 = vector.broadcast %neg3A_283 : f32 to vector<16xf32>
      %neg3A_285 = arith.subf %neg3A_284, %get3A_277 : vector<16xf32>
      %select_n3A_286 = arith.select %and3A_282, %neg3A_285, %get3A_277 : vector<16xi1>, vector<16xf32>
      %swap3A_287 = arith.index_cast %add3A_207 : i32 to index
      %swap3A_288 = arith.constant 48 : index
      %swap3A_289 = tpu.vector_load %arg4[%swap3A_287, %swap3A_288] {strides = array<i32>} : memref<64x64xf32, #tpu.memory_space<vmem>>, vector<1x16xf32>,
      %swap3A_290 = vector.shape_cast %swap3A_289 : vector<1x16xf32> to vector<16xf32>
      %swap3A_291 = vector.shape_cast %select_n3A_286 : vector<16xf32> to vector<1x16xf32>
      tpu.vector_store %arg4[%swap3A_287, %swap3A_288], %swap3A_291 {strides = array<i32>} : memref<64x64xf32, #tpu.memory_space<vmem>>, vector<1x16xf32>,
      %jit3A_292 = arith.constant 1.000000e+00 : f32
      %broadcast_in_dim3A_293 = vector.broadcast %jit3A_292 : f32 to vector<16xf32>
      %select_n3A_294 = arith.select %and3A_282, %broadcast_in_dim3A_293, %select_n3A_202 : vector<16xi1>, vector<16xf32>
      %max3A_295 = arith.maximumf %max3A_203, %select_n3A_286 : vector<16xf32>
      scf.yield %select_n3A_228, %select_n3A_250, %select_n3A_272, %select_n3A_294, %max3A_229, %max3A_251, %max3A_273, %max3A_295 : vector<16xf32>, vector<16xf32>, vector<16xf32>, vector<16xf32>, vector<16xf32>, vector<16xf32>, vector<16xf32>, vector<16xf32>
    }
    %scan3A_50 = arith.constant 32 : i32
    %add3A_51 = arith.addf %add3A_41, %scan3A_39#4 : vector<16xf32>
    %add3A_52 = arith.addf %add3A_42, %scan3A_39#5 : vector<16xf32>
    %add3A_53 = arith.addf %add3A_43, %scan3A_39#6 : vector<16xf32>
    %add3A_54 = arith.addf %add3A_44, %scan3A_39#7 : vector<16xf32>
    %scan3A_55 = arith.constant 0 : i32
    %scan3A_56 = arith.constant 32 : i32
    %scan3A_57 = arith.addi %scan3A_55, %scan3A_56 : i32
    %scan3A_58 = arith.constant 1 : i32
    %scan3A_59:8 = scf.for %scan3A_112 = %scan3A_55 to %scan3A_57 step %scan3A_58 iter_args(%scan3A_113 = %broadcast_in_dim3A_1, %scan3A_114 = %broadcast_in_dim3A_1, %scan3A_115 = %broadcast_in_dim3A_1, %scan3A_116 = %broadcast_in_dim3A_1, %scan3A_117 = %broadcast_in_dim3A_1, %scan3A_118 = %broadcast_in_dim3A_1, %scan3A_119 = %broadcast_in_dim3A_1, %scan3A_120 = %broadcast_in_dim3A_1) -> (vector<16xf32>, vector<16xf32>, vector<16xf32>, vector<16xf32>, vector<16xf32>, vector<16xf32>, vector<16xf32>, vector<16xf32>)  : i32 {
      %mul3A_121 = arith.constant 2 : i32
      %mul3A_122 = arith.muli %scan3A_112, %mul3A_121 : i32
      %add3A_123 = arith.constant 0 : i32
      %add3A_124 = arith.addi %mul3A_122, %add3A_123 : i32
      %get3A = arith.index_cast %add3A_124 : i32 to index
      %get3A_125 = arith.constant 0 : index
      %get3A_126 = tpu.vector_load %arg4[%get3A, %get3A_125] {strides = array<i32>} : memref<64x64xf32, #tpu.memory_space<vmem>>, vector<1x16xf32>,
      %get3A_127 = vector.shape_cast %get3A_126 : vector<1x16xf32> to vector<16xf32>
      %eq3A = arith.cmpf oeq, %get3A_127, %scan3A_49#4 : vector<16xf32>
      %lt3A = arith.constant 5.000000e-01 : f32
      %lt3A_128 = vector.broadcast %lt3A : f32 to vector<16xf32>
      %lt3A_129 = arith.cmpf olt, %scan3A_113, %lt3A_128 : vector<16xf32>
      %and3A = arith.andi %eq3A, %lt3A_129 : vector<16xi1>
      %neg3A = arith.constant 0.000000e+00 : f32
      %neg3A_130 = vector.broadcast %neg3A : f32 to vector<16xf32>
      %neg3A_131 = arith.subf %neg3A_130, %get3A_127 : vector<16xf32>
      %select_n3A = arith.select %and3A, %neg3A_131, %get3A_127 : vector<16xi1>, vector<16xf32>
      %swap3A = arith.index_cast %add3A_124 : i32 to index
      %swap3A_132 = arith.constant 0 : index
      %swap3A_133 = tpu.vector_load %arg4[%swap3A, %swap3A_132] {strides = array<i32>} : memref<64x64xf32, #tpu.memory_space<vmem>>, vector<1x16xf32>,
      %swap3A_134 = vector.shape_cast %swap3A_133 : vector<1x16xf32> to vector<16xf32>
      %swap3A_135 = vector.shape_cast %select_n3A : vector<16xf32> to vector<1x16xf32>
      tpu.vector_store %arg4[%swap3A, %swap3A_132], %swap3A_135 {strides = array<i32>} : memref<64x64xf32, #tpu.memory_space<vmem>>, vector<1x16xf32>,
      %jit3A = arith.constant 1.000000e+00 : f32
      %broadcast_in_dim3A_136 = vector.broadcast %jit3A : f32 to vector<16xf32>
      %select_n3A_137 = arith.select %and3A, %broadcast_in_dim3A_136, %scan3A_113 : vector<16xi1>, vector<16xf32>
      %max3A = arith.maximumf %scan3A_117, %select_n3A : vector<16xf32>
      %get3A_138 = arith.index_cast %add3A_124 : i32 to index
      %get3A_139 = arith.constant 16 : index
      %get3A_140 = tpu.vector_load %arg4[%get3A_138, %get3A_139] {strides = array<i32>} : memref<64x64xf32, #tpu.memory_space<vmem>>, vector<1x16xf32>,
      %get3A_141 = vector.shape_cast %get3A_140 : vector<1x16xf32> to vector<16xf32>
      %eq3A_142 = arith.cmpf oeq, %get3A_141, %scan3A_49#5 : vector<16xf32>
      %lt3A_143 = arith.constant 5.000000e-01 : f32
      %lt3A_144 = vector.broadcast %lt3A_143 : f32 to vector<16xf32>
      %lt3A_145 = arith.cmpf olt, %scan3A_114, %lt3A_144 : vector<16xf32>
      %and3A_146 = arith.andi %eq3A_142, %lt3A_145 : vector<16xi1>
      %neg3A_147 = arith.constant 0.000000e+00 : f32
      %neg3A_148 = vector.broadcast %neg3A_147 : f32 to vector<16xf32>
      %neg3A_149 = arith.subf %neg3A_148, %get3A_141 : vector<16xf32>
      %select_n3A_150 = arith.select %and3A_146, %neg3A_149, %get3A_141 : vector<16xi1>, vector<16xf32>
      %swap3A_151 = arith.index_cast %add3A_124 : i32 to index
      %swap3A_152 = arith.constant 16 : index
      %swap3A_153 = tpu.vector_load %arg4[%swap3A_151, %swap3A_152] {strides = array<i32>} : memref<64x64xf32, #tpu.memory_space<vmem>>, vector<1x16xf32>,
      %swap3A_154 = vector.shape_cast %swap3A_153 : vector<1x16xf32> to vector<16xf32>
      %swap3A_155 = vector.shape_cast %select_n3A_150 : vector<16xf32> to vector<1x16xf32>
      tpu.vector_store %arg4[%swap3A_151, %swap3A_152], %swap3A_155 {strides = array<i32>} : memref<64x64xf32, #tpu.memory_space<vmem>>, vector<1x16xf32>,
      %jit3A_156 = arith.constant 1.000000e+00 : f32
      %broadcast_in_dim3A_157 = vector.broadcast %jit3A_156 : f32 to vector<16xf32>
      %select_n3A_158 = arith.select %and3A_146, %broadcast_in_dim3A_157, %scan3A_114 : vector<16xi1>, vector<16xf32>
      %max3A_159 = arith.maximumf %scan3A_118, %select_n3A_150 : vector<16xf32>
      %get3A_160 = arith.index_cast %add3A_124 : i32 to index
      %get3A_161 = arith.constant 32 : index
      %get3A_162 = tpu.vector_load %arg4[%get3A_160, %get3A_161] {strides = array<i32>} : memref<64x64xf32, #tpu.memory_space<vmem>>, vector<1x16xf32>,
      %get3A_163 = vector.shape_cast %get3A_162 : vector<1x16xf32> to vector<16xf32>
      %eq3A_164 = arith.cmpf oeq, %get3A_163, %scan3A_49#6 : vector<16xf32>
      %lt3A_165 = arith.constant 5.000000e-01 : f32
      %lt3A_166 = vector.broadcast %lt3A_165 : f32 to vector<16xf32>
      %lt3A_167 = arith.cmpf olt, %scan3A_115, %lt3A_166 : vector<16xf32>
      %and3A_168 = arith.andi %eq3A_164, %lt3A_167 : vector<16xi1>
      %neg3A_169 = arith.constant 0.000000e+00 : f32
      %neg3A_170 = vector.broadcast %neg3A_169 : f32 to vector<16xf32>
      %neg3A_171 = arith.subf %neg3A_170, %get3A_163 : vector<16xf32>
      %select_n3A_172 = arith.select %and3A_168, %neg3A_171, %get3A_163 : vector<16xi1>, vector<16xf32>
      %swap3A_173 = arith.index_cast %add3A_124 : i32 to index
      %swap3A_174 = arith.constant 32 : index
      %swap3A_175 = tpu.vector_load %arg4[%swap3A_173, %swap3A_174] {strides = array<i32>} : memref<64x64xf32, #tpu.memory_space<vmem>>, vector<1x16xf32>,
      %swap3A_176 = vector.shape_cast %swap3A_175 : vector<1x16xf32> to vector<16xf32>
      %swap3A_177 = vector.shape_cast %select_n3A_172 : vector<16xf32> to vector<1x16xf32>
      tpu.vector_store %arg4[%swap3A_173, %swap3A_174], %swap3A_177 {strides = array<i32>} : memref<64x64xf32, #tpu.memory_space<vmem>>, vector<1x16xf32>,
      %jit3A_178 = arith.constant 1.000000e+00 : f32
      %broadcast_in_dim3A_179 = vector.broadcast %jit3A_178 : f32 to vector<16xf32>
      %select_n3A_180 = arith.select %and3A_168, %broadcast_in_dim3A_179, %scan3A_115 : vector<16xi1>, vector<16xf32>
      %max3A_181 = arith.maximumf %scan3A_119, %select_n3A_172 : vector<16xf32>
      %get3A_182 = arith.index_cast %add3A_124 : i32 to index
      %get3A_183 = arith.constant 48 : index
      %get3A_184 = tpu.vector_load %arg4[%get3A_182, %get3A_183] {strides = array<i32>} : memref<64x64xf32, #tpu.memory_space<vmem>>, vector<1x16xf32>,
      %get3A_185 = vector.shape_cast %get3A_184 : vector<1x16xf32> to vector<16xf32>
      %eq3A_186 = arith.cmpf oeq, %get3A_185, %scan3A_49#7 : vector<16xf32>
      %lt3A_187 = arith.constant 5.000000e-01 : f32
      %lt3A_188 = vector.broadcast %lt3A_187 : f32 to vector<16xf32>
      %lt3A_189 = arith.cmpf olt, %scan3A_116, %lt3A_188 : vector<16xf32>
      %and3A_190 = arith.andi %eq3A_186, %lt3A_189 : vector<16xi1>
      %neg3A_191 = arith.constant 0.000000e+00 : f32
      %neg3A_192 = vector.broadcast %neg3A_191 : f32 to vector<16xf32>
      %neg3A_193 = arith.subf %neg3A_192, %get3A_185 : vector<16xf32>
      %select_n3A_194 = arith.select %and3A_190, %neg3A_193, %get3A_185 : vector<16xi1>, vector<16xf32>
      %swap3A_195 = arith.index_cast %add3A_124 : i32 to index
      %swap3A_196 = arith.constant 48 : index
      %swap3A_197 = tpu.vector_load %arg4[%swap3A_195, %swap3A_196] {strides = array<i32>} : memref<64x64xf32, #tpu.memory_space<vmem>>, vector<1x16xf32>,
      %swap3A_198 = vector.shape_cast %swap3A_197 : vector<1x16xf32> to vector<16xf32>
      %swap3A_199 = vector.shape_cast %select_n3A_194 : vector<16xf32> to vector<1x16xf32>
      tpu.vector_store %arg4[%swap3A_195, %swap3A_196], %swap3A_199 {strides = array<i32>} : memref<64x64xf32, #tpu.memory_space<vmem>>, vector<1x16xf32>,
      %jit3A_200 = arith.constant 1.000000e+00 : f32
      %broadcast_in_dim3A_201 = vector.broadcast %jit3A_200 : f32 to vector<16xf32>
      %select_n3A_202 = arith.select %and3A_190, %broadcast_in_dim3A_201, %scan3A_116 : vector<16xi1>, vector<16xf32>
      %max3A_203 = arith.maximumf %scan3A_120, %select_n3A_194 : vector<16xf32>
      %mul3A_204 = arith.constant 2 : i32
      %mul3A_205 = arith.muli %scan3A_112, %mul3A_204 : i32
      %add3A_206 = arith.constant 1 : i32
      %add3A_207 = arith.addi %mul3A_205, %add3A_206 : i32
      %get3A_208 = arith.index_cast %add3A_207 : i32 to index
      %get3A_209 = arith.constant 0 : index
      %get3A_210 = tpu.vector_load %arg4[%get3A_208, %get3A_209] {strides = array<i32>} : memref<64x64xf32, #tpu.memory_space<vmem>>, vector<1x16xf32>,
      %get3A_211 = vector.shape_cast %get3A_210 : vector<1x16xf32> to vector<16xf32>
      %eq3A_212 = arith.cmpf oeq, %get3A_211, %scan3A_49#4 : vector<16xf32>
      %lt3A_213 = arith.constant 5.000000e-01 : f32
      %lt3A_214 = vector.broadcast %lt3A_213 : f32 to vector<16xf32>
      %lt3A_215 = arith.cmpf olt, %select_n3A_137, %lt3A_214 : vector<16xf32>
      %and3A_216 = arith.andi %eq3A_212, %lt3A_215 : vector<16xi1>
      %neg3A_217 = arith.constant 0.000000e+00 : f32
      %neg3A_218 = vector.broadcast %neg3A_217 : f32 to vector<16xf32>
      %neg3A_219 = arith.subf %neg3A_218, %get3A_211 : vector<16xf32>
      %select_n3A_220 = arith.select %and3A_216, %neg3A_219, %get3A_211 : vector<16xi1>, vector<16xf32>
      %swap3A_221 = arith.index_cast %add3A_207 : i32 to index
      %swap3A_222 = arith.constant 0 : index
      %swap3A_223 = tpu.vector_load %arg4[%swap3A_221, %swap3A_222] {strides = array<i32>} : memref<64x64xf32, #tpu.memory_space<vmem>>, vector<1x16xf32>,
      %swap3A_224 = vector.shape_cast %swap3A_223 : vector<1x16xf32> to vector<16xf32>
      %swap3A_225 = vector.shape_cast %select_n3A_220 : vector<16xf32> to vector<1x16xf32>
      tpu.vector_store %arg4[%swap3A_221, %swap3A_222], %swap3A_225 {strides = array<i32>} : memref<64x64xf32, #tpu.memory_space<vmem>>, vector<1x16xf32>,
      %jit3A_226 = arith.constant 1.000000e+00 : f32
      %broadcast_in_dim3A_227 = vector.broadcast %jit3A_226 : f32 to vector<16xf32>
      %select_n3A_228 = arith.select %and3A_216, %broadcast_in_dim3A_227, %select_n3A_137 : vector<16xi1>, vector<16xf32>
      %max3A_229 = arith.maximumf %max3A, %select_n3A_220 : vector<16xf32>
      %get3A_230 = arith.index_cast %add3A_207 : i32 to index
      %get3A_231 = arith.constant 16 : index
      %get3A_232 = tpu.vector_load %arg4[%get3A_230, %get3A_231] {strides = array<i32>} : memref<64x64xf32, #tpu.memory_space<vmem>>, vector<1x16xf32>,
      %get3A_233 = vector.shape_cast %get3A_232 : vector<1x16xf32> to vector<16xf32>
      %eq3A_234 = arith.cmpf oeq, %get3A_233, %scan3A_49#5 : vector<16xf32>
      %lt3A_235 = arith.constant 5.000000e-01 : f32
      %lt3A_236 = vector.broadcast %lt3A_235 : f32 to vector<16xf32>
      %lt3A_237 = arith.cmpf olt, %select_n3A_158, %lt3A_236 : vector<16xf32>
      %and3A_238 = arith.andi %eq3A_234, %lt3A_237 : vector<16xi1>
      %neg3A_239 = arith.constant 0.000000e+00 : f32
      %neg3A_240 = vector.broadcast %neg3A_239 : f32 to vector<16xf32>
      %neg3A_241 = arith.subf %neg3A_240, %get3A_233 : vector<16xf32>
      %select_n3A_242 = arith.select %and3A_238, %neg3A_241, %get3A_233 : vector<16xi1>, vector<16xf32>
      %swap3A_243 = arith.index_cast %add3A_207 : i32 to index
      %swap3A_244 = arith.constant 16 : index
      %swap3A_245 = tpu.vector_load %arg4[%swap3A_243, %swap3A_244] {strides = array<i32>} : memref<64x64xf32, #tpu.memory_space<vmem>>, vector<1x16xf32>,
      %swap3A_246 = vector.shape_cast %swap3A_245 : vector<1x16xf32> to vector<16xf32>
      %swap3A_247 = vector.shape_cast %select_n3A_242 : vector<16xf32> to vector<1x16xf32>
      tpu.vector_store %arg4[%swap3A_243, %swap3A_244], %swap3A_247 {strides = array<i32>} : memref<64x64xf32, #tpu.memory_space<vmem>>, vector<1x16xf32>,
      %jit3A_248 = arith.constant 1.000000e+00 : f32
      %broadcast_in_dim3A_249 = vector.broadcast %jit3A_248 : f32 to vector<16xf32>
      %select_n3A_250 = arith.select %and3A_238, %broadcast_in_dim3A_249, %select_n3A_158 : vector<16xi1>, vector<16xf32>
      %max3A_251 = arith.maximumf %max3A_159, %select_n3A_242 : vector<16xf32>
      %get3A_252 = arith.index_cast %add3A_207 : i32 to index
      %get3A_253 = arith.constant 32 : index
      %get3A_254 = tpu.vector_load %arg4[%get3A_252, %get3A_253] {strides = array<i32>} : memref<64x64xf32, #tpu.memory_space<vmem>>, vector<1x16xf32>,
      %get3A_255 = vector.shape_cast %get3A_254 : vector<1x16xf32> to vector<16xf32>
      %eq3A_256 = arith.cmpf oeq, %get3A_255, %scan3A_49#6 : vector<16xf32>
      %lt3A_257 = arith.constant 5.000000e-01 : f32
      %lt3A_258 = vector.broadcast %lt3A_257 : f32 to vector<16xf32>
      %lt3A_259 = arith.cmpf olt, %select_n3A_180, %lt3A_258 : vector<16xf32>
      %and3A_260 = arith.andi %eq3A_256, %lt3A_259 : vector<16xi1>
      %neg3A_261 = arith.constant 0.000000e+00 : f32
      %neg3A_262 = vector.broadcast %neg3A_261 : f32 to vector<16xf32>
      %neg3A_263 = arith.subf %neg3A_262, %get3A_255 : vector<16xf32>
      %select_n3A_264 = arith.select %and3A_260, %neg3A_263, %get3A_255 : vector<16xi1>, vector<16xf32>
      %swap3A_265 = arith.index_cast %add3A_207 : i32 to index
      %swap3A_266 = arith.constant 32 : index
      %swap3A_267 = tpu.vector_load %arg4[%swap3A_265, %swap3A_266] {strides = array<i32>} : memref<64x64xf32, #tpu.memory_space<vmem>>, vector<1x16xf32>,
      %swap3A_268 = vector.shape_cast %swap3A_267 : vector<1x16xf32> to vector<16xf32>
      %swap3A_269 = vector.shape_cast %select_n3A_264 : vector<16xf32> to vector<1x16xf32>
      tpu.vector_store %arg4[%swap3A_265, %swap3A_266], %swap3A_269 {strides = array<i32>} : memref<64x64xf32, #tpu.memory_space<vmem>>, vector<1x16xf32>,
      %jit3A_270 = arith.constant 1.000000e+00 : f32
      %broadcast_in_dim3A_271 = vector.broadcast %jit3A_270 : f32 to vector<16xf32>
      %select_n3A_272 = arith.select %and3A_260, %broadcast_in_dim3A_271, %select_n3A_180 : vector<16xi1>, vector<16xf32>
      %max3A_273 = arith.maximumf %max3A_181, %select_n3A_264 : vector<16xf32>
      %get3A_274 = arith.index_cast %add3A_207 : i32 to index
      %get3A_275 = arith.constant 48 : index
      %get3A_276 = tpu.vector_load %arg4[%get3A_274, %get3A_275] {strides = array<i32>} : memref<64x64xf32, #tpu.memory_space<vmem>>, vector<1x16xf32>,
      %get3A_277 = vector.shape_cast %get3A_276 : vector<1x16xf32> to vector<16xf32>
      %eq3A_278 = arith.cmpf oeq, %get3A_277, %scan3A_49#7 : vector<16xf32>
      %lt3A_279 = arith.constant 5.000000e-01 : f32
      %lt3A_280 = vector.broadcast %lt3A_279 : f32 to vector<16xf32>
      %lt3A_281 = arith.cmpf olt, %select_n3A_202, %lt3A_280 : vector<16xf32>
      %and3A_282 = arith.andi %eq3A_278, %lt3A_281 : vector<16xi1>
      %neg3A_283 = arith.constant 0.000000e+00 : f32
      %neg3A_284 = vector.broadcast %neg3A_283 : f32 to vector<16xf32>
      %neg3A_285 = arith.subf %neg3A_284, %get3A_277 : vector<16xf32>
      %select_n3A_286 = arith.select %and3A_282, %neg3A_285, %get3A_277 : vector<16xi1>, vector<16xf32>
      %swap3A_287 = arith.index_cast %add3A_207 : i32 to index
      %swap3A_288 = arith.constant 48 : index
      %swap3A_289 = tpu.vector_load %arg4[%swap3A_287, %swap3A_288] {strides = array<i32>} : memref<64x64xf32, #tpu.memory_space<vmem>>, vector<1x16xf32>,
      %swap3A_290 = vector.shape_cast %swap3A_289 : vector<1x16xf32> to vector<16xf32>
      %swap3A_291 = vector.shape_cast %select_n3A_286 : vector<16xf32> to vector<1x16xf32>
      tpu.vector_store %arg4[%swap3A_287, %swap3A_288], %swap3A_291 {strides = array<i32>} : memref<64x64xf32, #tpu.memory_space<vmem>>, vector<1x16xf32>,
      %jit3A_292 = arith.constant 1.000000e+00 : f32
      %broadcast_in_dim3A_293 = vector.broadcast %jit3A_292 : f32 to vector<16xf32>
      %select_n3A_294 = arith.select %and3A_282, %broadcast_in_dim3A_293, %select_n3A_202 : vector<16xi1>, vector<16xf32>
      %max3A_295 = arith.maximumf %max3A_203, %select_n3A_286 : vector<16xf32>
      scf.yield %select_n3A_228, %select_n3A_250, %select_n3A_272, %select_n3A_294, %max3A_229, %max3A_251, %max3A_273, %max3A_295 : vector<16xf32>, vector<16xf32>, vector<16xf32>, vector<16xf32>, vector<16xf32>, vector<16xf32>, vector<16xf32>, vector<16xf32>
    }
    %scan3A_60 = arith.constant 32 : i32
    %add3A_61 = arith.addf %add3A_51, %scan3A_49#4 : vector<16xf32>
    %add3A_62 = arith.addf %add3A_52, %scan3A_49#5 : vector<16xf32>
    %add3A_63 = arith.addf %add3A_53, %scan3A_49#6 : vector<16xf32>
    %add3A_64 = arith.addf %add3A_54, %scan3A_49#7 : vector<16xf32>
    %scan3A_65 = arith.constant 0 : i32
    %scan3A_66 = arith.constant 32 : i32
    %scan3A_67 = arith.addi %scan3A_65, %scan3A_66 : i32
    %scan3A_68 = arith.constant 1 : i32
    %scan3A_69:8 = scf.for %scan3A_112 = %scan3A_65 to %scan3A_67 step %scan3A_68 iter_args(%scan3A_113 = %broadcast_in_dim3A_1, %scan3A_114 = %broadcast_in_dim3A_1, %scan3A_115 = %broadcast_in_dim3A_1, %scan3A_116 = %broadcast_in_dim3A_1, %scan3A_117 = %broadcast_in_dim3A_1, %scan3A_118 = %broadcast_in_dim3A_1, %scan3A_119 = %broadcast_in_dim3A_1, %scan3A_120 = %broadcast_in_dim3A_1) -> (vector<16xf32>, vector<16xf32>, vector<16xf32>, vector<16xf32>, vector<16xf32>, vector<16xf32>, vector<16xf32>, vector<16xf32>)  : i32 {
      %mul3A_121 = arith.constant 2 : i32
      %mul3A_122 = arith.muli %scan3A_112, %mul3A_121 : i32
      %add3A_123 = arith.constant 0 : i32
      %add3A_124 = arith.addi %mul3A_122, %add3A_123 : i32
      %get3A = arith.index_cast %add3A_124 : i32 to index
      %get3A_125 = arith.constant 0 : index
      %get3A_126 = tpu.vector_load %arg4[%get3A, %get3A_125] {strides = array<i32>} : memref<64x64xf32, #tpu.memory_space<vmem>>, vector<1x16xf32>,
      %get3A_127 = vector.shape_cast %get3A_126 : vector<1x16xf32> to vector<16xf32>
      %eq3A = arith.cmpf oeq, %get3A_127, %scan3A_59#4 : vector<16xf32>
      %lt3A = arith.constant 5.000000e-01 : f32
      %lt3A_128 = vector.broadcast %lt3A : f32 to vector<16xf32>
      %lt3A_129 = arith.cmpf olt, %scan3A_113, %lt3A_128 : vector<16xf32>
      %and3A = arith.andi %eq3A, %lt3A_129 : vector<16xi1>
      %neg3A = arith.constant 0.000000e+00 : f32
      %neg3A_130 = vector.broadcast %neg3A : f32 to vector<16xf32>
      %neg3A_131 = arith.subf %neg3A_130, %get3A_127 : vector<16xf32>
      %select_n3A = arith.select %and3A, %neg3A_131, %get3A_127 : vector<16xi1>, vector<16xf32>
      %swap3A = arith.index_cast %add3A_124 : i32 to index
      %swap3A_132 = arith.constant 0 : index
      %swap3A_133 = tpu.vector_load %arg4[%swap3A, %swap3A_132] {strides = array<i32>} : memref<64x64xf32, #tpu.memory_space<vmem>>, vector<1x16xf32>,
      %swap3A_134 = vector.shape_cast %swap3A_133 : vector<1x16xf32> to vector<16xf32>
      %swap3A_135 = vector.shape_cast %select_n3A : vector<16xf32> to vector<1x16xf32>
      tpu.vector_store %arg4[%swap3A, %swap3A_132], %swap3A_135 {strides = array<i32>} : memref<64x64xf32, #tpu.memory_space<vmem>>, vector<1x16xf32>,
      %jit3A = arith.constant 1.000000e+00 : f32
      %broadcast_in_dim3A_136 = vector.broadcast %jit3A : f32 to vector<16xf32>
      %select_n3A_137 = arith.select %and3A, %broadcast_in_dim3A_136, %scan3A_113 : vector<16xi1>, vector<16xf32>
      %max3A = arith.maximumf %scan3A_117, %select_n3A : vector<16xf32>
      %get3A_138 = arith.index_cast %add3A_124 : i32 to index
      %get3A_139 = arith.constant 16 : index
      %get3A_140 = tpu.vector_load %arg4[%get3A_138, %get3A_139] {strides = array<i32>} : memref<64x64xf32, #tpu.memory_space<vmem>>, vector<1x16xf32>,
      %get3A_141 = vector.shape_cast %get3A_140 : vector<1x16xf32> to vector<16xf32>
      %eq3A_142 = arith.cmpf oeq, %get3A_141, %scan3A_59#5 : vector<16xf32>
      %lt3A_143 = arith.constant 5.000000e-01 : f32
      %lt3A_144 = vector.broadcast %lt3A_143 : f32 to vector<16xf32>
      %lt3A_145 = arith.cmpf olt, %scan3A_114, %lt3A_144 : vector<16xf32>
      %and3A_146 = arith.andi %eq3A_142, %lt3A_145 : vector<16xi1>
      %neg3A_147 = arith.constant 0.000000e+00 : f32
      %neg3A_148 = vector.broadcast %neg3A_147 : f32 to vector<16xf32>
      %neg3A_149 = arith.subf %neg3A_148, %get3A_141 : vector<16xf32>
      %select_n3A_150 = arith.select %and3A_146, %neg3A_149, %get3A_141 : vector<16xi1>, vector<16xf32>
      %swap3A_151 = arith.index_cast %add3A_124 : i32 to index
      %swap3A_152 = arith.constant 16 : index
      %swap3A_153 = tpu.vector_load %arg4[%swap3A_151, %swap3A_152] {strides = array<i32>} : memref<64x64xf32, #tpu.memory_space<vmem>>, vector<1x16xf32>,
      %swap3A_154 = vector.shape_cast %swap3A_153 : vector<1x16xf32> to vector<16xf32>
      %swap3A_155 = vector.shape_cast %select_n3A_150 : vector<16xf32> to vector<1x16xf32>
      tpu.vector_store %arg4[%swap3A_151, %swap3A_152], %swap3A_155 {strides = array<i32>} : memref<64x64xf32, #tpu.memory_space<vmem>>, vector<1x16xf32>,
      %jit3A_156 = arith.constant 1.000000e+00 : f32
      %broadcast_in_dim3A_157 = vector.broadcast %jit3A_156 : f32 to vector<16xf32>
      %select_n3A_158 = arith.select %and3A_146, %broadcast_in_dim3A_157, %scan3A_114 : vector<16xi1>, vector<16xf32>
      %max3A_159 = arith.maximumf %scan3A_118, %select_n3A_150 : vector<16xf32>
      %get3A_160 = arith.index_cast %add3A_124 : i32 to index
      %get3A_161 = arith.constant 32 : index
      %get3A_162 = tpu.vector_load %arg4[%get3A_160, %get3A_161] {strides = array<i32>} : memref<64x64xf32, #tpu.memory_space<vmem>>, vector<1x16xf32>,
      %get3A_163 = vector.shape_cast %get3A_162 : vector<1x16xf32> to vector<16xf32>
      %eq3A_164 = arith.cmpf oeq, %get3A_163, %scan3A_59#6 : vector<16xf32>
      %lt3A_165 = arith.constant 5.000000e-01 : f32
      %lt3A_166 = vector.broadcast %lt3A_165 : f32 to vector<16xf32>
      %lt3A_167 = arith.cmpf olt, %scan3A_115, %lt3A_166 : vector<16xf32>
      %and3A_168 = arith.andi %eq3A_164, %lt3A_167 : vector<16xi1>
      %neg3A_169 = arith.constant 0.000000e+00 : f32
      %neg3A_170 = vector.broadcast %neg3A_169 : f32 to vector<16xf32>
      %neg3A_171 = arith.subf %neg3A_170, %get3A_163 : vector<16xf32>
      %select_n3A_172 = arith.select %and3A_168, %neg3A_171, %get3A_163 : vector<16xi1>, vector<16xf32>
      %swap3A_173 = arith.index_cast %add3A_124 : i32 to index
      %swap3A_174 = arith.constant 32 : index
      %swap3A_175 = tpu.vector_load %arg4[%swap3A_173, %swap3A_174] {strides = array<i32>} : memref<64x64xf32, #tpu.memory_space<vmem>>, vector<1x16xf32>,
      %swap3A_176 = vector.shape_cast %swap3A_175 : vector<1x16xf32> to vector<16xf32>
      %swap3A_177 = vector.shape_cast %select_n3A_172 : vector<16xf32> to vector<1x16xf32>
      tpu.vector_store %arg4[%swap3A_173, %swap3A_174], %swap3A_177 {strides = array<i32>} : memref<64x64xf32, #tpu.memory_space<vmem>>, vector<1x16xf32>,
      %jit3A_178 = arith.constant 1.000000e+00 : f32
      %broadcast_in_dim3A_179 = vector.broadcast %jit3A_178 : f32 to vector<16xf32>
      %select_n3A_180 = arith.select %and3A_168, %broadcast_in_dim3A_179, %scan3A_115 : vector<16xi1>, vector<16xf32>
      %max3A_181 = arith.maximumf %scan3A_119, %select_n3A_172 : vector<16xf32>
      %get3A_182 = arith.index_cast %add3A_124 : i32 to index
      %get3A_183 = arith.constant 48 : index
      %get3A_184 = tpu.vector_load %arg4[%get3A_182, %get3A_183] {strides = array<i32>} : memref<64x64xf32, #tpu.memory_space<vmem>>, vector<1x16xf32>,
      %get3A_185 = vector.shape_cast %get3A_184 : vector<1x16xf32> to vector<16xf32>
      %eq3A_186 = arith.cmpf oeq, %get3A_185, %scan3A_59#7 : vector<16xf32>
      %lt3A_187 = arith.constant 5.000000e-01 : f32
      %lt3A_188 = vector.broadcast %lt3A_187 : f32 to vector<16xf32>
      %lt3A_189 = arith.cmpf olt, %scan3A_116, %lt3A_188 : vector<16xf32>
      %and3A_190 = arith.andi %eq3A_186, %lt3A_189 : vector<16xi1>
      %neg3A_191 = arith.constant 0.000000e+00 : f32
      %neg3A_192 = vector.broadcast %neg3A_191 : f32 to vector<16xf32>
      %neg3A_193 = arith.subf %neg3A_192, %get3A_185 : vector<16xf32>
      %select_n3A_194 = arith.select %and3A_190, %neg3A_193, %get3A_185 : vector<16xi1>, vector<16xf32>
      %swap3A_195 = arith.index_cast %add3A_124 : i32 to index
      %swap3A_196 = arith.constant 48 : index
      %swap3A_197 = tpu.vector_load %arg4[%swap3A_195, %swap3A_196] {strides = array<i32>} : memref<64x64xf32, #tpu.memory_space<vmem>>, vector<1x16xf32>,
      %swap3A_198 = vector.shape_cast %swap3A_197 : vector<1x16xf32> to vector<16xf32>
      %swap3A_199 = vector.shape_cast %select_n3A_194 : vector<16xf32> to vector<1x16xf32>
      tpu.vector_store %arg4[%swap3A_195, %swap3A_196], %swap3A_199 {strides = array<i32>} : memref<64x64xf32, #tpu.memory_space<vmem>>, vector<1x16xf32>,
      %jit3A_200 = arith.constant 1.000000e+00 : f32
      %broadcast_in_dim3A_201 = vector.broadcast %jit3A_200 : f32 to vector<16xf32>
      %select_n3A_202 = arith.select %and3A_190, %broadcast_in_dim3A_201, %scan3A_116 : vector<16xi1>, vector<16xf32>
      %max3A_203 = arith.maximumf %scan3A_120, %select_n3A_194 : vector<16xf32>
      %mul3A_204 = arith.constant 2 : i32
      %mul3A_205 = arith.muli %scan3A_112, %mul3A_204 : i32
      %add3A_206 = arith.constant 1 : i32
      %add3A_207 = arith.addi %mul3A_205, %add3A_206 : i32
      %get3A_208 = arith.index_cast %add3A_207 : i32 to index
      %get3A_209 = arith.constant 0 : index
      %get3A_210 = tpu.vector_load %arg4[%get3A_208, %get3A_209] {strides = array<i32>} : memref<64x64xf32, #tpu.memory_space<vmem>>, vector<1x16xf32>,
      %get3A_211 = vector.shape_cast %get3A_210 : vector<1x16xf32> to vector<16xf32>
      %eq3A_212 = arith.cmpf oeq, %get3A_211, %scan3A_59#4 : vector<16xf32>
      %lt3A_213 = arith.constant 5.000000e-01 : f32
      %lt3A_214 = vector.broadcast %lt3A_213 : f32 to vector<16xf32>
      %lt3A_215 = arith.cmpf olt, %select_n3A_137, %lt3A_214 : vector<16xf32>
      %and3A_216 = arith.andi %eq3A_212, %lt3A_215 : vector<16xi1>
      %neg3A_217 = arith.constant 0.000000e+00 : f32
      %neg3A_218 = vector.broadcast %neg3A_217 : f32 to vector<16xf32>
      %neg3A_219 = arith.subf %neg3A_218, %get3A_211 : vector<16xf32>
      %select_n3A_220 = arith.select %and3A_216, %neg3A_219, %get3A_211 : vector<16xi1>, vector<16xf32>
      %swap3A_221 = arith.index_cast %add3A_207 : i32 to index
      %swap3A_222 = arith.constant 0 : index
      %swap3A_223 = tpu.vector_load %arg4[%swap3A_221, %swap3A_222] {strides = array<i32>} : memref<64x64xf32, #tpu.memory_space<vmem>>, vector<1x16xf32>,
      %swap3A_224 = vector.shape_cast %swap3A_223 : vector<1x16xf32> to vector<16xf32>
      %swap3A_225 = vector.shape_cast %select_n3A_220 : vector<16xf32> to vector<1x16xf32>
      tpu.vector_store %arg4[%swap3A_221, %swap3A_222], %swap3A_225 {strides = array<i32>} : memref<64x64xf32, #tpu.memory_space<vmem>>, vector<1x16xf32>,
      %jit3A_226 = arith.constant 1.000000e+00 : f32
      %broadcast_in_dim3A_227 = vector.broadcast %jit3A_226 : f32 to vector<16xf32>
      %select_n3A_228 = arith.select %and3A_216, %broadcast_in_dim3A_227, %select_n3A_137 : vector<16xi1>, vector<16xf32>
      %max3A_229 = arith.maximumf %max3A, %select_n3A_220 : vector<16xf32>
      %get3A_230 = arith.index_cast %add3A_207 : i32 to index
      %get3A_231 = arith.constant 16 : index
      %get3A_232 = tpu.vector_load %arg4[%get3A_230, %get3A_231] {strides = array<i32>} : memref<64x64xf32, #tpu.memory_space<vmem>>, vector<1x16xf32>,
      %get3A_233 = vector.shape_cast %get3A_232 : vector<1x16xf32> to vector<16xf32>
      %eq3A_234 = arith.cmpf oeq, %get3A_233, %scan3A_59#5 : vector<16xf32>
      %lt3A_235 = arith.constant 5.000000e-01 : f32
      %lt3A_236 = vector.broadcast %lt3A_235 : f32 to vector<16xf32>
      %lt3A_237 = arith.cmpf olt, %select_n3A_158, %lt3A_236 : vector<16xf32>
      %and3A_238 = arith.andi %eq3A_234, %lt3A_237 : vector<16xi1>
      %neg3A_239 = arith.constant 0.000000e+00 : f32
      %neg3A_240 = vector.broadcast %neg3A_239 : f32 to vector<16xf32>
      %neg3A_241 = arith.subf %neg3A_240, %get3A_233 : vector<16xf32>
      %select_n3A_242 = arith.select %and3A_238, %neg3A_241, %get3A_233 : vector<16xi1>, vector<16xf32>
      %swap3A_243 = arith.index_cast %add3A_207 : i32 to index
      %swap3A_244 = arith.constant 16 : index
      %swap3A_245 = tpu.vector_load %arg4[%swap3A_243, %swap3A_244] {strides = array<i32>} : memref<64x64xf32, #tpu.memory_space<vmem>>, vector<1x16xf32>,
      %swap3A_246 = vector.shape_cast %swap3A_245 : vector<1x16xf32> to vector<16xf32>
      %swap3A_247 = vector.shape_cast %select_n3A_242 : vector<16xf32> to vector<1x16xf32>
      tpu.vector_store %arg4[%swap3A_243, %swap3A_244], %swap3A_247 {strides = array<i32>} : memref<64x64xf32, #tpu.memory_space<vmem>>, vector<1x16xf32>,
      %jit3A_248 = arith.constant 1.000000e+00 : f32
      %broadcast_in_dim3A_249 = vector.broadcast %jit3A_248 : f32 to vector<16xf32>
      %select_n3A_250 = arith.select %and3A_238, %broadcast_in_dim3A_249, %select_n3A_158 : vector<16xi1>, vector<16xf32>
      %max3A_251 = arith.maximumf %max3A_159, %select_n3A_242 : vector<16xf32>
      %get3A_252 = arith.index_cast %add3A_207 : i32 to index
      %get3A_253 = arith.constant 32 : index
      %get3A_254 = tpu.vector_load %arg4[%get3A_252, %get3A_253] {strides = array<i32>} : memref<64x64xf32, #tpu.memory_space<vmem>>, vector<1x16xf32>,
      %get3A_255 = vector.shape_cast %get3A_254 : vector<1x16xf32> to vector<16xf32>
      %eq3A_256 = arith.cmpf oeq, %get3A_255, %scan3A_59#6 : vector<16xf32>
      %lt3A_257 = arith.constant 5.000000e-01 : f32
      %lt3A_258 = vector.broadcast %lt3A_257 : f32 to vector<16xf32>
      %lt3A_259 = arith.cmpf olt, %select_n3A_180, %lt3A_258 : vector<16xf32>
      %and3A_260 = arith.andi %eq3A_256, %lt3A_259 : vector<16xi1>
      %neg3A_261 = arith.constant 0.000000e+00 : f32
      %neg3A_262 = vector.broadcast %neg3A_261 : f32 to vector<16xf32>
      %neg3A_263 = arith.subf %neg3A_262, %get3A_255 : vector<16xf32>
      %select_n3A_264 = arith.select %and3A_260, %neg3A_263, %get3A_255 : vector<16xi1>, vector<16xf32>
      %swap3A_265 = arith.index_cast %add3A_207 : i32 to index
      %swap3A_266 = arith.constant 32 : index
      %swap3A_267 = tpu.vector_load %arg4[%swap3A_265, %swap3A_266] {strides = array<i32>} : memref<64x64xf32, #tpu.memory_space<vmem>>, vector<1x16xf32>,
      %swap3A_268 = vector.shape_cast %swap3A_267 : vector<1x16xf32> to vector<16xf32>
      %swap3A_269 = vector.shape_cast %select_n3A_264 : vector<16xf32> to vector<1x16xf32>
      tpu.vector_store %arg4[%swap3A_265, %swap3A_266], %swap3A_269 {strides = array<i32>} : memref<64x64xf32, #tpu.memory_space<vmem>>, vector<1x16xf32>,
      %jit3A_270 = arith.constant 1.000000e+00 : f32
      %broadcast_in_dim3A_271 = vector.broadcast %jit3A_270 : f32 to vector<16xf32>
      %select_n3A_272 = arith.select %and3A_260, %broadcast_in_dim3A_271, %select_n3A_180 : vector<16xi1>, vector<16xf32>
      %max3A_273 = arith.maximumf %max3A_181, %select_n3A_264 : vector<16xf32>
      %get3A_274 = arith.index_cast %add3A_207 : i32 to index
      %get3A_275 = arith.constant 48 : index
      %get3A_276 = tpu.vector_load %arg4[%get3A_274, %get3A_275] {strides = array<i32>} : memref<64x64xf32, #tpu.memory_space<vmem>>, vector<1x16xf32>,
      %get3A_277 = vector.shape_cast %get3A_276 : vector<1x16xf32> to vector<16xf32>
      %eq3A_278 = arith.cmpf oeq, %get3A_277, %scan3A_59#7 : vector<16xf32>
      %lt3A_279 = arith.constant 5.000000e-01 : f32
      %lt3A_280 = vector.broadcast %lt3A_279 : f32 to vector<16xf32>
      %lt3A_281 = arith.cmpf olt, %select_n3A_202, %lt3A_280 : vector<16xf32>
      %and3A_282 = arith.andi %eq3A_278, %lt3A_281 : vector<16xi1>
      %neg3A_283 = arith.constant 0.000000e+00 : f32
      %neg3A_284 = vector.broadcast %neg3A_283 : f32 to vector<16xf32>
      %neg3A_285 = arith.subf %neg3A_284, %get3A_277 : vector<16xf32>
      %select_n3A_286 = arith.select %and3A_282, %neg3A_285, %get3A_277 : vector<16xi1>, vector<16xf32>
      %swap3A_287 = arith.index_cast %add3A_207 : i32 to index
      %swap3A_288 = arith.constant 48 : index
      %swap3A_289 = tpu.vector_load %arg4[%swap3A_287, %swap3A_288] {strides = array<i32>} : memref<64x64xf32, #tpu.memory_space<vmem>>, vector<1x16xf32>,
      %swap3A_290 = vector.shape_cast %swap3A_289 : vector<1x16xf32> to vector<16xf32>
      %swap3A_291 = vector.shape_cast %select_n3A_286 : vector<16xf32> to vector<1x16xf32>
      tpu.vector_store %arg4[%swap3A_287, %swap3A_288], %swap3A_291 {strides = array<i32>} : memref<64x64xf32, #tpu.memory_space<vmem>>, vector<1x16xf32>,
      %jit3A_292 = arith.constant 1.000000e+00 : f32
      %broadcast_in_dim3A_293 = vector.broadcast %jit3A_292 : f32 to vector<16xf32>
      %select_n3A_294 = arith.select %and3A_282, %broadcast_in_dim3A_293, %select_n3A_202 : vector<16xi1>, vector<16xf32>
      %max3A_295 = arith.maximumf %max3A_203, %select_n3A_286 : vector<16xf32>
      scf.yield %select_n3A_228, %select_n3A_250, %select_n3A_272, %select_n3A_294, %max3A_229, %max3A_251, %max3A_273, %max3A_295 : vector<16xf32>, vector<16xf32>, vector<16xf32>, vector<16xf32>, vector<16xf32>, vector<16xf32>, vector<16xf32>, vector<16xf32>
    }
    %scan3A_70 = arith.constant 32 : i32
    %add3A_71 = arith.addf %add3A_61, %scan3A_59#4 : vector<16xf32>
    %add3A_72 = arith.addf %add3A_62, %scan3A_59#5 : vector<16xf32>
    %add3A_73 = arith.addf %add3A_63, %scan3A_59#6 : vector<16xf32>
    %add3A_74 = arith.addf %add3A_64, %scan3A_59#7 : vector<16xf32>
    %scan3A_75 = arith.constant 0 : i32
    %scan3A_76 = arith.constant 32 : i32
    %scan3A_77 = arith.addi %scan3A_75, %scan3A_76 : i32
    %scan3A_78 = arith.constant 1 : i32
    %scan3A_79:8 = scf.for %scan3A_112 = %scan3A_75 to %scan3A_77 step %scan3A_78 iter_args(%scan3A_113 = %broadcast_in_dim3A_1, %scan3A_114 = %broadcast_in_dim3A_1, %scan3A_115 = %broadcast_in_dim3A_1, %scan3A_116 = %broadcast_in_dim3A_1, %scan3A_117 = %broadcast_in_dim3A_1, %scan3A_118 = %broadcast_in_dim3A_1, %scan3A_119 = %broadcast_in_dim3A_1, %scan3A_120 = %broadcast_in_dim3A_1) -> (vector<16xf32>, vector<16xf32>, vector<16xf32>, vector<16xf32>, vector<16xf32>, vector<16xf32>, vector<16xf32>, vector<16xf32>)  : i32 {
      %mul3A_121 = arith.constant 2 : i32
      %mul3A_122 = arith.muli %scan3A_112, %mul3A_121 : i32
      %add3A_123 = arith.constant 0 : i32
      %add3A_124 = arith.addi %mul3A_122, %add3A_123 : i32
      %get3A = arith.index_cast %add3A_124 : i32 to index
      %get3A_125 = arith.constant 0 : index
      %get3A_126 = tpu.vector_load %arg4[%get3A, %get3A_125] {strides = array<i32>} : memref<64x64xf32, #tpu.memory_space<vmem>>, vector<1x16xf32>,
      %get3A_127 = vector.shape_cast %get3A_126 : vector<1x16xf32> to vector<16xf32>
      %eq3A = arith.cmpf oeq, %get3A_127, %scan3A_69#4 : vector<16xf32>
      %lt3A = arith.constant 5.000000e-01 : f32
      %lt3A_128 = vector.broadcast %lt3A : f32 to vector<16xf32>
      %lt3A_129 = arith.cmpf olt, %scan3A_113, %lt3A_128 : vector<16xf32>
      %and3A = arith.andi %eq3A, %lt3A_129 : vector<16xi1>
      %neg3A = arith.constant 0.000000e+00 : f32
      %neg3A_130 = vector.broadcast %neg3A : f32 to vector<16xf32>
      %neg3A_131 = arith.subf %neg3A_130, %get3A_127 : vector<16xf32>
      %select_n3A = arith.select %and3A, %neg3A_131, %get3A_127 : vector<16xi1>, vector<16xf32>
      %swap3A = arith.index_cast %add3A_124 : i32 to index
      %swap3A_132 = arith.constant 0 : index
      %swap3A_133 = tpu.vector_load %arg4[%swap3A, %swap3A_132] {strides = array<i32>} : memref<64x64xf32, #tpu.memory_space<vmem>>, vector<1x16xf32>,
      %swap3A_134 = vector.shape_cast %swap3A_133 : vector<1x16xf32> to vector<16xf32>
      %swap3A_135 = vector.shape_cast %select_n3A : vector<16xf32> to vector<1x16xf32>
      tpu.vector_store %arg4[%swap3A, %swap3A_132], %swap3A_135 {strides = array<i32>} : memref<64x64xf32, #tpu.memory_space<vmem>>, vector<1x16xf32>,
      %jit3A = arith.constant 1.000000e+00 : f32
      %broadcast_in_dim3A_136 = vector.broadcast %jit3A : f32 to vector<16xf32>
      %select_n3A_137 = arith.select %and3A, %broadcast_in_dim3A_136, %scan3A_113 : vector<16xi1>, vector<16xf32>
      %max3A = arith.maximumf %scan3A_117, %select_n3A : vector<16xf32>
      %get3A_138 = arith.index_cast %add3A_124 : i32 to index
      %get3A_139 = arith.constant 16 : index
      %get3A_140 = tpu.vector_load %arg4[%get3A_138, %get3A_139] {strides = array<i32>} : memref<64x64xf32, #tpu.memory_space<vmem>>, vector<1x16xf32>,
      %get3A_141 = vector.shape_cast %get3A_140 : vector<1x16xf32> to vector<16xf32>
      %eq3A_142 = arith.cmpf oeq, %get3A_141, %scan3A_69#5 : vector<16xf32>
      %lt3A_143 = arith.constant 5.000000e-01 : f32
      %lt3A_144 = vector.broadcast %lt3A_143 : f32 to vector<16xf32>
      %lt3A_145 = arith.cmpf olt, %scan3A_114, %lt3A_144 : vector<16xf32>
      %and3A_146 = arith.andi %eq3A_142, %lt3A_145 : vector<16xi1>
      %neg3A_147 = arith.constant 0.000000e+00 : f32
      %neg3A_148 = vector.broadcast %neg3A_147 : f32 to vector<16xf32>
      %neg3A_149 = arith.subf %neg3A_148, %get3A_141 : vector<16xf32>
      %select_n3A_150 = arith.select %and3A_146, %neg3A_149, %get3A_141 : vector<16xi1>, vector<16xf32>
      %swap3A_151 = arith.index_cast %add3A_124 : i32 to index
      %swap3A_152 = arith.constant 16 : index
      %swap3A_153 = tpu.vector_load %arg4[%swap3A_151, %swap3A_152] {strides = array<i32>} : memref<64x64xf32, #tpu.memory_space<vmem>>, vector<1x16xf32>,
      %swap3A_154 = vector.shape_cast %swap3A_153 : vector<1x16xf32> to vector<16xf32>
      %swap3A_155 = vector.shape_cast %select_n3A_150 : vector<16xf32> to vector<1x16xf32>
      tpu.vector_store %arg4[%swap3A_151, %swap3A_152], %swap3A_155 {strides = array<i32>} : memref<64x64xf32, #tpu.memory_space<vmem>>, vector<1x16xf32>,
      %jit3A_156 = arith.constant 1.000000e+00 : f32
      %broadcast_in_dim3A_157 = vector.broadcast %jit3A_156 : f32 to vector<16xf32>
      %select_n3A_158 = arith.select %and3A_146, %broadcast_in_dim3A_157, %scan3A_114 : vector<16xi1>, vector<16xf32>
      %max3A_159 = arith.maximumf %scan3A_118, %select_n3A_150 : vector<16xf32>
      %get3A_160 = arith.index_cast %add3A_124 : i32 to index
      %get3A_161 = arith.constant 32 : index
      %get3A_162 = tpu.vector_load %arg4[%get3A_160, %get3A_161] {strides = array<i32>} : memref<64x64xf32, #tpu.memory_space<vmem>>, vector<1x16xf32>,
      %get3A_163 = vector.shape_cast %get3A_162 : vector<1x16xf32> to vector<16xf32>
      %eq3A_164 = arith.cmpf oeq, %get3A_163, %scan3A_69#6 : vector<16xf32>
      %lt3A_165 = arith.constant 5.000000e-01 : f32
      %lt3A_166 = vector.broadcast %lt3A_165 : f32 to vector<16xf32>
      %lt3A_167 = arith.cmpf olt, %scan3A_115, %lt3A_166 : vector<16xf32>
      %and3A_168 = arith.andi %eq3A_164, %lt3A_167 : vector<16xi1>
      %neg3A_169 = arith.constant 0.000000e+00 : f32
      %neg3A_170 = vector.broadcast %neg3A_169 : f32 to vector<16xf32>
      %neg3A_171 = arith.subf %neg3A_170, %get3A_163 : vector<16xf32>
      %select_n3A_172 = arith.select %and3A_168, %neg3A_171, %get3A_163 : vector<16xi1>, vector<16xf32>
      %swap3A_173 = arith.index_cast %add3A_124 : i32 to index
      %swap3A_174 = arith.constant 32 : index
      %swap3A_175 = tpu.vector_load %arg4[%swap3A_173, %swap3A_174] {strides = array<i32>} : memref<64x64xf32, #tpu.memory_space<vmem>>, vector<1x16xf32>,
      %swap3A_176 = vector.shape_cast %swap3A_175 : vector<1x16xf32> to vector<16xf32>
      %swap3A_177 = vector.shape_cast %select_n3A_172 : vector<16xf32> to vector<1x16xf32>
      tpu.vector_store %arg4[%swap3A_173, %swap3A_174], %swap3A_177 {strides = array<i32>} : memref<64x64xf32, #tpu.memory_space<vmem>>, vector<1x16xf32>,
      %jit3A_178 = arith.constant 1.000000e+00 : f32
      %broadcast_in_dim3A_179 = vector.broadcast %jit3A_178 : f32 to vector<16xf32>
      %select_n3A_180 = arith.select %and3A_168, %broadcast_in_dim3A_179, %scan3A_115 : vector<16xi1>, vector<16xf32>
      %max3A_181 = arith.maximumf %scan3A_119, %select_n3A_172 : vector<16xf32>
      %get3A_182 = arith.index_cast %add3A_124 : i32 to index
      %get3A_183 = arith.constant 48 : index
      %get3A_184 = tpu.vector_load %arg4[%get3A_182, %get3A_183] {strides = array<i32>} : memref<64x64xf32, #tpu.memory_space<vmem>>, vector<1x16xf32>,
      %get3A_185 = vector.shape_cast %get3A_184 : vector<1x16xf32> to vector<16xf32>
      %eq3A_186 = arith.cmpf oeq, %get3A_185, %scan3A_69#7 : vector<16xf32>
      %lt3A_187 = arith.constant 5.000000e-01 : f32
      %lt3A_188 = vector.broadcast %lt3A_187 : f32 to vector<16xf32>
      %lt3A_189 = arith.cmpf olt, %scan3A_116, %lt3A_188 : vector<16xf32>
      %and3A_190 = arith.andi %eq3A_186, %lt3A_189 : vector<16xi1>
      %neg3A_191 = arith.constant 0.000000e+00 : f32
      %neg3A_192 = vector.broadcast %neg3A_191 : f32 to vector<16xf32>
      %neg3A_193 = arith.subf %neg3A_192, %get3A_185 : vector<16xf32>
      %select_n3A_194 = arith.select %and3A_190, %neg3A_193, %get3A_185 : vector<16xi1>, vector<16xf32>
      %swap3A_195 = arith.index_cast %add3A_124 : i32 to index
      %swap3A_196 = arith.constant 48 : index
      %swap3A_197 = tpu.vector_load %arg4[%swap3A_195, %swap3A_196] {strides = array<i32>} : memref<64x64xf32, #tpu.memory_space<vmem>>, vector<1x16xf32>,
      %swap3A_198 = vector.shape_cast %swap3A_197 : vector<1x16xf32> to vector<16xf32>
      %swap3A_199 = vector.shape_cast %select_n3A_194 : vector<16xf32> to vector<1x16xf32>
      tpu.vector_store %arg4[%swap3A_195, %swap3A_196], %swap3A_199 {strides = array<i32>} : memref<64x64xf32, #tpu.memory_space<vmem>>, vector<1x16xf32>,
      %jit3A_200 = arith.constant 1.000000e+00 : f32
      %broadcast_in_dim3A_201 = vector.broadcast %jit3A_200 : f32 to vector<16xf32>
      %select_n3A_202 = arith.select %and3A_190, %broadcast_in_dim3A_201, %scan3A_116 : vector<16xi1>, vector<16xf32>
      %max3A_203 = arith.maximumf %scan3A_120, %select_n3A_194 : vector<16xf32>
      %mul3A_204 = arith.constant 2 : i32
      %mul3A_205 = arith.muli %scan3A_112, %mul3A_204 : i32
      %add3A_206 = arith.constant 1 : i32
      %add3A_207 = arith.addi %mul3A_205, %add3A_206 : i32
      %get3A_208 = arith.index_cast %add3A_207 : i32 to index
      %get3A_209 = arith.constant 0 : index
      %get3A_210 = tpu.vector_load %arg4[%get3A_208, %get3A_209] {strides = array<i32>} : memref<64x64xf32, #tpu.memory_space<vmem>>, vector<1x16xf32>,
      %get3A_211 = vector.shape_cast %get3A_210 : vector<1x16xf32> to vector<16xf32>
      %eq3A_212 = arith.cmpf oeq, %get3A_211, %scan3A_69#4 : vector<16xf32>
      %lt3A_213 = arith.constant 5.000000e-01 : f32
      %lt3A_214 = vector.broadcast %lt3A_213 : f32 to vector<16xf32>
      %lt3A_215 = arith.cmpf olt, %select_n3A_137, %lt3A_214 : vector<16xf32>
      %and3A_216 = arith.andi %eq3A_212, %lt3A_215 : vector<16xi1>
      %neg3A_217 = arith.constant 0.000000e+00 : f32
      %neg3A_218 = vector.broadcast %neg3A_217 : f32 to vector<16xf32>
      %neg3A_219 = arith.subf %neg3A_218, %get3A_211 : vector<16xf32>
      %select_n3A_220 = arith.select %and3A_216, %neg3A_219, %get3A_211 : vector<16xi1>, vector<16xf32>
      %swap3A_221 = arith.index_cast %add3A_207 : i32 to index
      %swap3A_222 = arith.constant 0 : index
      %swap3A_223 = tpu.vector_load %arg4[%swap3A_221, %swap3A_222] {strides = array<i32>} : memref<64x64xf32, #tpu.memory_space<vmem>>, vector<1x16xf32>,
      %swap3A_224 = vector.shape_cast %swap3A_223 : vector<1x16xf32> to vector<16xf32>
      %swap3A_225 = vector.shape_cast %select_n3A_220 : vector<16xf32> to vector<1x16xf32>
      tpu.vector_store %arg4[%swap3A_221, %swap3A_222], %swap3A_225 {strides = array<i32>} : memref<64x64xf32, #tpu.memory_space<vmem>>, vector<1x16xf32>,
      %jit3A_226 = arith.constant 1.000000e+00 : f32
      %broadcast_in_dim3A_227 = vector.broadcast %jit3A_226 : f32 to vector<16xf32>
      %select_n3A_228 = arith.select %and3A_216, %broadcast_in_dim3A_227, %select_n3A_137 : vector<16xi1>, vector<16xf32>
      %max3A_229 = arith.maximumf %max3A, %select_n3A_220 : vector<16xf32>
      %get3A_230 = arith.index_cast %add3A_207 : i32 to index
      %get3A_231 = arith.constant 16 : index
      %get3A_232 = tpu.vector_load %arg4[%get3A_230, %get3A_231] {strides = array<i32>} : memref<64x64xf32, #tpu.memory_space<vmem>>, vector<1x16xf32>,
      %get3A_233 = vector.shape_cast %get3A_232 : vector<1x16xf32> to vector<16xf32>
      %eq3A_234 = arith.cmpf oeq, %get3A_233, %scan3A_69#5 : vector<16xf32>
      %lt3A_235 = arith.constant 5.000000e-01 : f32
      %lt3A_236 = vector.broadcast %lt3A_235 : f32 to vector<16xf32>
      %lt3A_237 = arith.cmpf olt, %select_n3A_158, %lt3A_236 : vector<16xf32>
      %and3A_238 = arith.andi %eq3A_234, %lt3A_237 : vector<16xi1>
      %neg3A_239 = arith.constant 0.000000e+00 : f32
      %neg3A_240 = vector.broadcast %neg3A_239 : f32 to vector<16xf32>
      %neg3A_241 = arith.subf %neg3A_240, %get3A_233 : vector<16xf32>
      %select_n3A_242 = arith.select %and3A_238, %neg3A_241, %get3A_233 : vector<16xi1>, vector<16xf32>
      %swap3A_243 = arith.index_cast %add3A_207 : i32 to index
      %swap3A_244 = arith.constant 16 : index
      %swap3A_245 = tpu.vector_load %arg4[%swap3A_243, %swap3A_244] {strides = array<i32>} : memref<64x64xf32, #tpu.memory_space<vmem>>, vector<1x16xf32>,
      %swap3A_246 = vector.shape_cast %swap3A_245 : vector<1x16xf32> to vector<16xf32>
      %swap3A_247 = vector.shape_cast %select_n3A_242 : vector<16xf32> to vector<1x16xf32>
      tpu.vector_store %arg4[%swap3A_243, %swap3A_244], %swap3A_247 {strides = array<i32>} : memref<64x64xf32, #tpu.memory_space<vmem>>, vector<1x16xf32>,
      %jit3A_248 = arith.constant 1.000000e+00 : f32
      %broadcast_in_dim3A_249 = vector.broadcast %jit3A_248 : f32 to vector<16xf32>
      %select_n3A_250 = arith.select %and3A_238, %broadcast_in_dim3A_249, %select_n3A_158 : vector<16xi1>, vector<16xf32>
      %max3A_251 = arith.maximumf %max3A_159, %select_n3A_242 : vector<16xf32>
      %get3A_252 = arith.index_cast %add3A_207 : i32 to index
      %get3A_253 = arith.constant 32 : index
      %get3A_254 = tpu.vector_load %arg4[%get3A_252, %get3A_253] {strides = array<i32>} : memref<64x64xf32, #tpu.memory_space<vmem>>, vector<1x16xf32>,
      %get3A_255 = vector.shape_cast %get3A_254 : vector<1x16xf32> to vector<16xf32>
      %eq3A_256 = arith.cmpf oeq, %get3A_255, %scan3A_69#6 : vector<16xf32>
      %lt3A_257 = arith.constant 5.000000e-01 : f32
      %lt3A_258 = vector.broadcast %lt3A_257 : f32 to vector<16xf32>
      %lt3A_259 = arith.cmpf olt, %select_n3A_180, %lt3A_258 : vector<16xf32>
      %and3A_260 = arith.andi %eq3A_256, %lt3A_259 : vector<16xi1>
      %neg3A_261 = arith.constant 0.000000e+00 : f32
      %neg3A_262 = vector.broadcast %neg3A_261 : f32 to vector<16xf32>
      %neg3A_263 = arith.subf %neg3A_262, %get3A_255 : vector<16xf32>
      %select_n3A_264 = arith.select %and3A_260, %neg3A_263, %get3A_255 : vector<16xi1>, vector<16xf32>
      %swap3A_265 = arith.index_cast %add3A_207 : i32 to index
      %swap3A_266 = arith.constant 32 : index
      %swap3A_267 = tpu.vector_load %arg4[%swap3A_265, %swap3A_266] {strides = array<i32>} : memref<64x64xf32, #tpu.memory_space<vmem>>, vector<1x16xf32>,
      %swap3A_268 = vector.shape_cast %swap3A_267 : vector<1x16xf32> to vector<16xf32>
      %swap3A_269 = vector.shape_cast %select_n3A_264 : vector<16xf32> to vector<1x16xf32>
      tpu.vector_store %arg4[%swap3A_265, %swap3A_266], %swap3A_269 {strides = array<i32>} : memref<64x64xf32, #tpu.memory_space<vmem>>, vector<1x16xf32>,
      %jit3A_270 = arith.constant 1.000000e+00 : f32
      %broadcast_in_dim3A_271 = vector.broadcast %jit3A_270 : f32 to vector<16xf32>
      %select_n3A_272 = arith.select %and3A_260, %broadcast_in_dim3A_271, %select_n3A_180 : vector<16xi1>, vector<16xf32>
      %max3A_273 = arith.maximumf %max3A_181, %select_n3A_264 : vector<16xf32>
      %get3A_274 = arith.index_cast %add3A_207 : i32 to index
      %get3A_275 = arith.constant 48 : index
      %get3A_276 = tpu.vector_load %arg4[%get3A_274, %get3A_275] {strides = array<i32>} : memref<64x64xf32, #tpu.memory_space<vmem>>, vector<1x16xf32>,
      %get3A_277 = vector.shape_cast %get3A_276 : vector<1x16xf32> to vector<16xf32>
      %eq3A_278 = arith.cmpf oeq, %get3A_277, %scan3A_69#7 : vector<16xf32>
      %lt3A_279 = arith.constant 5.000000e-01 : f32
      %lt3A_280 = vector.broadcast %lt3A_279 : f32 to vector<16xf32>
      %lt3A_281 = arith.cmpf olt, %select_n3A_202, %lt3A_280 : vector<16xf32>
      %and3A_282 = arith.andi %eq3A_278, %lt3A_281 : vector<16xi1>
      %neg3A_283 = arith.constant 0.000000e+00 : f32
      %neg3A_284 = vector.broadcast %neg3A_283 : f32 to vector<16xf32>
      %neg3A_285 = arith.subf %neg3A_284, %get3A_277 : vector<16xf32>
      %select_n3A_286 = arith.select %and3A_282, %neg3A_285, %get3A_277 : vector<16xi1>, vector<16xf32>
      %swap3A_287 = arith.index_cast %add3A_207 : i32 to index
      %swap3A_288 = arith.constant 48 : index
      %swap3A_289 = tpu.vector_load %arg4[%swap3A_287, %swap3A_288] {strides = array<i32>} : memref<64x64xf32, #tpu.memory_space<vmem>>, vector<1x16xf32>,
      %swap3A_290 = vector.shape_cast %swap3A_289 : vector<1x16xf32> to vector<16xf32>
      %swap3A_291 = vector.shape_cast %select_n3A_286 : vector<16xf32> to vector<1x16xf32>
      tpu.vector_store %arg4[%swap3A_287, %swap3A_288], %swap3A_291 {strides = array<i32>} : memref<64x64xf32, #tpu.memory_space<vmem>>, vector<1x16xf32>,
      %jit3A_292 = arith.constant 1.000000e+00 : f32
      %broadcast_in_dim3A_293 = vector.broadcast %jit3A_292 : f32 to vector<16xf32>
      %select_n3A_294 = arith.select %and3A_282, %broadcast_in_dim3A_293, %select_n3A_202 : vector<16xi1>, vector<16xf32>
      %max3A_295 = arith.maximumf %max3A_203, %select_n3A_286 : vector<16xf32>
      scf.yield %select_n3A_228, %select_n3A_250, %select_n3A_272, %select_n3A_294, %max3A_229, %max3A_251, %max3A_273, %max3A_295 : vector<16xf32>, vector<16xf32>, vector<16xf32>, vector<16xf32>, vector<16xf32>, vector<16xf32>, vector<16xf32>, vector<16xf32>
    }
    %scan3A_80 = arith.constant 32 : i32
    %add3A_81 = arith.addf %add3A_71, %scan3A_69#4 : vector<16xf32>
    %add3A_82 = arith.addf %add3A_72, %scan3A_69#5 : vector<16xf32>
    %add3A_83 = arith.addf %add3A_73, %scan3A_69#6 : vector<16xf32>
    %add3A_84 = arith.addf %add3A_74, %scan3A_69#7 : vector<16xf32>
    %scan3A_85 = arith.constant 0 : i32
    %scan3A_86 = arith.constant 32 : i32
    %scan3A_87 = arith.addi %scan3A_85, %scan3A_86 : i32
    %scan3A_88 = arith.constant 1 : i32
    %scan3A_89:8 = scf.for %scan3A_112 = %scan3A_85 to %scan3A_87 step %scan3A_88 iter_args(%scan3A_113 = %broadcast_in_dim3A_1, %scan3A_114 = %broadcast_in_dim3A_1, %scan3A_115 = %broadcast_in_dim3A_1, %scan3A_116 = %broadcast_in_dim3A_1, %scan3A_117 = %broadcast_in_dim3A_1, %scan3A_118 = %broadcast_in_dim3A_1, %scan3A_119 = %broadcast_in_dim3A_1, %scan3A_120 = %broadcast_in_dim3A_1) -> (vector<16xf32>, vector<16xf32>, vector<16xf32>, vector<16xf32>, vector<16xf32>, vector<16xf32>, vector<16xf32>, vector<16xf32>)  : i32 {
      %mul3A_121 = arith.constant 2 : i32
      %mul3A_122 = arith.muli %scan3A_112, %mul3A_121 : i32
      %add3A_123 = arith.constant 0 : i32
      %add3A_124 = arith.addi %mul3A_122, %add3A_123 : i32
      %get3A = arith.index_cast %add3A_124 : i32 to index
      %get3A_125 = arith.constant 0 : index
      %get3A_126 = tpu.vector_load %arg4[%get3A, %get3A_125] {strides = array<i32>} : memref<64x64xf32, #tpu.memory_space<vmem>>, vector<1x16xf32>,
      %get3A_127 = vector.shape_cast %get3A_126 : vector<1x16xf32> to vector<16xf32>
      %eq3A = arith.cmpf oeq, %get3A_127, %scan3A_79#4 : vector<16xf32>
      %lt3A = arith.constant 5.000000e-01 : f32
      %lt3A_128 = vector.broadcast %lt3A : f32 to vector<16xf32>
      %lt3A_129 = arith.cmpf olt, %scan3A_113, %lt3A_128 : vector<16xf32>
      %and3A = arith.andi %eq3A, %lt3A_129 : vector<16xi1>
      %neg3A = arith.constant 0.000000e+00 : f32
      %neg3A_130 = vector.broadcast %neg3A : f32 to vector<16xf32>
      %neg3A_131 = arith.subf %neg3A_130, %get3A_127 : vector<16xf32>
      %select_n3A = arith.select %and3A, %neg3A_131, %get3A_127 : vector<16xi1>, vector<16xf32>
      %swap3A = arith.index_cast %add3A_124 : i32 to index
      %swap3A_132 = arith.constant 0 : index
      %swap3A_133 = tpu.vector_load %arg4[%swap3A, %swap3A_132] {strides = array<i32>} : memref<64x64xf32, #tpu.memory_space<vmem>>, vector<1x16xf32>,
      %swap3A_134 = vector.shape_cast %swap3A_133 : vector<1x16xf32> to vector<16xf32>
      %swap3A_135 = vector.shape_cast %select_n3A : vector<16xf32> to vector<1x16xf32>
      tpu.vector_store %arg4[%swap3A, %swap3A_132], %swap3A_135 {strides = array<i32>} : memref<64x64xf32, #tpu.memory_space<vmem>>, vector<1x16xf32>,
      %jit3A = arith.constant 1.000000e+00 : f32
      %broadcast_in_dim3A_136 = vector.broadcast %jit3A : f32 to vector<16xf32>
      %select_n3A_137 = arith.select %and3A, %broadcast_in_dim3A_136, %scan3A_113 : vector<16xi1>, vector<16xf32>
      %max3A = arith.maximumf %scan3A_117, %select_n3A : vector<16xf32>
      %get3A_138 = arith.index_cast %add3A_124 : i32 to index
      %get3A_139 = arith.constant 16 : index
      %get3A_140 = tpu.vector_load %arg4[%get3A_138, %get3A_139] {strides = array<i32>} : memref<64x64xf32, #tpu.memory_space<vmem>>, vector<1x16xf32>,
      %get3A_141 = vector.shape_cast %get3A_140 : vector<1x16xf32> to vector<16xf32>
      %eq3A_142 = arith.cmpf oeq, %get3A_141, %scan3A_79#5 : vector<16xf32>
      %lt3A_143 = arith.constant 5.000000e-01 : f32
      %lt3A_144 = vector.broadcast %lt3A_143 : f32 to vector<16xf32>
      %lt3A_145 = arith.cmpf olt, %scan3A_114, %lt3A_144 : vector<16xf32>
      %and3A_146 = arith.andi %eq3A_142, %lt3A_145 : vector<16xi1>
      %neg3A_147 = arith.constant 0.000000e+00 : f32
      %neg3A_148 = vector.broadcast %neg3A_147 : f32 to vector<16xf32>
      %neg3A_149 = arith.subf %neg3A_148, %get3A_141 : vector<16xf32>
      %select_n3A_150 = arith.select %and3A_146, %neg3A_149, %get3A_141 : vector<16xi1>, vector<16xf32>
      %swap3A_151 = arith.index_cast %add3A_124 : i32 to index
      %swap3A_152 = arith.constant 16 : index
      %swap3A_153 = tpu.vector_load %arg4[%swap3A_151, %swap3A_152] {strides = array<i32>} : memref<64x64xf32, #tpu.memory_space<vmem>>, vector<1x16xf32>,
      %swap3A_154 = vector.shape_cast %swap3A_153 : vector<1x16xf32> to vector<16xf32>
      %swap3A_155 = vector.shape_cast %select_n3A_150 : vector<16xf32> to vector<1x16xf32>
      tpu.vector_store %arg4[%swap3A_151, %swap3A_152], %swap3A_155 {strides = array<i32>} : memref<64x64xf32, #tpu.memory_space<vmem>>, vector<1x16xf32>,
      %jit3A_156 = arith.constant 1.000000e+00 : f32
      %broadcast_in_dim3A_157 = vector.broadcast %jit3A_156 : f32 to vector<16xf32>
      %select_n3A_158 = arith.select %and3A_146, %broadcast_in_dim3A_157, %scan3A_114 : vector<16xi1>, vector<16xf32>
      %max3A_159 = arith.maximumf %scan3A_118, %select_n3A_150 : vector<16xf32>
      %get3A_160 = arith.index_cast %add3A_124 : i32 to index
      %get3A_161 = arith.constant 32 : index
      %get3A_162 = tpu.vector_load %arg4[%get3A_160, %get3A_161] {strides = array<i32>} : memref<64x64xf32, #tpu.memory_space<vmem>>, vector<1x16xf32>,
      %get3A_163 = vector.shape_cast %get3A_162 : vector<1x16xf32> to vector<16xf32>
      %eq3A_164 = arith.cmpf oeq, %get3A_163, %scan3A_79#6 : vector<16xf32>
      %lt3A_165 = arith.constant 5.000000e-01 : f32
      %lt3A_166 = vector.broadcast %lt3A_165 : f32 to vector<16xf32>
      %lt3A_167 = arith.cmpf olt, %scan3A_115, %lt3A_166 : vector<16xf32>
      %and3A_168 = arith.andi %eq3A_164, %lt3A_167 : vector<16xi1>
      %neg3A_169 = arith.constant 0.000000e+00 : f32
      %neg3A_170 = vector.broadcast %neg3A_169 : f32 to vector<16xf32>
      %neg3A_171 = arith.subf %neg3A_170, %get3A_163 : vector<16xf32>
      %select_n3A_172 = arith.select %and3A_168, %neg3A_171, %get3A_163 : vector<16xi1>, vector<16xf32>
      %swap3A_173 = arith.index_cast %add3A_124 : i32 to index
      %swap3A_174 = arith.constant 32 : index
      %swap3A_175 = tpu.vector_load %arg4[%swap3A_173, %swap3A_174] {strides = array<i32>} : memref<64x64xf32, #tpu.memory_space<vmem>>, vector<1x16xf32>,
      %swap3A_176 = vector.shape_cast %swap3A_175 : vector<1x16xf32> to vector<16xf32>
      %swap3A_177 = vector.shape_cast %select_n3A_172 : vector<16xf32> to vector<1x16xf32>
      tpu.vector_store %arg4[%swap3A_173, %swap3A_174], %swap3A_177 {strides = array<i32>} : memref<64x64xf32, #tpu.memory_space<vmem>>, vector<1x16xf32>,
      %jit3A_178 = arith.constant 1.000000e+00 : f32
      %broadcast_in_dim3A_179 = vector.broadcast %jit3A_178 : f32 to vector<16xf32>
      %select_n3A_180 = arith.select %and3A_168, %broadcast_in_dim3A_179, %scan3A_115 : vector<16xi1>, vector<16xf32>
      %max3A_181 = arith.maximumf %scan3A_119, %select_n3A_172 : vector<16xf32>
      %get3A_182 = arith.index_cast %add3A_124 : i32 to index
      %get3A_183 = arith.constant 48 : index
      %get3A_184 = tpu.vector_load %arg4[%get3A_182, %get3A_183] {strides = array<i32>} : memref<64x64xf32, #tpu.memory_space<vmem>>, vector<1x16xf32>,
      %get3A_185 = vector.shape_cast %get3A_184 : vector<1x16xf32> to vector<16xf32>
      %eq3A_186 = arith.cmpf oeq, %get3A_185, %scan3A_79#7 : vector<16xf32>
      %lt3A_187 = arith.constant 5.000000e-01 : f32
      %lt3A_188 = vector.broadcast %lt3A_187 : f32 to vector<16xf32>
      %lt3A_189 = arith.cmpf olt, %scan3A_116, %lt3A_188 : vector<16xf32>
      %and3A_190 = arith.andi %eq3A_186, %lt3A_189 : vector<16xi1>
      %neg3A_191 = arith.constant 0.000000e+00 : f32
      %neg3A_192 = vector.broadcast %neg3A_191 : f32 to vector<16xf32>
      %neg3A_193 = arith.subf %neg3A_192, %get3A_185 : vector<16xf32>
      %select_n3A_194 = arith.select %and3A_190, %neg3A_193, %get3A_185 : vector<16xi1>, vector<16xf32>
      %swap3A_195 = arith.index_cast %add3A_124 : i32 to index
      %swap3A_196 = arith.constant 48 : index
      %swap3A_197 = tpu.vector_load %arg4[%swap3A_195, %swap3A_196] {strides = array<i32>} : memref<64x64xf32, #tpu.memory_space<vmem>>, vector<1x16xf32>,
      %swap3A_198 = vector.shape_cast %swap3A_197 : vector<1x16xf32> to vector<16xf32>
      %swap3A_199 = vector.shape_cast %select_n3A_194 : vector<16xf32> to vector<1x16xf32>
      tpu.vector_store %arg4[%swap3A_195, %swap3A_196], %swap3A_199 {strides = array<i32>} : memref<64x64xf32, #tpu.memory_space<vmem>>, vector<1x16xf32>,
      %jit3A_200 = arith.constant 1.000000e+00 : f32
      %broadcast_in_dim3A_201 = vector.broadcast %jit3A_200 : f32 to vector<16xf32>
      %select_n3A_202 = arith.select %and3A_190, %broadcast_in_dim3A_201, %scan3A_116 : vector<16xi1>, vector<16xf32>
      %max3A_203 = arith.maximumf %scan3A_120, %select_n3A_194 : vector<16xf32>
      %mul3A_204 = arith.constant 2 : i32
      %mul3A_205 = arith.muli %scan3A_112, %mul3A_204 : i32
      %add3A_206 = arith.constant 1 : i32
      %add3A_207 = arith.addi %mul3A_205, %add3A_206 : i32
      %get3A_208 = arith.index_cast %add3A_207 : i32 to index
      %get3A_209 = arith.constant 0 : index
      %get3A_210 = tpu.vector_load %arg4[%get3A_208, %get3A_209] {strides = array<i32>} : memref<64x64xf32, #tpu.memory_space<vmem>>, vector<1x16xf32>,
      %get3A_211 = vector.shape_cast %get3A_210 : vector<1x16xf32> to vector<16xf32>
      %eq3A_212 = arith.cmpf oeq, %get3A_211, %scan3A_79#4 : vector<16xf32>
      %lt3A_213 = arith.constant 5.000000e-01 : f32
      %lt3A_214 = vector.broadcast %lt3A_213 : f32 to vector<16xf32>
      %lt3A_215 = arith.cmpf olt, %select_n3A_137, %lt3A_214 : vector<16xf32>
      %and3A_216 = arith.andi %eq3A_212, %lt3A_215 : vector<16xi1>
      %neg3A_217 = arith.constant 0.000000e+00 : f32
      %neg3A_218 = vector.broadcast %neg3A_217 : f32 to vector<16xf32>
      %neg3A_219 = arith.subf %neg3A_218, %get3A_211 : vector<16xf32>
      %select_n3A_220 = arith.select %and3A_216, %neg3A_219, %get3A_211 : vector<16xi1>, vector<16xf32>
      %swap3A_221 = arith.index_cast %add3A_207 : i32 to index
      %swap3A_222 = arith.constant 0 : index
      %swap3A_223 = tpu.vector_load %arg4[%swap3A_221, %swap3A_222] {strides = array<i32>} : memref<64x64xf32, #tpu.memory_space<vmem>>, vector<1x16xf32>,
      %swap3A_224 = vector.shape_cast %swap3A_223 : vector<1x16xf32> to vector<16xf32>
      %swap3A_225 = vector.shape_cast %select_n3A_220 : vector<16xf32> to vector<1x16xf32>
      tpu.vector_store %arg4[%swap3A_221, %swap3A_222], %swap3A_225 {strides = array<i32>} : memref<64x64xf32, #tpu.memory_space<vmem>>, vector<1x16xf32>,
      %jit3A_226 = arith.constant 1.000000e+00 : f32
      %broadcast_in_dim3A_227 = vector.broadcast %jit3A_226 : f32 to vector<16xf32>
      %select_n3A_228 = arith.select %and3A_216, %broadcast_in_dim3A_227, %select_n3A_137 : vector<16xi1>, vector<16xf32>
      %max3A_229 = arith.maximumf %max3A, %select_n3A_220 : vector<16xf32>
      %get3A_230 = arith.index_cast %add3A_207 : i32 to index
      %get3A_231 = arith.constant 16 : index
      %get3A_232 = tpu.vector_load %arg4[%get3A_230, %get3A_231] {strides = array<i32>} : memref<64x64xf32, #tpu.memory_space<vmem>>, vector<1x16xf32>,
      %get3A_233 = vector.shape_cast %get3A_232 : vector<1x16xf32> to vector<16xf32>
      %eq3A_234 = arith.cmpf oeq, %get3A_233, %scan3A_79#5 : vector<16xf32>
      %lt3A_235 = arith.constant 5.000000e-01 : f32
      %lt3A_236 = vector.broadcast %lt3A_235 : f32 to vector<16xf32>
      %lt3A_237 = arith.cmpf olt, %select_n3A_158, %lt3A_236 : vector<16xf32>
      %and3A_238 = arith.andi %eq3A_234, %lt3A_237 : vector<16xi1>
      %neg3A_239 = arith.constant 0.000000e+00 : f32
      %neg3A_240 = vector.broadcast %neg3A_239 : f32 to vector<16xf32>
      %neg3A_241 = arith.subf %neg3A_240, %get3A_233 : vector<16xf32>
      %select_n3A_242 = arith.select %and3A_238, %neg3A_241, %get3A_233 : vector<16xi1>, vector<16xf32>
      %swap3A_243 = arith.index_cast %add3A_207 : i32 to index
      %swap3A_244 = arith.constant 16 : index
      %swap3A_245 = tpu.vector_load %arg4[%swap3A_243, %swap3A_244] {strides = array<i32>} : memref<64x64xf32, #tpu.memory_space<vmem>>, vector<1x16xf32>,
      %swap3A_246 = vector.shape_cast %swap3A_245 : vector<1x16xf32> to vector<16xf32>
      %swap3A_247 = vector.shape_cast %select_n3A_242 : vector<16xf32> to vector<1x16xf32>
      tpu.vector_store %arg4[%swap3A_243, %swap3A_244], %swap3A_247 {strides = array<i32>} : memref<64x64xf32, #tpu.memory_space<vmem>>, vector<1x16xf32>,
      %jit3A_248 = arith.constant 1.000000e+00 : f32
      %broadcast_in_dim3A_249 = vector.broadcast %jit3A_248 : f32 to vector<16xf32>
      %select_n3A_250 = arith.select %and3A_238, %broadcast_in_dim3A_249, %select_n3A_158 : vector<16xi1>, vector<16xf32>
      %max3A_251 = arith.maximumf %max3A_159, %select_n3A_242 : vector<16xf32>
      %get3A_252 = arith.index_cast %add3A_207 : i32 to index
      %get3A_253 = arith.constant 32 : index
      %get3A_254 = tpu.vector_load %arg4[%get3A_252, %get3A_253] {strides = array<i32>} : memref<64x64xf32, #tpu.memory_space<vmem>>, vector<1x16xf32>,
      %get3A_255 = vector.shape_cast %get3A_254 : vector<1x16xf32> to vector<16xf32>
      %eq3A_256 = arith.cmpf oeq, %get3A_255, %scan3A_79#6 : vector<16xf32>
      %lt3A_257 = arith.constant 5.000000e-01 : f32
      %lt3A_258 = vector.broadcast %lt3A_257 : f32 to vector<16xf32>
      %lt3A_259 = arith.cmpf olt, %select_n3A_180, %lt3A_258 : vector<16xf32>
      %and3A_260 = arith.andi %eq3A_256, %lt3A_259 : vector<16xi1>
      %neg3A_261 = arith.constant 0.000000e+00 : f32
      %neg3A_262 = vector.broadcast %neg3A_261 : f32 to vector<16xf32>
      %neg3A_263 = arith.subf %neg3A_262, %get3A_255 : vector<16xf32>
      %select_n3A_264 = arith.select %and3A_260, %neg3A_263, %get3A_255 : vector<16xi1>, vector<16xf32>
      %swap3A_265 = arith.index_cast %add3A_207 : i32 to index
      %swap3A_266 = arith.constant 32 : index
      %swap3A_267 = tpu.vector_load %arg4[%swap3A_265, %swap3A_266] {strides = array<i32>} : memref<64x64xf32, #tpu.memory_space<vmem>>, vector<1x16xf32>,
      %swap3A_268 = vector.shape_cast %swap3A_267 : vector<1x16xf32> to vector<16xf32>
      %swap3A_269 = vector.shape_cast %select_n3A_264 : vector<16xf32> to vector<1x16xf32>
      tpu.vector_store %arg4[%swap3A_265, %swap3A_266], %swap3A_269 {strides = array<i32>} : memref<64x64xf32, #tpu.memory_space<vmem>>, vector<1x16xf32>,
      %jit3A_270 = arith.constant 1.000000e+00 : f32
      %broadcast_in_dim3A_271 = vector.broadcast %jit3A_270 : f32 to vector<16xf32>
      %select_n3A_272 = arith.select %and3A_260, %broadcast_in_dim3A_271, %select_n3A_180 : vector<16xi1>, vector<16xf32>
      %max3A_273 = arith.maximumf %max3A_181, %select_n3A_264 : vector<16xf32>
      %get3A_274 = arith.index_cast %add3A_207 : i32 to index
      %get3A_275 = arith.constant 48 : index
      %get3A_276 = tpu.vector_load %arg4[%get3A_274, %get3A_275] {strides = array<i32>} : memref<64x64xf32, #tpu.memory_space<vmem>>, vector<1x16xf32>,
      %get3A_277 = vector.shape_cast %get3A_276 : vector<1x16xf32> to vector<16xf32>
      %eq3A_278 = arith.cmpf oeq, %get3A_277, %scan3A_79#7 : vector<16xf32>
      %lt3A_279 = arith.constant 5.000000e-01 : f32
      %lt3A_280 = vector.broadcast %lt3A_279 : f32 to vector<16xf32>
      %lt3A_281 = arith.cmpf olt, %select_n3A_202, %lt3A_280 : vector<16xf32>
      %and3A_282 = arith.andi %eq3A_278, %lt3A_281 : vector<16xi1>
      %neg3A_283 = arith.constant 0.000000e+00 : f32
      %neg3A_284 = vector.broadcast %neg3A_283 : f32 to vector<16xf32>
      %neg3A_285 = arith.subf %neg3A_284, %get3A_277 : vector<16xf32>
      %select_n3A_286 = arith.select %and3A_282, %neg3A_285, %get3A_277 : vector<16xi1>, vector<16xf32>
      %swap3A_287 = arith.index_cast %add3A_207 : i32 to index
      %swap3A_288 = arith.constant 48 : index
      %swap3A_289 = tpu.vector_load %arg4[%swap3A_287, %swap3A_288] {strides = array<i32>} : memref<64x64xf32, #tpu.memory_space<vmem>>, vector<1x16xf32>,
      %swap3A_290 = vector.shape_cast %swap3A_289 : vector<1x16xf32> to vector<16xf32>
      %swap3A_291 = vector.shape_cast %select_n3A_286 : vector<16xf32> to vector<1x16xf32>
      tpu.vector_store %arg4[%swap3A_287, %swap3A_288], %swap3A_291 {strides = array<i32>} : memref<64x64xf32, #tpu.memory_space<vmem>>, vector<1x16xf32>,
      %jit3A_292 = arith.constant 1.000000e+00 : f32
      %broadcast_in_dim3A_293 = vector.broadcast %jit3A_292 : f32 to vector<16xf32>
      %select_n3A_294 = arith.select %and3A_282, %broadcast_in_dim3A_293, %select_n3A_202 : vector<16xi1>, vector<16xf32>
      %max3A_295 = arith.maximumf %max3A_203, %select_n3A_286 : vector<16xf32>
      scf.yield %select_n3A_228, %select_n3A_250, %select_n3A_272, %select_n3A_294, %max3A_229, %max3A_251, %max3A_273, %max3A_295 : vector<16xf32>, vector<16xf32>, vector<16xf32>, vector<16xf32>, vector<16xf32>, vector<16xf32>, vector<16xf32>, vector<16xf32>
    }
    %scan3A_90 = arith.constant 32 : i32
    %add3A_91 = arith.addf %add3A_81, %scan3A_79#4 : vector<16xf32>
    %add3A_92 = arith.addf %add3A_82, %scan3A_79#5 : vector<16xf32>
    %add3A_93 = arith.addf %add3A_83, %scan3A_79#6 : vector<16xf32>
    %add3A_94 = arith.addf %add3A_84, %scan3A_79#7 : vector<16xf32>
    %div3A = arith.constant 1.000000e+00 : f32
    %div3A_95 = vector.broadcast %div3A : f32 to vector<16xf32>
    %div3A_96 = arith.divf %div3A_95, %add3A_91 : vector<16xf32>
    %div3A_97 = arith.constant 1.000000e+00 : f32
    %div3A_98 = vector.broadcast %div3A_97 : f32 to vector<16xf32>
    %div3A_99 = arith.divf %div3A_98, %add3A_92 : vector<16xf32>
    %div3A_100 = arith.constant 1.000000e+00 : f32
    %div3A_101 = vector.broadcast %div3A_100 : f32 to vector<16xf32>
    %div3A_102 = arith.divf %div3A_101, %add3A_93 : vector<16xf32>
    %div3A_103 = arith.constant 1.000000e+00 : f32
    %div3A_104 = vector.broadcast %div3A_103 : f32 to vector<16xf32>
    %div3A_105 = arith.divf %div3A_104, %add3A_94 : vector<16xf32>
    %scan3A_106 = arith.constant 0 : i32
    %scan3A_107 = arith.constant 0 : i32
    %scan3A_108 = arith.constant 32 : i32
    %scan3A_109 = arith.addi %scan3A_107, %scan3A_108 : i32
    %scan3A_110 = arith.constant 1 : i32
    scf.for %scan3A_112 = %scan3A_107 to %scan3A_109 step %scan3A_110  : i32 {
      %mul3A_113 = arith.constant 2 : i32
      %mul3A_114 = arith.muli %scan3A_112, %mul3A_113 : i32
      %add3A_115 = arith.constant 0 : i32
      %add3A_116 = arith.addi %mul3A_114, %add3A_115 : i32
      %get3A = arith.index_cast %add3A_116 : i32 to index
      %get3A_117 = arith.constant 0 : index
      %get3A_118 = tpu.vector_load %arg4[%get3A, %get3A_117] {strides = array<i32>} : memref<64x64xf32, #tpu.memory_space<vmem>>, vector<1x16xf32>,
      %get3A_119 = vector.shape_cast %get3A_118 : vector<1x16xf32> to vector<16xf32>
      %lt3A = arith.constant 0.000000e+00 : f32
      %lt3A_120 = vector.broadcast %lt3A : f32 to vector<16xf32>
      %lt3A_121 = arith.cmpf olt, %get3A_119, %lt3A_120 : vector<16xf32>
      %neg3A = arith.constant 0.000000e+00 : f32
      %neg3A_122 = vector.broadcast %neg3A : f32 to vector<16xf32>
      %neg3A_123 = arith.subf %neg3A_122, %get3A_119 : vector<16xf32>
      %mul3A_124 = arith.mulf %neg3A_123, %div3A_96 : vector<16xf32>
      %jit3A = arith.constant 0.000000e+00 : f32
      %broadcast_in_dim3A_125 = vector.broadcast %jit3A : f32 to vector<16xf32>
      %select_n3A = arith.select %lt3A_121, %mul3A_124, %broadcast_in_dim3A_125 : vector<16xi1>, vector<16xf32>
      %swap3A = arith.index_cast %add3A_116 : i32 to index
      %swap3A_126 = arith.constant 0 : index
      %swap3A_127 = tpu.vector_load %arg5[%swap3A, %swap3A_126] {strides = array<i32>} : memref<64x64xf32, #tpu.memory_space<vmem>>, vector<1x16xf32>,
      %swap3A_128 = vector.shape_cast %swap3A_127 : vector<1x16xf32> to vector<16xf32>
      %swap3A_129 = vector.shape_cast %select_n3A : vector<16xf32> to vector<1x16xf32>
      tpu.vector_store %arg5[%swap3A, %swap3A_126], %swap3A_129 {strides = array<i32>} : memref<64x64xf32, #tpu.memory_space<vmem>>, vector<1x16xf32>,
      %get3A_130 = arith.index_cast %add3A_116 : i32 to index
      %get3A_131 = arith.constant 16 : index
      %get3A_132 = tpu.vector_load %arg4[%get3A_130, %get3A_131] {strides = array<i32>} : memref<64x64xf32, #tpu.memory_space<vmem>>, vector<1x16xf32>,
      %get3A_133 = vector.shape_cast %get3A_132 : vector<1x16xf32> to vector<16xf32>
      %lt3A_134 = arith.constant 0.000000e+00 : f32
      %lt3A_135 = vector.broadcast %lt3A_134 : f32 to vector<16xf32>
      %lt3A_136 = arith.cmpf olt, %get3A_133, %lt3A_135 : vector<16xf32>
      %neg3A_137 = arith.constant 0.000000e+00 : f32
      %neg3A_138 = vector.broadcast %neg3A_137 : f32 to vector<16xf32>
      %neg3A_139 = arith.subf %neg3A_138, %get3A_133 : vector<16xf32>
      %mul3A_140 = arith.mulf %neg3A_139, %div3A_99 : vector<16xf32>
      %jit3A_141 = arith.constant 0.000000e+00 : f32
      %broadcast_in_dim3A_142 = vector.broadcast %jit3A_141 : f32 to vector<16xf32>
      %select_n3A_143 = arith.select %lt3A_136, %mul3A_140, %broadcast_in_dim3A_142 : vector<16xi1>, vector<16xf32>
      %swap3A_144 = arith.index_cast %add3A_116 : i32 to index
      %swap3A_145 = arith.constant 16 : index
      %swap3A_146 = tpu.vector_load %arg5[%swap3A_144, %swap3A_145] {strides = array<i32>} : memref<64x64xf32, #tpu.memory_space<vmem>>, vector<1x16xf32>,
      %swap3A_147 = vector.shape_cast %swap3A_146 : vector<1x16xf32> to vector<16xf32>
      %swap3A_148 = vector.shape_cast %select_n3A_143 : vector<16xf32> to vector<1x16xf32>
      tpu.vector_store %arg5[%swap3A_144, %swap3A_145], %swap3A_148 {strides = array<i32>} : memref<64x64xf32, #tpu.memory_space<vmem>>, vector<1x16xf32>,
      %get3A_149 = arith.index_cast %add3A_116 : i32 to index
      %get3A_150 = arith.constant 32 : index
      %get3A_151 = tpu.vector_load %arg4[%get3A_149, %get3A_150] {strides = array<i32>} : memref<64x64xf32, #tpu.memory_space<vmem>>, vector<1x16xf32>,
      %get3A_152 = vector.shape_cast %get3A_151 : vector<1x16xf32> to vector<16xf32>
      %lt3A_153 = arith.constant 0.000000e+00 : f32
      %lt3A_154 = vector.broadcast %lt3A_153 : f32 to vector<16xf32>
      %lt3A_155 = arith.cmpf olt, %get3A_152, %lt3A_154 : vector<16xf32>
      %neg3A_156 = arith.constant 0.000000e+00 : f32
      %neg3A_157 = vector.broadcast %neg3A_156 : f32 to vector<16xf32>
      %neg3A_158 = arith.subf %neg3A_157, %get3A_152 : vector<16xf32>
      %mul3A_159 = arith.mulf %neg3A_158, %div3A_102 : vector<16xf32>
      %jit3A_160 = arith.constant 0.000000e+00 : f32
      %broadcast_in_dim3A_161 = vector.broadcast %jit3A_160 : f32 to vector<16xf32>
      %select_n3A_162 = arith.select %lt3A_155, %mul3A_159, %broadcast_in_dim3A_161 : vector<16xi1>, vector<16xf32>
      %swap3A_163 = arith.index_cast %add3A_116 : i32 to index
      %swap3A_164 = arith.constant 32 : index
      %swap3A_165 = tpu.vector_load %arg5[%swap3A_163, %swap3A_164] {strides = array<i32>} : memref<64x64xf32, #tpu.memory_space<vmem>>, vector<1x16xf32>,
      %swap3A_166 = vector.shape_cast %swap3A_165 : vector<1x16xf32> to vector<16xf32>
      %swap3A_167 = vector.shape_cast %select_n3A_162 : vector<16xf32> to vector<1x16xf32>
      tpu.vector_store %arg5[%swap3A_163, %swap3A_164], %swap3A_167 {strides = array<i32>} : memref<64x64xf32, #tpu.memory_space<vmem>>, vector<1x16xf32>,
      %get3A_168 = arith.index_cast %add3A_116 : i32 to index
      %get3A_169 = arith.constant 48 : index
      %get3A_170 = tpu.vector_load %arg4[%get3A_168, %get3A_169] {strides = array<i32>} : memref<64x64xf32, #tpu.memory_space<vmem>>, vector<1x16xf32>,
      %get3A_171 = vector.shape_cast %get3A_170 : vector<1x16xf32> to vector<16xf32>
      %lt3A_172 = arith.constant 0.000000e+00 : f32
      %lt3A_173 = vector.broadcast %lt3A_172 : f32 to vector<16xf32>
      %lt3A_174 = arith.cmpf olt, %get3A_171, %lt3A_173 : vector<16xf32>
      %neg3A_175 = arith.constant 0.000000e+00 : f32
      %neg3A_176 = vector.broadcast %neg3A_175 : f32 to vector<16xf32>
      %neg3A_177 = arith.subf %neg3A_176, %get3A_171 : vector<16xf32>
      %mul3A_178 = arith.mulf %neg3A_177, %div3A_105 : vector<16xf32>
      %jit3A_179 = arith.constant 0.000000e+00 : f32
      %broadcast_in_dim3A_180 = vector.broadcast %jit3A_179 : f32 to vector<16xf32>
      %select_n3A_181 = arith.select %lt3A_174, %mul3A_178, %broadcast_in_dim3A_180 : vector<16xi1>, vector<16xf32>
      %swap3A_182 = arith.index_cast %add3A_116 : i32 to index
      %swap3A_183 = arith.constant 48 : index
      %swap3A_184 = tpu.vector_load %arg5[%swap3A_182, %swap3A_183] {strides = array<i32>} : memref<64x64xf32, #tpu.memory_space<vmem>>, vector<1x16xf32>,
      %swap3A_185 = vector.shape_cast %swap3A_184 : vector<1x16xf32> to vector<16xf32>
      %swap3A_186 = vector.shape_cast %select_n3A_181 : vector<16xf32> to vector<1x16xf32>
      tpu.vector_store %arg5[%swap3A_182, %swap3A_183], %swap3A_186 {strides = array<i32>} : memref<64x64xf32, #tpu.memory_space<vmem>>, vector<1x16xf32>,
      %mul3A_187 = arith.constant 2 : i32
      %mul3A_188 = arith.muli %scan3A_112, %mul3A_187 : i32
      %add3A_189 = arith.constant 1 : i32
      %add3A_190 = arith.addi %mul3A_188, %add3A_189 : i32
      %get3A_191 = arith.index_cast %add3A_190 : i32 to index
      %get3A_192 = arith.constant 0 : index
      %get3A_193 = tpu.vector_load %arg4[%get3A_191, %get3A_192] {strides = array<i32>} : memref<64x64xf32, #tpu.memory_space<vmem>>, vector<1x16xf32>,
      %get3A_194 = vector.shape_cast %get3A_193 : vector<1x16xf32> to vector<16xf32>
      %lt3A_195 = arith.constant 0.000000e+00 : f32
      %lt3A_196 = vector.broadcast %lt3A_195 : f32 to vector<16xf32>
      %lt3A_197 = arith.cmpf olt, %get3A_194, %lt3A_196 : vector<16xf32>
      %neg3A_198 = arith.constant 0.000000e+00 : f32
      %neg3A_199 = vector.broadcast %neg3A_198 : f32 to vector<16xf32>
      %neg3A_200 = arith.subf %neg3A_199, %get3A_194 : vector<16xf32>
      %mul3A_201 = arith.mulf %neg3A_200, %div3A_96 : vector<16xf32>
      %jit3A_202 = arith.constant 0.000000e+00 : f32
      %broadcast_in_dim3A_203 = vector.broadcast %jit3A_202 : f32 to vector<16xf32>
      %select_n3A_204 = arith.select %lt3A_197, %mul3A_201, %broadcast_in_dim3A_203 : vector<16xi1>, vector<16xf32>
      %swap3A_205 = arith.index_cast %add3A_190 : i32 to index
      %swap3A_206 = arith.constant 0 : index
      %swap3A_207 = tpu.vector_load %arg5[%swap3A_205, %swap3A_206] {strides = array<i32>} : memref<64x64xf32, #tpu.memory_space<vmem>>, vector<1x16xf32>,
      %swap3A_208 = vector.shape_cast %swap3A_207 : vector<1x16xf32> to vector<16xf32>
      %swap3A_209 = vector.shape_cast %select_n3A_204 : vector<16xf32> to vector<1x16xf32>
      tpu.vector_store %arg5[%swap3A_205, %swap3A_206], %swap3A_209 {strides = array<i32>} : memref<64x64xf32, #tpu.memory_space<vmem>>, vector<1x16xf32>,
      %get3A_210 = arith.index_cast %add3A_190 : i32 to index
      %get3A_211 = arith.constant 16 : index
      %get3A_212 = tpu.vector_load %arg4[%get3A_210, %get3A_211] {strides = array<i32>} : memref<64x64xf32, #tpu.memory_space<vmem>>, vector<1x16xf32>,
      %get3A_213 = vector.shape_cast %get3A_212 : vector<1x16xf32> to vector<16xf32>
      %lt3A_214 = arith.constant 0.000000e+00 : f32
      %lt3A_215 = vector.broadcast %lt3A_214 : f32 to vector<16xf32>
      %lt3A_216 = arith.cmpf olt, %get3A_213, %lt3A_215 : vector<16xf32>
      %neg3A_217 = arith.constant 0.000000e+00 : f32
      %neg3A_218 = vector.broadcast %neg3A_217 : f32 to vector<16xf32>
      %neg3A_219 = arith.subf %neg3A_218, %get3A_213 : vector<16xf32>
      %mul3A_220 = arith.mulf %neg3A_219, %div3A_99 : vector<16xf32>
      %jit3A_221 = arith.constant 0.000000e+00 : f32
      %broadcast_in_dim3A_222 = vector.broadcast %jit3A_221 : f32 to vector<16xf32>
      %select_n3A_223 = arith.select %lt3A_216, %mul3A_220, %broadcast_in_dim3A_222 : vector<16xi1>, vector<16xf32>
      %swap3A_224 = arith.index_cast %add3A_190 : i32 to index
      %swap3A_225 = arith.constant 16 : index
      %swap3A_226 = tpu.vector_load %arg5[%swap3A_224, %swap3A_225] {strides = array<i32>} : memref<64x64xf32, #tpu.memory_space<vmem>>, vector<1x16xf32>,
      %swap3A_227 = vector.shape_cast %swap3A_226 : vector<1x16xf32> to vector<16xf32>
      %swap3A_228 = vector.shape_cast %select_n3A_223 : vector<16xf32> to vector<1x16xf32>
      tpu.vector_store %arg5[%swap3A_224, %swap3A_225], %swap3A_228 {strides = array<i32>} : memref<64x64xf32, #tpu.memory_space<vmem>>, vector<1x16xf32>,
      %get3A_229 = arith.index_cast %add3A_190 : i32 to index
      %get3A_230 = arith.constant 32 : index
      %get3A_231 = tpu.vector_load %arg4[%get3A_229, %get3A_230] {strides = array<i32>} : memref<64x64xf32, #tpu.memory_space<vmem>>, vector<1x16xf32>,
      %get3A_232 = vector.shape_cast %get3A_231 : vector<1x16xf32> to vector<16xf32>
      %lt3A_233 = arith.constant 0.000000e+00 : f32
      %lt3A_234 = vector.broadcast %lt3A_233 : f32 to vector<16xf32>
      %lt3A_235 = arith.cmpf olt, %get3A_232, %lt3A_234 : vector<16xf32>
      %neg3A_236 = arith.constant 0.000000e+00 : f32
      %neg3A_237 = vector.broadcast %neg3A_236 : f32 to vector<16xf32>
      %neg3A_238 = arith.subf %neg3A_237, %get3A_232 : vector<16xf32>
      %mul3A_239 = arith.mulf %neg3A_238, %div3A_102 : vector<16xf32>
      %jit3A_240 = arith.constant 0.000000e+00 : f32
      %broadcast_in_dim3A_241 = vector.broadcast %jit3A_240 : f32 to vector<16xf32>
      %select_n3A_242 = arith.select %lt3A_235, %mul3A_239, %broadcast_in_dim3A_241 : vector<16xi1>, vector<16xf32>
      %swap3A_243 = arith.index_cast %add3A_190 : i32 to index
      %swap3A_244 = arith.constant 32 : index
      %swap3A_245 = tpu.vector_load %arg5[%swap3A_243, %swap3A_244] {strides = array<i32>} : memref<64x64xf32, #tpu.memory_space<vmem>>, vector<1x16xf32>,
      %swap3A_246 = vector.shape_cast %swap3A_245 : vector<1x16xf32> to vector<16xf32>
      %swap3A_247 = vector.shape_cast %select_n3A_242 : vector<16xf32> to vector<1x16xf32>
      tpu.vector_store %arg5[%swap3A_243, %swap3A_244], %swap3A_247 {strides = array<i32>} : memref<64x64xf32, #tpu.memory_space<vmem>>, vector<1x16xf32>,
      %get3A_248 = arith.index_cast %add3A_190 : i32 to index
      %get3A_249 = arith.constant 48 : index
      %get3A_250 = tpu.vector_load %arg4[%get3A_248, %get3A_249] {strides = array<i32>} : memref<64x64xf32, #tpu.memory_space<vmem>>, vector<1x16xf32>,
      %get3A_251 = vector.shape_cast %get3A_250 : vector<1x16xf32> to vector<16xf32>
      %lt3A_252 = arith.constant 0.000000e+00 : f32
      %lt3A_253 = vector.broadcast %lt3A_252 : f32 to vector<16xf32>
      %lt3A_254 = arith.cmpf olt, %get3A_251, %lt3A_253 : vector<16xf32>
      %neg3A_255 = arith.constant 0.000000e+00 : f32
      %neg3A_256 = vector.broadcast %neg3A_255 : f32 to vector<16xf32>
      %neg3A_257 = arith.subf %neg3A_256, %get3A_251 : vector<16xf32>
      %mul3A_258 = arith.mulf %neg3A_257, %div3A_105 : vector<16xf32>
      %jit3A_259 = arith.constant 0.000000e+00 : f32
      %broadcast_in_dim3A_260 = vector.broadcast %jit3A_259 : f32 to vector<16xf32>
      %select_n3A_261 = arith.select %lt3A_254, %mul3A_258, %broadcast_in_dim3A_260 : vector<16xi1>, vector<16xf32>
      %swap3A_262 = arith.index_cast %add3A_190 : i32 to index
      %swap3A_263 = arith.constant 48 : index
      %swap3A_264 = tpu.vector_load %arg5[%swap3A_262, %swap3A_263] {strides = array<i32>} : memref<64x64xf32, #tpu.memory_space<vmem>>, vector<1x16xf32>,
      %swap3A_265 = vector.shape_cast %swap3A_264 : vector<1x16xf32> to vector<16xf32>
      %swap3A_266 = vector.shape_cast %select_n3A_261 : vector<16xf32> to vector<1x16xf32>
      tpu.vector_store %arg5[%swap3A_262, %swap3A_263], %swap3A_266 {strides = array<i32>} : memref<64x64xf32, #tpu.memory_space<vmem>>, vector<1x16xf32>,
    }
    %scan3A_111 = arith.constant 32 : i32
    "tpu.region"() ({
      %run_scoped3A = tpu.sem_alloc : memref<!tpu.dma_semaphore, #tpu.memory_space<semaphore_mem>>
      %dma_start3A = arith.constant 0 : i32
      %dma_start3A_112 = arith.constant 0 : i32
      %dma_start3A_113 = tpu.memref_slice %arg3[%add3A, %dma_start3A, %dma_start3A_112] : memref<32x64x64xf32, #tpu.memory_space<hbm>> -> memref<1x64x64xf32, #tpu.memory_space<hbm>>
      %dma_start3A_114 = tpu.memref_squeeze %dma_start3A_113 : memref<1x64x64xf32, #tpu.memory_space<hbm>> -> memref<64x64xf32, #tpu.memory_space<hbm>>
      %dma_start3A_115 = arith.constant 0 : i32
      %dma_start3A_116 = arith.constant 0 : i32
      %dma_start3A_117 = tpu.memref_slice %arg3[%add3A, %dma_start3A_115, %dma_start3A_116] : memref<32x64x64xf32, #tpu.memory_space<hbm>> -> memref<1x64x64xf32, #tpu.memory_space<hbm>>
      %dma_start3A_118 = tpu.memref_squeeze %dma_start3A_117 : memref<1x64x64xf32, #tpu.memory_space<hbm>> -> memref<64x64xf32, #tpu.memory_space<hbm>>
      tpu.enqueue_dma source(%arg5 : memref<64x64xf32, #tpu.memory_space<vmem>>) target(%dma_start3A_118 : memref<64x64xf32, #tpu.memory_space<hbm>>) target_semaphore(%run_scoped3A : memref<!tpu.dma_semaphore, #tpu.memory_space<semaphore_mem>>)
      %dma_wait3A = arith.constant 0 : i32
      %dma_wait3A_119 = arith.constant 0 : i32
      %dma_wait3A_120 = tpu.memref_slice %arg3[%add3A, %dma_wait3A, %dma_wait3A_119] : memref<32x64x64xf32, #tpu.memory_space<hbm>> -> memref<1x64x64xf32, #tpu.memory_space<hbm>>
      %dma_wait3A_121 = tpu.memref_squeeze %dma_wait3A_120 : memref<1x64x64xf32, #tpu.memory_space<hbm>> -> memref<64x64xf32, #tpu.memory_space<hbm>>
      %dma_wait3A_122 = arith.constant 0 : i32
      %dma_wait3A_123 = arith.constant 0 : i32
      %dma_wait3A_124 = tpu.memref_slice %arg3[%add3A, %dma_wait3A_122, %dma_wait3A_123] : memref<32x64x64xf32, #tpu.memory_space<hbm>> -> memref<1x64x64xf32, #tpu.memory_space<hbm>>
      %dma_wait3A_125 = tpu.memref_squeeze %dma_wait3A_124 : memref<1x64x64xf32, #tpu.memory_space<hbm>> -> memref<64x64xf32, #tpu.memory_space<hbm>>
      tpu.wait_dma2 semaphore(%run_scoped3A : memref<!tpu.dma_semaphore, #tpu.memory_space<semaphore_mem>>) src(%arg5 : memref<64x64xf32, #tpu.memory_space<vmem>>) dst(%dma_wait3A_125 : memref<64x64xf32, #tpu.memory_space<hbm>>)
      tpu.yield
    }) : () -> ()
    return
  }
}

module attributes {stable_mosaic.version = 14 : i64} {
  func.func @_router_kernel(%arg0: memref<2048x1024xf32, #tpu.memory_space<vmem>>, %arg1: memref<64x1024xf32, #tpu.memory_space<vmem>>, %arg2: memref<64x2048xf32, #tpu.memory_space<vmem>>) attributes {dimension_semantics = [], scalar_prefetch = 0 : i64, scratch_operands = 0 : i64, tpu.core_type = #tpu.core_type<tc>} {
    %get3A = arith.constant 0 : index
    %get3A_0 = arith.constant 0 : index
    %get3A_1 = vector.load %arg1[%get3A, %get3A_0] : memref<64x1024xf32, #tpu.memory_space<vmem>>, vector<64x1024xf32>
    %get3A_2 = arith.constant 0 : index
    %get3A_3 = arith.constant 0 : index
    %get3A_4 = vector.load %arg0[%get3A_2, %get3A_3] : memref<2048x1024xf32, #tpu.memory_space<vmem>>, vector<2048x1024xf32>
    %dot_general3A = arith.constant dense<0.000000e+00> : vector<64x2048xf32>
    %dot_general3A_5 = tpu.matmul %get3A_1, %get3A_4, %dot_general3A {dimension_numbers = #tpu.dot_dimension_numbers<[1], [1], [0], [0], [0, 0, 1, 0], [], []>, transpose_lhs_hint = false} : vector<64x1024xf32>, vector<2048x1024xf32>, vector<64x2048xf32> -> vector<64x2048xf32>
    %swap3A = arith.constant 0 : index
    %swap3A_6 = arith.constant 0 : index
    %swap3A_7 = vector.load %arg2[%swap3A, %swap3A_6] : memref<64x2048xf32, #tpu.memory_space<vmem>>, vector<64x2048xf32>
    tpu.vector_store %arg2[%swap3A, %swap3A_6], %dot_general3A_5 {strides = array<i32>} : memref<64x2048xf32, #tpu.memory_space<vmem>>, vector<64x2048xf32>,
    return
  }
}

module attributes {stable_mosaic.version = 14 : i64} {
  func.func @_mlp_kernel(%arg0: i32, %arg1: memref<2048x1024xbf16, #tpu.memory_space<vmem>>, %arg2: memref<1x2048x16xf32, #tpu.memory_space<vmem>>, %arg3: memref<1024x2048xf32, #tpu.memory_space<vmem>>, %arg4: memref<2048x1024xf32, #tpu.memory_space<vmem>>, %arg5: memref<2048x1024xf32, #tpu.memory_space<vmem>>, %arg6: memref<512x2048xbf16, #tpu.memory_space<vmem>>, %arg7: memref<512x2048xbf16, #tpu.memory_space<vmem>>, %arg8: memref<512x2048xbf16, #tpu.memory_space<vmem>>) attributes {dimension_semantics = [#tpu.dimension_semantics<arbitrary>], iteration_bounds = array<i64: 4>, scalar_prefetch = 0 : i64, scratch_operands = 3 : i64, tpu.core_type = #tpu.core_type<tc>, window_params = [{pipeline_mode = #tpu.pipeline_mode<synchronous>, transform_indices = @transform_0, window_bounds = array<i64: 2048, 1024>}, {transform_indices = @transform_1, window_bounds = array<i64: 1, 2048, 16>}, {transform_indices = @transform_2, window_bounds = array<i64: 1024, 2048>}, {transform_indices = @transform_3, window_bounds = array<i64: 2048, 1024>}, {pipeline_mode = #tpu.pipeline_mode<synchronous>, transform_indices = @transform_4, window_bounds = array<i64: 2048, 1024>}]} {
    %get3A = arith.constant 0 : index
    %get3A_0 = arith.constant 0 : index
    %get3A_1 = vector.load %arg3[%get3A, %get3A_0] : memref<1024x2048xf32, #tpu.memory_space<vmem>>, vector<1024x2048xf32>
    %convert_element_type3A = arith.truncf %get3A_1 : vector<1024x2048xf32> to vector<1024x2048xbf16>
    %get3A_2 = arith.constant 0 : index
    %get3A_3 = arith.constant 0 : index
    %get3A_4 = vector.load %arg4[%get3A_2, %get3A_3] : memref<2048x1024xf32, #tpu.memory_space<vmem>>, vector<2048x1024xf32>
    %convert_element_type3A_5 = arith.truncf %get3A_4 : vector<2048x1024xf32> to vector<2048x1024xbf16>
    %get3A_6 = arith.constant 0 : index
    %get3A_7 = arith.constant 0 : index
    %get3A_8 = vector.load %arg1[%get3A_6, %get3A_7] : memref<2048x1024xbf16, #tpu.memory_space<vmem>>, vector<512x1024xbf16>
    %dot_general3A = arith.constant dense<0.000000e+00> : vector<512x2048xf32>
    %dot_general3A_9 = tpu.matmul %get3A_8, %convert_element_type3A, %dot_general3A {dimension_numbers = #tpu.dot_dimension_numbers<[1], [0], [0], [1], [0, 0, 1, 1], [], []>, transpose_lhs_hint = false} : vector<512x1024xbf16>, vector<1024x2048xbf16>, vector<512x2048xf32> -> vector<512x2048xf32>
    %get3A_10 = arith.constant 0 : index
    %get3A_11 = arith.constant 0 : index
    %get3A_12 = arith.constant 0 : index
    %get3A_13 = vector.load %arg2[%get3A_10, %get3A_11, %get3A_12] : memref<1x2048x16xf32, #tpu.memory_space<vmem>>, vector<1x512x16xf32>
    %get3A_14 = vector.shape_cast %get3A_13 : vector<1x512x16xf32> to vector<512x16xf32>
    %slice3A = vector.extract_strided_slice %dot_general3A_9 {offsets = [0, 0], sizes = [512, 128], strides = [1, 1]} : vector<512x2048xf32> to vector<512x128xf32>
    %slice3A_15 = vector.extract_strided_slice %get3A_14 {offsets = [0, 0], sizes = [512, 1], strides = [1, 1]} : vector<512x16xf32> to vector<512x1xf32>
    %mul3A = arith.constant 5.000000e-01 : f32
    %mul3A_16 = vector.broadcast %mul3A : f32 to vector<512x1xf32>
    %mul3A_17 = arith.mulf %slice3A_15, %mul3A_16 : vector<512x1xf32>
    %mul3A_18 = arith.constant 0.797884583 : f32
    %mul3A_19 = vector.broadcast %mul3A_18 : f32 to vector<512x128xf32>
    %mul3A_20 = arith.mulf %mul3A_19, %slice3A : vector<512x128xf32>
    %mul3A_21 = arith.mulf %slice3A, %slice3A : vector<512x128xf32>
    %mul3A_22 = arith.constant 4.471500e-02 : f32
    %mul3A_23 = vector.broadcast %mul3A_22 : f32 to vector<512x128xf32>
    %mul3A_24 = arith.mulf %mul3A_23, %mul3A_21 : vector<512x128xf32>
    %add3A = arith.constant 1.000000e+00 : f32
    %add3A_25 = vector.broadcast %add3A : f32 to vector<512x128xf32>
    %add3A_26 = arith.addf %add3A_25, %mul3A_24 : vector<512x128xf32>
    %mul3A_27 = arith.mulf %mul3A_20, %add3A_26 : vector<512x128xf32>
    %mul3A_28 = vector.broadcast %mul3A_17 : vector<512x1xf32> to vector<512x128xf32>
    %mul3A_29 = arith.mulf %mul3A_28, %slice3A : vector<512x128xf32>
    %tanh3A = math.tanh %mul3A_27 : vector<512x128xf32>
    %add3A_30 = arith.constant 1.000000e+00 : f32
    %add3A_31 = vector.broadcast %add3A_30 : f32 to vector<512x128xf32>
    %add3A_32 = arith.addf %add3A_31, %tanh3A : vector<512x128xf32>
    %mul3A_33 = arith.mulf %mul3A_29, %add3A_32 : vector<512x128xf32>
    %convert_element_type3A_34 = arith.truncf %mul3A_33 : vector<512x128xf32> to vector<512x128xbf16>
    %swap3A = arith.constant 0 : index
    %swap3A_35 = arith.constant 0 : index
    %swap3A_36 = vector.load %arg6[%swap3A, %swap3A_35] : memref<512x2048xbf16, #tpu.memory_space<vmem>>, vector<512x128xbf16>
    tpu.vector_store %arg6[%swap3A, %swap3A_35], %convert_element_type3A_34 {strides = array<i32>} : memref<512x2048xbf16, #tpu.memory_space<vmem>>, vector<512x128xbf16>,
    %slice3A_37 = vector.extract_strided_slice %dot_general3A_9 {offsets = [0, 128], sizes = [512, 128], strides = [1, 1]} : vector<512x2048xf32> to vector<512x128xf32>
    %slice3A_38 = vector.extract_strided_slice %get3A_14 {offsets = [0, 1], sizes = [512, 1], strides = [1, 1]} : vector<512x16xf32> to vector<512x1xf32>
    %mul3A_39 = arith.constant 5.000000e-01 : f32
    %mul3A_40 = vector.broadcast %mul3A_39 : f32 to vector<512x1xf32>
    %mul3A_41 = arith.mulf %slice3A_38, %mul3A_40 : vector<512x1xf32>
    %mul3A_42 = arith.constant 0.797884583 : f32
    %mul3A_43 = vector.broadcast %mul3A_42 : f32 to vector<512x128xf32>
    %mul3A_44 = arith.mulf %mul3A_43, %slice3A_37 : vector<512x128xf32>
    %mul3A_45 = arith.mulf %slice3A_37, %slice3A_37 : vector<512x128xf32>
    %mul3A_46 = arith.constant 4.471500e-02 : f32
    %mul3A_47 = vector.broadcast %mul3A_46 : f32 to vector<512x128xf32>
    %mul3A_48 = arith.mulf %mul3A_47, %mul3A_45 : vector<512x128xf32>
    %add3A_49 = arith.constant 1.000000e+00 : f32
    %add3A_50 = vector.broadcast %add3A_49 : f32 to vector<512x128xf32>
    %add3A_51 = arith.addf %add3A_50, %mul3A_48 : vector<512x128xf32>
    %mul3A_52 = arith.mulf %mul3A_44, %add3A_51 : vector<512x128xf32>
    %mul3A_53 = vector.broadcast %mul3A_41 : vector<512x1xf32> to vector<512x128xf32>
    %mul3A_54 = arith.mulf %mul3A_53, %slice3A_37 : vector<512x128xf32>
    %tanh3A_55 = math.tanh %mul3A_52 : vector<512x128xf32>
    %add3A_56 = arith.constant 1.000000e+00 : f32
    %add3A_57 = vector.broadcast %add3A_56 : f32 to vector<512x128xf32>
    %add3A_58 = arith.addf %add3A_57, %tanh3A_55 : vector<512x128xf32>
    %mul3A_59 = arith.mulf %mul3A_54, %add3A_58 : vector<512x128xf32>
    %convert_element_type3A_60 = arith.truncf %mul3A_59 : vector<512x128xf32> to vector<512x128xbf16>
    %swap3A_61 = arith.constant 0 : index
    %swap3A_62 = arith.constant 128 : index
    %swap3A_63 = vector.load %arg6[%swap3A_61, %swap3A_62] : memref<512x2048xbf16, #tpu.memory_space<vmem>>, vector<512x128xbf16>
    tpu.vector_store %arg6[%swap3A_61, %swap3A_62], %convert_element_type3A_60 {strides = array<i32>} : memref<512x2048xbf16, #tpu.memory_space<vmem>>, vector<512x128xbf16>,
    %slice3A_64 = vector.extract_strided_slice %dot_general3A_9 {offsets = [0, 256], sizes = [512, 128], strides = [1, 1]} : vector<512x2048xf32> to vector<512x128xf32>
    %slice3A_65 = vector.extract_strided_slice %get3A_14 {offsets = [0, 2], sizes = [512, 1], strides = [1, 1]} : vector<512x16xf32> to vector<512x1xf32>
    %mul3A_66 = arith.constant 5.000000e-01 : f32
    %mul3A_67 = vector.broadcast %mul3A_66 : f32 to vector<512x1xf32>
    %mul3A_68 = arith.mulf %slice3A_65, %mul3A_67 : vector<512x1xf32>
    %mul3A_69 = arith.constant 0.797884583 : f32
    %mul3A_70 = vector.broadcast %mul3A_69 : f32 to vector<512x128xf32>
    %mul3A_71 = arith.mulf %mul3A_70, %slice3A_64 : vector<512x128xf32>
    %mul3A_72 = arith.mulf %slice3A_64, %slice3A_64 : vector<512x128xf32>
    %mul3A_73 = arith.constant 4.471500e-02 : f32
    %mul3A_74 = vector.broadcast %mul3A_73 : f32 to vector<512x128xf32>
    %mul3A_75 = arith.mulf %mul3A_74, %mul3A_72 : vector<512x128xf32>
    %add3A_76 = arith.constant 1.000000e+00 : f32
    %add3A_77 = vector.broadcast %add3A_76 : f32 to vector<512x128xf32>
    %add3A_78 = arith.addf %add3A_77, %mul3A_75 : vector<512x128xf32>
    %mul3A_79 = arith.mulf %mul3A_71, %add3A_78 : vector<512x128xf32>
    %mul3A_80 = vector.broadcast %mul3A_68 : vector<512x1xf32> to vector<512x128xf32>
    %mul3A_81 = arith.mulf %mul3A_80, %slice3A_64 : vector<512x128xf32>
    %tanh3A_82 = math.tanh %mul3A_79 : vector<512x128xf32>
    %add3A_83 = arith.constant 1.000000e+00 : f32
    %add3A_84 = vector.broadcast %add3A_83 : f32 to vector<512x128xf32>
    %add3A_85 = arith.addf %add3A_84, %tanh3A_82 : vector<512x128xf32>
    %mul3A_86 = arith.mulf %mul3A_81, %add3A_85 : vector<512x128xf32>
    %convert_element_type3A_87 = arith.truncf %mul3A_86 : vector<512x128xf32> to vector<512x128xbf16>
    %swap3A_88 = arith.constant 0 : index
    %swap3A_89 = arith.constant 256 : index
    %swap3A_90 = vector.load %arg6[%swap3A_88, %swap3A_89] : memref<512x2048xbf16, #tpu.memory_space<vmem>>, vector<512x128xbf16>
    tpu.vector_store %arg6[%swap3A_88, %swap3A_89], %convert_element_type3A_87 {strides = array<i32>} : memref<512x2048xbf16, #tpu.memory_space<vmem>>, vector<512x128xbf16>,
    %slice3A_91 = vector.extract_strided_slice %dot_general3A_9 {offsets = [0, 384], sizes = [512, 128], strides = [1, 1]} : vector<512x2048xf32> to vector<512x128xf32>
    %slice3A_92 = vector.extract_strided_slice %get3A_14 {offsets = [0, 3], sizes = [512, 1], strides = [1, 1]} : vector<512x16xf32> to vector<512x1xf32>
    %mul3A_93 = arith.constant 5.000000e-01 : f32
    %mul3A_94 = vector.broadcast %mul3A_93 : f32 to vector<512x1xf32>
    %mul3A_95 = arith.mulf %slice3A_92, %mul3A_94 : vector<512x1xf32>
    %mul3A_96 = arith.constant 0.797884583 : f32
    %mul3A_97 = vector.broadcast %mul3A_96 : f32 to vector<512x128xf32>
    %mul3A_98 = arith.mulf %mul3A_97, %slice3A_91 : vector<512x128xf32>
    %mul3A_99 = arith.mulf %slice3A_91, %slice3A_91 : vector<512x128xf32>
    %mul3A_100 = arith.constant 4.471500e-02 : f32
    %mul3A_101 = vector.broadcast %mul3A_100 : f32 to vector<512x128xf32>
    %mul3A_102 = arith.mulf %mul3A_101, %mul3A_99 : vector<512x128xf32>
    %add3A_103 = arith.constant 1.000000e+00 : f32
    %add3A_104 = vector.broadcast %add3A_103 : f32 to vector<512x128xf32>
    %add3A_105 = arith.addf %add3A_104, %mul3A_102 : vector<512x128xf32>
    %mul3A_106 = arith.mulf %mul3A_98, %add3A_105 : vector<512x128xf32>
    %mul3A_107 = vector.broadcast %mul3A_95 : vector<512x1xf32> to vector<512x128xf32>
    %mul3A_108 = arith.mulf %mul3A_107, %slice3A_91 : vector<512x128xf32>
    %tanh3A_109 = math.tanh %mul3A_106 : vector<512x128xf32>
    %add3A_110 = arith.constant 1.000000e+00 : f32
    %add3A_111 = vector.broadcast %add3A_110 : f32 to vector<512x128xf32>
    %add3A_112 = arith.addf %add3A_111, %tanh3A_109 : vector<512x128xf32>
    %mul3A_113 = arith.mulf %mul3A_108, %add3A_112 : vector<512x128xf32>
    %convert_element_type3A_114 = arith.truncf %mul3A_113 : vector<512x128xf32> to vector<512x128xbf16>
    %swap3A_115 = arith.constant 0 : index
    %swap3A_116 = arith.constant 384 : index
    %swap3A_117 = vector.load %arg6[%swap3A_115, %swap3A_116] : memref<512x2048xbf16, #tpu.memory_space<vmem>>, vector<512x128xbf16>
    tpu.vector_store %arg6[%swap3A_115, %swap3A_116], %convert_element_type3A_114 {strides = array<i32>} : memref<512x2048xbf16, #tpu.memory_space<vmem>>, vector<512x128xbf16>,
    %slice3A_118 = vector.extract_strided_slice %dot_general3A_9 {offsets = [0, 512], sizes = [512, 128], strides = [1, 1]} : vector<512x2048xf32> to vector<512x128xf32>
    %slice3A_119 = vector.extract_strided_slice %get3A_14 {offsets = [0, 4], sizes = [512, 1], strides = [1, 1]} : vector<512x16xf32> to vector<512x1xf32>
    %mul3A_120 = arith.constant 5.000000e-01 : f32
    %mul3A_121 = vector.broadcast %mul3A_120 : f32 to vector<512x1xf32>
    %mul3A_122 = arith.mulf %slice3A_119, %mul3A_121 : vector<512x1xf32>
    %mul3A_123 = arith.constant 0.797884583 : f32
    %mul3A_124 = vector.broadcast %mul3A_123 : f32 to vector<512x128xf32>
    %mul3A_125 = arith.mulf %mul3A_124, %slice3A_118 : vector<512x128xf32>
    %mul3A_126 = arith.mulf %slice3A_118, %slice3A_118 : vector<512x128xf32>
    %mul3A_127 = arith.constant 4.471500e-02 : f32
    %mul3A_128 = vector.broadcast %mul3A_127 : f32 to vector<512x128xf32>
    %mul3A_129 = arith.mulf %mul3A_128, %mul3A_126 : vector<512x128xf32>
    %add3A_130 = arith.constant 1.000000e+00 : f32
    %add3A_131 = vector.broadcast %add3A_130 : f32 to vector<512x128xf32>
    %add3A_132 = arith.addf %add3A_131, %mul3A_129 : vector<512x128xf32>
    %mul3A_133 = arith.mulf %mul3A_125, %add3A_132 : vector<512x128xf32>
    %mul3A_134 = vector.broadcast %mul3A_122 : vector<512x1xf32> to vector<512x128xf32>
    %mul3A_135 = arith.mulf %mul3A_134, %slice3A_118 : vector<512x128xf32>
    %tanh3A_136 = math.tanh %mul3A_133 : vector<512x128xf32>
    %add3A_137 = arith.constant 1.000000e+00 : f32
    %add3A_138 = vector.broadcast %add3A_137 : f32 to vector<512x128xf32>
    %add3A_139 = arith.addf %add3A_138, %tanh3A_136 : vector<512x128xf32>
    %mul3A_140 = arith.mulf %mul3A_135, %add3A_139 : vector<512x128xf32>
    %convert_element_type3A_141 = arith.truncf %mul3A_140 : vector<512x128xf32> to vector<512x128xbf16>
    %swap3A_142 = arith.constant 0 : index
    %swap3A_143 = arith.constant 512 : index
    %swap3A_144 = vector.load %arg6[%swap3A_142, %swap3A_143] : memref<512x2048xbf16, #tpu.memory_space<vmem>>, vector<512x128xbf16>
    tpu.vector_store %arg6[%swap3A_142, %swap3A_143], %convert_element_type3A_141 {strides = array<i32>} : memref<512x2048xbf16, #tpu.memory_space<vmem>>, vector<512x128xbf16>,
    %slice3A_145 = vector.extract_strided_slice %dot_general3A_9 {offsets = [0, 640], sizes = [512, 128], strides = [1, 1]} : vector<512x2048xf32> to vector<512x128xf32>
    %slice3A_146 = vector.extract_strided_slice %get3A_14 {offsets = [0, 5], sizes = [512, 1], strides = [1, 1]} : vector<512x16xf32> to vector<512x1xf32>
    %mul3A_147 = arith.constant 5.000000e-01 : f32
    %mul3A_148 = vector.broadcast %mul3A_147 : f32 to vector<512x1xf32>
    %mul3A_149 = arith.mulf %slice3A_146, %mul3A_148 : vector<512x1xf32>
    %mul3A_150 = arith.constant 0.797884583 : f32
    %mul3A_151 = vector.broadcast %mul3A_150 : f32 to vector<512x128xf32>
    %mul3A_152 = arith.mulf %mul3A_151, %slice3A_145 : vector<512x128xf32>
    %mul3A_153 = arith.mulf %slice3A_145, %slice3A_145 : vector<512x128xf32>
    %mul3A_154 = arith.constant 4.471500e-02 : f32
    %mul3A_155 = vector.broadcast %mul3A_154 : f32 to vector<512x128xf32>
    %mul3A_156 = arith.mulf %mul3A_155, %mul3A_153 : vector<512x128xf32>
    %add3A_157 = arith.constant 1.000000e+00 : f32
    %add3A_158 = vector.broadcast %add3A_157 : f32 to vector<512x128xf32>
    %add3A_159 = arith.addf %add3A_158, %mul3A_156 : vector<512x128xf32>
    %mul3A_160 = arith.mulf %mul3A_152, %add3A_159 : vector<512x128xf32>
    %mul3A_161 = vector.broadcast %mul3A_149 : vector<512x1xf32> to vector<512x128xf32>
    %mul3A_162 = arith.mulf %mul3A_161, %slice3A_145 : vector<512x128xf32>
    %tanh3A_163 = math.tanh %mul3A_160 : vector<512x128xf32>
    %add3A_164 = arith.constant 1.000000e+00 : f32
    %add3A_165 = vector.broadcast %add3A_164 : f32 to vector<512x128xf32>
    %add3A_166 = arith.addf %add3A_165, %tanh3A_163 : vector<512x128xf32>
    %mul3A_167 = arith.mulf %mul3A_162, %add3A_166 : vector<512x128xf32>
    %convert_element_type3A_168 = arith.truncf %mul3A_167 : vector<512x128xf32> to vector<512x128xbf16>
    %swap3A_169 = arith.constant 0 : index
    %swap3A_170 = arith.constant 640 : index
    %swap3A_171 = vector.load %arg6[%swap3A_169, %swap3A_170] : memref<512x2048xbf16, #tpu.memory_space<vmem>>, vector<512x128xbf16>
    tpu.vector_store %arg6[%swap3A_169, %swap3A_170], %convert_element_type3A_168 {strides = array<i32>} : memref<512x2048xbf16, #tpu.memory_space<vmem>>, vector<512x128xbf16>,
    %slice3A_172 = vector.extract_strided_slice %dot_general3A_9 {offsets = [0, 768], sizes = [512, 128], strides = [1, 1]} : vector<512x2048xf32> to vector<512x128xf32>
    %slice3A_173 = vector.extract_strided_slice %get3A_14 {offsets = [0, 6], sizes = [512, 1], strides = [1, 1]} : vector<512x16xf32> to vector<512x1xf32>
    %mul3A_174 = arith.constant 5.000000e-01 : f32
    %mul3A_175 = vector.broadcast %mul3A_174 : f32 to vector<512x1xf32>
    %mul3A_176 = arith.mulf %slice3A_173, %mul3A_175 : vector<512x1xf32>
    %mul3A_177 = arith.constant 0.797884583 : f32
    %mul3A_178 = vector.broadcast %mul3A_177 : f32 to vector<512x128xf32>
    %mul3A_179 = arith.mulf %mul3A_178, %slice3A_172 : vector<512x128xf32>
    %mul3A_180 = arith.mulf %slice3A_172, %slice3A_172 : vector<512x128xf32>
    %mul3A_181 = arith.constant 4.471500e-02 : f32
    %mul3A_182 = vector.broadcast %mul3A_181 : f32 to vector<512x128xf32>
    %mul3A_183 = arith.mulf %mul3A_182, %mul3A_180 : vector<512x128xf32>
    %add3A_184 = arith.constant 1.000000e+00 : f32
    %add3A_185 = vector.broadcast %add3A_184 : f32 to vector<512x128xf32>
    %add3A_186 = arith.addf %add3A_185, %mul3A_183 : vector<512x128xf32>
    %mul3A_187 = arith.mulf %mul3A_179, %add3A_186 : vector<512x128xf32>
    %mul3A_188 = vector.broadcast %mul3A_176 : vector<512x1xf32> to vector<512x128xf32>
    %mul3A_189 = arith.mulf %mul3A_188, %slice3A_172 : vector<512x128xf32>
    %tanh3A_190 = math.tanh %mul3A_187 : vector<512x128xf32>
    %add3A_191 = arith.constant 1.000000e+00 : f32
    %add3A_192 = vector.broadcast %add3A_191 : f32 to vector<512x128xf32>
    %add3A_193 = arith.addf %add3A_192, %tanh3A_190 : vector<512x128xf32>
    %mul3A_194 = arith.mulf %mul3A_189, %add3A_193 : vector<512x128xf32>
    %convert_element_type3A_195 = arith.truncf %mul3A_194 : vector<512x128xf32> to vector<512x128xbf16>
    %swap3A_196 = arith.constant 0 : index
    %swap3A_197 = arith.constant 768 : index
    %swap3A_198 = vector.load %arg6[%swap3A_196, %swap3A_197] : memref<512x2048xbf16, #tpu.memory_space<vmem>>, vector<512x128xbf16>
    tpu.vector_store %arg6[%swap3A_196, %swap3A_197], %convert_element_type3A_195 {strides = array<i32>} : memref<512x2048xbf16, #tpu.memory_space<vmem>>, vector<512x128xbf16>,
    %slice3A_199 = vector.extract_strided_slice %dot_general3A_9 {offsets = [0, 896], sizes = [512, 128], strides = [1, 1]} : vector<512x2048xf32> to vector<512x128xf32>
    %slice3A_200 = vector.extract_strided_slice %get3A_14 {offsets = [0, 7], sizes = [512, 1], strides = [1, 1]} : vector<512x16xf32> to vector<512x1xf32>
    %mul3A_201 = arith.constant 5.000000e-01 : f32
    %mul3A_202 = vector.broadcast %mul3A_201 : f32 to vector<512x1xf32>
    %mul3A_203 = arith.mulf %slice3A_200, %mul3A_202 : vector<512x1xf32>
    %mul3A_204 = arith.constant 0.797884583 : f32
    %mul3A_205 = vector.broadcast %mul3A_204 : f32 to vector<512x128xf32>
    %mul3A_206 = arith.mulf %mul3A_205, %slice3A_199 : vector<512x128xf32>
    %mul3A_207 = arith.mulf %slice3A_199, %slice3A_199 : vector<512x128xf32>
    %mul3A_208 = arith.constant 4.471500e-02 : f32
    %mul3A_209 = vector.broadcast %mul3A_208 : f32 to vector<512x128xf32>
    %mul3A_210 = arith.mulf %mul3A_209, %mul3A_207 : vector<512x128xf32>
    %add3A_211 = arith.constant 1.000000e+00 : f32
    %add3A_212 = vector.broadcast %add3A_211 : f32 to vector<512x128xf32>
    %add3A_213 = arith.addf %add3A_212, %mul3A_210 : vector<512x128xf32>
    %mul3A_214 = arith.mulf %mul3A_206, %add3A_213 : vector<512x128xf32>
    %mul3A_215 = vector.broadcast %mul3A_203 : vector<512x1xf32> to vector<512x128xf32>
    %mul3A_216 = arith.mulf %mul3A_215, %slice3A_199 : vector<512x128xf32>
    %tanh3A_217 = math.tanh %mul3A_214 : vector<512x128xf32>
    %add3A_218 = arith.constant 1.000000e+00 : f32
    %add3A_219 = vector.broadcast %add3A_218 : f32 to vector<512x128xf32>
    %add3A_220 = arith.addf %add3A_219, %tanh3A_217 : vector<512x128xf32>
    %mul3A_221 = arith.mulf %mul3A_216, %add3A_220 : vector<512x128xf32>
    %convert_element_type3A_222 = arith.truncf %mul3A_221 : vector<512x128xf32> to vector<512x128xbf16>
    %swap3A_223 = arith.constant 0 : index
    %swap3A_224 = arith.constant 896 : index
    %swap3A_225 = vector.load %arg6[%swap3A_223, %swap3A_224] : memref<512x2048xbf16, #tpu.memory_space<vmem>>, vector<512x128xbf16>
    tpu.vector_store %arg6[%swap3A_223, %swap3A_224], %convert_element_type3A_222 {strides = array<i32>} : memref<512x2048xbf16, #tpu.memory_space<vmem>>, vector<512x128xbf16>,
    %slice3A_226 = vector.extract_strided_slice %dot_general3A_9 {offsets = [0, 1024], sizes = [512, 128], strides = [1, 1]} : vector<512x2048xf32> to vector<512x128xf32>
    %slice3A_227 = vector.extract_strided_slice %get3A_14 {offsets = [0, 8], sizes = [512, 1], strides = [1, 1]} : vector<512x16xf32> to vector<512x1xf32>
    %mul3A_228 = arith.constant 5.000000e-01 : f32
    %mul3A_229 = vector.broadcast %mul3A_228 : f32 to vector<512x1xf32>
    %mul3A_230 = arith.mulf %slice3A_227, %mul3A_229 : vector<512x1xf32>
    %mul3A_231 = arith.constant 0.797884583 : f32
    %mul3A_232 = vector.broadcast %mul3A_231 : f32 to vector<512x128xf32>
    %mul3A_233 = arith.mulf %mul3A_232, %slice3A_226 : vector<512x128xf32>
    %mul3A_234 = arith.mulf %slice3A_226, %slice3A_226 : vector<512x128xf32>
    %mul3A_235 = arith.constant 4.471500e-02 : f32
    %mul3A_236 = vector.broadcast %mul3A_235 : f32 to vector<512x128xf32>
    %mul3A_237 = arith.mulf %mul3A_236, %mul3A_234 : vector<512x128xf32>
    %add3A_238 = arith.constant 1.000000e+00 : f32
    %add3A_239 = vector.broadcast %add3A_238 : f32 to vector<512x128xf32>
    %add3A_240 = arith.addf %add3A_239, %mul3A_237 : vector<512x128xf32>
    %mul3A_241 = arith.mulf %mul3A_233, %add3A_240 : vector<512x128xf32>
    %mul3A_242 = vector.broadcast %mul3A_230 : vector<512x1xf32> to vector<512x128xf32>
    %mul3A_243 = arith.mulf %mul3A_242, %slice3A_226 : vector<512x128xf32>
    %tanh3A_244 = math.tanh %mul3A_241 : vector<512x128xf32>
    %add3A_245 = arith.constant 1.000000e+00 : f32
    %add3A_246 = vector.broadcast %add3A_245 : f32 to vector<512x128xf32>
    %add3A_247 = arith.addf %add3A_246, %tanh3A_244 : vector<512x128xf32>
    %mul3A_248 = arith.mulf %mul3A_243, %add3A_247 : vector<512x128xf32>
    %convert_element_type3A_249 = arith.truncf %mul3A_248 : vector<512x128xf32> to vector<512x128xbf16>
    %swap3A_250 = arith.constant 0 : index
    %swap3A_251 = arith.constant 1024 : index
    %swap3A_252 = vector.load %arg6[%swap3A_250, %swap3A_251] : memref<512x2048xbf16, #tpu.memory_space<vmem>>, vector<512x128xbf16>
    tpu.vector_store %arg6[%swap3A_250, %swap3A_251], %convert_element_type3A_249 {strides = array<i32>} : memref<512x2048xbf16, #tpu.memory_space<vmem>>, vector<512x128xbf16>,
    %slice3A_253 = vector.extract_strided_slice %dot_general3A_9 {offsets = [0, 1152], sizes = [512, 128], strides = [1, 1]} : vector<512x2048xf32> to vector<512x128xf32>
    %slice3A_254 = vector.extract_strided_slice %get3A_14 {offsets = [0, 9], sizes = [512, 1], strides = [1, 1]} : vector<512x16xf32> to vector<512x1xf32>
    %mul3A_255 = arith.constant 5.000000e-01 : f32
    %mul3A_256 = vector.broadcast %mul3A_255 : f32 to vector<512x1xf32>
    %mul3A_257 = arith.mulf %slice3A_254, %mul3A_256 : vector<512x1xf32>
    %mul3A_258 = arith.constant 0.797884583 : f32
    %mul3A_259 = vector.broadcast %mul3A_258 : f32 to vector<512x128xf32>
    %mul3A_260 = arith.mulf %mul3A_259, %slice3A_253 : vector<512x128xf32>
    %mul3A_261 = arith.mulf %slice3A_253, %slice3A_253 : vector<512x128xf32>
    %mul3A_262 = arith.constant 4.471500e-02 : f32
    %mul3A_263 = vector.broadcast %mul3A_262 : f32 to vector<512x128xf32>
    %mul3A_264 = arith.mulf %mul3A_263, %mul3A_261 : vector<512x128xf32>
    %add3A_265 = arith.constant 1.000000e+00 : f32
    %add3A_266 = vector.broadcast %add3A_265 : f32 to vector<512x128xf32>
    %add3A_267 = arith.addf %add3A_266, %mul3A_264 : vector<512x128xf32>
    %mul3A_268 = arith.mulf %mul3A_260, %add3A_267 : vector<512x128xf32>
    %mul3A_269 = vector.broadcast %mul3A_257 : vector<512x1xf32> to vector<512x128xf32>
    %mul3A_270 = arith.mulf %mul3A_269, %slice3A_253 : vector<512x128xf32>
    %tanh3A_271 = math.tanh %mul3A_268 : vector<512x128xf32>
    %add3A_272 = arith.constant 1.000000e+00 : f32
    %add3A_273 = vector.broadcast %add3A_272 : f32 to vector<512x128xf32>
    %add3A_274 = arith.addf %add3A_273, %tanh3A_271 : vector<512x128xf32>
    %mul3A_275 = arith.mulf %mul3A_270, %add3A_274 : vector<512x128xf32>
    %convert_element_type3A_276 = arith.truncf %mul3A_275 : vector<512x128xf32> to vector<512x128xbf16>
    %swap3A_277 = arith.constant 0 : index
    %swap3A_278 = arith.constant 1152 : index
    %swap3A_279 = vector.load %arg6[%swap3A_277, %swap3A_278] : memref<512x2048xbf16, #tpu.memory_space<vmem>>, vector<512x128xbf16>
    tpu.vector_store %arg6[%swap3A_277, %swap3A_278], %convert_element_type3A_276 {strides = array<i32>} : memref<512x2048xbf16, #tpu.memory_space<vmem>>, vector<512x128xbf16>,
    %slice3A_280 = vector.extract_strided_slice %dot_general3A_9 {offsets = [0, 1280], sizes = [512, 128], strides = [1, 1]} : vector<512x2048xf32> to vector<512x128xf32>
    %slice3A_281 = vector.extract_strided_slice %get3A_14 {offsets = [0, 10], sizes = [512, 1], strides = [1, 1]} : vector<512x16xf32> to vector<512x1xf32>
    %mul3A_282 = arith.constant 5.000000e-01 : f32
    %mul3A_283 = vector.broadcast %mul3A_282 : f32 to vector<512x1xf32>
    %mul3A_284 = arith.mulf %slice3A_281, %mul3A_283 : vector<512x1xf32>
    %mul3A_285 = arith.constant 0.797884583 : f32
    %mul3A_286 = vector.broadcast %mul3A_285 : f32 to vector<512x128xf32>
    %mul3A_287 = arith.mulf %mul3A_286, %slice3A_280 : vector<512x128xf32>
    %mul3A_288 = arith.mulf %slice3A_280, %slice3A_280 : vector<512x128xf32>
    %mul3A_289 = arith.constant 4.471500e-02 : f32
    %mul3A_290 = vector.broadcast %mul3A_289 : f32 to vector<512x128xf32>
    %mul3A_291 = arith.mulf %mul3A_290, %mul3A_288 : vector<512x128xf32>
    %add3A_292 = arith.constant 1.000000e+00 : f32
    %add3A_293 = vector.broadcast %add3A_292 : f32 to vector<512x128xf32>
    %add3A_294 = arith.addf %add3A_293, %mul3A_291 : vector<512x128xf32>
    %mul3A_295 = arith.mulf %mul3A_287, %add3A_294 : vector<512x128xf32>
    %mul3A_296 = vector.broadcast %mul3A_284 : vector<512x1xf32> to vector<512x128xf32>
    %mul3A_297 = arith.mulf %mul3A_296, %slice3A_280 : vector<512x128xf32>
    %tanh3A_298 = math.tanh %mul3A_295 : vector<512x128xf32>
    %add3A_299 = arith.constant 1.000000e+00 : f32
    %add3A_300 = vector.broadcast %add3A_299 : f32 to vector<512x128xf32>
    %add3A_301 = arith.addf %add3A_300, %tanh3A_298 : vector<512x128xf32>
    %mul3A_302 = arith.mulf %mul3A_297, %add3A_301 : vector<512x128xf32>
    %convert_element_type3A_303 = arith.truncf %mul3A_302 : vector<512x128xf32> to vector<512x128xbf16>
    %swap3A_304 = arith.constant 0 : index
    %swap3A_305 = arith.constant 1280 : index
    %swap3A_306 = vector.load %arg6[%swap3A_304, %swap3A_305] : memref<512x2048xbf16, #tpu.memory_space<vmem>>, vector<512x128xbf16>
    tpu.vector_store %arg6[%swap3A_304, %swap3A_305], %convert_element_type3A_303 {strides = array<i32>} : memref<512x2048xbf16, #tpu.memory_space<vmem>>, vector<512x128xbf16>,
    %slice3A_307 = vector.extract_strided_slice %dot_general3A_9 {offsets = [0, 1408], sizes = [512, 128], strides = [1, 1]} : vector<512x2048xf32> to vector<512x128xf32>
    %slice3A_308 = vector.extract_strided_slice %get3A_14 {offsets = [0, 11], sizes = [512, 1], strides = [1, 1]} : vector<512x16xf32> to vector<512x1xf32>
    %mul3A_309 = arith.constant 5.000000e-01 : f32
    %mul3A_310 = vector.broadcast %mul3A_309 : f32 to vector<512x1xf32>
    %mul3A_311 = arith.mulf %slice3A_308, %mul3A_310 : vector<512x1xf32>
    %mul3A_312 = arith.constant 0.797884583 : f32
    %mul3A_313 = vector.broadcast %mul3A_312 : f32 to vector<512x128xf32>
    %mul3A_314 = arith.mulf %mul3A_313, %slice3A_307 : vector<512x128xf32>
    %mul3A_315 = arith.mulf %slice3A_307, %slice3A_307 : vector<512x128xf32>
    %mul3A_316 = arith.constant 4.471500e-02 : f32
    %mul3A_317 = vector.broadcast %mul3A_316 : f32 to vector<512x128xf32>
    %mul3A_318 = arith.mulf %mul3A_317, %mul3A_315 : vector<512x128xf32>
    %add3A_319 = arith.constant 1.000000e+00 : f32
    %add3A_320 = vector.broadcast %add3A_319 : f32 to vector<512x128xf32>
    %add3A_321 = arith.addf %add3A_320, %mul3A_318 : vector<512x128xf32>
    %mul3A_322 = arith.mulf %mul3A_314, %add3A_321 : vector<512x128xf32>
    %mul3A_323 = vector.broadcast %mul3A_311 : vector<512x1xf32> to vector<512x128xf32>
    %mul3A_324 = arith.mulf %mul3A_323, %slice3A_307 : vector<512x128xf32>
    %tanh3A_325 = math.tanh %mul3A_322 : vector<512x128xf32>
    %add3A_326 = arith.constant 1.000000e+00 : f32
    %add3A_327 = vector.broadcast %add3A_326 : f32 to vector<512x128xf32>
    %add3A_328 = arith.addf %add3A_327, %tanh3A_325 : vector<512x128xf32>
    %mul3A_329 = arith.mulf %mul3A_324, %add3A_328 : vector<512x128xf32>
    %convert_element_type3A_330 = arith.truncf %mul3A_329 : vector<512x128xf32> to vector<512x128xbf16>
    %swap3A_331 = arith.constant 0 : index
    %swap3A_332 = arith.constant 1408 : index
    %swap3A_333 = vector.load %arg6[%swap3A_331, %swap3A_332] : memref<512x2048xbf16, #tpu.memory_space<vmem>>, vector<512x128xbf16>
    tpu.vector_store %arg6[%swap3A_331, %swap3A_332], %convert_element_type3A_330 {strides = array<i32>} : memref<512x2048xbf16, #tpu.memory_space<vmem>>, vector<512x128xbf16>,
    %slice3A_334 = vector.extract_strided_slice %dot_general3A_9 {offsets = [0, 1536], sizes = [512, 128], strides = [1, 1]} : vector<512x2048xf32> to vector<512x128xf32>
    %slice3A_335 = vector.extract_strided_slice %get3A_14 {offsets = [0, 12], sizes = [512, 1], strides = [1, 1]} : vector<512x16xf32> to vector<512x1xf32>
    %mul3A_336 = arith.constant 5.000000e-01 : f32
    %mul3A_337 = vector.broadcast %mul3A_336 : f32 to vector<512x1xf32>
    %mul3A_338 = arith.mulf %slice3A_335, %mul3A_337 : vector<512x1xf32>
    %mul3A_339 = arith.constant 0.797884583 : f32
    %mul3A_340 = vector.broadcast %mul3A_339 : f32 to vector<512x128xf32>
    %mul3A_341 = arith.mulf %mul3A_340, %slice3A_334 : vector<512x128xf32>
    %mul3A_342 = arith.mulf %slice3A_334, %slice3A_334 : vector<512x128xf32>
    %mul3A_343 = arith.constant 4.471500e-02 : f32
    %mul3A_344 = vector.broadcast %mul3A_343 : f32 to vector<512x128xf32>
    %mul3A_345 = arith.mulf %mul3A_344, %mul3A_342 : vector<512x128xf32>
    %add3A_346 = arith.constant 1.000000e+00 : f32
    %add3A_347 = vector.broadcast %add3A_346 : f32 to vector<512x128xf32>
    %add3A_348 = arith.addf %add3A_347, %mul3A_345 : vector<512x128xf32>
    %mul3A_349 = arith.mulf %mul3A_341, %add3A_348 : vector<512x128xf32>
    %mul3A_350 = vector.broadcast %mul3A_338 : vector<512x1xf32> to vector<512x128xf32>
    %mul3A_351 = arith.mulf %mul3A_350, %slice3A_334 : vector<512x128xf32>
    %tanh3A_352 = math.tanh %mul3A_349 : vector<512x128xf32>
    %add3A_353 = arith.constant 1.000000e+00 : f32
    %add3A_354 = vector.broadcast %add3A_353 : f32 to vector<512x128xf32>
    %add3A_355 = arith.addf %add3A_354, %tanh3A_352 : vector<512x128xf32>
    %mul3A_356 = arith.mulf %mul3A_351, %add3A_355 : vector<512x128xf32>
    %convert_element_type3A_357 = arith.truncf %mul3A_356 : vector<512x128xf32> to vector<512x128xbf16>
    %swap3A_358 = arith.constant 0 : index
    %swap3A_359 = arith.constant 1536 : index
    %swap3A_360 = vector.load %arg6[%swap3A_358, %swap3A_359] : memref<512x2048xbf16, #tpu.memory_space<vmem>>, vector<512x128xbf16>
    tpu.vector_store %arg6[%swap3A_358, %swap3A_359], %convert_element_type3A_357 {strides = array<i32>} : memref<512x2048xbf16, #tpu.memory_space<vmem>>, vector<512x128xbf16>,
    %slice3A_361 = vector.extract_strided_slice %dot_general3A_9 {offsets = [0, 1664], sizes = [512, 128], strides = [1, 1]} : vector<512x2048xf32> to vector<512x128xf32>
    %slice3A_362 = vector.extract_strided_slice %get3A_14 {offsets = [0, 13], sizes = [512, 1], strides = [1, 1]} : vector<512x16xf32> to vector<512x1xf32>
    %mul3A_363 = arith.constant 5.000000e-01 : f32
    %mul3A_364 = vector.broadcast %mul3A_363 : f32 to vector<512x1xf32>
    %mul3A_365 = arith.mulf %slice3A_362, %mul3A_364 : vector<512x1xf32>
    %mul3A_366 = arith.constant 0.797884583 : f32
    %mul3A_367 = vector.broadcast %mul3A_366 : f32 to vector<512x128xf32>
    %mul3A_368 = arith.mulf %mul3A_367, %slice3A_361 : vector<512x128xf32>
    %mul3A_369 = arith.mulf %slice3A_361, %slice3A_361 : vector<512x128xf32>
    %mul3A_370 = arith.constant 4.471500e-02 : f32
    %mul3A_371 = vector.broadcast %mul3A_370 : f32 to vector<512x128xf32>
    %mul3A_372 = arith.mulf %mul3A_371, %mul3A_369 : vector<512x128xf32>
    %add3A_373 = arith.constant 1.000000e+00 : f32
    %add3A_374 = vector.broadcast %add3A_373 : f32 to vector<512x128xf32>
    %add3A_375 = arith.addf %add3A_374, %mul3A_372 : vector<512x128xf32>
    %mul3A_376 = arith.mulf %mul3A_368, %add3A_375 : vector<512x128xf32>
    %mul3A_377 = vector.broadcast %mul3A_365 : vector<512x1xf32> to vector<512x128xf32>
    %mul3A_378 = arith.mulf %mul3A_377, %slice3A_361 : vector<512x128xf32>
    %tanh3A_379 = math.tanh %mul3A_376 : vector<512x128xf32>
    %add3A_380 = arith.constant 1.000000e+00 : f32
    %add3A_381 = vector.broadcast %add3A_380 : f32 to vector<512x128xf32>
    %add3A_382 = arith.addf %add3A_381, %tanh3A_379 : vector<512x128xf32>
    %mul3A_383 = arith.mulf %mul3A_378, %add3A_382 : vector<512x128xf32>
    %convert_element_type3A_384 = arith.truncf %mul3A_383 : vector<512x128xf32> to vector<512x128xbf16>
    %swap3A_385 = arith.constant 0 : index
    %swap3A_386 = arith.constant 1664 : index
    %swap3A_387 = vector.load %arg6[%swap3A_385, %swap3A_386] : memref<512x2048xbf16, #tpu.memory_space<vmem>>, vector<512x128xbf16>
    tpu.vector_store %arg6[%swap3A_385, %swap3A_386], %convert_element_type3A_384 {strides = array<i32>} : memref<512x2048xbf16, #tpu.memory_space<vmem>>, vector<512x128xbf16>,
    %slice3A_388 = vector.extract_strided_slice %dot_general3A_9 {offsets = [0, 1792], sizes = [512, 128], strides = [1, 1]} : vector<512x2048xf32> to vector<512x128xf32>
    %slice3A_389 = vector.extract_strided_slice %get3A_14 {offsets = [0, 14], sizes = [512, 1], strides = [1, 1]} : vector<512x16xf32> to vector<512x1xf32>
    %mul3A_390 = arith.constant 5.000000e-01 : f32
    %mul3A_391 = vector.broadcast %mul3A_390 : f32 to vector<512x1xf32>
    %mul3A_392 = arith.mulf %slice3A_389, %mul3A_391 : vector<512x1xf32>
    %mul3A_393 = arith.constant 0.797884583 : f32
    %mul3A_394 = vector.broadcast %mul3A_393 : f32 to vector<512x128xf32>
    %mul3A_395 = arith.mulf %mul3A_394, %slice3A_388 : vector<512x128xf32>
    %mul3A_396 = arith.mulf %slice3A_388, %slice3A_388 : vector<512x128xf32>
    %mul3A_397 = arith.constant 4.471500e-02 : f32
    %mul3A_398 = vector.broadcast %mul3A_397 : f32 to vector<512x128xf32>
    %mul3A_399 = arith.mulf %mul3A_398, %mul3A_396 : vector<512x128xf32>
    %add3A_400 = arith.constant 1.000000e+00 : f32
    %add3A_401 = vector.broadcast %add3A_400 : f32 to vector<512x128xf32>
    %add3A_402 = arith.addf %add3A_401, %mul3A_399 : vector<512x128xf32>
    %mul3A_403 = arith.mulf %mul3A_395, %add3A_402 : vector<512x128xf32>
    %mul3A_404 = vector.broadcast %mul3A_392 : vector<512x1xf32> to vector<512x128xf32>
    %mul3A_405 = arith.mulf %mul3A_404, %slice3A_388 : vector<512x128xf32>
    %tanh3A_406 = math.tanh %mul3A_403 : vector<512x128xf32>
    %add3A_407 = arith.constant 1.000000e+00 : f32
    %add3A_408 = vector.broadcast %add3A_407 : f32 to vector<512x128xf32>
    %add3A_409 = arith.addf %add3A_408, %tanh3A_406 : vector<512x128xf32>
    %mul3A_410 = arith.mulf %mul3A_405, %add3A_409 : vector<512x128xf32>
    %convert_element_type3A_411 = arith.truncf %mul3A_410 : vector<512x128xf32> to vector<512x128xbf16>
    %swap3A_412 = arith.constant 0 : index
    %swap3A_413 = arith.constant 1792 : index
    %swap3A_414 = vector.load %arg6[%swap3A_412, %swap3A_413] : memref<512x2048xbf16, #tpu.memory_space<vmem>>, vector<512x128xbf16>
    tpu.vector_store %arg6[%swap3A_412, %swap3A_413], %convert_element_type3A_411 {strides = array<i32>} : memref<512x2048xbf16, #tpu.memory_space<vmem>>, vector<512x128xbf16>,
    %slice3A_415 = vector.extract_strided_slice %dot_general3A_9 {offsets = [0, 1920], sizes = [512, 128], strides = [1, 1]} : vector<512x2048xf32> to vector<512x128xf32>
    %slice3A_416 = vector.extract_strided_slice %get3A_14 {offsets = [0, 15], sizes = [512, 1], strides = [1, 1]} : vector<512x16xf32> to vector<512x1xf32>
    %mul3A_417 = arith.constant 5.000000e-01 : f32
    %mul3A_418 = vector.broadcast %mul3A_417 : f32 to vector<512x1xf32>
    %mul3A_419 = arith.mulf %slice3A_416, %mul3A_418 : vector<512x1xf32>
    %mul3A_420 = arith.constant 0.797884583 : f32
    %mul3A_421 = vector.broadcast %mul3A_420 : f32 to vector<512x128xf32>
    %mul3A_422 = arith.mulf %mul3A_421, %slice3A_415 : vector<512x128xf32>
    %mul3A_423 = arith.mulf %slice3A_415, %slice3A_415 : vector<512x128xf32>
    %mul3A_424 = arith.constant 4.471500e-02 : f32
    %mul3A_425 = vector.broadcast %mul3A_424 : f32 to vector<512x128xf32>
    %mul3A_426 = arith.mulf %mul3A_425, %mul3A_423 : vector<512x128xf32>
    %add3A_427 = arith.constant 1.000000e+00 : f32
    %add3A_428 = vector.broadcast %add3A_427 : f32 to vector<512x128xf32>
    %add3A_429 = arith.addf %add3A_428, %mul3A_426 : vector<512x128xf32>
    %mul3A_430 = arith.mulf %mul3A_422, %add3A_429 : vector<512x128xf32>
    %mul3A_431 = vector.broadcast %mul3A_419 : vector<512x1xf32> to vector<512x128xf32>
    %mul3A_432 = arith.mulf %mul3A_431, %slice3A_415 : vector<512x128xf32>
    %tanh3A_433 = math.tanh %mul3A_430 : vector<512x128xf32>
    %add3A_434 = arith.constant 1.000000e+00 : f32
    %add3A_435 = vector.broadcast %add3A_434 : f32 to vector<512x128xf32>
    %add3A_436 = arith.addf %add3A_435, %tanh3A_433 : vector<512x128xf32>
    %mul3A_437 = arith.mulf %mul3A_432, %add3A_436 : vector<512x128xf32>
    %convert_element_type3A_438 = arith.truncf %mul3A_437 : vector<512x128xf32> to vector<512x128xbf16>
    %swap3A_439 = arith.constant 0 : index
    %swap3A_440 = arith.constant 1920 : index
    %swap3A_441 = vector.load %arg6[%swap3A_439, %swap3A_440] : memref<512x2048xbf16, #tpu.memory_space<vmem>>, vector<512x128xbf16>
    tpu.vector_store %arg6[%swap3A_439, %swap3A_440], %convert_element_type3A_438 {strides = array<i32>} : memref<512x2048xbf16, #tpu.memory_space<vmem>>, vector<512x128xbf16>,
    %get3A_442 = arith.constant 0 : index
    %get3A_443 = arith.constant 0 : index
    %get3A_444 = vector.load %arg6[%get3A_442, %get3A_443] : memref<512x2048xbf16, #tpu.memory_space<vmem>>, vector<512x2048xbf16>
    %dot_general3A_445 = arith.constant dense<0.000000e+00> : vector<512x1024xf32>
    %dot_general3A_446 = tpu.matmul %get3A_444, %convert_element_type3A_5, %dot_general3A_445 {dimension_numbers = #tpu.dot_dimension_numbers<[1], [0], [0], [1], [0, 0, 1, 1], [], []>, transpose_lhs_hint = false} : vector<512x2048xbf16>, vector<2048x1024xbf16>, vector<512x1024xf32> -> vector<512x1024xf32>
    %eq3A = arith.constant 0 : i32
    %eq3A_447 = arith.cmpi eq, %arg0, %eq3A : i32
    %convert_element_type3A_448 = arith.extui %eq3A_447 : i1 to i32
    %cond3A = arith.constant 0 : i32
    %cond3A_449 = arith.cmpi ne, %convert_element_type3A_448, %cond3A : i32
    scf.if %cond3A_449 {
      %swap3A_1825 = arith.constant 0 : index
      %swap3A_1826 = arith.constant 0 : index
      %swap3A_1827 = vector.load %arg5[%swap3A_1825, %swap3A_1826] : memref<2048x1024xf32, #tpu.memory_space<vmem>>, vector<512x1024xf32>
      tpu.vector_store %arg5[%swap3A_1825, %swap3A_1826], %dot_general3A_446 {strides = array<i32>} : memref<2048x1024xf32, #tpu.memory_space<vmem>>, vector<512x1024xf32>,
    } else {
    }
    %ne3A = arith.constant 0 : i32
    %ne3A_450 = arith.cmpi ne, %arg0, %ne3A : i32
    %convert_element_type3A_451 = arith.extui %ne3A_450 : i1 to i32
    %cond3A_452 = arith.constant 0 : i32
    %cond3A_453 = arith.cmpi ne, %convert_element_type3A_451, %cond3A_452 : i32
    scf.if %cond3A_453 {
      %get3A_1825 = arith.constant 0 : index
      %get3A_1826 = arith.constant 0 : index
      %get3A_1827 = vector.load %arg5[%get3A_1825, %get3A_1826] : memref<2048x1024xf32, #tpu.memory_space<vmem>>, vector<512x1024xf32>
      %add3A_1828 = arith.addf %get3A_1827, %dot_general3A_446 : vector<512x1024xf32>
      %swap3A_1829 = arith.constant 0 : index
      %swap3A_1830 = arith.constant 0 : index
      %swap3A_1831 = vector.load %arg5[%swap3A_1829, %swap3A_1830] : memref<2048x1024xf32, #tpu.memory_space<vmem>>, vector<512x1024xf32>
      tpu.vector_store %arg5[%swap3A_1829, %swap3A_1830], %add3A_1828 {strides = array<i32>} : memref<2048x1024xf32, #tpu.memory_space<vmem>>, vector<512x1024xf32>,
    } else {
    }
    %get3A_454 = arith.constant 512 : index
    %get3A_455 = arith.constant 0 : index
    %get3A_456 = vector.load %arg1[%get3A_454, %get3A_455] : memref<2048x1024xbf16, #tpu.memory_space<vmem>>, vector<512x1024xbf16>
    %dot_general3A_457 = arith.constant dense<0.000000e+00> : vector<512x2048xf32>
    %dot_general3A_458 = tpu.matmul %get3A_456, %convert_element_type3A, %dot_general3A_457 {dimension_numbers = #tpu.dot_dimension_numbers<[1], [0], [0], [1], [0, 0, 1, 1], [], []>, transpose_lhs_hint = false} : vector<512x1024xbf16>, vector<1024x2048xbf16>, vector<512x2048xf32> -> vector<512x2048xf32>
    %get3A_459 = arith.constant 0 : index
    %get3A_460 = arith.constant 512 : index
    %get3A_461 = arith.constant 0 : index
    %get3A_462 = vector.load %arg2[%get3A_459, %get3A_460, %get3A_461] : memref<1x2048x16xf32, #tpu.memory_space<vmem>>, vector<1x512x16xf32>
    %get3A_463 = vector.shape_cast %get3A_462 : vector<1x512x16xf32> to vector<512x16xf32>
    %slice3A_464 = vector.extract_strided_slice %dot_general3A_458 {offsets = [0, 0], sizes = [512, 128], strides = [1, 1]} : vector<512x2048xf32> to vector<512x128xf32>
    %slice3A_465 = vector.extract_strided_slice %get3A_463 {offsets = [0, 0], sizes = [512, 1], strides = [1, 1]} : vector<512x16xf32> to vector<512x1xf32>
    %mul3A_466 = arith.constant 5.000000e-01 : f32
    %mul3A_467 = vector.broadcast %mul3A_466 : f32 to vector<512x1xf32>
    %mul3A_468 = arith.mulf %slice3A_465, %mul3A_467 : vector<512x1xf32>
    %mul3A_469 = arith.constant 0.797884583 : f32
    %mul3A_470 = vector.broadcast %mul3A_469 : f32 to vector<512x128xf32>
    %mul3A_471 = arith.mulf %mul3A_470, %slice3A_464 : vector<512x128xf32>
    %mul3A_472 = arith.mulf %slice3A_464, %slice3A_464 : vector<512x128xf32>
    %mul3A_473 = arith.constant 4.471500e-02 : f32
    %mul3A_474 = vector.broadcast %mul3A_473 : f32 to vector<512x128xf32>
    %mul3A_475 = arith.mulf %mul3A_474, %mul3A_472 : vector<512x128xf32>
    %add3A_476 = arith.constant 1.000000e+00 : f32
    %add3A_477 = vector.broadcast %add3A_476 : f32 to vector<512x128xf32>
    %add3A_478 = arith.addf %add3A_477, %mul3A_475 : vector<512x128xf32>
    %mul3A_479 = arith.mulf %mul3A_471, %add3A_478 : vector<512x128xf32>
    %mul3A_480 = vector.broadcast %mul3A_468 : vector<512x1xf32> to vector<512x128xf32>
    %mul3A_481 = arith.mulf %mul3A_480, %slice3A_464 : vector<512x128xf32>
    %tanh3A_482 = math.tanh %mul3A_479 : vector<512x128xf32>
    %add3A_483 = arith.constant 1.000000e+00 : f32
    %add3A_484 = vector.broadcast %add3A_483 : f32 to vector<512x128xf32>
    %add3A_485 = arith.addf %add3A_484, %tanh3A_482 : vector<512x128xf32>
    %mul3A_486 = arith.mulf %mul3A_481, %add3A_485 : vector<512x128xf32>
    %convert_element_type3A_487 = arith.truncf %mul3A_486 : vector<512x128xf32> to vector<512x128xbf16>
    %swap3A_488 = arith.constant 0 : index
    %swap3A_489 = arith.constant 0 : index
    %swap3A_490 = vector.load %arg7[%swap3A_488, %swap3A_489] : memref<512x2048xbf16, #tpu.memory_space<vmem>>, vector<512x128xbf16>
    tpu.vector_store %arg7[%swap3A_488, %swap3A_489], %convert_element_type3A_487 {strides = array<i32>} : memref<512x2048xbf16, #tpu.memory_space<vmem>>, vector<512x128xbf16>,
    %slice3A_491 = vector.extract_strided_slice %dot_general3A_458 {offsets = [0, 128], sizes = [512, 128], strides = [1, 1]} : vector<512x2048xf32> to vector<512x128xf32>
    %slice3A_492 = vector.extract_strided_slice %get3A_463 {offsets = [0, 1], sizes = [512, 1], strides = [1, 1]} : vector<512x16xf32> to vector<512x1xf32>
    %mul3A_493 = arith.constant 5.000000e-01 : f32
    %mul3A_494 = vector.broadcast %mul3A_493 : f32 to vector<512x1xf32>
    %mul3A_495 = arith.mulf %slice3A_492, %mul3A_494 : vector<512x1xf32>
    %mul3A_496 = arith.constant 0.797884583 : f32
    %mul3A_497 = vector.broadcast %mul3A_496 : f32 to vector<512x128xf32>
    %mul3A_498 = arith.mulf %mul3A_497, %slice3A_491 : vector<512x128xf32>
    %mul3A_499 = arith.mulf %slice3A_491, %slice3A_491 : vector<512x128xf32>
    %mul3A_500 = arith.constant 4.471500e-02 : f32
    %mul3A_501 = vector.broadcast %mul3A_500 : f32 to vector<512x128xf32>
    %mul3A_502 = arith.mulf %mul3A_501, %mul3A_499 : vector<512x128xf32>
    %add3A_503 = arith.constant 1.000000e+00 : f32
    %add3A_504 = vector.broadcast %add3A_503 : f32 to vector<512x128xf32>
    %add3A_505 = arith.addf %add3A_504, %mul3A_502 : vector<512x128xf32>
    %mul3A_506 = arith.mulf %mul3A_498, %add3A_505 : vector<512x128xf32>
    %mul3A_507 = vector.broadcast %mul3A_495 : vector<512x1xf32> to vector<512x128xf32>
    %mul3A_508 = arith.mulf %mul3A_507, %slice3A_491 : vector<512x128xf32>
    %tanh3A_509 = math.tanh %mul3A_506 : vector<512x128xf32>
    %add3A_510 = arith.constant 1.000000e+00 : f32
    %add3A_511 = vector.broadcast %add3A_510 : f32 to vector<512x128xf32>
    %add3A_512 = arith.addf %add3A_511, %tanh3A_509 : vector<512x128xf32>
    %mul3A_513 = arith.mulf %mul3A_508, %add3A_512 : vector<512x128xf32>
    %convert_element_type3A_514 = arith.truncf %mul3A_513 : vector<512x128xf32> to vector<512x128xbf16>
    %swap3A_515 = arith.constant 0 : index
    %swap3A_516 = arith.constant 128 : index
    %swap3A_517 = vector.load %arg7[%swap3A_515, %swap3A_516] : memref<512x2048xbf16, #tpu.memory_space<vmem>>, vector<512x128xbf16>
    tpu.vector_store %arg7[%swap3A_515, %swap3A_516], %convert_element_type3A_514 {strides = array<i32>} : memref<512x2048xbf16, #tpu.memory_space<vmem>>, vector<512x128xbf16>,
    %slice3A_518 = vector.extract_strided_slice %dot_general3A_458 {offsets = [0, 256], sizes = [512, 128], strides = [1, 1]} : vector<512x2048xf32> to vector<512x128xf32>
    %slice3A_519 = vector.extract_strided_slice %get3A_463 {offsets = [0, 2], sizes = [512, 1], strides = [1, 1]} : vector<512x16xf32> to vector<512x1xf32>
    %mul3A_520 = arith.constant 5.000000e-01 : f32
    %mul3A_521 = vector.broadcast %mul3A_520 : f32 to vector<512x1xf32>
    %mul3A_522 = arith.mulf %slice3A_519, %mul3A_521 : vector<512x1xf32>
    %mul3A_523 = arith.constant 0.797884583 : f32
    %mul3A_524 = vector.broadcast %mul3A_523 : f32 to vector<512x128xf32>
    %mul3A_525 = arith.mulf %mul3A_524, %slice3A_518 : vector<512x128xf32>
    %mul3A_526 = arith.mulf %slice3A_518, %slice3A_518 : vector<512x128xf32>
    %mul3A_527 = arith.constant 4.471500e-02 : f32
    %mul3A_528 = vector.broadcast %mul3A_527 : f32 to vector<512x128xf32>
    %mul3A_529 = arith.mulf %mul3A_528, %mul3A_526 : vector<512x128xf32>
    %add3A_530 = arith.constant 1.000000e+00 : f32
    %add3A_531 = vector.broadcast %add3A_530 : f32 to vector<512x128xf32>
    %add3A_532 = arith.addf %add3A_531, %mul3A_529 : vector<512x128xf32>
    %mul3A_533 = arith.mulf %mul3A_525, %add3A_532 : vector<512x128xf32>
    %mul3A_534 = vector.broadcast %mul3A_522 : vector<512x1xf32> to vector<512x128xf32>
    %mul3A_535 = arith.mulf %mul3A_534, %slice3A_518 : vector<512x128xf32>
    %tanh3A_536 = math.tanh %mul3A_533 : vector<512x128xf32>
    %add3A_537 = arith.constant 1.000000e+00 : f32
    %add3A_538 = vector.broadcast %add3A_537 : f32 to vector<512x128xf32>
    %add3A_539 = arith.addf %add3A_538, %tanh3A_536 : vector<512x128xf32>
    %mul3A_540 = arith.mulf %mul3A_535, %add3A_539 : vector<512x128xf32>
    %convert_element_type3A_541 = arith.truncf %mul3A_540 : vector<512x128xf32> to vector<512x128xbf16>
    %swap3A_542 = arith.constant 0 : index
    %swap3A_543 = arith.constant 256 : index
    %swap3A_544 = vector.load %arg7[%swap3A_542, %swap3A_543] : memref<512x2048xbf16, #tpu.memory_space<vmem>>, vector<512x128xbf16>
    tpu.vector_store %arg7[%swap3A_542, %swap3A_543], %convert_element_type3A_541 {strides = array<i32>} : memref<512x2048xbf16, #tpu.memory_space<vmem>>, vector<512x128xbf16>,
    %slice3A_545 = vector.extract_strided_slice %dot_general3A_458 {offsets = [0, 384], sizes = [512, 128], strides = [1, 1]} : vector<512x2048xf32> to vector<512x128xf32>
    %slice3A_546 = vector.extract_strided_slice %get3A_463 {offsets = [0, 3], sizes = [512, 1], strides = [1, 1]} : vector<512x16xf32> to vector<512x1xf32>
    %mul3A_547 = arith.constant 5.000000e-01 : f32
    %mul3A_548 = vector.broadcast %mul3A_547 : f32 to vector<512x1xf32>
    %mul3A_549 = arith.mulf %slice3A_546, %mul3A_548 : vector<512x1xf32>
    %mul3A_550 = arith.constant 0.797884583 : f32
    %mul3A_551 = vector.broadcast %mul3A_550 : f32 to vector<512x128xf32>
    %mul3A_552 = arith.mulf %mul3A_551, %slice3A_545 : vector<512x128xf32>
    %mul3A_553 = arith.mulf %slice3A_545, %slice3A_545 : vector<512x128xf32>
    %mul3A_554 = arith.constant 4.471500e-02 : f32
    %mul3A_555 = vector.broadcast %mul3A_554 : f32 to vector<512x128xf32>
    %mul3A_556 = arith.mulf %mul3A_555, %mul3A_553 : vector<512x128xf32>
    %add3A_557 = arith.constant 1.000000e+00 : f32
    %add3A_558 = vector.broadcast %add3A_557 : f32 to vector<512x128xf32>
    %add3A_559 = arith.addf %add3A_558, %mul3A_556 : vector<512x128xf32>
    %mul3A_560 = arith.mulf %mul3A_552, %add3A_559 : vector<512x128xf32>
    %mul3A_561 = vector.broadcast %mul3A_549 : vector<512x1xf32> to vector<512x128xf32>
    %mul3A_562 = arith.mulf %mul3A_561, %slice3A_545 : vector<512x128xf32>
    %tanh3A_563 = math.tanh %mul3A_560 : vector<512x128xf32>
    %add3A_564 = arith.constant 1.000000e+00 : f32
    %add3A_565 = vector.broadcast %add3A_564 : f32 to vector<512x128xf32>
    %add3A_566 = arith.addf %add3A_565, %tanh3A_563 : vector<512x128xf32>
    %mul3A_567 = arith.mulf %mul3A_562, %add3A_566 : vector<512x128xf32>
    %convert_element_type3A_568 = arith.truncf %mul3A_567 : vector<512x128xf32> to vector<512x128xbf16>
    %swap3A_569 = arith.constant 0 : index
    %swap3A_570 = arith.constant 384 : index
    %swap3A_571 = vector.load %arg7[%swap3A_569, %swap3A_570] : memref<512x2048xbf16, #tpu.memory_space<vmem>>, vector<512x128xbf16>
    tpu.vector_store %arg7[%swap3A_569, %swap3A_570], %convert_element_type3A_568 {strides = array<i32>} : memref<512x2048xbf16, #tpu.memory_space<vmem>>, vector<512x128xbf16>,
    %slice3A_572 = vector.extract_strided_slice %dot_general3A_458 {offsets = [0, 512], sizes = [512, 128], strides = [1, 1]} : vector<512x2048xf32> to vector<512x128xf32>
    %slice3A_573 = vector.extract_strided_slice %get3A_463 {offsets = [0, 4], sizes = [512, 1], strides = [1, 1]} : vector<512x16xf32> to vector<512x1xf32>
    %mul3A_574 = arith.constant 5.000000e-01 : f32
    %mul3A_575 = vector.broadcast %mul3A_574 : f32 to vector<512x1xf32>
    %mul3A_576 = arith.mulf %slice3A_573, %mul3A_575 : vector<512x1xf32>
    %mul3A_577 = arith.constant 0.797884583 : f32
    %mul3A_578 = vector.broadcast %mul3A_577 : f32 to vector<512x128xf32>
    %mul3A_579 = arith.mulf %mul3A_578, %slice3A_572 : vector<512x128xf32>
    %mul3A_580 = arith.mulf %slice3A_572, %slice3A_572 : vector<512x128xf32>
    %mul3A_581 = arith.constant 4.471500e-02 : f32
    %mul3A_582 = vector.broadcast %mul3A_581 : f32 to vector<512x128xf32>
    %mul3A_583 = arith.mulf %mul3A_582, %mul3A_580 : vector<512x128xf32>
    %add3A_584 = arith.constant 1.000000e+00 : f32
    %add3A_585 = vector.broadcast %add3A_584 : f32 to vector<512x128xf32>
    %add3A_586 = arith.addf %add3A_585, %mul3A_583 : vector<512x128xf32>
    %mul3A_587 = arith.mulf %mul3A_579, %add3A_586 : vector<512x128xf32>
    %mul3A_588 = vector.broadcast %mul3A_576 : vector<512x1xf32> to vector<512x128xf32>
    %mul3A_589 = arith.mulf %mul3A_588, %slice3A_572 : vector<512x128xf32>
    %tanh3A_590 = math.tanh %mul3A_587 : vector<512x128xf32>
    %add3A_591 = arith.constant 1.000000e+00 : f32
    %add3A_592 = vector.broadcast %add3A_591 : f32 to vector<512x128xf32>
    %add3A_593 = arith.addf %add3A_592, %tanh3A_590 : vector<512x128xf32>
    %mul3A_594 = arith.mulf %mul3A_589, %add3A_593 : vector<512x128xf32>
    %convert_element_type3A_595 = arith.truncf %mul3A_594 : vector<512x128xf32> to vector<512x128xbf16>
    %swap3A_596 = arith.constant 0 : index
    %swap3A_597 = arith.constant 512 : index
    %swap3A_598 = vector.load %arg7[%swap3A_596, %swap3A_597] : memref<512x2048xbf16, #tpu.memory_space<vmem>>, vector<512x128xbf16>
    tpu.vector_store %arg7[%swap3A_596, %swap3A_597], %convert_element_type3A_595 {strides = array<i32>} : memref<512x2048xbf16, #tpu.memory_space<vmem>>, vector<512x128xbf16>,
    %slice3A_599 = vector.extract_strided_slice %dot_general3A_458 {offsets = [0, 640], sizes = [512, 128], strides = [1, 1]} : vector<512x2048xf32> to vector<512x128xf32>
    %slice3A_600 = vector.extract_strided_slice %get3A_463 {offsets = [0, 5], sizes = [512, 1], strides = [1, 1]} : vector<512x16xf32> to vector<512x1xf32>
    %mul3A_601 = arith.constant 5.000000e-01 : f32
    %mul3A_602 = vector.broadcast %mul3A_601 : f32 to vector<512x1xf32>
    %mul3A_603 = arith.mulf %slice3A_600, %mul3A_602 : vector<512x1xf32>
    %mul3A_604 = arith.constant 0.797884583 : f32
    %mul3A_605 = vector.broadcast %mul3A_604 : f32 to vector<512x128xf32>
    %mul3A_606 = arith.mulf %mul3A_605, %slice3A_599 : vector<512x128xf32>
    %mul3A_607 = arith.mulf %slice3A_599, %slice3A_599 : vector<512x128xf32>
    %mul3A_608 = arith.constant 4.471500e-02 : f32
    %mul3A_609 = vector.broadcast %mul3A_608 : f32 to vector<512x128xf32>
    %mul3A_610 = arith.mulf %mul3A_609, %mul3A_607 : vector<512x128xf32>
    %add3A_611 = arith.constant 1.000000e+00 : f32
    %add3A_612 = vector.broadcast %add3A_611 : f32 to vector<512x128xf32>
    %add3A_613 = arith.addf %add3A_612, %mul3A_610 : vector<512x128xf32>
    %mul3A_614 = arith.mulf %mul3A_606, %add3A_613 : vector<512x128xf32>
    %mul3A_615 = vector.broadcast %mul3A_603 : vector<512x1xf32> to vector<512x128xf32>
    %mul3A_616 = arith.mulf %mul3A_615, %slice3A_599 : vector<512x128xf32>
    %tanh3A_617 = math.tanh %mul3A_614 : vector<512x128xf32>
    %add3A_618 = arith.constant 1.000000e+00 : f32
    %add3A_619 = vector.broadcast %add3A_618 : f32 to vector<512x128xf32>
    %add3A_620 = arith.addf %add3A_619, %tanh3A_617 : vector<512x128xf32>
    %mul3A_621 = arith.mulf %mul3A_616, %add3A_620 : vector<512x128xf32>
    %convert_element_type3A_622 = arith.truncf %mul3A_621 : vector<512x128xf32> to vector<512x128xbf16>
    %swap3A_623 = arith.constant 0 : index
    %swap3A_624 = arith.constant 640 : index
    %swap3A_625 = vector.load %arg7[%swap3A_623, %swap3A_624] : memref<512x2048xbf16, #tpu.memory_space<vmem>>, vector<512x128xbf16>
    tpu.vector_store %arg7[%swap3A_623, %swap3A_624], %convert_element_type3A_622 {strides = array<i32>} : memref<512x2048xbf16, #tpu.memory_space<vmem>>, vector<512x128xbf16>,
    %slice3A_626 = vector.extract_strided_slice %dot_general3A_458 {offsets = [0, 768], sizes = [512, 128], strides = [1, 1]} : vector<512x2048xf32> to vector<512x128xf32>
    %slice3A_627 = vector.extract_strided_slice %get3A_463 {offsets = [0, 6], sizes = [512, 1], strides = [1, 1]} : vector<512x16xf32> to vector<512x1xf32>
    %mul3A_628 = arith.constant 5.000000e-01 : f32
    %mul3A_629 = vector.broadcast %mul3A_628 : f32 to vector<512x1xf32>
    %mul3A_630 = arith.mulf %slice3A_627, %mul3A_629 : vector<512x1xf32>
    %mul3A_631 = arith.constant 0.797884583 : f32
    %mul3A_632 = vector.broadcast %mul3A_631 : f32 to vector<512x128xf32>
    %mul3A_633 = arith.mulf %mul3A_632, %slice3A_626 : vector<512x128xf32>
    %mul3A_634 = arith.mulf %slice3A_626, %slice3A_626 : vector<512x128xf32>
    %mul3A_635 = arith.constant 4.471500e-02 : f32
    %mul3A_636 = vector.broadcast %mul3A_635 : f32 to vector<512x128xf32>
    %mul3A_637 = arith.mulf %mul3A_636, %mul3A_634 : vector<512x128xf32>
    %add3A_638 = arith.constant 1.000000e+00 : f32
    %add3A_639 = vector.broadcast %add3A_638 : f32 to vector<512x128xf32>
    %add3A_640 = arith.addf %add3A_639, %mul3A_637 : vector<512x128xf32>
    %mul3A_641 = arith.mulf %mul3A_633, %add3A_640 : vector<512x128xf32>
    %mul3A_642 = vector.broadcast %mul3A_630 : vector<512x1xf32> to vector<512x128xf32>
    %mul3A_643 = arith.mulf %mul3A_642, %slice3A_626 : vector<512x128xf32>
    %tanh3A_644 = math.tanh %mul3A_641 : vector<512x128xf32>
    %add3A_645 = arith.constant 1.000000e+00 : f32
    %add3A_646 = vector.broadcast %add3A_645 : f32 to vector<512x128xf32>
    %add3A_647 = arith.addf %add3A_646, %tanh3A_644 : vector<512x128xf32>
    %mul3A_648 = arith.mulf %mul3A_643, %add3A_647 : vector<512x128xf32>
    %convert_element_type3A_649 = arith.truncf %mul3A_648 : vector<512x128xf32> to vector<512x128xbf16>
    %swap3A_650 = arith.constant 0 : index
    %swap3A_651 = arith.constant 768 : index
    %swap3A_652 = vector.load %arg7[%swap3A_650, %swap3A_651] : memref<512x2048xbf16, #tpu.memory_space<vmem>>, vector<512x128xbf16>
    tpu.vector_store %arg7[%swap3A_650, %swap3A_651], %convert_element_type3A_649 {strides = array<i32>} : memref<512x2048xbf16, #tpu.memory_space<vmem>>, vector<512x128xbf16>,
    %slice3A_653 = vector.extract_strided_slice %dot_general3A_458 {offsets = [0, 896], sizes = [512, 128], strides = [1, 1]} : vector<512x2048xf32> to vector<512x128xf32>
    %slice3A_654 = vector.extract_strided_slice %get3A_463 {offsets = [0, 7], sizes = [512, 1], strides = [1, 1]} : vector<512x16xf32> to vector<512x1xf32>
    %mul3A_655 = arith.constant 5.000000e-01 : f32
    %mul3A_656 = vector.broadcast %mul3A_655 : f32 to vector<512x1xf32>
    %mul3A_657 = arith.mulf %slice3A_654, %mul3A_656 : vector<512x1xf32>
    %mul3A_658 = arith.constant 0.797884583 : f32
    %mul3A_659 = vector.broadcast %mul3A_658 : f32 to vector<512x128xf32>
    %mul3A_660 = arith.mulf %mul3A_659, %slice3A_653 : vector<512x128xf32>
    %mul3A_661 = arith.mulf %slice3A_653, %slice3A_653 : vector<512x128xf32>
    %mul3A_662 = arith.constant 4.471500e-02 : f32
    %mul3A_663 = vector.broadcast %mul3A_662 : f32 to vector<512x128xf32>
    %mul3A_664 = arith.mulf %mul3A_663, %mul3A_661 : vector<512x128xf32>
    %add3A_665 = arith.constant 1.000000e+00 : f32
    %add3A_666 = vector.broadcast %add3A_665 : f32 to vector<512x128xf32>
    %add3A_667 = arith.addf %add3A_666, %mul3A_664 : vector<512x128xf32>
    %mul3A_668 = arith.mulf %mul3A_660, %add3A_667 : vector<512x128xf32>
    %mul3A_669 = vector.broadcast %mul3A_657 : vector<512x1xf32> to vector<512x128xf32>
    %mul3A_670 = arith.mulf %mul3A_669, %slice3A_653 : vector<512x128xf32>
    %tanh3A_671 = math.tanh %mul3A_668 : vector<512x128xf32>
    %add3A_672 = arith.constant 1.000000e+00 : f32
    %add3A_673 = vector.broadcast %add3A_672 : f32 to vector<512x128xf32>
    %add3A_674 = arith.addf %add3A_673, %tanh3A_671 : vector<512x128xf32>
    %mul3A_675 = arith.mulf %mul3A_670, %add3A_674 : vector<512x128xf32>
    %convert_element_type3A_676 = arith.truncf %mul3A_675 : vector<512x128xf32> to vector<512x128xbf16>
    %swap3A_677 = arith.constant 0 : index
    %swap3A_678 = arith.constant 896 : index
    %swap3A_679 = vector.load %arg7[%swap3A_677, %swap3A_678] : memref<512x2048xbf16, #tpu.memory_space<vmem>>, vector<512x128xbf16>
    tpu.vector_store %arg7[%swap3A_677, %swap3A_678], %convert_element_type3A_676 {strides = array<i32>} : memref<512x2048xbf16, #tpu.memory_space<vmem>>, vector<512x128xbf16>,
    %slice3A_680 = vector.extract_strided_slice %dot_general3A_458 {offsets = [0, 1024], sizes = [512, 128], strides = [1, 1]} : vector<512x2048xf32> to vector<512x128xf32>
    %slice3A_681 = vector.extract_strided_slice %get3A_463 {offsets = [0, 8], sizes = [512, 1], strides = [1, 1]} : vector<512x16xf32> to vector<512x1xf32>
    %mul3A_682 = arith.constant 5.000000e-01 : f32
    %mul3A_683 = vector.broadcast %mul3A_682 : f32 to vector<512x1xf32>
    %mul3A_684 = arith.mulf %slice3A_681, %mul3A_683 : vector<512x1xf32>
    %mul3A_685 = arith.constant 0.797884583 : f32
    %mul3A_686 = vector.broadcast %mul3A_685 : f32 to vector<512x128xf32>
    %mul3A_687 = arith.mulf %mul3A_686, %slice3A_680 : vector<512x128xf32>
    %mul3A_688 = arith.mulf %slice3A_680, %slice3A_680 : vector<512x128xf32>
    %mul3A_689 = arith.constant 4.471500e-02 : f32
    %mul3A_690 = vector.broadcast %mul3A_689 : f32 to vector<512x128xf32>
    %mul3A_691 = arith.mulf %mul3A_690, %mul3A_688 : vector<512x128xf32>
    %add3A_692 = arith.constant 1.000000e+00 : f32
    %add3A_693 = vector.broadcast %add3A_692 : f32 to vector<512x128xf32>
    %add3A_694 = arith.addf %add3A_693, %mul3A_691 : vector<512x128xf32>
    %mul3A_695 = arith.mulf %mul3A_687, %add3A_694 : vector<512x128xf32>
    %mul3A_696 = vector.broadcast %mul3A_684 : vector<512x1xf32> to vector<512x128xf32>
    %mul3A_697 = arith.mulf %mul3A_696, %slice3A_680 : vector<512x128xf32>
    %tanh3A_698 = math.tanh %mul3A_695 : vector<512x128xf32>
    %add3A_699 = arith.constant 1.000000e+00 : f32
    %add3A_700 = vector.broadcast %add3A_699 : f32 to vector<512x128xf32>
    %add3A_701 = arith.addf %add3A_700, %tanh3A_698 : vector<512x128xf32>
    %mul3A_702 = arith.mulf %mul3A_697, %add3A_701 : vector<512x128xf32>
    %convert_element_type3A_703 = arith.truncf %mul3A_702 : vector<512x128xf32> to vector<512x128xbf16>
    %swap3A_704 = arith.constant 0 : index
    %swap3A_705 = arith.constant 1024 : index
    %swap3A_706 = vector.load %arg7[%swap3A_704, %swap3A_705] : memref<512x2048xbf16, #tpu.memory_space<vmem>>, vector<512x128xbf16>
    tpu.vector_store %arg7[%swap3A_704, %swap3A_705], %convert_element_type3A_703 {strides = array<i32>} : memref<512x2048xbf16, #tpu.memory_space<vmem>>, vector<512x128xbf16>,
    %slice3A_707 = vector.extract_strided_slice %dot_general3A_458 {offsets = [0, 1152], sizes = [512, 128], strides = [1, 1]} : vector<512x2048xf32> to vector<512x128xf32>
    %slice3A_708 = vector.extract_strided_slice %get3A_463 {offsets = [0, 9], sizes = [512, 1], strides = [1, 1]} : vector<512x16xf32> to vector<512x1xf32>
    %mul3A_709 = arith.constant 5.000000e-01 : f32
    %mul3A_710 = vector.broadcast %mul3A_709 : f32 to vector<512x1xf32>
    %mul3A_711 = arith.mulf %slice3A_708, %mul3A_710 : vector<512x1xf32>
    %mul3A_712 = arith.constant 0.797884583 : f32
    %mul3A_713 = vector.broadcast %mul3A_712 : f32 to vector<512x128xf32>
    %mul3A_714 = arith.mulf %mul3A_713, %slice3A_707 : vector<512x128xf32>
    %mul3A_715 = arith.mulf %slice3A_707, %slice3A_707 : vector<512x128xf32>
    %mul3A_716 = arith.constant 4.471500e-02 : f32
    %mul3A_717 = vector.broadcast %mul3A_716 : f32 to vector<512x128xf32>
    %mul3A_718 = arith.mulf %mul3A_717, %mul3A_715 : vector<512x128xf32>
    %add3A_719 = arith.constant 1.000000e+00 : f32
    %add3A_720 = vector.broadcast %add3A_719 : f32 to vector<512x128xf32>
    %add3A_721 = arith.addf %add3A_720, %mul3A_718 : vector<512x128xf32>
    %mul3A_722 = arith.mulf %mul3A_714, %add3A_721 : vector<512x128xf32>
    %mul3A_723 = vector.broadcast %mul3A_711 : vector<512x1xf32> to vector<512x128xf32>
    %mul3A_724 = arith.mulf %mul3A_723, %slice3A_707 : vector<512x128xf32>
    %tanh3A_725 = math.tanh %mul3A_722 : vector<512x128xf32>
    %add3A_726 = arith.constant 1.000000e+00 : f32
    %add3A_727 = vector.broadcast %add3A_726 : f32 to vector<512x128xf32>
    %add3A_728 = arith.addf %add3A_727, %tanh3A_725 : vector<512x128xf32>
    %mul3A_729 = arith.mulf %mul3A_724, %add3A_728 : vector<512x128xf32>
    %convert_element_type3A_730 = arith.truncf %mul3A_729 : vector<512x128xf32> to vector<512x128xbf16>
    %swap3A_731 = arith.constant 0 : index
    %swap3A_732 = arith.constant 1152 : index
    %swap3A_733 = vector.load %arg7[%swap3A_731, %swap3A_732] : memref<512x2048xbf16, #tpu.memory_space<vmem>>, vector<512x128xbf16>
    tpu.vector_store %arg7[%swap3A_731, %swap3A_732], %convert_element_type3A_730 {strides = array<i32>} : memref<512x2048xbf16, #tpu.memory_space<vmem>>, vector<512x128xbf16>,
    %slice3A_734 = vector.extract_strided_slice %dot_general3A_458 {offsets = [0, 1280], sizes = [512, 128], strides = [1, 1]} : vector<512x2048xf32> to vector<512x128xf32>
    %slice3A_735 = vector.extract_strided_slice %get3A_463 {offsets = [0, 10], sizes = [512, 1], strides = [1, 1]} : vector<512x16xf32> to vector<512x1xf32>
    %mul3A_736 = arith.constant 5.000000e-01 : f32
    %mul3A_737 = vector.broadcast %mul3A_736 : f32 to vector<512x1xf32>
    %mul3A_738 = arith.mulf %slice3A_735, %mul3A_737 : vector<512x1xf32>
    %mul3A_739 = arith.constant 0.797884583 : f32
    %mul3A_740 = vector.broadcast %mul3A_739 : f32 to vector<512x128xf32>
    %mul3A_741 = arith.mulf %mul3A_740, %slice3A_734 : vector<512x128xf32>
    %mul3A_742 = arith.mulf %slice3A_734, %slice3A_734 : vector<512x128xf32>
    %mul3A_743 = arith.constant 4.471500e-02 : f32
    %mul3A_744 = vector.broadcast %mul3A_743 : f32 to vector<512x128xf32>
    %mul3A_745 = arith.mulf %mul3A_744, %mul3A_742 : vector<512x128xf32>
    %add3A_746 = arith.constant 1.000000e+00 : f32
    %add3A_747 = vector.broadcast %add3A_746 : f32 to vector<512x128xf32>
    %add3A_748 = arith.addf %add3A_747, %mul3A_745 : vector<512x128xf32>
    %mul3A_749 = arith.mulf %mul3A_741, %add3A_748 : vector<512x128xf32>
    %mul3A_750 = vector.broadcast %mul3A_738 : vector<512x1xf32> to vector<512x128xf32>
    %mul3A_751 = arith.mulf %mul3A_750, %slice3A_734 : vector<512x128xf32>
    %tanh3A_752 = math.tanh %mul3A_749 : vector<512x128xf32>
    %add3A_753 = arith.constant 1.000000e+00 : f32
    %add3A_754 = vector.broadcast %add3A_753 : f32 to vector<512x128xf32>
    %add3A_755 = arith.addf %add3A_754, %tanh3A_752 : vector<512x128xf32>
    %mul3A_756 = arith.mulf %mul3A_751, %add3A_755 : vector<512x128xf32>
    %convert_element_type3A_757 = arith.truncf %mul3A_756 : vector<512x128xf32> to vector<512x128xbf16>
    %swap3A_758 = arith.constant 0 : index
    %swap3A_759 = arith.constant 1280 : index
    %swap3A_760 = vector.load %arg7[%swap3A_758, %swap3A_759] : memref<512x2048xbf16, #tpu.memory_space<vmem>>, vector<512x128xbf16>
    tpu.vector_store %arg7[%swap3A_758, %swap3A_759], %convert_element_type3A_757 {strides = array<i32>} : memref<512x2048xbf16, #tpu.memory_space<vmem>>, vector<512x128xbf16>,
    %slice3A_761 = vector.extract_strided_slice %dot_general3A_458 {offsets = [0, 1408], sizes = [512, 128], strides = [1, 1]} : vector<512x2048xf32> to vector<512x128xf32>
    %slice3A_762 = vector.extract_strided_slice %get3A_463 {offsets = [0, 11], sizes = [512, 1], strides = [1, 1]} : vector<512x16xf32> to vector<512x1xf32>
    %mul3A_763 = arith.constant 5.000000e-01 : f32
    %mul3A_764 = vector.broadcast %mul3A_763 : f32 to vector<512x1xf32>
    %mul3A_765 = arith.mulf %slice3A_762, %mul3A_764 : vector<512x1xf32>
    %mul3A_766 = arith.constant 0.797884583 : f32
    %mul3A_767 = vector.broadcast %mul3A_766 : f32 to vector<512x128xf32>
    %mul3A_768 = arith.mulf %mul3A_767, %slice3A_761 : vector<512x128xf32>
    %mul3A_769 = arith.mulf %slice3A_761, %slice3A_761 : vector<512x128xf32>
    %mul3A_770 = arith.constant 4.471500e-02 : f32
    %mul3A_771 = vector.broadcast %mul3A_770 : f32 to vector<512x128xf32>
    %mul3A_772 = arith.mulf %mul3A_771, %mul3A_769 : vector<512x128xf32>
    %add3A_773 = arith.constant 1.000000e+00 : f32
    %add3A_774 = vector.broadcast %add3A_773 : f32 to vector<512x128xf32>
    %add3A_775 = arith.addf %add3A_774, %mul3A_772 : vector<512x128xf32>
    %mul3A_776 = arith.mulf %mul3A_768, %add3A_775 : vector<512x128xf32>
    %mul3A_777 = vector.broadcast %mul3A_765 : vector<512x1xf32> to vector<512x128xf32>
    %mul3A_778 = arith.mulf %mul3A_777, %slice3A_761 : vector<512x128xf32>
    %tanh3A_779 = math.tanh %mul3A_776 : vector<512x128xf32>
    %add3A_780 = arith.constant 1.000000e+00 : f32
    %add3A_781 = vector.broadcast %add3A_780 : f32 to vector<512x128xf32>
    %add3A_782 = arith.addf %add3A_781, %tanh3A_779 : vector<512x128xf32>
    %mul3A_783 = arith.mulf %mul3A_778, %add3A_782 : vector<512x128xf32>
    %convert_element_type3A_784 = arith.truncf %mul3A_783 : vector<512x128xf32> to vector<512x128xbf16>
    %swap3A_785 = arith.constant 0 : index
    %swap3A_786 = arith.constant 1408 : index
    %swap3A_787 = vector.load %arg7[%swap3A_785, %swap3A_786] : memref<512x2048xbf16, #tpu.memory_space<vmem>>, vector<512x128xbf16>
    tpu.vector_store %arg7[%swap3A_785, %swap3A_786], %convert_element_type3A_784 {strides = array<i32>} : memref<512x2048xbf16, #tpu.memory_space<vmem>>, vector<512x128xbf16>,
    %slice3A_788 = vector.extract_strided_slice %dot_general3A_458 {offsets = [0, 1536], sizes = [512, 128], strides = [1, 1]} : vector<512x2048xf32> to vector<512x128xf32>
    %slice3A_789 = vector.extract_strided_slice %get3A_463 {offsets = [0, 12], sizes = [512, 1], strides = [1, 1]} : vector<512x16xf32> to vector<512x1xf32>
    %mul3A_790 = arith.constant 5.000000e-01 : f32
    %mul3A_791 = vector.broadcast %mul3A_790 : f32 to vector<512x1xf32>
    %mul3A_792 = arith.mulf %slice3A_789, %mul3A_791 : vector<512x1xf32>
    %mul3A_793 = arith.constant 0.797884583 : f32
    %mul3A_794 = vector.broadcast %mul3A_793 : f32 to vector<512x128xf32>
    %mul3A_795 = arith.mulf %mul3A_794, %slice3A_788 : vector<512x128xf32>
    %mul3A_796 = arith.mulf %slice3A_788, %slice3A_788 : vector<512x128xf32>
    %mul3A_797 = arith.constant 4.471500e-02 : f32
    %mul3A_798 = vector.broadcast %mul3A_797 : f32 to vector<512x128xf32>
    %mul3A_799 = arith.mulf %mul3A_798, %mul3A_796 : vector<512x128xf32>
    %add3A_800 = arith.constant 1.000000e+00 : f32
    %add3A_801 = vector.broadcast %add3A_800 : f32 to vector<512x128xf32>
    %add3A_802 = arith.addf %add3A_801, %mul3A_799 : vector<512x128xf32>
    %mul3A_803 = arith.mulf %mul3A_795, %add3A_802 : vector<512x128xf32>
    %mul3A_804 = vector.broadcast %mul3A_792 : vector<512x1xf32> to vector<512x128xf32>
    %mul3A_805 = arith.mulf %mul3A_804, %slice3A_788 : vector<512x128xf32>
    %tanh3A_806 = math.tanh %mul3A_803 : vector<512x128xf32>
    %add3A_807 = arith.constant 1.000000e+00 : f32
    %add3A_808 = vector.broadcast %add3A_807 : f32 to vector<512x128xf32>
    %add3A_809 = arith.addf %add3A_808, %tanh3A_806 : vector<512x128xf32>
    %mul3A_810 = arith.mulf %mul3A_805, %add3A_809 : vector<512x128xf32>
    %convert_element_type3A_811 = arith.truncf %mul3A_810 : vector<512x128xf32> to vector<512x128xbf16>
    %swap3A_812 = arith.constant 0 : index
    %swap3A_813 = arith.constant 1536 : index
    %swap3A_814 = vector.load %arg7[%swap3A_812, %swap3A_813] : memref<512x2048xbf16, #tpu.memory_space<vmem>>, vector<512x128xbf16>
    tpu.vector_store %arg7[%swap3A_812, %swap3A_813], %convert_element_type3A_811 {strides = array<i32>} : memref<512x2048xbf16, #tpu.memory_space<vmem>>, vector<512x128xbf16>,
    %slice3A_815 = vector.extract_strided_slice %dot_general3A_458 {offsets = [0, 1664], sizes = [512, 128], strides = [1, 1]} : vector<512x2048xf32> to vector<512x128xf32>
    %slice3A_816 = vector.extract_strided_slice %get3A_463 {offsets = [0, 13], sizes = [512, 1], strides = [1, 1]} : vector<512x16xf32> to vector<512x1xf32>
    %mul3A_817 = arith.constant 5.000000e-01 : f32
    %mul3A_818 = vector.broadcast %mul3A_817 : f32 to vector<512x1xf32>
    %mul3A_819 = arith.mulf %slice3A_816, %mul3A_818 : vector<512x1xf32>
    %mul3A_820 = arith.constant 0.797884583 : f32
    %mul3A_821 = vector.broadcast %mul3A_820 : f32 to vector<512x128xf32>
    %mul3A_822 = arith.mulf %mul3A_821, %slice3A_815 : vector<512x128xf32>
    %mul3A_823 = arith.mulf %slice3A_815, %slice3A_815 : vector<512x128xf32>
    %mul3A_824 = arith.constant 4.471500e-02 : f32
    %mul3A_825 = vector.broadcast %mul3A_824 : f32 to vector<512x128xf32>
    %mul3A_826 = arith.mulf %mul3A_825, %mul3A_823 : vector<512x128xf32>
    %add3A_827 = arith.constant 1.000000e+00 : f32
    %add3A_828 = vector.broadcast %add3A_827 : f32 to vector<512x128xf32>
    %add3A_829 = arith.addf %add3A_828, %mul3A_826 : vector<512x128xf32>
    %mul3A_830 = arith.mulf %mul3A_822, %add3A_829 : vector<512x128xf32>
    %mul3A_831 = vector.broadcast %mul3A_819 : vector<512x1xf32> to vector<512x128xf32>
    %mul3A_832 = arith.mulf %mul3A_831, %slice3A_815 : vector<512x128xf32>
    %tanh3A_833 = math.tanh %mul3A_830 : vector<512x128xf32>
    %add3A_834 = arith.constant 1.000000e+00 : f32
    %add3A_835 = vector.broadcast %add3A_834 : f32 to vector<512x128xf32>
    %add3A_836 = arith.addf %add3A_835, %tanh3A_833 : vector<512x128xf32>
    %mul3A_837 = arith.mulf %mul3A_832, %add3A_836 : vector<512x128xf32>
    %convert_element_type3A_838 = arith.truncf %mul3A_837 : vector<512x128xf32> to vector<512x128xbf16>
    %swap3A_839 = arith.constant 0 : index
    %swap3A_840 = arith.constant 1664 : index
    %swap3A_841 = vector.load %arg7[%swap3A_839, %swap3A_840] : memref<512x2048xbf16, #tpu.memory_space<vmem>>, vector<512x128xbf16>
    tpu.vector_store %arg7[%swap3A_839, %swap3A_840], %convert_element_type3A_838 {strides = array<i32>} : memref<512x2048xbf16, #tpu.memory_space<vmem>>, vector<512x128xbf16>,
    %slice3A_842 = vector.extract_strided_slice %dot_general3A_458 {offsets = [0, 1792], sizes = [512, 128], strides = [1, 1]} : vector<512x2048xf32> to vector<512x128xf32>
    %slice3A_843 = vector.extract_strided_slice %get3A_463 {offsets = [0, 14], sizes = [512, 1], strides = [1, 1]} : vector<512x16xf32> to vector<512x1xf32>
    %mul3A_844 = arith.constant 5.000000e-01 : f32
    %mul3A_845 = vector.broadcast %mul3A_844 : f32 to vector<512x1xf32>
    %mul3A_846 = arith.mulf %slice3A_843, %mul3A_845 : vector<512x1xf32>
    %mul3A_847 = arith.constant 0.797884583 : f32
    %mul3A_848 = vector.broadcast %mul3A_847 : f32 to vector<512x128xf32>
    %mul3A_849 = arith.mulf %mul3A_848, %slice3A_842 : vector<512x128xf32>
    %mul3A_850 = arith.mulf %slice3A_842, %slice3A_842 : vector<512x128xf32>
    %mul3A_851 = arith.constant 4.471500e-02 : f32
    %mul3A_852 = vector.broadcast %mul3A_851 : f32 to vector<512x128xf32>
    %mul3A_853 = arith.mulf %mul3A_852, %mul3A_850 : vector<512x128xf32>
    %add3A_854 = arith.constant 1.000000e+00 : f32
    %add3A_855 = vector.broadcast %add3A_854 : f32 to vector<512x128xf32>
    %add3A_856 = arith.addf %add3A_855, %mul3A_853 : vector<512x128xf32>
    %mul3A_857 = arith.mulf %mul3A_849, %add3A_856 : vector<512x128xf32>
    %mul3A_858 = vector.broadcast %mul3A_846 : vector<512x1xf32> to vector<512x128xf32>
    %mul3A_859 = arith.mulf %mul3A_858, %slice3A_842 : vector<512x128xf32>
    %tanh3A_860 = math.tanh %mul3A_857 : vector<512x128xf32>
    %add3A_861 = arith.constant 1.000000e+00 : f32
    %add3A_862 = vector.broadcast %add3A_861 : f32 to vector<512x128xf32>
    %add3A_863 = arith.addf %add3A_862, %tanh3A_860 : vector<512x128xf32>
    %mul3A_864 = arith.mulf %mul3A_859, %add3A_863 : vector<512x128xf32>
    %convert_element_type3A_865 = arith.truncf %mul3A_864 : vector<512x128xf32> to vector<512x128xbf16>
    %swap3A_866 = arith.constant 0 : index
    %swap3A_867 = arith.constant 1792 : index
    %swap3A_868 = vector.load %arg7[%swap3A_866, %swap3A_867] : memref<512x2048xbf16, #tpu.memory_space<vmem>>, vector<512x128xbf16>
    tpu.vector_store %arg7[%swap3A_866, %swap3A_867], %convert_element_type3A_865 {strides = array<i32>} : memref<512x2048xbf16, #tpu.memory_space<vmem>>, vector<512x128xbf16>,
    %slice3A_869 = vector.extract_strided_slice %dot_general3A_458 {offsets = [0, 1920], sizes = [512, 128], strides = [1, 1]} : vector<512x2048xf32> to vector<512x128xf32>
    %slice3A_870 = vector.extract_strided_slice %get3A_463 {offsets = [0, 15], sizes = [512, 1], strides = [1, 1]} : vector<512x16xf32> to vector<512x1xf32>
    %mul3A_871 = arith.constant 5.000000e-01 : f32
    %mul3A_872 = vector.broadcast %mul3A_871 : f32 to vector<512x1xf32>
    %mul3A_873 = arith.mulf %slice3A_870, %mul3A_872 : vector<512x1xf32>
    %mul3A_874 = arith.constant 0.797884583 : f32
    %mul3A_875 = vector.broadcast %mul3A_874 : f32 to vector<512x128xf32>
    %mul3A_876 = arith.mulf %mul3A_875, %slice3A_869 : vector<512x128xf32>
    %mul3A_877 = arith.mulf %slice3A_869, %slice3A_869 : vector<512x128xf32>
    %mul3A_878 = arith.constant 4.471500e-02 : f32
    %mul3A_879 = vector.broadcast %mul3A_878 : f32 to vector<512x128xf32>
    %mul3A_880 = arith.mulf %mul3A_879, %mul3A_877 : vector<512x128xf32>
    %add3A_881 = arith.constant 1.000000e+00 : f32
    %add3A_882 = vector.broadcast %add3A_881 : f32 to vector<512x128xf32>
    %add3A_883 = arith.addf %add3A_882, %mul3A_880 : vector<512x128xf32>
    %mul3A_884 = arith.mulf %mul3A_876, %add3A_883 : vector<512x128xf32>
    %mul3A_885 = vector.broadcast %mul3A_873 : vector<512x1xf32> to vector<512x128xf32>
    %mul3A_886 = arith.mulf %mul3A_885, %slice3A_869 : vector<512x128xf32>
    %tanh3A_887 = math.tanh %mul3A_884 : vector<512x128xf32>
    %add3A_888 = arith.constant 1.000000e+00 : f32
    %add3A_889 = vector.broadcast %add3A_888 : f32 to vector<512x128xf32>
    %add3A_890 = arith.addf %add3A_889, %tanh3A_887 : vector<512x128xf32>
    %mul3A_891 = arith.mulf %mul3A_886, %add3A_890 : vector<512x128xf32>
    %convert_element_type3A_892 = arith.truncf %mul3A_891 : vector<512x128xf32> to vector<512x128xbf16>
    %swap3A_893 = arith.constant 0 : index
    %swap3A_894 = arith.constant 1920 : index
    %swap3A_895 = vector.load %arg7[%swap3A_893, %swap3A_894] : memref<512x2048xbf16, #tpu.memory_space<vmem>>, vector<512x128xbf16>
    tpu.vector_store %arg7[%swap3A_893, %swap3A_894], %convert_element_type3A_892 {strides = array<i32>} : memref<512x2048xbf16, #tpu.memory_space<vmem>>, vector<512x128xbf16>,
    %get3A_896 = arith.constant 0 : index
    %get3A_897 = arith.constant 0 : index
    %get3A_898 = vector.load %arg7[%get3A_896, %get3A_897] : memref<512x2048xbf16, #tpu.memory_space<vmem>>, vector<512x2048xbf16>
    %dot_general3A_899 = arith.constant dense<0.000000e+00> : vector<512x1024xf32>
    %dot_general3A_900 = tpu.matmul %get3A_898, %convert_element_type3A_5, %dot_general3A_899 {dimension_numbers = #tpu.dot_dimension_numbers<[1], [0], [0], [1], [0, 0, 1, 1], [], []>, transpose_lhs_hint = false} : vector<512x2048xbf16>, vector<2048x1024xbf16>, vector<512x1024xf32> -> vector<512x1024xf32>
    %eq3A_901 = arith.constant 0 : i32
    %eq3A_902 = arith.cmpi eq, %arg0, %eq3A_901 : i32
    %convert_element_type3A_903 = arith.extui %eq3A_902 : i1 to i32
    %cond3A_904 = arith.constant 0 : i32
    %cond3A_905 = arith.cmpi ne, %convert_element_type3A_903, %cond3A_904 : i32
    scf.if %cond3A_905 {
      %swap3A_1825 = arith.constant 512 : index
      %swap3A_1826 = arith.constant 0 : index
      %swap3A_1827 = vector.load %arg5[%swap3A_1825, %swap3A_1826] : memref<2048x1024xf32, #tpu.memory_space<vmem>>, vector<512x1024xf32>
      tpu.vector_store %arg5[%swap3A_1825, %swap3A_1826], %dot_general3A_900 {strides = array<i32>} : memref<2048x1024xf32, #tpu.memory_space<vmem>>, vector<512x1024xf32>,
    } else {
    }
    %ne3A_906 = arith.constant 0 : i32
    %ne3A_907 = arith.cmpi ne, %arg0, %ne3A_906 : i32
    %convert_element_type3A_908 = arith.extui %ne3A_907 : i1 to i32
    %cond3A_909 = arith.constant 0 : i32
    %cond3A_910 = arith.cmpi ne, %convert_element_type3A_908, %cond3A_909 : i32
    scf.if %cond3A_910 {
      %get3A_1825 = arith.constant 512 : index
      %get3A_1826 = arith.constant 0 : index
      %get3A_1827 = vector.load %arg5[%get3A_1825, %get3A_1826] : memref<2048x1024xf32, #tpu.memory_space<vmem>>, vector<512x1024xf32>
      %add3A_1828 = arith.addf %get3A_1827, %dot_general3A_900 : vector<512x1024xf32>
      %swap3A_1829 = arith.constant 512 : index
      %swap3A_1830 = arith.constant 0 : index
      %swap3A_1831 = vector.load %arg5[%swap3A_1829, %swap3A_1830] : memref<2048x1024xf32, #tpu.memory_space<vmem>>, vector<512x1024xf32>
      tpu.vector_store %arg5[%swap3A_1829, %swap3A_1830], %add3A_1828 {strides = array<i32>} : memref<2048x1024xf32, #tpu.memory_space<vmem>>, vector<512x1024xf32>,
    } else {
    }
    %get3A_911 = arith.constant 1024 : index
    %get3A_912 = arith.constant 0 : index
    %get3A_913 = vector.load %arg1[%get3A_911, %get3A_912] : memref<2048x1024xbf16, #tpu.memory_space<vmem>>, vector<512x1024xbf16>
    %dot_general3A_914 = arith.constant dense<0.000000e+00> : vector<512x2048xf32>
    %dot_general3A_915 = tpu.matmul %get3A_913, %convert_element_type3A, %dot_general3A_914 {dimension_numbers = #tpu.dot_dimension_numbers<[1], [0], [0], [1], [0, 0, 1, 1], [], []>, transpose_lhs_hint = false} : vector<512x1024xbf16>, vector<1024x2048xbf16>, vector<512x2048xf32> -> vector<512x2048xf32>
    %get3A_916 = arith.constant 0 : index
    %get3A_917 = arith.constant 1024 : index
    %get3A_918 = arith.constant 0 : index
    %get3A_919 = vector.load %arg2[%get3A_916, %get3A_917, %get3A_918] : memref<1x2048x16xf32, #tpu.memory_space<vmem>>, vector<1x512x16xf32>
    %get3A_920 = vector.shape_cast %get3A_919 : vector<1x512x16xf32> to vector<512x16xf32>
    %slice3A_921 = vector.extract_strided_slice %dot_general3A_915 {offsets = [0, 0], sizes = [512, 128], strides = [1, 1]} : vector<512x2048xf32> to vector<512x128xf32>
    %slice3A_922 = vector.extract_strided_slice %get3A_920 {offsets = [0, 0], sizes = [512, 1], strides = [1, 1]} : vector<512x16xf32> to vector<512x1xf32>
    %mul3A_923 = arith.constant 5.000000e-01 : f32
    %mul3A_924 = vector.broadcast %mul3A_923 : f32 to vector<512x1xf32>
    %mul3A_925 = arith.mulf %slice3A_922, %mul3A_924 : vector<512x1xf32>
    %mul3A_926 = arith.constant 0.797884583 : f32
    %mul3A_927 = vector.broadcast %mul3A_926 : f32 to vector<512x128xf32>
    %mul3A_928 = arith.mulf %mul3A_927, %slice3A_921 : vector<512x128xf32>
    %mul3A_929 = arith.mulf %slice3A_921, %slice3A_921 : vector<512x128xf32>
    %mul3A_930 = arith.constant 4.471500e-02 : f32
    %mul3A_931 = vector.broadcast %mul3A_930 : f32 to vector<512x128xf32>
    %mul3A_932 = arith.mulf %mul3A_931, %mul3A_929 : vector<512x128xf32>
    %add3A_933 = arith.constant 1.000000e+00 : f32
    %add3A_934 = vector.broadcast %add3A_933 : f32 to vector<512x128xf32>
    %add3A_935 = arith.addf %add3A_934, %mul3A_932 : vector<512x128xf32>
    %mul3A_936 = arith.mulf %mul3A_928, %add3A_935 : vector<512x128xf32>
    %mul3A_937 = vector.broadcast %mul3A_925 : vector<512x1xf32> to vector<512x128xf32>
    %mul3A_938 = arith.mulf %mul3A_937, %slice3A_921 : vector<512x128xf32>
    %tanh3A_939 = math.tanh %mul3A_936 : vector<512x128xf32>
    %add3A_940 = arith.constant 1.000000e+00 : f32
    %add3A_941 = vector.broadcast %add3A_940 : f32 to vector<512x128xf32>
    %add3A_942 = arith.addf %add3A_941, %tanh3A_939 : vector<512x128xf32>
    %mul3A_943 = arith.mulf %mul3A_938, %add3A_942 : vector<512x128xf32>
    %convert_element_type3A_944 = arith.truncf %mul3A_943 : vector<512x128xf32> to vector<512x128xbf16>
    %swap3A_945 = arith.constant 0 : index
    %swap3A_946 = arith.constant 0 : index
    %swap3A_947 = vector.load %arg8[%swap3A_945, %swap3A_946] : memref<512x2048xbf16, #tpu.memory_space<vmem>>, vector<512x128xbf16>
    tpu.vector_store %arg8[%swap3A_945, %swap3A_946], %convert_element_type3A_944 {strides = array<i32>} : memref<512x2048xbf16, #tpu.memory_space<vmem>>, vector<512x128xbf16>,
    %slice3A_948 = vector.extract_strided_slice %dot_general3A_915 {offsets = [0, 128], sizes = [512, 128], strides = [1, 1]} : vector<512x2048xf32> to vector<512x128xf32>
    %slice3A_949 = vector.extract_strided_slice %get3A_920 {offsets = [0, 1], sizes = [512, 1], strides = [1, 1]} : vector<512x16xf32> to vector<512x1xf32>
    %mul3A_950 = arith.constant 5.000000e-01 : f32
    %mul3A_951 = vector.broadcast %mul3A_950 : f32 to vector<512x1xf32>
    %mul3A_952 = arith.mulf %slice3A_949, %mul3A_951 : vector<512x1xf32>
    %mul3A_953 = arith.constant 0.797884583 : f32
    %mul3A_954 = vector.broadcast %mul3A_953 : f32 to vector<512x128xf32>
    %mul3A_955 = arith.mulf %mul3A_954, %slice3A_948 : vector<512x128xf32>
    %mul3A_956 = arith.mulf %slice3A_948, %slice3A_948 : vector<512x128xf32>
    %mul3A_957 = arith.constant 4.471500e-02 : f32
    %mul3A_958 = vector.broadcast %mul3A_957 : f32 to vector<512x128xf32>
    %mul3A_959 = arith.mulf %mul3A_958, %mul3A_956 : vector<512x128xf32>
    %add3A_960 = arith.constant 1.000000e+00 : f32
    %add3A_961 = vector.broadcast %add3A_960 : f32 to vector<512x128xf32>
    %add3A_962 = arith.addf %add3A_961, %mul3A_959 : vector<512x128xf32>
    %mul3A_963 = arith.mulf %mul3A_955, %add3A_962 : vector<512x128xf32>
    %mul3A_964 = vector.broadcast %mul3A_952 : vector<512x1xf32> to vector<512x128xf32>
    %mul3A_965 = arith.mulf %mul3A_964, %slice3A_948 : vector<512x128xf32>
    %tanh3A_966 = math.tanh %mul3A_963 : vector<512x128xf32>
    %add3A_967 = arith.constant 1.000000e+00 : f32
    %add3A_968 = vector.broadcast %add3A_967 : f32 to vector<512x128xf32>
    %add3A_969 = arith.addf %add3A_968, %tanh3A_966 : vector<512x128xf32>
    %mul3A_970 = arith.mulf %mul3A_965, %add3A_969 : vector<512x128xf32>
    %convert_element_type3A_971 = arith.truncf %mul3A_970 : vector<512x128xf32> to vector<512x128xbf16>
    %swap3A_972 = arith.constant 0 : index
    %swap3A_973 = arith.constant 128 : index
    %swap3A_974 = vector.load %arg8[%swap3A_972, %swap3A_973] : memref<512x2048xbf16, #tpu.memory_space<vmem>>, vector<512x128xbf16>
    tpu.vector_store %arg8[%swap3A_972, %swap3A_973], %convert_element_type3A_971 {strides = array<i32>} : memref<512x2048xbf16, #tpu.memory_space<vmem>>, vector<512x128xbf16>,
    %slice3A_975 = vector.extract_strided_slice %dot_general3A_915 {offsets = [0, 256], sizes = [512, 128], strides = [1, 1]} : vector<512x2048xf32> to vector<512x128xf32>
    %slice3A_976 = vector.extract_strided_slice %get3A_920 {offsets = [0, 2], sizes = [512, 1], strides = [1, 1]} : vector<512x16xf32> to vector<512x1xf32>
    %mul3A_977 = arith.constant 5.000000e-01 : f32
    %mul3A_978 = vector.broadcast %mul3A_977 : f32 to vector<512x1xf32>
    %mul3A_979 = arith.mulf %slice3A_976, %mul3A_978 : vector<512x1xf32>
    %mul3A_980 = arith.constant 0.797884583 : f32
    %mul3A_981 = vector.broadcast %mul3A_980 : f32 to vector<512x128xf32>
    %mul3A_982 = arith.mulf %mul3A_981, %slice3A_975 : vector<512x128xf32>
    %mul3A_983 = arith.mulf %slice3A_975, %slice3A_975 : vector<512x128xf32>
    %mul3A_984 = arith.constant 4.471500e-02 : f32
    %mul3A_985 = vector.broadcast %mul3A_984 : f32 to vector<512x128xf32>
    %mul3A_986 = arith.mulf %mul3A_985, %mul3A_983 : vector<512x128xf32>
    %add3A_987 = arith.constant 1.000000e+00 : f32
    %add3A_988 = vector.broadcast %add3A_987 : f32 to vector<512x128xf32>
    %add3A_989 = arith.addf %add3A_988, %mul3A_986 : vector<512x128xf32>
    %mul3A_990 = arith.mulf %mul3A_982, %add3A_989 : vector<512x128xf32>
    %mul3A_991 = vector.broadcast %mul3A_979 : vector<512x1xf32> to vector<512x128xf32>
    %mul3A_992 = arith.mulf %mul3A_991, %slice3A_975 : vector<512x128xf32>
    %tanh3A_993 = math.tanh %mul3A_990 : vector<512x128xf32>
    %add3A_994 = arith.constant 1.000000e+00 : f32
    %add3A_995 = vector.broadcast %add3A_994 : f32 to vector<512x128xf32>
    %add3A_996 = arith.addf %add3A_995, %tanh3A_993 : vector<512x128xf32>
    %mul3A_997 = arith.mulf %mul3A_992, %add3A_996 : vector<512x128xf32>
    %convert_element_type3A_998 = arith.truncf %mul3A_997 : vector<512x128xf32> to vector<512x128xbf16>
    %swap3A_999 = arith.constant 0 : index
    %swap3A_1000 = arith.constant 256 : index
    %swap3A_1001 = vector.load %arg8[%swap3A_999, %swap3A_1000] : memref<512x2048xbf16, #tpu.memory_space<vmem>>, vector<512x128xbf16>
    tpu.vector_store %arg8[%swap3A_999, %swap3A_1000], %convert_element_type3A_998 {strides = array<i32>} : memref<512x2048xbf16, #tpu.memory_space<vmem>>, vector<512x128xbf16>,
    %slice3A_1002 = vector.extract_strided_slice %dot_general3A_915 {offsets = [0, 384], sizes = [512, 128], strides = [1, 1]} : vector<512x2048xf32> to vector<512x128xf32>
    %slice3A_1003 = vector.extract_strided_slice %get3A_920 {offsets = [0, 3], sizes = [512, 1], strides = [1, 1]} : vector<512x16xf32> to vector<512x1xf32>
    %mul3A_1004 = arith.constant 5.000000e-01 : f32
    %mul3A_1005 = vector.broadcast %mul3A_1004 : f32 to vector<512x1xf32>
    %mul3A_1006 = arith.mulf %slice3A_1003, %mul3A_1005 : vector<512x1xf32>
    %mul3A_1007 = arith.constant 0.797884583 : f32
    %mul3A_1008 = vector.broadcast %mul3A_1007 : f32 to vector<512x128xf32>
    %mul3A_1009 = arith.mulf %mul3A_1008, %slice3A_1002 : vector<512x128xf32>
    %mul3A_1010 = arith.mulf %slice3A_1002, %slice3A_1002 : vector<512x128xf32>
    %mul3A_1011 = arith.constant 4.471500e-02 : f32
    %mul3A_1012 = vector.broadcast %mul3A_1011 : f32 to vector<512x128xf32>
    %mul3A_1013 = arith.mulf %mul3A_1012, %mul3A_1010 : vector<512x128xf32>
    %add3A_1014 = arith.constant 1.000000e+00 : f32
    %add3A_1015 = vector.broadcast %add3A_1014 : f32 to vector<512x128xf32>
    %add3A_1016 = arith.addf %add3A_1015, %mul3A_1013 : vector<512x128xf32>
    %mul3A_1017 = arith.mulf %mul3A_1009, %add3A_1016 : vector<512x128xf32>
    %mul3A_1018 = vector.broadcast %mul3A_1006 : vector<512x1xf32> to vector<512x128xf32>
    %mul3A_1019 = arith.mulf %mul3A_1018, %slice3A_1002 : vector<512x128xf32>
    %tanh3A_1020 = math.tanh %mul3A_1017 : vector<512x128xf32>
    %add3A_1021 = arith.constant 1.000000e+00 : f32
    %add3A_1022 = vector.broadcast %add3A_1021 : f32 to vector<512x128xf32>
    %add3A_1023 = arith.addf %add3A_1022, %tanh3A_1020 : vector<512x128xf32>
    %mul3A_1024 = arith.mulf %mul3A_1019, %add3A_1023 : vector<512x128xf32>
    %convert_element_type3A_1025 = arith.truncf %mul3A_1024 : vector<512x128xf32> to vector<512x128xbf16>
    %swap3A_1026 = arith.constant 0 : index
    %swap3A_1027 = arith.constant 384 : index
    %swap3A_1028 = vector.load %arg8[%swap3A_1026, %swap3A_1027] : memref<512x2048xbf16, #tpu.memory_space<vmem>>, vector<512x128xbf16>
    tpu.vector_store %arg8[%swap3A_1026, %swap3A_1027], %convert_element_type3A_1025 {strides = array<i32>} : memref<512x2048xbf16, #tpu.memory_space<vmem>>, vector<512x128xbf16>,
    %slice3A_1029 = vector.extract_strided_slice %dot_general3A_915 {offsets = [0, 512], sizes = [512, 128], strides = [1, 1]} : vector<512x2048xf32> to vector<512x128xf32>
    %slice3A_1030 = vector.extract_strided_slice %get3A_920 {offsets = [0, 4], sizes = [512, 1], strides = [1, 1]} : vector<512x16xf32> to vector<512x1xf32>
    %mul3A_1031 = arith.constant 5.000000e-01 : f32
    %mul3A_1032 = vector.broadcast %mul3A_1031 : f32 to vector<512x1xf32>
    %mul3A_1033 = arith.mulf %slice3A_1030, %mul3A_1032 : vector<512x1xf32>
    %mul3A_1034 = arith.constant 0.797884583 : f32
    %mul3A_1035 = vector.broadcast %mul3A_1034 : f32 to vector<512x128xf32>
    %mul3A_1036 = arith.mulf %mul3A_1035, %slice3A_1029 : vector<512x128xf32>
    %mul3A_1037 = arith.mulf %slice3A_1029, %slice3A_1029 : vector<512x128xf32>
    %mul3A_1038 = arith.constant 4.471500e-02 : f32
    %mul3A_1039 = vector.broadcast %mul3A_1038 : f32 to vector<512x128xf32>
    %mul3A_1040 = arith.mulf %mul3A_1039, %mul3A_1037 : vector<512x128xf32>
    %add3A_1041 = arith.constant 1.000000e+00 : f32
    %add3A_1042 = vector.broadcast %add3A_1041 : f32 to vector<512x128xf32>
    %add3A_1043 = arith.addf %add3A_1042, %mul3A_1040 : vector<512x128xf32>
    %mul3A_1044 = arith.mulf %mul3A_1036, %add3A_1043 : vector<512x128xf32>
    %mul3A_1045 = vector.broadcast %mul3A_1033 : vector<512x1xf32> to vector<512x128xf32>
    %mul3A_1046 = arith.mulf %mul3A_1045, %slice3A_1029 : vector<512x128xf32>
    %tanh3A_1047 = math.tanh %mul3A_1044 : vector<512x128xf32>
    %add3A_1048 = arith.constant 1.000000e+00 : f32
    %add3A_1049 = vector.broadcast %add3A_1048 : f32 to vector<512x128xf32>
    %add3A_1050 = arith.addf %add3A_1049, %tanh3A_1047 : vector<512x128xf32>
    %mul3A_1051 = arith.mulf %mul3A_1046, %add3A_1050 : vector<512x128xf32>
    %convert_element_type3A_1052 = arith.truncf %mul3A_1051 : vector<512x128xf32> to vector<512x128xbf16>
    %swap3A_1053 = arith.constant 0 : index
    %swap3A_1054 = arith.constant 512 : index
    %swap3A_1055 = vector.load %arg8[%swap3A_1053, %swap3A_1054] : memref<512x2048xbf16, #tpu.memory_space<vmem>>, vector<512x128xbf16>
    tpu.vector_store %arg8[%swap3A_1053, %swap3A_1054], %convert_element_type3A_1052 {strides = array<i32>} : memref<512x2048xbf16, #tpu.memory_space<vmem>>, vector<512x128xbf16>,
    %slice3A_1056 = vector.extract_strided_slice %dot_general3A_915 {offsets = [0, 640], sizes = [512, 128], strides = [1, 1]} : vector<512x2048xf32> to vector<512x128xf32>
    %slice3A_1057 = vector.extract_strided_slice %get3A_920 {offsets = [0, 5], sizes = [512, 1], strides = [1, 1]} : vector<512x16xf32> to vector<512x1xf32>
    %mul3A_1058 = arith.constant 5.000000e-01 : f32
    %mul3A_1059 = vector.broadcast %mul3A_1058 : f32 to vector<512x1xf32>
    %mul3A_1060 = arith.mulf %slice3A_1057, %mul3A_1059 : vector<512x1xf32>
    %mul3A_1061 = arith.constant 0.797884583 : f32
    %mul3A_1062 = vector.broadcast %mul3A_1061 : f32 to vector<512x128xf32>
    %mul3A_1063 = arith.mulf %mul3A_1062, %slice3A_1056 : vector<512x128xf32>
    %mul3A_1064 = arith.mulf %slice3A_1056, %slice3A_1056 : vector<512x128xf32>
    %mul3A_1065 = arith.constant 4.471500e-02 : f32
    %mul3A_1066 = vector.broadcast %mul3A_1065 : f32 to vector<512x128xf32>
    %mul3A_1067 = arith.mulf %mul3A_1066, %mul3A_1064 : vector<512x128xf32>
    %add3A_1068 = arith.constant 1.000000e+00 : f32
    %add3A_1069 = vector.broadcast %add3A_1068 : f32 to vector<512x128xf32>
    %add3A_1070 = arith.addf %add3A_1069, %mul3A_1067 : vector<512x128xf32>
    %mul3A_1071 = arith.mulf %mul3A_1063, %add3A_1070 : vector<512x128xf32>
    %mul3A_1072 = vector.broadcast %mul3A_1060 : vector<512x1xf32> to vector<512x128xf32>
    %mul3A_1073 = arith.mulf %mul3A_1072, %slice3A_1056 : vector<512x128xf32>
    %tanh3A_1074 = math.tanh %mul3A_1071 : vector<512x128xf32>
    %add3A_1075 = arith.constant 1.000000e+00 : f32
    %add3A_1076 = vector.broadcast %add3A_1075 : f32 to vector<512x128xf32>
    %add3A_1077 = arith.addf %add3A_1076, %tanh3A_1074 : vector<512x128xf32>
    %mul3A_1078 = arith.mulf %mul3A_1073, %add3A_1077 : vector<512x128xf32>
    %convert_element_type3A_1079 = arith.truncf %mul3A_1078 : vector<512x128xf32> to vector<512x128xbf16>
    %swap3A_1080 = arith.constant 0 : index
    %swap3A_1081 = arith.constant 640 : index
    %swap3A_1082 = vector.load %arg8[%swap3A_1080, %swap3A_1081] : memref<512x2048xbf16, #tpu.memory_space<vmem>>, vector<512x128xbf16>
    tpu.vector_store %arg8[%swap3A_1080, %swap3A_1081], %convert_element_type3A_1079 {strides = array<i32>} : memref<512x2048xbf16, #tpu.memory_space<vmem>>, vector<512x128xbf16>,
    %slice3A_1083 = vector.extract_strided_slice %dot_general3A_915 {offsets = [0, 768], sizes = [512, 128], strides = [1, 1]} : vector<512x2048xf32> to vector<512x128xf32>
    %slice3A_1084 = vector.extract_strided_slice %get3A_920 {offsets = [0, 6], sizes = [512, 1], strides = [1, 1]} : vector<512x16xf32> to vector<512x1xf32>
    %mul3A_1085 = arith.constant 5.000000e-01 : f32
    %mul3A_1086 = vector.broadcast %mul3A_1085 : f32 to vector<512x1xf32>
    %mul3A_1087 = arith.mulf %slice3A_1084, %mul3A_1086 : vector<512x1xf32>
    %mul3A_1088 = arith.constant 0.797884583 : f32
    %mul3A_1089 = vector.broadcast %mul3A_1088 : f32 to vector<512x128xf32>
    %mul3A_1090 = arith.mulf %mul3A_1089, %slice3A_1083 : vector<512x128xf32>
    %mul3A_1091 = arith.mulf %slice3A_1083, %slice3A_1083 : vector<512x128xf32>
    %mul3A_1092 = arith.constant 4.471500e-02 : f32
    %mul3A_1093 = vector.broadcast %mul3A_1092 : f32 to vector<512x128xf32>
    %mul3A_1094 = arith.mulf %mul3A_1093, %mul3A_1091 : vector<512x128xf32>
    %add3A_1095 = arith.constant 1.000000e+00 : f32
    %add3A_1096 = vector.broadcast %add3A_1095 : f32 to vector<512x128xf32>
    %add3A_1097 = arith.addf %add3A_1096, %mul3A_1094 : vector<512x128xf32>
    %mul3A_1098 = arith.mulf %mul3A_1090, %add3A_1097 : vector<512x128xf32>
    %mul3A_1099 = vector.broadcast %mul3A_1087 : vector<512x1xf32> to vector<512x128xf32>
    %mul3A_1100 = arith.mulf %mul3A_1099, %slice3A_1083 : vector<512x128xf32>
    %tanh3A_1101 = math.tanh %mul3A_1098 : vector<512x128xf32>
    %add3A_1102 = arith.constant 1.000000e+00 : f32
    %add3A_1103 = vector.broadcast %add3A_1102 : f32 to vector<512x128xf32>
    %add3A_1104 = arith.addf %add3A_1103, %tanh3A_1101 : vector<512x128xf32>
    %mul3A_1105 = arith.mulf %mul3A_1100, %add3A_1104 : vector<512x128xf32>
    %convert_element_type3A_1106 = arith.truncf %mul3A_1105 : vector<512x128xf32> to vector<512x128xbf16>
    %swap3A_1107 = arith.constant 0 : index
    %swap3A_1108 = arith.constant 768 : index
    %swap3A_1109 = vector.load %arg8[%swap3A_1107, %swap3A_1108] : memref<512x2048xbf16, #tpu.memory_space<vmem>>, vector<512x128xbf16>
    tpu.vector_store %arg8[%swap3A_1107, %swap3A_1108], %convert_element_type3A_1106 {strides = array<i32>} : memref<512x2048xbf16, #tpu.memory_space<vmem>>, vector<512x128xbf16>,
    %slice3A_1110 = vector.extract_strided_slice %dot_general3A_915 {offsets = [0, 896], sizes = [512, 128], strides = [1, 1]} : vector<512x2048xf32> to vector<512x128xf32>
    %slice3A_1111 = vector.extract_strided_slice %get3A_920 {offsets = [0, 7], sizes = [512, 1], strides = [1, 1]} : vector<512x16xf32> to vector<512x1xf32>
    %mul3A_1112 = arith.constant 5.000000e-01 : f32
    %mul3A_1113 = vector.broadcast %mul3A_1112 : f32 to vector<512x1xf32>
    %mul3A_1114 = arith.mulf %slice3A_1111, %mul3A_1113 : vector<512x1xf32>
    %mul3A_1115 = arith.constant 0.797884583 : f32
    %mul3A_1116 = vector.broadcast %mul3A_1115 : f32 to vector<512x128xf32>
    %mul3A_1117 = arith.mulf %mul3A_1116, %slice3A_1110 : vector<512x128xf32>
    %mul3A_1118 = arith.mulf %slice3A_1110, %slice3A_1110 : vector<512x128xf32>
    %mul3A_1119 = arith.constant 4.471500e-02 : f32
    %mul3A_1120 = vector.broadcast %mul3A_1119 : f32 to vector<512x128xf32>
    %mul3A_1121 = arith.mulf %mul3A_1120, %mul3A_1118 : vector<512x128xf32>
    %add3A_1122 = arith.constant 1.000000e+00 : f32
    %add3A_1123 = vector.broadcast %add3A_1122 : f32 to vector<512x128xf32>
    %add3A_1124 = arith.addf %add3A_1123, %mul3A_1121 : vector<512x128xf32>
    %mul3A_1125 = arith.mulf %mul3A_1117, %add3A_1124 : vector<512x128xf32>
    %mul3A_1126 = vector.broadcast %mul3A_1114 : vector<512x1xf32> to vector<512x128xf32>
    %mul3A_1127 = arith.mulf %mul3A_1126, %slice3A_1110 : vector<512x128xf32>
    %tanh3A_1128 = math.tanh %mul3A_1125 : vector<512x128xf32>
    %add3A_1129 = arith.constant 1.000000e+00 : f32
    %add3A_1130 = vector.broadcast %add3A_1129 : f32 to vector<512x128xf32>
    %add3A_1131 = arith.addf %add3A_1130, %tanh3A_1128 : vector<512x128xf32>
    %mul3A_1132 = arith.mulf %mul3A_1127, %add3A_1131 : vector<512x128xf32>
    %convert_element_type3A_1133 = arith.truncf %mul3A_1132 : vector<512x128xf32> to vector<512x128xbf16>
    %swap3A_1134 = arith.constant 0 : index
    %swap3A_1135 = arith.constant 896 : index
    %swap3A_1136 = vector.load %arg8[%swap3A_1134, %swap3A_1135] : memref<512x2048xbf16, #tpu.memory_space<vmem>>, vector<512x128xbf16>
    tpu.vector_store %arg8[%swap3A_1134, %swap3A_1135], %convert_element_type3A_1133 {strides = array<i32>} : memref<512x2048xbf16, #tpu.memory_space<vmem>>, vector<512x128xbf16>,
    %slice3A_1137 = vector.extract_strided_slice %dot_general3A_915 {offsets = [0, 1024], sizes = [512, 128], strides = [1, 1]} : vector<512x2048xf32> to vector<512x128xf32>
    %slice3A_1138 = vector.extract_strided_slice %get3A_920 {offsets = [0, 8], sizes = [512, 1], strides = [1, 1]} : vector<512x16xf32> to vector<512x1xf32>
    %mul3A_1139 = arith.constant 5.000000e-01 : f32
    %mul3A_1140 = vector.broadcast %mul3A_1139 : f32 to vector<512x1xf32>
    %mul3A_1141 = arith.mulf %slice3A_1138, %mul3A_1140 : vector<512x1xf32>
    %mul3A_1142 = arith.constant 0.797884583 : f32
    %mul3A_1143 = vector.broadcast %mul3A_1142 : f32 to vector<512x128xf32>
    %mul3A_1144 = arith.mulf %mul3A_1143, %slice3A_1137 : vector<512x128xf32>
    %mul3A_1145 = arith.mulf %slice3A_1137, %slice3A_1137 : vector<512x128xf32>
    %mul3A_1146 = arith.constant 4.471500e-02 : f32
    %mul3A_1147 = vector.broadcast %mul3A_1146 : f32 to vector<512x128xf32>
    %mul3A_1148 = arith.mulf %mul3A_1147, %mul3A_1145 : vector<512x128xf32>
    %add3A_1149 = arith.constant 1.000000e+00 : f32
    %add3A_1150 = vector.broadcast %add3A_1149 : f32 to vector<512x128xf32>
    %add3A_1151 = arith.addf %add3A_1150, %mul3A_1148 : vector<512x128xf32>
    %mul3A_1152 = arith.mulf %mul3A_1144, %add3A_1151 : vector<512x128xf32>
    %mul3A_1153 = vector.broadcast %mul3A_1141 : vector<512x1xf32> to vector<512x128xf32>
    %mul3A_1154 = arith.mulf %mul3A_1153, %slice3A_1137 : vector<512x128xf32>
    %tanh3A_1155 = math.tanh %mul3A_1152 : vector<512x128xf32>
    %add3A_1156 = arith.constant 1.000000e+00 : f32
    %add3A_1157 = vector.broadcast %add3A_1156 : f32 to vector<512x128xf32>
    %add3A_1158 = arith.addf %add3A_1157, %tanh3A_1155 : vector<512x128xf32>
    %mul3A_1159 = arith.mulf %mul3A_1154, %add3A_1158 : vector<512x128xf32>
    %convert_element_type3A_1160 = arith.truncf %mul3A_1159 : vector<512x128xf32> to vector<512x128xbf16>
    %swap3A_1161 = arith.constant 0 : index
    %swap3A_1162 = arith.constant 1024 : index
    %swap3A_1163 = vector.load %arg8[%swap3A_1161, %swap3A_1162] : memref<512x2048xbf16, #tpu.memory_space<vmem>>, vector<512x128xbf16>
    tpu.vector_store %arg8[%swap3A_1161, %swap3A_1162], %convert_element_type3A_1160 {strides = array<i32>} : memref<512x2048xbf16, #tpu.memory_space<vmem>>, vector<512x128xbf16>,
    %slice3A_1164 = vector.extract_strided_slice %dot_general3A_915 {offsets = [0, 1152], sizes = [512, 128], strides = [1, 1]} : vector<512x2048xf32> to vector<512x128xf32>
    %slice3A_1165 = vector.extract_strided_slice %get3A_920 {offsets = [0, 9], sizes = [512, 1], strides = [1, 1]} : vector<512x16xf32> to vector<512x1xf32>
    %mul3A_1166 = arith.constant 5.000000e-01 : f32
    %mul3A_1167 = vector.broadcast %mul3A_1166 : f32 to vector<512x1xf32>
    %mul3A_1168 = arith.mulf %slice3A_1165, %mul3A_1167 : vector<512x1xf32>
    %mul3A_1169 = arith.constant 0.797884583 : f32
    %mul3A_1170 = vector.broadcast %mul3A_1169 : f32 to vector<512x128xf32>
    %mul3A_1171 = arith.mulf %mul3A_1170, %slice3A_1164 : vector<512x128xf32>
    %mul3A_1172 = arith.mulf %slice3A_1164, %slice3A_1164 : vector<512x128xf32>
    %mul3A_1173 = arith.constant 4.471500e-02 : f32
    %mul3A_1174 = vector.broadcast %mul3A_1173 : f32 to vector<512x128xf32>
    %mul3A_1175 = arith.mulf %mul3A_1174, %mul3A_1172 : vector<512x128xf32>
    %add3A_1176 = arith.constant 1.000000e+00 : f32
    %add3A_1177 = vector.broadcast %add3A_1176 : f32 to vector<512x128xf32>
    %add3A_1178 = arith.addf %add3A_1177, %mul3A_1175 : vector<512x128xf32>
    %mul3A_1179 = arith.mulf %mul3A_1171, %add3A_1178 : vector<512x128xf32>
    %mul3A_1180 = vector.broadcast %mul3A_1168 : vector<512x1xf32> to vector<512x128xf32>
    %mul3A_1181 = arith.mulf %mul3A_1180, %slice3A_1164 : vector<512x128xf32>
    %tanh3A_1182 = math.tanh %mul3A_1179 : vector<512x128xf32>
    %add3A_1183 = arith.constant 1.000000e+00 : f32
    %add3A_1184 = vector.broadcast %add3A_1183 : f32 to vector<512x128xf32>
    %add3A_1185 = arith.addf %add3A_1184, %tanh3A_1182 : vector<512x128xf32>
    %mul3A_1186 = arith.mulf %mul3A_1181, %add3A_1185 : vector<512x128xf32>
    %convert_element_type3A_1187 = arith.truncf %mul3A_1186 : vector<512x128xf32> to vector<512x128xbf16>
    %swap3A_1188 = arith.constant 0 : index
    %swap3A_1189 = arith.constant 1152 : index
    %swap3A_1190 = vector.load %arg8[%swap3A_1188, %swap3A_1189] : memref<512x2048xbf16, #tpu.memory_space<vmem>>, vector<512x128xbf16>
    tpu.vector_store %arg8[%swap3A_1188, %swap3A_1189], %convert_element_type3A_1187 {strides = array<i32>} : memref<512x2048xbf16, #tpu.memory_space<vmem>>, vector<512x128xbf16>,
    %slice3A_1191 = vector.extract_strided_slice %dot_general3A_915 {offsets = [0, 1280], sizes = [512, 128], strides = [1, 1]} : vector<512x2048xf32> to vector<512x128xf32>
    %slice3A_1192 = vector.extract_strided_slice %get3A_920 {offsets = [0, 10], sizes = [512, 1], strides = [1, 1]} : vector<512x16xf32> to vector<512x1xf32>
    %mul3A_1193 = arith.constant 5.000000e-01 : f32
    %mul3A_1194 = vector.broadcast %mul3A_1193 : f32 to vector<512x1xf32>
    %mul3A_1195 = arith.mulf %slice3A_1192, %mul3A_1194 : vector<512x1xf32>
    %mul3A_1196 = arith.constant 0.797884583 : f32
    %mul3A_1197 = vector.broadcast %mul3A_1196 : f32 to vector<512x128xf32>
    %mul3A_1198 = arith.mulf %mul3A_1197, %slice3A_1191 : vector<512x128xf32>
    %mul3A_1199 = arith.mulf %slice3A_1191, %slice3A_1191 : vector<512x128xf32>
    %mul3A_1200 = arith.constant 4.471500e-02 : f32
    %mul3A_1201 = vector.broadcast %mul3A_1200 : f32 to vector<512x128xf32>
    %mul3A_1202 = arith.mulf %mul3A_1201, %mul3A_1199 : vector<512x128xf32>
    %add3A_1203 = arith.constant 1.000000e+00 : f32
    %add3A_1204 = vector.broadcast %add3A_1203 : f32 to vector<512x128xf32>
    %add3A_1205 = arith.addf %add3A_1204, %mul3A_1202 : vector<512x128xf32>
    %mul3A_1206 = arith.mulf %mul3A_1198, %add3A_1205 : vector<512x128xf32>
    %mul3A_1207 = vector.broadcast %mul3A_1195 : vector<512x1xf32> to vector<512x128xf32>
    %mul3A_1208 = arith.mulf %mul3A_1207, %slice3A_1191 : vector<512x128xf32>
    %tanh3A_1209 = math.tanh %mul3A_1206 : vector<512x128xf32>
    %add3A_1210 = arith.constant 1.000000e+00 : f32
    %add3A_1211 = vector.broadcast %add3A_1210 : f32 to vector<512x128xf32>
    %add3A_1212 = arith.addf %add3A_1211, %tanh3A_1209 : vector<512x128xf32>
    %mul3A_1213 = arith.mulf %mul3A_1208, %add3A_1212 : vector<512x128xf32>
    %convert_element_type3A_1214 = arith.truncf %mul3A_1213 : vector<512x128xf32> to vector<512x128xbf16>
    %swap3A_1215 = arith.constant 0 : index
    %swap3A_1216 = arith.constant 1280 : index
    %swap3A_1217 = vector.load %arg8[%swap3A_1215, %swap3A_1216] : memref<512x2048xbf16, #tpu.memory_space<vmem>>, vector<512x128xbf16>
    tpu.vector_store %arg8[%swap3A_1215, %swap3A_1216], %convert_element_type3A_1214 {strides = array<i32>} : memref<512x2048xbf16, #tpu.memory_space<vmem>>, vector<512x128xbf16>,
    %slice3A_1218 = vector.extract_strided_slice %dot_general3A_915 {offsets = [0, 1408], sizes = [512, 128], strides = [1, 1]} : vector<512x2048xf32> to vector<512x128xf32>
    %slice3A_1219 = vector.extract_strided_slice %get3A_920 {offsets = [0, 11], sizes = [512, 1], strides = [1, 1]} : vector<512x16xf32> to vector<512x1xf32>
    %mul3A_1220 = arith.constant 5.000000e-01 : f32
    %mul3A_1221 = vector.broadcast %mul3A_1220 : f32 to vector<512x1xf32>
    %mul3A_1222 = arith.mulf %slice3A_1219, %mul3A_1221 : vector<512x1xf32>
    %mul3A_1223 = arith.constant 0.797884583 : f32
    %mul3A_1224 = vector.broadcast %mul3A_1223 : f32 to vector<512x128xf32>
    %mul3A_1225 = arith.mulf %mul3A_1224, %slice3A_1218 : vector<512x128xf32>
    %mul3A_1226 = arith.mulf %slice3A_1218, %slice3A_1218 : vector<512x128xf32>
    %mul3A_1227 = arith.constant 4.471500e-02 : f32
    %mul3A_1228 = vector.broadcast %mul3A_1227 : f32 to vector<512x128xf32>
    %mul3A_1229 = arith.mulf %mul3A_1228, %mul3A_1226 : vector<512x128xf32>
    %add3A_1230 = arith.constant 1.000000e+00 : f32
    %add3A_1231 = vector.broadcast %add3A_1230 : f32 to vector<512x128xf32>
    %add3A_1232 = arith.addf %add3A_1231, %mul3A_1229 : vector<512x128xf32>
    %mul3A_1233 = arith.mulf %mul3A_1225, %add3A_1232 : vector<512x128xf32>
    %mul3A_1234 = vector.broadcast %mul3A_1222 : vector<512x1xf32> to vector<512x128xf32>
    %mul3A_1235 = arith.mulf %mul3A_1234, %slice3A_1218 : vector<512x128xf32>
    %tanh3A_1236 = math.tanh %mul3A_1233 : vector<512x128xf32>
    %add3A_1237 = arith.constant 1.000000e+00 : f32
    %add3A_1238 = vector.broadcast %add3A_1237 : f32 to vector<512x128xf32>
    %add3A_1239 = arith.addf %add3A_1238, %tanh3A_1236 : vector<512x128xf32>
    %mul3A_1240 = arith.mulf %mul3A_1235, %add3A_1239 : vector<512x128xf32>
    %convert_element_type3A_1241 = arith.truncf %mul3A_1240 : vector<512x128xf32> to vector<512x128xbf16>
    %swap3A_1242 = arith.constant 0 : index
    %swap3A_1243 = arith.constant 1408 : index
    %swap3A_1244 = vector.load %arg8[%swap3A_1242, %swap3A_1243] : memref<512x2048xbf16, #tpu.memory_space<vmem>>, vector<512x128xbf16>
    tpu.vector_store %arg8[%swap3A_1242, %swap3A_1243], %convert_element_type3A_1241 {strides = array<i32>} : memref<512x2048xbf16, #tpu.memory_space<vmem>>, vector<512x128xbf16>,
    %slice3A_1245 = vector.extract_strided_slice %dot_general3A_915 {offsets = [0, 1536], sizes = [512, 128], strides = [1, 1]} : vector<512x2048xf32> to vector<512x128xf32>
    %slice3A_1246 = vector.extract_strided_slice %get3A_920 {offsets = [0, 12], sizes = [512, 1], strides = [1, 1]} : vector<512x16xf32> to vector<512x1xf32>
    %mul3A_1247 = arith.constant 5.000000e-01 : f32
    %mul3A_1248 = vector.broadcast %mul3A_1247 : f32 to vector<512x1xf32>
    %mul3A_1249 = arith.mulf %slice3A_1246, %mul3A_1248 : vector<512x1xf32>
    %mul3A_1250 = arith.constant 0.797884583 : f32
    %mul3A_1251 = vector.broadcast %mul3A_1250 : f32 to vector<512x128xf32>
    %mul3A_1252 = arith.mulf %mul3A_1251, %slice3A_1245 : vector<512x128xf32>
    %mul3A_1253 = arith.mulf %slice3A_1245, %slice3A_1245 : vector<512x128xf32>
    %mul3A_1254 = arith.constant 4.471500e-02 : f32
    %mul3A_1255 = vector.broadcast %mul3A_1254 : f32 to vector<512x128xf32>
    %mul3A_1256 = arith.mulf %mul3A_1255, %mul3A_1253 : vector<512x128xf32>
    %add3A_1257 = arith.constant 1.000000e+00 : f32
    %add3A_1258 = vector.broadcast %add3A_1257 : f32 to vector<512x128xf32>
    %add3A_1259 = arith.addf %add3A_1258, %mul3A_1256 : vector<512x128xf32>
    %mul3A_1260 = arith.mulf %mul3A_1252, %add3A_1259 : vector<512x128xf32>
    %mul3A_1261 = vector.broadcast %mul3A_1249 : vector<512x1xf32> to vector<512x128xf32>
    %mul3A_1262 = arith.mulf %mul3A_1261, %slice3A_1245 : vector<512x128xf32>
    %tanh3A_1263 = math.tanh %mul3A_1260 : vector<512x128xf32>
    %add3A_1264 = arith.constant 1.000000e+00 : f32
    %add3A_1265 = vector.broadcast %add3A_1264 : f32 to vector<512x128xf32>
    %add3A_1266 = arith.addf %add3A_1265, %tanh3A_1263 : vector<512x128xf32>
    %mul3A_1267 = arith.mulf %mul3A_1262, %add3A_1266 : vector<512x128xf32>
    %convert_element_type3A_1268 = arith.truncf %mul3A_1267 : vector<512x128xf32> to vector<512x128xbf16>
    %swap3A_1269 = arith.constant 0 : index
    %swap3A_1270 = arith.constant 1536 : index
    %swap3A_1271 = vector.load %arg8[%swap3A_1269, %swap3A_1270] : memref<512x2048xbf16, #tpu.memory_space<vmem>>, vector<512x128xbf16>
    tpu.vector_store %arg8[%swap3A_1269, %swap3A_1270], %convert_element_type3A_1268 {strides = array<i32>} : memref<512x2048xbf16, #tpu.memory_space<vmem>>, vector<512x128xbf16>,
    %slice3A_1272 = vector.extract_strided_slice %dot_general3A_915 {offsets = [0, 1664], sizes = [512, 128], strides = [1, 1]} : vector<512x2048xf32> to vector<512x128xf32>
    %slice3A_1273 = vector.extract_strided_slice %get3A_920 {offsets = [0, 13], sizes = [512, 1], strides = [1, 1]} : vector<512x16xf32> to vector<512x1xf32>
    %mul3A_1274 = arith.constant 5.000000e-01 : f32
    %mul3A_1275 = vector.broadcast %mul3A_1274 : f32 to vector<512x1xf32>
    %mul3A_1276 = arith.mulf %slice3A_1273, %mul3A_1275 : vector<512x1xf32>
    %mul3A_1277 = arith.constant 0.797884583 : f32
    %mul3A_1278 = vector.broadcast %mul3A_1277 : f32 to vector<512x128xf32>
    %mul3A_1279 = arith.mulf %mul3A_1278, %slice3A_1272 : vector<512x128xf32>
    %mul3A_1280 = arith.mulf %slice3A_1272, %slice3A_1272 : vector<512x128xf32>
    %mul3A_1281 = arith.constant 4.471500e-02 : f32
    %mul3A_1282 = vector.broadcast %mul3A_1281 : f32 to vector<512x128xf32>
    %mul3A_1283 = arith.mulf %mul3A_1282, %mul3A_1280 : vector<512x128xf32>
    %add3A_1284 = arith.constant 1.000000e+00 : f32
    %add3A_1285 = vector.broadcast %add3A_1284 : f32 to vector<512x128xf32>
    %add3A_1286 = arith.addf %add3A_1285, %mul3A_1283 : vector<512x128xf32>
    %mul3A_1287 = arith.mulf %mul3A_1279, %add3A_1286 : vector<512x128xf32>
    %mul3A_1288 = vector.broadcast %mul3A_1276 : vector<512x1xf32> to vector<512x128xf32>
    %mul3A_1289 = arith.mulf %mul3A_1288, %slice3A_1272 : vector<512x128xf32>
    %tanh3A_1290 = math.tanh %mul3A_1287 : vector<512x128xf32>
    %add3A_1291 = arith.constant 1.000000e+00 : f32
    %add3A_1292 = vector.broadcast %add3A_1291 : f32 to vector<512x128xf32>
    %add3A_1293 = arith.addf %add3A_1292, %tanh3A_1290 : vector<512x128xf32>
    %mul3A_1294 = arith.mulf %mul3A_1289, %add3A_1293 : vector<512x128xf32>
    %convert_element_type3A_1295 = arith.truncf %mul3A_1294 : vector<512x128xf32> to vector<512x128xbf16>
    %swap3A_1296 = arith.constant 0 : index
    %swap3A_1297 = arith.constant 1664 : index
    %swap3A_1298 = vector.load %arg8[%swap3A_1296, %swap3A_1297] : memref<512x2048xbf16, #tpu.memory_space<vmem>>, vector<512x128xbf16>
    tpu.vector_store %arg8[%swap3A_1296, %swap3A_1297], %convert_element_type3A_1295 {strides = array<i32>} : memref<512x2048xbf16, #tpu.memory_space<vmem>>, vector<512x128xbf16>,
    %slice3A_1299 = vector.extract_strided_slice %dot_general3A_915 {offsets = [0, 1792], sizes = [512, 128], strides = [1, 1]} : vector<512x2048xf32> to vector<512x128xf32>
    %slice3A_1300 = vector.extract_strided_slice %get3A_920 {offsets = [0, 14], sizes = [512, 1], strides = [1, 1]} : vector<512x16xf32> to vector<512x1xf32>
    %mul3A_1301 = arith.constant 5.000000e-01 : f32
    %mul3A_1302 = vector.broadcast %mul3A_1301 : f32 to vector<512x1xf32>
    %mul3A_1303 = arith.mulf %slice3A_1300, %mul3A_1302 : vector<512x1xf32>
    %mul3A_1304 = arith.constant 0.797884583 : f32
    %mul3A_1305 = vector.broadcast %mul3A_1304 : f32 to vector<512x128xf32>
    %mul3A_1306 = arith.mulf %mul3A_1305, %slice3A_1299 : vector<512x128xf32>
    %mul3A_1307 = arith.mulf %slice3A_1299, %slice3A_1299 : vector<512x128xf32>
    %mul3A_1308 = arith.constant 4.471500e-02 : f32
    %mul3A_1309 = vector.broadcast %mul3A_1308 : f32 to vector<512x128xf32>
    %mul3A_1310 = arith.mulf %mul3A_1309, %mul3A_1307 : vector<512x128xf32>
    %add3A_1311 = arith.constant 1.000000e+00 : f32
    %add3A_1312 = vector.broadcast %add3A_1311 : f32 to vector<512x128xf32>
    %add3A_1313 = arith.addf %add3A_1312, %mul3A_1310 : vector<512x128xf32>
    %mul3A_1314 = arith.mulf %mul3A_1306, %add3A_1313 : vector<512x128xf32>
    %mul3A_1315 = vector.broadcast %mul3A_1303 : vector<512x1xf32> to vector<512x128xf32>
    %mul3A_1316 = arith.mulf %mul3A_1315, %slice3A_1299 : vector<512x128xf32>
    %tanh3A_1317 = math.tanh %mul3A_1314 : vector<512x128xf32>
    %add3A_1318 = arith.constant 1.000000e+00 : f32
    %add3A_1319 = vector.broadcast %add3A_1318 : f32 to vector<512x128xf32>
    %add3A_1320 = arith.addf %add3A_1319, %tanh3A_1317 : vector<512x128xf32>
    %mul3A_1321 = arith.mulf %mul3A_1316, %add3A_1320 : vector<512x128xf32>
    %convert_element_type3A_1322 = arith.truncf %mul3A_1321 : vector<512x128xf32> to vector<512x128xbf16>
    %swap3A_1323 = arith.constant 0 : index
    %swap3A_1324 = arith.constant 1792 : index
    %swap3A_1325 = vector.load %arg8[%swap3A_1323, %swap3A_1324] : memref<512x2048xbf16, #tpu.memory_space<vmem>>, vector<512x128xbf16>
    tpu.vector_store %arg8[%swap3A_1323, %swap3A_1324], %convert_element_type3A_1322 {strides = array<i32>} : memref<512x2048xbf16, #tpu.memory_space<vmem>>, vector<512x128xbf16>,
    %slice3A_1326 = vector.extract_strided_slice %dot_general3A_915 {offsets = [0, 1920], sizes = [512, 128], strides = [1, 1]} : vector<512x2048xf32> to vector<512x128xf32>
    %slice3A_1327 = vector.extract_strided_slice %get3A_920 {offsets = [0, 15], sizes = [512, 1], strides = [1, 1]} : vector<512x16xf32> to vector<512x1xf32>
    %mul3A_1328 = arith.constant 5.000000e-01 : f32
    %mul3A_1329 = vector.broadcast %mul3A_1328 : f32 to vector<512x1xf32>
    %mul3A_1330 = arith.mulf %slice3A_1327, %mul3A_1329 : vector<512x1xf32>
    %mul3A_1331 = arith.constant 0.797884583 : f32
    %mul3A_1332 = vector.broadcast %mul3A_1331 : f32 to vector<512x128xf32>
    %mul3A_1333 = arith.mulf %mul3A_1332, %slice3A_1326 : vector<512x128xf32>
    %mul3A_1334 = arith.mulf %slice3A_1326, %slice3A_1326 : vector<512x128xf32>
    %mul3A_1335 = arith.constant 4.471500e-02 : f32
    %mul3A_1336 = vector.broadcast %mul3A_1335 : f32 to vector<512x128xf32>
    %mul3A_1337 = arith.mulf %mul3A_1336, %mul3A_1334 : vector<512x128xf32>
    %add3A_1338 = arith.constant 1.000000e+00 : f32
    %add3A_1339 = vector.broadcast %add3A_1338 : f32 to vector<512x128xf32>
    %add3A_1340 = arith.addf %add3A_1339, %mul3A_1337 : vector<512x128xf32>
    %mul3A_1341 = arith.mulf %mul3A_1333, %add3A_1340 : vector<512x128xf32>
    %mul3A_1342 = vector.broadcast %mul3A_1330 : vector<512x1xf32> to vector<512x128xf32>
    %mul3A_1343 = arith.mulf %mul3A_1342, %slice3A_1326 : vector<512x128xf32>
    %tanh3A_1344 = math.tanh %mul3A_1341 : vector<512x128xf32>
    %add3A_1345 = arith.constant 1.000000e+00 : f32
    %add3A_1346 = vector.broadcast %add3A_1345 : f32 to vector<512x128xf32>
    %add3A_1347 = arith.addf %add3A_1346, %tanh3A_1344 : vector<512x128xf32>
    %mul3A_1348 = arith.mulf %mul3A_1343, %add3A_1347 : vector<512x128xf32>
    %convert_element_type3A_1349 = arith.truncf %mul3A_1348 : vector<512x128xf32> to vector<512x128xbf16>
    %swap3A_1350 = arith.constant 0 : index
    %swap3A_1351 = arith.constant 1920 : index
    %swap3A_1352 = vector.load %arg8[%swap3A_1350, %swap3A_1351] : memref<512x2048xbf16, #tpu.memory_space<vmem>>, vector<512x128xbf16>
    tpu.vector_store %arg8[%swap3A_1350, %swap3A_1351], %convert_element_type3A_1349 {strides = array<i32>} : memref<512x2048xbf16, #tpu.memory_space<vmem>>, vector<512x128xbf16>,
    %get3A_1353 = arith.constant 0 : index
    %get3A_1354 = arith.constant 0 : index
    %get3A_1355 = vector.load %arg8[%get3A_1353, %get3A_1354] : memref<512x2048xbf16, #tpu.memory_space<vmem>>, vector<512x2048xbf16>
    %dot_general3A_1356 = arith.constant dense<0.000000e+00> : vector<512x1024xf32>
    %dot_general3A_1357 = tpu.matmul %get3A_1355, %convert_element_type3A_5, %dot_general3A_1356 {dimension_numbers = #tpu.dot_dimension_numbers<[1], [0], [0], [1], [0, 0, 1, 1], [], []>, transpose_lhs_hint = false} : vector<512x2048xbf16>, vector<2048x1024xbf16>, vector<512x1024xf32> -> vector<512x1024xf32>
    %eq3A_1358 = arith.constant 0 : i32
    %eq3A_1359 = arith.cmpi eq, %arg0, %eq3A_1358 : i32
    %convert_element_type3A_1360 = arith.extui %eq3A_1359 : i1 to i32
    %cond3A_1361 = arith.constant 0 : i32
    %cond3A_1362 = arith.cmpi ne, %convert_element_type3A_1360, %cond3A_1361 : i32
    scf.if %cond3A_1362 {
      %swap3A_1825 = arith.constant 1024 : index
      %swap3A_1826 = arith.constant 0 : index
      %swap3A_1827 = vector.load %arg5[%swap3A_1825, %swap3A_1826] : memref<2048x1024xf32, #tpu.memory_space<vmem>>, vector<512x1024xf32>
      tpu.vector_store %arg5[%swap3A_1825, %swap3A_1826], %dot_general3A_1357 {strides = array<i32>} : memref<2048x1024xf32, #tpu.memory_space<vmem>>, vector<512x1024xf32>,
    } else {
    }
    %ne3A_1363 = arith.constant 0 : i32
    %ne3A_1364 = arith.cmpi ne, %arg0, %ne3A_1363 : i32
    %convert_element_type3A_1365 = arith.extui %ne3A_1364 : i1 to i32
    %cond3A_1366 = arith.constant 0 : i32
    %cond3A_1367 = arith.cmpi ne, %convert_element_type3A_1365, %cond3A_1366 : i32
    scf.if %cond3A_1367 {
      %get3A_1825 = arith.constant 1024 : index
      %get3A_1826 = arith.constant 0 : index
      %get3A_1827 = vector.load %arg5[%get3A_1825, %get3A_1826] : memref<2048x1024xf32, #tpu.memory_space<vmem>>, vector<512x1024xf32>
      %add3A_1828 = arith.addf %get3A_1827, %dot_general3A_1357 : vector<512x1024xf32>
      %swap3A_1829 = arith.constant 1024 : index
      %swap3A_1830 = arith.constant 0 : index
      %swap3A_1831 = vector.load %arg5[%swap3A_1829, %swap3A_1830] : memref<2048x1024xf32, #tpu.memory_space<vmem>>, vector<512x1024xf32>
      tpu.vector_store %arg5[%swap3A_1829, %swap3A_1830], %add3A_1828 {strides = array<i32>} : memref<2048x1024xf32, #tpu.memory_space<vmem>>, vector<512x1024xf32>,
    } else {
    }
    %get3A_1368 = arith.constant 1536 : index
    %get3A_1369 = arith.constant 0 : index
    %get3A_1370 = vector.load %arg1[%get3A_1368, %get3A_1369] : memref<2048x1024xbf16, #tpu.memory_space<vmem>>, vector<512x1024xbf16>
    %dot_general3A_1371 = arith.constant dense<0.000000e+00> : vector<512x2048xf32>
    %dot_general3A_1372 = tpu.matmul %get3A_1370, %convert_element_type3A, %dot_general3A_1371 {dimension_numbers = #tpu.dot_dimension_numbers<[1], [0], [0], [1], [0, 0, 1, 1], [], []>, transpose_lhs_hint = false} : vector<512x1024xbf16>, vector<1024x2048xbf16>, vector<512x2048xf32> -> vector<512x2048xf32>
    %get3A_1373 = arith.constant 0 : index
    %get3A_1374 = arith.constant 1536 : index
    %get3A_1375 = arith.constant 0 : index
    %get3A_1376 = vector.load %arg2[%get3A_1373, %get3A_1374, %get3A_1375] : memref<1x2048x16xf32, #tpu.memory_space<vmem>>, vector<1x512x16xf32>
    %get3A_1377 = vector.shape_cast %get3A_1376 : vector<1x512x16xf32> to vector<512x16xf32>
    %slice3A_1378 = vector.extract_strided_slice %dot_general3A_1372 {offsets = [0, 0], sizes = [512, 128], strides = [1, 1]} : vector<512x2048xf32> to vector<512x128xf32>
    %slice3A_1379 = vector.extract_strided_slice %get3A_1377 {offsets = [0, 0], sizes = [512, 1], strides = [1, 1]} : vector<512x16xf32> to vector<512x1xf32>
    %mul3A_1380 = arith.constant 5.000000e-01 : f32
    %mul3A_1381 = vector.broadcast %mul3A_1380 : f32 to vector<512x1xf32>
    %mul3A_1382 = arith.mulf %slice3A_1379, %mul3A_1381 : vector<512x1xf32>
    %mul3A_1383 = arith.constant 0.797884583 : f32
    %mul3A_1384 = vector.broadcast %mul3A_1383 : f32 to vector<512x128xf32>
    %mul3A_1385 = arith.mulf %mul3A_1384, %slice3A_1378 : vector<512x128xf32>
    %mul3A_1386 = arith.mulf %slice3A_1378, %slice3A_1378 : vector<512x128xf32>
    %mul3A_1387 = arith.constant 4.471500e-02 : f32
    %mul3A_1388 = vector.broadcast %mul3A_1387 : f32 to vector<512x128xf32>
    %mul3A_1389 = arith.mulf %mul3A_1388, %mul3A_1386 : vector<512x128xf32>
    %add3A_1390 = arith.constant 1.000000e+00 : f32
    %add3A_1391 = vector.broadcast %add3A_1390 : f32 to vector<512x128xf32>
    %add3A_1392 = arith.addf %add3A_1391, %mul3A_1389 : vector<512x128xf32>
    %mul3A_1393 = arith.mulf %mul3A_1385, %add3A_1392 : vector<512x128xf32>
    %mul3A_1394 = vector.broadcast %mul3A_1382 : vector<512x1xf32> to vector<512x128xf32>
    %mul3A_1395 = arith.mulf %mul3A_1394, %slice3A_1378 : vector<512x128xf32>
    %tanh3A_1396 = math.tanh %mul3A_1393 : vector<512x128xf32>
    %add3A_1397 = arith.constant 1.000000e+00 : f32
    %add3A_1398 = vector.broadcast %add3A_1397 : f32 to vector<512x128xf32>
    %add3A_1399 = arith.addf %add3A_1398, %tanh3A_1396 : vector<512x128xf32>
    %mul3A_1400 = arith.mulf %mul3A_1395, %add3A_1399 : vector<512x128xf32>
    %convert_element_type3A_1401 = arith.truncf %mul3A_1400 : vector<512x128xf32> to vector<512x128xbf16>
    %swap3A_1402 = arith.constant 0 : index
    %swap3A_1403 = arith.constant 0 : index
    %swap3A_1404 = vector.load %arg6[%swap3A_1402, %swap3A_1403] : memref<512x2048xbf16, #tpu.memory_space<vmem>>, vector<512x128xbf16>
    tpu.vector_store %arg6[%swap3A_1402, %swap3A_1403], %convert_element_type3A_1401 {strides = array<i32>} : memref<512x2048xbf16, #tpu.memory_space<vmem>>, vector<512x128xbf16>,
    %slice3A_1405 = vector.extract_strided_slice %dot_general3A_1372 {offsets = [0, 128], sizes = [512, 128], strides = [1, 1]} : vector<512x2048xf32> to vector<512x128xf32>
    %slice3A_1406 = vector.extract_strided_slice %get3A_1377 {offsets = [0, 1], sizes = [512, 1], strides = [1, 1]} : vector<512x16xf32> to vector<512x1xf32>
    %mul3A_1407 = arith.constant 5.000000e-01 : f32
    %mul3A_1408 = vector.broadcast %mul3A_1407 : f32 to vector<512x1xf32>
    %mul3A_1409 = arith.mulf %slice3A_1406, %mul3A_1408 : vector<512x1xf32>
    %mul3A_1410 = arith.constant 0.797884583 : f32
    %mul3A_1411 = vector.broadcast %mul3A_1410 : f32 to vector<512x128xf32>
    %mul3A_1412 = arith.mulf %mul3A_1411, %slice3A_1405 : vector<512x128xf32>
    %mul3A_1413 = arith.mulf %slice3A_1405, %slice3A_1405 : vector<512x128xf32>
    %mul3A_1414 = arith.constant 4.471500e-02 : f32
    %mul3A_1415 = vector.broadcast %mul3A_1414 : f32 to vector<512x128xf32>
    %mul3A_1416 = arith.mulf %mul3A_1415, %mul3A_1413 : vector<512x128xf32>
    %add3A_1417 = arith.constant 1.000000e+00 : f32
    %add3A_1418 = vector.broadcast %add3A_1417 : f32 to vector<512x128xf32>
    %add3A_1419 = arith.addf %add3A_1418, %mul3A_1416 : vector<512x128xf32>
    %mul3A_1420 = arith.mulf %mul3A_1412, %add3A_1419 : vector<512x128xf32>
    %mul3A_1421 = vector.broadcast %mul3A_1409 : vector<512x1xf32> to vector<512x128xf32>
    %mul3A_1422 = arith.mulf %mul3A_1421, %slice3A_1405 : vector<512x128xf32>
    %tanh3A_1423 = math.tanh %mul3A_1420 : vector<512x128xf32>
    %add3A_1424 = arith.constant 1.000000e+00 : f32
    %add3A_1425 = vector.broadcast %add3A_1424 : f32 to vector<512x128xf32>
    %add3A_1426 = arith.addf %add3A_1425, %tanh3A_1423 : vector<512x128xf32>
    %mul3A_1427 = arith.mulf %mul3A_1422, %add3A_1426 : vector<512x128xf32>
    %convert_element_type3A_1428 = arith.truncf %mul3A_1427 : vector<512x128xf32> to vector<512x128xbf16>
    %swap3A_1429 = arith.constant 0 : index
    %swap3A_1430 = arith.constant 128 : index
    %swap3A_1431 = vector.load %arg6[%swap3A_1429, %swap3A_1430] : memref<512x2048xbf16, #tpu.memory_space<vmem>>, vector<512x128xbf16>
    tpu.vector_store %arg6[%swap3A_1429, %swap3A_1430], %convert_element_type3A_1428 {strides = array<i32>} : memref<512x2048xbf16, #tpu.memory_space<vmem>>, vector<512x128xbf16>,
    %slice3A_1432 = vector.extract_strided_slice %dot_general3A_1372 {offsets = [0, 256], sizes = [512, 128], strides = [1, 1]} : vector<512x2048xf32> to vector<512x128xf32>
    %slice3A_1433 = vector.extract_strided_slice %get3A_1377 {offsets = [0, 2], sizes = [512, 1], strides = [1, 1]} : vector<512x16xf32> to vector<512x1xf32>
    %mul3A_1434 = arith.constant 5.000000e-01 : f32
    %mul3A_1435 = vector.broadcast %mul3A_1434 : f32 to vector<512x1xf32>
    %mul3A_1436 = arith.mulf %slice3A_1433, %mul3A_1435 : vector<512x1xf32>
    %mul3A_1437 = arith.constant 0.797884583 : f32
    %mul3A_1438 = vector.broadcast %mul3A_1437 : f32 to vector<512x128xf32>
    %mul3A_1439 = arith.mulf %mul3A_1438, %slice3A_1432 : vector<512x128xf32>
    %mul3A_1440 = arith.mulf %slice3A_1432, %slice3A_1432 : vector<512x128xf32>
    %mul3A_1441 = arith.constant 4.471500e-02 : f32
    %mul3A_1442 = vector.broadcast %mul3A_1441 : f32 to vector<512x128xf32>
    %mul3A_1443 = arith.mulf %mul3A_1442, %mul3A_1440 : vector<512x128xf32>
    %add3A_1444 = arith.constant 1.000000e+00 : f32
    %add3A_1445 = vector.broadcast %add3A_1444 : f32 to vector<512x128xf32>
    %add3A_1446 = arith.addf %add3A_1445, %mul3A_1443 : vector<512x128xf32>
    %mul3A_1447 = arith.mulf %mul3A_1439, %add3A_1446 : vector<512x128xf32>
    %mul3A_1448 = vector.broadcast %mul3A_1436 : vector<512x1xf32> to vector<512x128xf32>
    %mul3A_1449 = arith.mulf %mul3A_1448, %slice3A_1432 : vector<512x128xf32>
    %tanh3A_1450 = math.tanh %mul3A_1447 : vector<512x128xf32>
    %add3A_1451 = arith.constant 1.000000e+00 : f32
    %add3A_1452 = vector.broadcast %add3A_1451 : f32 to vector<512x128xf32>
    %add3A_1453 = arith.addf %add3A_1452, %tanh3A_1450 : vector<512x128xf32>
    %mul3A_1454 = arith.mulf %mul3A_1449, %add3A_1453 : vector<512x128xf32>
    %convert_element_type3A_1455 = arith.truncf %mul3A_1454 : vector<512x128xf32> to vector<512x128xbf16>
    %swap3A_1456 = arith.constant 0 : index
    %swap3A_1457 = arith.constant 256 : index
    %swap3A_1458 = vector.load %arg6[%swap3A_1456, %swap3A_1457] : memref<512x2048xbf16, #tpu.memory_space<vmem>>, vector<512x128xbf16>
    tpu.vector_store %arg6[%swap3A_1456, %swap3A_1457], %convert_element_type3A_1455 {strides = array<i32>} : memref<512x2048xbf16, #tpu.memory_space<vmem>>, vector<512x128xbf16>,
    %slice3A_1459 = vector.extract_strided_slice %dot_general3A_1372 {offsets = [0, 384], sizes = [512, 128], strides = [1, 1]} : vector<512x2048xf32> to vector<512x128xf32>
    %slice3A_1460 = vector.extract_strided_slice %get3A_1377 {offsets = [0, 3], sizes = [512, 1], strides = [1, 1]} : vector<512x16xf32> to vector<512x1xf32>
    %mul3A_1461 = arith.constant 5.000000e-01 : f32
    %mul3A_1462 = vector.broadcast %mul3A_1461 : f32 to vector<512x1xf32>
    %mul3A_1463 = arith.mulf %slice3A_1460, %mul3A_1462 : vector<512x1xf32>
    %mul3A_1464 = arith.constant 0.797884583 : f32
    %mul3A_1465 = vector.broadcast %mul3A_1464 : f32 to vector<512x128xf32>
    %mul3A_1466 = arith.mulf %mul3A_1465, %slice3A_1459 : vector<512x128xf32>
    %mul3A_1467 = arith.mulf %slice3A_1459, %slice3A_1459 : vector<512x128xf32>
    %mul3A_1468 = arith.constant 4.471500e-02 : f32
    %mul3A_1469 = vector.broadcast %mul3A_1468 : f32 to vector<512x128xf32>
    %mul3A_1470 = arith.mulf %mul3A_1469, %mul3A_1467 : vector<512x128xf32>
    %add3A_1471 = arith.constant 1.000000e+00 : f32
    %add3A_1472 = vector.broadcast %add3A_1471 : f32 to vector<512x128xf32>
    %add3A_1473 = arith.addf %add3A_1472, %mul3A_1470 : vector<512x128xf32>
    %mul3A_1474 = arith.mulf %mul3A_1466, %add3A_1473 : vector<512x128xf32>
    %mul3A_1475 = vector.broadcast %mul3A_1463 : vector<512x1xf32> to vector<512x128xf32>
    %mul3A_1476 = arith.mulf %mul3A_1475, %slice3A_1459 : vector<512x128xf32>
    %tanh3A_1477 = math.tanh %mul3A_1474 : vector<512x128xf32>
    %add3A_1478 = arith.constant 1.000000e+00 : f32
    %add3A_1479 = vector.broadcast %add3A_1478 : f32 to vector<512x128xf32>
    %add3A_1480 = arith.addf %add3A_1479, %tanh3A_1477 : vector<512x128xf32>
    %mul3A_1481 = arith.mulf %mul3A_1476, %add3A_1480 : vector<512x128xf32>
    %convert_element_type3A_1482 = arith.truncf %mul3A_1481 : vector<512x128xf32> to vector<512x128xbf16>
    %swap3A_1483 = arith.constant 0 : index
    %swap3A_1484 = arith.constant 384 : index
    %swap3A_1485 = vector.load %arg6[%swap3A_1483, %swap3A_1484] : memref<512x2048xbf16, #tpu.memory_space<vmem>>, vector<512x128xbf16>
    tpu.vector_store %arg6[%swap3A_1483, %swap3A_1484], %convert_element_type3A_1482 {strides = array<i32>} : memref<512x2048xbf16, #tpu.memory_space<vmem>>, vector<512x128xbf16>,
    %slice3A_1486 = vector.extract_strided_slice %dot_general3A_1372 {offsets = [0, 512], sizes = [512, 128], strides = [1, 1]} : vector<512x2048xf32> to vector<512x128xf32>
    %slice3A_1487 = vector.extract_strided_slice %get3A_1377 {offsets = [0, 4], sizes = [512, 1], strides = [1, 1]} : vector<512x16xf32> to vector<512x1xf32>
    %mul3A_1488 = arith.constant 5.000000e-01 : f32
    %mul3A_1489 = vector.broadcast %mul3A_1488 : f32 to vector<512x1xf32>
    %mul3A_1490 = arith.mulf %slice3A_1487, %mul3A_1489 : vector<512x1xf32>
    %mul3A_1491 = arith.constant 0.797884583 : f32
    %mul3A_1492 = vector.broadcast %mul3A_1491 : f32 to vector<512x128xf32>
    %mul3A_1493 = arith.mulf %mul3A_1492, %slice3A_1486 : vector<512x128xf32>
    %mul3A_1494 = arith.mulf %slice3A_1486, %slice3A_1486 : vector<512x128xf32>
    %mul3A_1495 = arith.constant 4.471500e-02 : f32
    %mul3A_1496 = vector.broadcast %mul3A_1495 : f32 to vector<512x128xf32>
    %mul3A_1497 = arith.mulf %mul3A_1496, %mul3A_1494 : vector<512x128xf32>
    %add3A_1498 = arith.constant 1.000000e+00 : f32
    %add3A_1499 = vector.broadcast %add3A_1498 : f32 to vector<512x128xf32>
    %add3A_1500 = arith.addf %add3A_1499, %mul3A_1497 : vector<512x128xf32>
    %mul3A_1501 = arith.mulf %mul3A_1493, %add3A_1500 : vector<512x128xf32>
    %mul3A_1502 = vector.broadcast %mul3A_1490 : vector<512x1xf32> to vector<512x128xf32>
    %mul3A_1503 = arith.mulf %mul3A_1502, %slice3A_1486 : vector<512x128xf32>
    %tanh3A_1504 = math.tanh %mul3A_1501 : vector<512x128xf32>
    %add3A_1505 = arith.constant 1.000000e+00 : f32
    %add3A_1506 = vector.broadcast %add3A_1505 : f32 to vector<512x128xf32>
    %add3A_1507 = arith.addf %add3A_1506, %tanh3A_1504 : vector<512x128xf32>
    %mul3A_1508 = arith.mulf %mul3A_1503, %add3A_1507 : vector<512x128xf32>
    %convert_element_type3A_1509 = arith.truncf %mul3A_1508 : vector<512x128xf32> to vector<512x128xbf16>
    %swap3A_1510 = arith.constant 0 : index
    %swap3A_1511 = arith.constant 512 : index
    %swap3A_1512 = vector.load %arg6[%swap3A_1510, %swap3A_1511] : memref<512x2048xbf16, #tpu.memory_space<vmem>>, vector<512x128xbf16>
    tpu.vector_store %arg6[%swap3A_1510, %swap3A_1511], %convert_element_type3A_1509 {strides = array<i32>} : memref<512x2048xbf16, #tpu.memory_space<vmem>>, vector<512x128xbf16>,
    %slice3A_1513 = vector.extract_strided_slice %dot_general3A_1372 {offsets = [0, 640], sizes = [512, 128], strides = [1, 1]} : vector<512x2048xf32> to vector<512x128xf32>
    %slice3A_1514 = vector.extract_strided_slice %get3A_1377 {offsets = [0, 5], sizes = [512, 1], strides = [1, 1]} : vector<512x16xf32> to vector<512x1xf32>
    %mul3A_1515 = arith.constant 5.000000e-01 : f32
    %mul3A_1516 = vector.broadcast %mul3A_1515 : f32 to vector<512x1xf32>
    %mul3A_1517 = arith.mulf %slice3A_1514, %mul3A_1516 : vector<512x1xf32>
    %mul3A_1518 = arith.constant 0.797884583 : f32
    %mul3A_1519 = vector.broadcast %mul3A_1518 : f32 to vector<512x128xf32>
    %mul3A_1520 = arith.mulf %mul3A_1519, %slice3A_1513 : vector<512x128xf32>
    %mul3A_1521 = arith.mulf %slice3A_1513, %slice3A_1513 : vector<512x128xf32>
    %mul3A_1522 = arith.constant 4.471500e-02 : f32
    %mul3A_1523 = vector.broadcast %mul3A_1522 : f32 to vector<512x128xf32>
    %mul3A_1524 = arith.mulf %mul3A_1523, %mul3A_1521 : vector<512x128xf32>
    %add3A_1525 = arith.constant 1.000000e+00 : f32
    %add3A_1526 = vector.broadcast %add3A_1525 : f32 to vector<512x128xf32>
    %add3A_1527 = arith.addf %add3A_1526, %mul3A_1524 : vector<512x128xf32>
    %mul3A_1528 = arith.mulf %mul3A_1520, %add3A_1527 : vector<512x128xf32>
    %mul3A_1529 = vector.broadcast %mul3A_1517 : vector<512x1xf32> to vector<512x128xf32>
    %mul3A_1530 = arith.mulf %mul3A_1529, %slice3A_1513 : vector<512x128xf32>
    %tanh3A_1531 = math.tanh %mul3A_1528 : vector<512x128xf32>
    %add3A_1532 = arith.constant 1.000000e+00 : f32
    %add3A_1533 = vector.broadcast %add3A_1532 : f32 to vector<512x128xf32>
    %add3A_1534 = arith.addf %add3A_1533, %tanh3A_1531 : vector<512x128xf32>
    %mul3A_1535 = arith.mulf %mul3A_1530, %add3A_1534 : vector<512x128xf32>
    %convert_element_type3A_1536 = arith.truncf %mul3A_1535 : vector<512x128xf32> to vector<512x128xbf16>
    %swap3A_1537 = arith.constant 0 : index
    %swap3A_1538 = arith.constant 640 : index
    %swap3A_1539 = vector.load %arg6[%swap3A_1537, %swap3A_1538] : memref<512x2048xbf16, #tpu.memory_space<vmem>>, vector<512x128xbf16>
    tpu.vector_store %arg6[%swap3A_1537, %swap3A_1538], %convert_element_type3A_1536 {strides = array<i32>} : memref<512x2048xbf16, #tpu.memory_space<vmem>>, vector<512x128xbf16>,
    %slice3A_1540 = vector.extract_strided_slice %dot_general3A_1372 {offsets = [0, 768], sizes = [512, 128], strides = [1, 1]} : vector<512x2048xf32> to vector<512x128xf32>
    %slice3A_1541 = vector.extract_strided_slice %get3A_1377 {offsets = [0, 6], sizes = [512, 1], strides = [1, 1]} : vector<512x16xf32> to vector<512x1xf32>
    %mul3A_1542 = arith.constant 5.000000e-01 : f32
    %mul3A_1543 = vector.broadcast %mul3A_1542 : f32 to vector<512x1xf32>
    %mul3A_1544 = arith.mulf %slice3A_1541, %mul3A_1543 : vector<512x1xf32>
    %mul3A_1545 = arith.constant 0.797884583 : f32
    %mul3A_1546 = vector.broadcast %mul3A_1545 : f32 to vector<512x128xf32>
    %mul3A_1547 = arith.mulf %mul3A_1546, %slice3A_1540 : vector<512x128xf32>
    %mul3A_1548 = arith.mulf %slice3A_1540, %slice3A_1540 : vector<512x128xf32>
    %mul3A_1549 = arith.constant 4.471500e-02 : f32
    %mul3A_1550 = vector.broadcast %mul3A_1549 : f32 to vector<512x128xf32>
    %mul3A_1551 = arith.mulf %mul3A_1550, %mul3A_1548 : vector<512x128xf32>
    %add3A_1552 = arith.constant 1.000000e+00 : f32
    %add3A_1553 = vector.broadcast %add3A_1552 : f32 to vector<512x128xf32>
    %add3A_1554 = arith.addf %add3A_1553, %mul3A_1551 : vector<512x128xf32>
    %mul3A_1555 = arith.mulf %mul3A_1547, %add3A_1554 : vector<512x128xf32>
    %mul3A_1556 = vector.broadcast %mul3A_1544 : vector<512x1xf32> to vector<512x128xf32>
    %mul3A_1557 = arith.mulf %mul3A_1556, %slice3A_1540 : vector<512x128xf32>
    %tanh3A_1558 = math.tanh %mul3A_1555 : vector<512x128xf32>
    %add3A_1559 = arith.constant 1.000000e+00 : f32
    %add3A_1560 = vector.broadcast %add3A_1559 : f32 to vector<512x128xf32>
    %add3A_1561 = arith.addf %add3A_1560, %tanh3A_1558 : vector<512x128xf32>
    %mul3A_1562 = arith.mulf %mul3A_1557, %add3A_1561 : vector<512x128xf32>
    %convert_element_type3A_1563 = arith.truncf %mul3A_1562 : vector<512x128xf32> to vector<512x128xbf16>
    %swap3A_1564 = arith.constant 0 : index
    %swap3A_1565 = arith.constant 768 : index
    %swap3A_1566 = vector.load %arg6[%swap3A_1564, %swap3A_1565] : memref<512x2048xbf16, #tpu.memory_space<vmem>>, vector<512x128xbf16>
    tpu.vector_store %arg6[%swap3A_1564, %swap3A_1565], %convert_element_type3A_1563 {strides = array<i32>} : memref<512x2048xbf16, #tpu.memory_space<vmem>>, vector<512x128xbf16>,
    %slice3A_1567 = vector.extract_strided_slice %dot_general3A_1372 {offsets = [0, 896], sizes = [512, 128], strides = [1, 1]} : vector<512x2048xf32> to vector<512x128xf32>
    %slice3A_1568 = vector.extract_strided_slice %get3A_1377 {offsets = [0, 7], sizes = [512, 1], strides = [1, 1]} : vector<512x16xf32> to vector<512x1xf32>
    %mul3A_1569 = arith.constant 5.000000e-01 : f32
    %mul3A_1570 = vector.broadcast %mul3A_1569 : f32 to vector<512x1xf32>
    %mul3A_1571 = arith.mulf %slice3A_1568, %mul3A_1570 : vector<512x1xf32>
    %mul3A_1572 = arith.constant 0.797884583 : f32
    %mul3A_1573 = vector.broadcast %mul3A_1572 : f32 to vector<512x128xf32>
    %mul3A_1574 = arith.mulf %mul3A_1573, %slice3A_1567 : vector<512x128xf32>
    %mul3A_1575 = arith.mulf %slice3A_1567, %slice3A_1567 : vector<512x128xf32>
    %mul3A_1576 = arith.constant 4.471500e-02 : f32
    %mul3A_1577 = vector.broadcast %mul3A_1576 : f32 to vector<512x128xf32>
    %mul3A_1578 = arith.mulf %mul3A_1577, %mul3A_1575 : vector<512x128xf32>
    %add3A_1579 = arith.constant 1.000000e+00 : f32
    %add3A_1580 = vector.broadcast %add3A_1579 : f32 to vector<512x128xf32>
    %add3A_1581 = arith.addf %add3A_1580, %mul3A_1578 : vector<512x128xf32>
    %mul3A_1582 = arith.mulf %mul3A_1574, %add3A_1581 : vector<512x128xf32>
    %mul3A_1583 = vector.broadcast %mul3A_1571 : vector<512x1xf32> to vector<512x128xf32>
    %mul3A_1584 = arith.mulf %mul3A_1583, %slice3A_1567 : vector<512x128xf32>
    %tanh3A_1585 = math.tanh %mul3A_1582 : vector<512x128xf32>
    %add3A_1586 = arith.constant 1.000000e+00 : f32
    %add3A_1587 = vector.broadcast %add3A_1586 : f32 to vector<512x128xf32>
    %add3A_1588 = arith.addf %add3A_1587, %tanh3A_1585 : vector<512x128xf32>
    %mul3A_1589 = arith.mulf %mul3A_1584, %add3A_1588 : vector<512x128xf32>
    %convert_element_type3A_1590 = arith.truncf %mul3A_1589 : vector<512x128xf32> to vector<512x128xbf16>
    %swap3A_1591 = arith.constant 0 : index
    %swap3A_1592 = arith.constant 896 : index
    %swap3A_1593 = vector.load %arg6[%swap3A_1591, %swap3A_1592] : memref<512x2048xbf16, #tpu.memory_space<vmem>>, vector<512x128xbf16>
    tpu.vector_store %arg6[%swap3A_1591, %swap3A_1592], %convert_element_type3A_1590 {strides = array<i32>} : memref<512x2048xbf16, #tpu.memory_space<vmem>>, vector<512x128xbf16>,
    %slice3A_1594 = vector.extract_strided_slice %dot_general3A_1372 {offsets = [0, 1024], sizes = [512, 128], strides = [1, 1]} : vector<512x2048xf32> to vector<512x128xf32>
    %slice3A_1595 = vector.extract_strided_slice %get3A_1377 {offsets = [0, 8], sizes = [512, 1], strides = [1, 1]} : vector<512x16xf32> to vector<512x1xf32>
    %mul3A_1596 = arith.constant 5.000000e-01 : f32
    %mul3A_1597 = vector.broadcast %mul3A_1596 : f32 to vector<512x1xf32>
    %mul3A_1598 = arith.mulf %slice3A_1595, %mul3A_1597 : vector<512x1xf32>
    %mul3A_1599 = arith.constant 0.797884583 : f32
    %mul3A_1600 = vector.broadcast %mul3A_1599 : f32 to vector<512x128xf32>
    %mul3A_1601 = arith.mulf %mul3A_1600, %slice3A_1594 : vector<512x128xf32>
    %mul3A_1602 = arith.mulf %slice3A_1594, %slice3A_1594 : vector<512x128xf32>
    %mul3A_1603 = arith.constant 4.471500e-02 : f32
    %mul3A_1604 = vector.broadcast %mul3A_1603 : f32 to vector<512x128xf32>
    %mul3A_1605 = arith.mulf %mul3A_1604, %mul3A_1602 : vector<512x128xf32>
    %add3A_1606 = arith.constant 1.000000e+00 : f32
    %add3A_1607 = vector.broadcast %add3A_1606 : f32 to vector<512x128xf32>
    %add3A_1608 = arith.addf %add3A_1607, %mul3A_1605 : vector<512x128xf32>
    %mul3A_1609 = arith.mulf %mul3A_1601, %add3A_1608 : vector<512x128xf32>
    %mul3A_1610 = vector.broadcast %mul3A_1598 : vector<512x1xf32> to vector<512x128xf32>
    %mul3A_1611 = arith.mulf %mul3A_1610, %slice3A_1594 : vector<512x128xf32>
    %tanh3A_1612 = math.tanh %mul3A_1609 : vector<512x128xf32>
    %add3A_1613 = arith.constant 1.000000e+00 : f32
    %add3A_1614 = vector.broadcast %add3A_1613 : f32 to vector<512x128xf32>
    %add3A_1615 = arith.addf %add3A_1614, %tanh3A_1612 : vector<512x128xf32>
    %mul3A_1616 = arith.mulf %mul3A_1611, %add3A_1615 : vector<512x128xf32>
    %convert_element_type3A_1617 = arith.truncf %mul3A_1616 : vector<512x128xf32> to vector<512x128xbf16>
    %swap3A_1618 = arith.constant 0 : index
    %swap3A_1619 = arith.constant 1024 : index
    %swap3A_1620 = vector.load %arg6[%swap3A_1618, %swap3A_1619] : memref<512x2048xbf16, #tpu.memory_space<vmem>>, vector<512x128xbf16>
    tpu.vector_store %arg6[%swap3A_1618, %swap3A_1619], %convert_element_type3A_1617 {strides = array<i32>} : memref<512x2048xbf16, #tpu.memory_space<vmem>>, vector<512x128xbf16>,
    %slice3A_1621 = vector.extract_strided_slice %dot_general3A_1372 {offsets = [0, 1152], sizes = [512, 128], strides = [1, 1]} : vector<512x2048xf32> to vector<512x128xf32>
    %slice3A_1622 = vector.extract_strided_slice %get3A_1377 {offsets = [0, 9], sizes = [512, 1], strides = [1, 1]} : vector<512x16xf32> to vector<512x1xf32>
    %mul3A_1623 = arith.constant 5.000000e-01 : f32
    %mul3A_1624 = vector.broadcast %mul3A_1623 : f32 to vector<512x1xf32>
    %mul3A_1625 = arith.mulf %slice3A_1622, %mul3A_1624 : vector<512x1xf32>
    %mul3A_1626 = arith.constant 0.797884583 : f32
    %mul3A_1627 = vector.broadcast %mul3A_1626 : f32 to vector<512x128xf32>
    %mul3A_1628 = arith.mulf %mul3A_1627, %slice3A_1621 : vector<512x128xf32>
    %mul3A_1629 = arith.mulf %slice3A_1621, %slice3A_1621 : vector<512x128xf32>
    %mul3A_1630 = arith.constant 4.471500e-02 : f32
    %mul3A_1631 = vector.broadcast %mul3A_1630 : f32 to vector<512x128xf32>
    %mul3A_1632 = arith.mulf %mul3A_1631, %mul3A_1629 : vector<512x128xf32>
    %add3A_1633 = arith.constant 1.000000e+00 : f32
    %add3A_1634 = vector.broadcast %add3A_1633 : f32 to vector<512x128xf32>
    %add3A_1635 = arith.addf %add3A_1634, %mul3A_1632 : vector<512x128xf32>
    %mul3A_1636 = arith.mulf %mul3A_1628, %add3A_1635 : vector<512x128xf32>
    %mul3A_1637 = vector.broadcast %mul3A_1625 : vector<512x1xf32> to vector<512x128xf32>
    %mul3A_1638 = arith.mulf %mul3A_1637, %slice3A_1621 : vector<512x128xf32>
    %tanh3A_1639 = math.tanh %mul3A_1636 : vector<512x128xf32>
    %add3A_1640 = arith.constant 1.000000e+00 : f32
    %add3A_1641 = vector.broadcast %add3A_1640 : f32 to vector<512x128xf32>
    %add3A_1642 = arith.addf %add3A_1641, %tanh3A_1639 : vector<512x128xf32>
    %mul3A_1643 = arith.mulf %mul3A_1638, %add3A_1642 : vector<512x128xf32>
    %convert_element_type3A_1644 = arith.truncf %mul3A_1643 : vector<512x128xf32> to vector<512x128xbf16>
    %swap3A_1645 = arith.constant 0 : index
    %swap3A_1646 = arith.constant 1152 : index
    %swap3A_1647 = vector.load %arg6[%swap3A_1645, %swap3A_1646] : memref<512x2048xbf16, #tpu.memory_space<vmem>>, vector<512x128xbf16>
    tpu.vector_store %arg6[%swap3A_1645, %swap3A_1646], %convert_element_type3A_1644 {strides = array<i32>} : memref<512x2048xbf16, #tpu.memory_space<vmem>>, vector<512x128xbf16>,
    %slice3A_1648 = vector.extract_strided_slice %dot_general3A_1372 {offsets = [0, 1280], sizes = [512, 128], strides = [1, 1]} : vector<512x2048xf32> to vector<512x128xf32>
    %slice3A_1649 = vector.extract_strided_slice %get3A_1377 {offsets = [0, 10], sizes = [512, 1], strides = [1, 1]} : vector<512x16xf32> to vector<512x1xf32>
    %mul3A_1650 = arith.constant 5.000000e-01 : f32
    %mul3A_1651 = vector.broadcast %mul3A_1650 : f32 to vector<512x1xf32>
    %mul3A_1652 = arith.mulf %slice3A_1649, %mul3A_1651 : vector<512x1xf32>
    %mul3A_1653 = arith.constant 0.797884583 : f32
    %mul3A_1654 = vector.broadcast %mul3A_1653 : f32 to vector<512x128xf32>
    %mul3A_1655 = arith.mulf %mul3A_1654, %slice3A_1648 : vector<512x128xf32>
    %mul3A_1656 = arith.mulf %slice3A_1648, %slice3A_1648 : vector<512x128xf32>
    %mul3A_1657 = arith.constant 4.471500e-02 : f32
    %mul3A_1658 = vector.broadcast %mul3A_1657 : f32 to vector<512x128xf32>
    %mul3A_1659 = arith.mulf %mul3A_1658, %mul3A_1656 : vector<512x128xf32>
    %add3A_1660 = arith.constant 1.000000e+00 : f32
    %add3A_1661 = vector.broadcast %add3A_1660 : f32 to vector<512x128xf32>
    %add3A_1662 = arith.addf %add3A_1661, %mul3A_1659 : vector<512x128xf32>
    %mul3A_1663 = arith.mulf %mul3A_1655, %add3A_1662 : vector<512x128xf32>
    %mul3A_1664 = vector.broadcast %mul3A_1652 : vector<512x1xf32> to vector<512x128xf32>
    %mul3A_1665 = arith.mulf %mul3A_1664, %slice3A_1648 : vector<512x128xf32>
    %tanh3A_1666 = math.tanh %mul3A_1663 : vector<512x128xf32>
    %add3A_1667 = arith.constant 1.000000e+00 : f32
    %add3A_1668 = vector.broadcast %add3A_1667 : f32 to vector<512x128xf32>
    %add3A_1669 = arith.addf %add3A_1668, %tanh3A_1666 : vector<512x128xf32>
    %mul3A_1670 = arith.mulf %mul3A_1665, %add3A_1669 : vector<512x128xf32>
    %convert_element_type3A_1671 = arith.truncf %mul3A_1670 : vector<512x128xf32> to vector<512x128xbf16>
    %swap3A_1672 = arith.constant 0 : index
    %swap3A_1673 = arith.constant 1280 : index
    %swap3A_1674 = vector.load %arg6[%swap3A_1672, %swap3A_1673] : memref<512x2048xbf16, #tpu.memory_space<vmem>>, vector<512x128xbf16>
    tpu.vector_store %arg6[%swap3A_1672, %swap3A_1673], %convert_element_type3A_1671 {strides = array<i32>} : memref<512x2048xbf16, #tpu.memory_space<vmem>>, vector<512x128xbf16>,
    %slice3A_1675 = vector.extract_strided_slice %dot_general3A_1372 {offsets = [0, 1408], sizes = [512, 128], strides = [1, 1]} : vector<512x2048xf32> to vector<512x128xf32>
    %slice3A_1676 = vector.extract_strided_slice %get3A_1377 {offsets = [0, 11], sizes = [512, 1], strides = [1, 1]} : vector<512x16xf32> to vector<512x1xf32>
    %mul3A_1677 = arith.constant 5.000000e-01 : f32
    %mul3A_1678 = vector.broadcast %mul3A_1677 : f32 to vector<512x1xf32>
    %mul3A_1679 = arith.mulf %slice3A_1676, %mul3A_1678 : vector<512x1xf32>
    %mul3A_1680 = arith.constant 0.797884583 : f32
    %mul3A_1681 = vector.broadcast %mul3A_1680 : f32 to vector<512x128xf32>
    %mul3A_1682 = arith.mulf %mul3A_1681, %slice3A_1675 : vector<512x128xf32>
    %mul3A_1683 = arith.mulf %slice3A_1675, %slice3A_1675 : vector<512x128xf32>
    %mul3A_1684 = arith.constant 4.471500e-02 : f32
    %mul3A_1685 = vector.broadcast %mul3A_1684 : f32 to vector<512x128xf32>
    %mul3A_1686 = arith.mulf %mul3A_1685, %mul3A_1683 : vector<512x128xf32>
    %add3A_1687 = arith.constant 1.000000e+00 : f32
    %add3A_1688 = vector.broadcast %add3A_1687 : f32 to vector<512x128xf32>
    %add3A_1689 = arith.addf %add3A_1688, %mul3A_1686 : vector<512x128xf32>
    %mul3A_1690 = arith.mulf %mul3A_1682, %add3A_1689 : vector<512x128xf32>
    %mul3A_1691 = vector.broadcast %mul3A_1679 : vector<512x1xf32> to vector<512x128xf32>
    %mul3A_1692 = arith.mulf %mul3A_1691, %slice3A_1675 : vector<512x128xf32>
    %tanh3A_1693 = math.tanh %mul3A_1690 : vector<512x128xf32>
    %add3A_1694 = arith.constant 1.000000e+00 : f32
    %add3A_1695 = vector.broadcast %add3A_1694 : f32 to vector<512x128xf32>
    %add3A_1696 = arith.addf %add3A_1695, %tanh3A_1693 : vector<512x128xf32>
    %mul3A_1697 = arith.mulf %mul3A_1692, %add3A_1696 : vector<512x128xf32>
    %convert_element_type3A_1698 = arith.truncf %mul3A_1697 : vector<512x128xf32> to vector<512x128xbf16>
    %swap3A_1699 = arith.constant 0 : index
    %swap3A_1700 = arith.constant 1408 : index
    %swap3A_1701 = vector.load %arg6[%swap3A_1699, %swap3A_1700] : memref<512x2048xbf16, #tpu.memory_space<vmem>>, vector<512x128xbf16>
    tpu.vector_store %arg6[%swap3A_1699, %swap3A_1700], %convert_element_type3A_1698 {strides = array<i32>} : memref<512x2048xbf16, #tpu.memory_space<vmem>>, vector<512x128xbf16>,
    %slice3A_1702 = vector.extract_strided_slice %dot_general3A_1372 {offsets = [0, 1536], sizes = [512, 128], strides = [1, 1]} : vector<512x2048xf32> to vector<512x128xf32>
    %slice3A_1703 = vector.extract_strided_slice %get3A_1377 {offsets = [0, 12], sizes = [512, 1], strides = [1, 1]} : vector<512x16xf32> to vector<512x1xf32>
    %mul3A_1704 = arith.constant 5.000000e-01 : f32
    %mul3A_1705 = vector.broadcast %mul3A_1704 : f32 to vector<512x1xf32>
    %mul3A_1706 = arith.mulf %slice3A_1703, %mul3A_1705 : vector<512x1xf32>
    %mul3A_1707 = arith.constant 0.797884583 : f32
    %mul3A_1708 = vector.broadcast %mul3A_1707 : f32 to vector<512x128xf32>
    %mul3A_1709 = arith.mulf %mul3A_1708, %slice3A_1702 : vector<512x128xf32>
    %mul3A_1710 = arith.mulf %slice3A_1702, %slice3A_1702 : vector<512x128xf32>
    %mul3A_1711 = arith.constant 4.471500e-02 : f32
    %mul3A_1712 = vector.broadcast %mul3A_1711 : f32 to vector<512x128xf32>
    %mul3A_1713 = arith.mulf %mul3A_1712, %mul3A_1710 : vector<512x128xf32>
    %add3A_1714 = arith.constant 1.000000e+00 : f32
    %add3A_1715 = vector.broadcast %add3A_1714 : f32 to vector<512x128xf32>
    %add3A_1716 = arith.addf %add3A_1715, %mul3A_1713 : vector<512x128xf32>
    %mul3A_1717 = arith.mulf %mul3A_1709, %add3A_1716 : vector<512x128xf32>
    %mul3A_1718 = vector.broadcast %mul3A_1706 : vector<512x1xf32> to vector<512x128xf32>
    %mul3A_1719 = arith.mulf %mul3A_1718, %slice3A_1702 : vector<512x128xf32>
    %tanh3A_1720 = math.tanh %mul3A_1717 : vector<512x128xf32>
    %add3A_1721 = arith.constant 1.000000e+00 : f32
    %add3A_1722 = vector.broadcast %add3A_1721 : f32 to vector<512x128xf32>
    %add3A_1723 = arith.addf %add3A_1722, %tanh3A_1720 : vector<512x128xf32>
    %mul3A_1724 = arith.mulf %mul3A_1719, %add3A_1723 : vector<512x128xf32>
    %convert_element_type3A_1725 = arith.truncf %mul3A_1724 : vector<512x128xf32> to vector<512x128xbf16>
    %swap3A_1726 = arith.constant 0 : index
    %swap3A_1727 = arith.constant 1536 : index
    %swap3A_1728 = vector.load %arg6[%swap3A_1726, %swap3A_1727] : memref<512x2048xbf16, #tpu.memory_space<vmem>>, vector<512x128xbf16>
    tpu.vector_store %arg6[%swap3A_1726, %swap3A_1727], %convert_element_type3A_1725 {strides = array<i32>} : memref<512x2048xbf16, #tpu.memory_space<vmem>>, vector<512x128xbf16>,
    %slice3A_1729 = vector.extract_strided_slice %dot_general3A_1372 {offsets = [0, 1664], sizes = [512, 128], strides = [1, 1]} : vector<512x2048xf32> to vector<512x128xf32>
    %slice3A_1730 = vector.extract_strided_slice %get3A_1377 {offsets = [0, 13], sizes = [512, 1], strides = [1, 1]} : vector<512x16xf32> to vector<512x1xf32>
    %mul3A_1731 = arith.constant 5.000000e-01 : f32
    %mul3A_1732 = vector.broadcast %mul3A_1731 : f32 to vector<512x1xf32>
    %mul3A_1733 = arith.mulf %slice3A_1730, %mul3A_1732 : vector<512x1xf32>
    %mul3A_1734 = arith.constant 0.797884583 : f32
    %mul3A_1735 = vector.broadcast %mul3A_1734 : f32 to vector<512x128xf32>
    %mul3A_1736 = arith.mulf %mul3A_1735, %slice3A_1729 : vector<512x128xf32>
    %mul3A_1737 = arith.mulf %slice3A_1729, %slice3A_1729 : vector<512x128xf32>
    %mul3A_1738 = arith.constant 4.471500e-02 : f32
    %mul3A_1739 = vector.broadcast %mul3A_1738 : f32 to vector<512x128xf32>
    %mul3A_1740 = arith.mulf %mul3A_1739, %mul3A_1737 : vector<512x128xf32>
    %add3A_1741 = arith.constant 1.000000e+00 : f32
    %add3A_1742 = vector.broadcast %add3A_1741 : f32 to vector<512x128xf32>
    %add3A_1743 = arith.addf %add3A_1742, %mul3A_1740 : vector<512x128xf32>
    %mul3A_1744 = arith.mulf %mul3A_1736, %add3A_1743 : vector<512x128xf32>
    %mul3A_1745 = vector.broadcast %mul3A_1733 : vector<512x1xf32> to vector<512x128xf32>
    %mul3A_1746 = arith.mulf %mul3A_1745, %slice3A_1729 : vector<512x128xf32>
    %tanh3A_1747 = math.tanh %mul3A_1744 : vector<512x128xf32>
    %add3A_1748 = arith.constant 1.000000e+00 : f32
    %add3A_1749 = vector.broadcast %add3A_1748 : f32 to vector<512x128xf32>
    %add3A_1750 = arith.addf %add3A_1749, %tanh3A_1747 : vector<512x128xf32>
    %mul3A_1751 = arith.mulf %mul3A_1746, %add3A_1750 : vector<512x128xf32>
    %convert_element_type3A_1752 = arith.truncf %mul3A_1751 : vector<512x128xf32> to vector<512x128xbf16>
    %swap3A_1753 = arith.constant 0 : index
    %swap3A_1754 = arith.constant 1664 : index
    %swap3A_1755 = vector.load %arg6[%swap3A_1753, %swap3A_1754] : memref<512x2048xbf16, #tpu.memory_space<vmem>>, vector<512x128xbf16>
    tpu.vector_store %arg6[%swap3A_1753, %swap3A_1754], %convert_element_type3A_1752 {strides = array<i32>} : memref<512x2048xbf16, #tpu.memory_space<vmem>>, vector<512x128xbf16>,
    %slice3A_1756 = vector.extract_strided_slice %dot_general3A_1372 {offsets = [0, 1792], sizes = [512, 128], strides = [1, 1]} : vector<512x2048xf32> to vector<512x128xf32>
    %slice3A_1757 = vector.extract_strided_slice %get3A_1377 {offsets = [0, 14], sizes = [512, 1], strides = [1, 1]} : vector<512x16xf32> to vector<512x1xf32>
    %mul3A_1758 = arith.constant 5.000000e-01 : f32
    %mul3A_1759 = vector.broadcast %mul3A_1758 : f32 to vector<512x1xf32>
    %mul3A_1760 = arith.mulf %slice3A_1757, %mul3A_1759 : vector<512x1xf32>
    %mul3A_1761 = arith.constant 0.797884583 : f32
    %mul3A_1762 = vector.broadcast %mul3A_1761 : f32 to vector<512x128xf32>
    %mul3A_1763 = arith.mulf %mul3A_1762, %slice3A_1756 : vector<512x128xf32>
    %mul3A_1764 = arith.mulf %slice3A_1756, %slice3A_1756 : vector<512x128xf32>
    %mul3A_1765 = arith.constant 4.471500e-02 : f32
    %mul3A_1766 = vector.broadcast %mul3A_1765 : f32 to vector<512x128xf32>
    %mul3A_1767 = arith.mulf %mul3A_1766, %mul3A_1764 : vector<512x128xf32>
    %add3A_1768 = arith.constant 1.000000e+00 : f32
    %add3A_1769 = vector.broadcast %add3A_1768 : f32 to vector<512x128xf32>
    %add3A_1770 = arith.addf %add3A_1769, %mul3A_1767 : vector<512x128xf32>
    %mul3A_1771 = arith.mulf %mul3A_1763, %add3A_1770 : vector<512x128xf32>
    %mul3A_1772 = vector.broadcast %mul3A_1760 : vector<512x1xf32> to vector<512x128xf32>
    %mul3A_1773 = arith.mulf %mul3A_1772, %slice3A_1756 : vector<512x128xf32>
    %tanh3A_1774 = math.tanh %mul3A_1771 : vector<512x128xf32>
    %add3A_1775 = arith.constant 1.000000e+00 : f32
    %add3A_1776 = vector.broadcast %add3A_1775 : f32 to vector<512x128xf32>
    %add3A_1777 = arith.addf %add3A_1776, %tanh3A_1774 : vector<512x128xf32>
    %mul3A_1778 = arith.mulf %mul3A_1773, %add3A_1777 : vector<512x128xf32>
    %convert_element_type3A_1779 = arith.truncf %mul3A_1778 : vector<512x128xf32> to vector<512x128xbf16>
    %swap3A_1780 = arith.constant 0 : index
    %swap3A_1781 = arith.constant 1792 : index
    %swap3A_1782 = vector.load %arg6[%swap3A_1780, %swap3A_1781] : memref<512x2048xbf16, #tpu.memory_space<vmem>>, vector<512x128xbf16>
    tpu.vector_store %arg6[%swap3A_1780, %swap3A_1781], %convert_element_type3A_1779 {strides = array<i32>} : memref<512x2048xbf16, #tpu.memory_space<vmem>>, vector<512x128xbf16>,
    %slice3A_1783 = vector.extract_strided_slice %dot_general3A_1372 {offsets = [0, 1920], sizes = [512, 128], strides = [1, 1]} : vector<512x2048xf32> to vector<512x128xf32>
    %slice3A_1784 = vector.extract_strided_slice %get3A_1377 {offsets = [0, 15], sizes = [512, 1], strides = [1, 1]} : vector<512x16xf32> to vector<512x1xf32>
    %mul3A_1785 = arith.constant 5.000000e-01 : f32
    %mul3A_1786 = vector.broadcast %mul3A_1785 : f32 to vector<512x1xf32>
    %mul3A_1787 = arith.mulf %slice3A_1784, %mul3A_1786 : vector<512x1xf32>
    %mul3A_1788 = arith.constant 0.797884583 : f32
    %mul3A_1789 = vector.broadcast %mul3A_1788 : f32 to vector<512x128xf32>
    %mul3A_1790 = arith.mulf %mul3A_1789, %slice3A_1783 : vector<512x128xf32>
    %mul3A_1791 = arith.mulf %slice3A_1783, %slice3A_1783 : vector<512x128xf32>
    %mul3A_1792 = arith.constant 4.471500e-02 : f32
    %mul3A_1793 = vector.broadcast %mul3A_1792 : f32 to vector<512x128xf32>
    %mul3A_1794 = arith.mulf %mul3A_1793, %mul3A_1791 : vector<512x128xf32>
    %add3A_1795 = arith.constant 1.000000e+00 : f32
    %add3A_1796 = vector.broadcast %add3A_1795 : f32 to vector<512x128xf32>
    %add3A_1797 = arith.addf %add3A_1796, %mul3A_1794 : vector<512x128xf32>
    %mul3A_1798 = arith.mulf %mul3A_1790, %add3A_1797 : vector<512x128xf32>
    %mul3A_1799 = vector.broadcast %mul3A_1787 : vector<512x1xf32> to vector<512x128xf32>
    %mul3A_1800 = arith.mulf %mul3A_1799, %slice3A_1783 : vector<512x128xf32>
    %tanh3A_1801 = math.tanh %mul3A_1798 : vector<512x128xf32>
    %add3A_1802 = arith.constant 1.000000e+00 : f32
    %add3A_1803 = vector.broadcast %add3A_1802 : f32 to vector<512x128xf32>
    %add3A_1804 = arith.addf %add3A_1803, %tanh3A_1801 : vector<512x128xf32>
    %mul3A_1805 = arith.mulf %mul3A_1800, %add3A_1804 : vector<512x128xf32>
    %convert_element_type3A_1806 = arith.truncf %mul3A_1805 : vector<512x128xf32> to vector<512x128xbf16>
    %swap3A_1807 = arith.constant 0 : index
    %swap3A_1808 = arith.constant 1920 : index
    %swap3A_1809 = vector.load %arg6[%swap3A_1807, %swap3A_1808] : memref<512x2048xbf16, #tpu.memory_space<vmem>>, vector<512x128xbf16>
    tpu.vector_store %arg6[%swap3A_1807, %swap3A_1808], %convert_element_type3A_1806 {strides = array<i32>} : memref<512x2048xbf16, #tpu.memory_space<vmem>>, vector<512x128xbf16>,
    %get3A_1810 = arith.constant 0 : index
    %get3A_1811 = arith.constant 0 : index
    %get3A_1812 = vector.load %arg6[%get3A_1810, %get3A_1811] : memref<512x2048xbf16, #tpu.memory_space<vmem>>, vector<512x2048xbf16>
    %dot_general3A_1813 = arith.constant dense<0.000000e+00> : vector<512x1024xf32>
    %dot_general3A_1814 = tpu.matmul %get3A_1812, %convert_element_type3A_5, %dot_general3A_1813 {dimension_numbers = #tpu.dot_dimension_numbers<[1], [0], [0], [1], [0, 0, 1, 1], [], []>, transpose_lhs_hint = false} : vector<512x2048xbf16>, vector<2048x1024xbf16>, vector<512x1024xf32> -> vector<512x1024xf32>
    %eq3A_1815 = arith.constant 0 : i32
    %eq3A_1816 = arith.cmpi eq, %arg0, %eq3A_1815 : i32
    %convert_element_type3A_1817 = arith.extui %eq3A_1816 : i1 to i32
    %cond3A_1818 = arith.constant 0 : i32
    %cond3A_1819 = arith.cmpi ne, %convert_element_type3A_1817, %cond3A_1818 : i32
    scf.if %cond3A_1819 {
      %swap3A_1825 = arith.constant 1536 : index
      %swap3A_1826 = arith.constant 0 : index
      %swap3A_1827 = vector.load %arg5[%swap3A_1825, %swap3A_1826] : memref<2048x1024xf32, #tpu.memory_space<vmem>>, vector<512x1024xf32>
      tpu.vector_store %arg5[%swap3A_1825, %swap3A_1826], %dot_general3A_1814 {strides = array<i32>} : memref<2048x1024xf32, #tpu.memory_space<vmem>>, vector<512x1024xf32>,
    } else {
    }
    %ne3A_1820 = arith.constant 0 : i32
    %ne3A_1821 = arith.cmpi ne, %arg0, %ne3A_1820 : i32
    %convert_element_type3A_1822 = arith.extui %ne3A_1821 : i1 to i32
    %cond3A_1823 = arith.constant 0 : i32
    %cond3A_1824 = arith.cmpi ne, %convert_element_type3A_1822, %cond3A_1823 : i32
    scf.if %cond3A_1824 {
      %get3A_1825 = arith.constant 1536 : index
      %get3A_1826 = arith.constant 0 : index
      %get3A_1827 = vector.load %arg5[%get3A_1825, %get3A_1826] : memref<2048x1024xf32, #tpu.memory_space<vmem>>, vector<512x1024xf32>
      %add3A_1828 = arith.addf %get3A_1827, %dot_general3A_1814 : vector<512x1024xf32>
      %swap3A_1829 = arith.constant 1536 : index
      %swap3A_1830 = arith.constant 0 : index
      %swap3A_1831 = vector.load %arg5[%swap3A_1829, %swap3A_1830] : memref<2048x1024xf32, #tpu.memory_space<vmem>>, vector<512x1024xf32>
      tpu.vector_store %arg5[%swap3A_1829, %swap3A_1830], %add3A_1828 {strides = array<i32>} : memref<2048x1024xf32, #tpu.memory_space<vmem>>, vector<512x1024xf32>,
    } else {
    }
    return
  }
  func.func @transform_0(%arg0: i32) -> (i32, i32) {
    %c0_i32 = arith.constant 0 : i32
    %c0_i32_0 = arith.constant 0 : i32
    %c0_i32_1 = arith.constant 0 : i32
    return %c0_i32, %c0_i32_0 : i32, i32
  }
  func.func @transform_1(%arg0: i32) -> (i32, i32, i32) {
    %c0_i32 = arith.constant 0 : i32
    %c0_i32_0 = arith.constant 0 : i32
    %c0_i32_1 = arith.constant 0 : i32
    return %arg0, %c0_i32, %c0_i32_0 : i32, i32, i32
  }
  func.func @transform_2(%arg0: i32) -> (i32, i32) {
    %c0_i32 = arith.constant 0 : i32
    %c0_i32_0 = arith.constant 0 : i32
    return %c0_i32, %arg0 : i32, i32
  }
  func.func @transform_3(%arg0: i32) -> (i32, i32) {
    %c0_i32 = arith.constant 0 : i32
    %c0_i32_0 = arith.constant 0 : i32
    return %arg0, %c0_i32 : i32, i32
  }
  func.func @transform_4(%arg0: i32) -> (i32, i32) {
    %c0_i32 = arith.constant 0 : i32
    %c0_i32_0 = arith.constant 0 : i32
    %c0_i32_1 = arith.constant 0 : i32
    return %c0_i32, %c0_i32_0 : i32, i32
  }
}

</mosaic_0001>

<sc_bundles>
// kernel: kernel.5.cloned.1.call-start
scs
__scs_entry_jumppad:
0x0: {  	(pc) =	sbr.rel $0x88, $3  }
0x1: {  	(tag) =	ssettag $0x0;
	lr =	simm.s32 $0x1  }
0x2: {  	[smem:$0x3F9D] =	sst lr;
	_ =	strace $0xD0000000  }
0x3: {  	_ = 	snop  }
0x4: {  	_ = 	snop  }
0x5: {  	_ = 	snop  }
0x6: {  	_ = 	snop  }
0x7: {  	_ = 	snop  }
__scs_overlays_trampoline_lowered:
0x8: {  	[smem:$0x3FAC] =	sst s0  }
0x9: {  	[smem:$0x3FAD] =	sst s1  }
0xa: {  	[smem:$0x3FAE] =	sst s2  }
0xb: {  	[smem:$0x3FAF] =	sst s3  }
0xc: {  	[smem:$0x3FB0] =	sst s4  }
0xd: {  	[smem:$0x3FB1] =	sst s5  }
0xe: {  	[smem:$0x3FB2] =	sst s6  }
0xf: {  	[smem:$0x3FB3] =	sst s7  }
0x10: {  	[smem:$0x3FB4] =	sst s8  }
0x11: {  	[smem:$0x3FB5] =	sst s9;
	s0 =	simm.s32 @!p0 $0x0  }
0x12: {  	s1 =	sld [smem:$0x3F9B];
	s0 =	simm.s32 @p0 $0x1  }
0x13: {  	[smem:$0x3FB6] =	sst s0;
	s0 =	simm.s32 @!p1 $0x0  }
0x14: {  	s2 =	sld [smem:$0x3F9A];
	s0 =	simm.s32 @p1 $0x1  }
0x15: {  	[smem:$0x3FB7] =	sst s0;
	s0 =	simm.s32 @!p2 $0x0  }
0x16: {  	s3 =	sld [smem:$0x3FDB];
	s0 =	simm.s32 @p2 $0x1  }
0x17: {  	s4 =	simm.s32 $0x1BF5;
	[smem:$0x3FB9] =	sst s0  }
0x18: {  	s0 =	sld [smem:$0x3F9C];
	_ =	swait.ge [sflag:s4], $0x0  }
0x19: {  	s7 =	sld [smem:$0x3F9D]  }
0x1a: {  	s8 =	sadd.s32 $0xFFFFE003, lr  }
0x1b: {  	s9 =	sadd.s32 $0xFFFFFEF7, lr;
	s5 =	simm.s32 $0xFFFFFFFF;
	p2 =	slt.u32 s8, $0xFFFFF086  }
0x1c: {  	p1 =	slt.u32 s9, $0xF7A;
	s5 =	simm.s32 @!p2 $0x0  }
0x1d: {  	s5 =	simm.s32 @p1 $0x1;
	p0 =	seq.s32 s7, s2  }
0x1e: {  	s7 =	smul.u32 @!p0 $0xF7A, s2;
	p2 =	seq.s32 @!p0 s5, $0x0  }
0x1f: {  	s9 =	smul.u32 $0xF7A, s1;
	s8 =	simm.s32 @!p0 $0x1BF5;
	p2 =	por !p2, p0  }
0x20: {  	[sflag:s8] =	ssyncset.s32 @!p0 $0xFFFFF086;
	s6 =	sadd.s32 @!p0 s3, s7;
	s7 =	simm.s32 @!p0 $0x108  }
0x21: {  	s3 =	sadd.s32 s3, s9;
	s6 =	sadd.s32 @!p0 $0x88, s6;
	s7 =	simm.s32 @p2 $0x1082  }
0x22: {  	[simem:s7], [sflag:s8] =	dma.local @!p0 [hbm:s6], $0xF7A  }
0x23: {  	s9 =	sor.u32 $0xD0000000, s2;
	s6 =	simm.s32 $0x108;
	_ =	swait.ge @!p0 [sflag:s8], $0x0  }
0x24: {  	s3 =	sadd.s32 $0x88, s3;
	s6 =	simm.s32 @!p1 $0x1082;
	[sflag:s4] =	ssyncset.s32 $0xFFFFF086  }
0x25: {  	[simem:s6], [sflag:s4] =	dma.local [hbm:s3], $0xF7A  }
0x26: {  	[smem:$0x3F9D] =	sst s1;
	(tag) =	ssettag s2;
	_ =	strace s9  }
0x27: {  	s1 =	sld [smem:$0x3FAD]  }
0x28: {  	s2 =	sld [smem:$0x3FAE]  }
0x29: {  	s4 =	sld [smem:$0x3FB0]  }
0x2a: {  	p0 =	seq.s32 s5, $0x0;
	s5 =	sld [smem:$0x3FB1]  }
0x2b: {  	s6 =	sld [smem:$0x3FB2]  }
0x2c: {  	s7 =	sld [smem:$0x3FB3]  }
0x2d: {  	s3 =	simm.s32 $0x108;
	s8 =	sld [smem:$0x3FB4]  }
0x2e: {  	s3 =	simm.s32 @!p0 $0x1082;
	s9 =	sld [smem:$0x3FB5]  }
0x2f: {  	lr =	sadd.s32 s0, s3;
	s0 =	sld [smem:$0x3FAC]  }
0x30: {  	s3 =	sld [smem:$0x3FAF]  }
0x31: {  	[smem:$0x3FB8] =	sst s10  }
0x32: {  	s10 =	sld [smem:$0x3FB6];
	_ =	sdelay $0x3  }
0x33: {  	p0 =	seq.s32 s10, $0x1;
	s10 =	sld [smem:$0x3FB8];
	_ =	sdelay $0x3  }
0x34: {  	[smem:$0x3FB8] =	sst s10  }
0x35: {  	s10 =	sld [smem:$0x3FB7];
	_ =	sdelay $0x3  }
0x36: {  	p1 =	seq.s32 s10, $0x1;
	s10 =	sld [smem:$0x3FB8];
	_ =	sdelay $0x3  }
0x37: {  	[smem:$0x3FB8] =	sst s10  }
0x38: {  	s10 =	sld [smem:$0x3FB9]  }
0x39: {  	_ = 	snop;
	(pc) =	sbr.ind lr, $3  }
0x3a: {  	_ = 	snop  }
0x3b: {  	_ = 	snop  }
0x3c: {  	p2 =	seq.s32 s10, $0x1;
	s10 =	sld [smem:$0x3FB8]  }
0x3d: {  	_ =	shalt  }
0x3e: {  	_ =	shalt  }
0x3f: {  	_ =	shalt  }
0x40: {  	_ =	shalt  }
0x41: {  	_ =	shalt  }
0x42: {  	_ =	shalt  }
0x43: {  	_ =	shalt  }
0x44: {  	_ =	shalt  }
0x45: {  	_ =	shalt  }
0x46: {  	_ =	shalt  }
0x47: {  	_ =	shalt  }
0x48: {  	_ =	shalt  }
0x49: {  	_ =	shalt  }
0x4a: {  	_ =	shalt  }
0x4b: {  	_ =	shalt  }
0x4c: {  	_ =	shalt  }
0x4d: {  	_ =	shalt  }
0x4e: {  	_ =	shalt  }
0x4f: {  	_ =	shalt  }
0x50: {  	_ =	shalt  }
0x51: {  	_ =	shalt  }
0x52: {  	_ =	shalt  }
0x53: {  	_ =	shalt  }
0x54: {  	_ =	shalt  }
0x55: {  	_ =	shalt  }
0x56: {  	_ =	shalt  }
0x57: {  	_ =	shalt  }
0x58: {  	_ =	shalt  }
0x59: {  	_ =	shalt  }
0x5a: {  	_ =	shalt  }
0x5b: {  	_ =	shalt  }
0x5c: {  	_ =	shalt  }
0x5d: {  	_ =	shalt  }
0x5e: {  	_ =	shalt  }
0x5f: {  	_ =	shalt  }
0x60: {  	_ =	shalt  }
0x61: {  	_ =	shalt  }
0x62: {  	_ =	shalt  }
0x63: {  	_ =	shalt  }
0x64: {  	_ =	shalt  }
0x65: {  	_ =	shalt  }
0x66: {  	_ =	shalt  }
0x67: {  	_ =	shalt  }
0x68: {  	_ =	shalt  }
0x69: {  	_ =	shalt  }
0x6a: {  	_ =	shalt  }
0x6b: {  	_ =	shalt  }
0x6c: {  	_ =	shalt  }
0x6d: {  	_ =	shalt  }
0x6e: {  	_ =	shalt  }
0x6f: {  	_ =	shalt  }
0x70: {  	_ =	shalt  }
0x71: {  	_ =	shalt  }
0x72: {  	_ =	shalt  }
0x73: {  	_ =	shalt  }
0x74: {  	_ =	shalt  }
0x75: {  	_ =	shalt  }
0x76: {  	_ =	shalt  }
0x77: {  	_ =	shalt  }
0x78: {  	_ =	shalt  }
0x79: {  	_ =	shalt  }
0x7a: {  	_ =	shalt  }
0x7b: {  	_ =	shalt  }
0x7c: {  	_ =	shalt  }
0x7d: {  	_ =	shalt  }
0x7e: {  	_ =	shalt  }
0x7f: {  	_ =	shalt  }
0x80: {  	_ =	shalt  }
0x81: {  	_ =	shalt  }
0x82: {  	_ =	shalt  }
0x83: {  	_ =	shalt  }
0x84: {  	_ =	shalt  }
0x85: {  	_ =	shalt  }
0x86: {  	_ =	shalt  }
0x87: {  	_ =	shalt  }
.Lfunc_end0:
.L_simem_size_0:
called_computation_lowered:
.L_overlay_start_0:
0x88: {  	s2 =	sld [smem:$0x3FD9]  }
0x89: {  	s3 =	sld [smem:$0x3FFE];
	_ =	sdelay $0x1  }
0x8a: {  	s1 =	srdreg.scid  }
0x8b: {  	s0 =	sand.u32 $0x1, s1  }
0x8c: {  	s17 =	sshll.u32 s0, $0xA;
	s2 =	sadd.s32 s3, s2  }
0x8d: {  	s2 =	sadd.s32 s2, s17  }
0x8e: {  	[smem:$0x3FC4] =	sst s2  }
0x8f: {  	_ = 	snop  }
0x90: {  	s2 =	sld [smem:$0x3FD0];
	(tm) =	ssettm $0x1  }
0x91: {  	s18 =	sld [smem:$0x3FFB];
	_ =	sdelay $0x3  }
0x92: {  	_ =	strace s18  }
0x93: {  	s3 =	sld [smem:$0x3FFC];
	_ =	sdelay $0x3  }
0x94: {  	_ =	strace s3  }
0x95: {  	s3 =	sld [smem:$0x3FFD];
	_ =	sdelay $0x3  }
0x96: {  	_ =	strace s3  }
0x97: {  	_ =	strace $0x8FFFFFFF  }
0x98: {  	s19 =	sld [smem:$0x3FDB];
	_ =	sdelay $0x1  }
0x99: {  	s4 =	simm.s32 $_scs_section_size  }
0x9a: {  	s5 =	simm.s32 $_size__tile_overlayer_lowered;
	s6 =	simm.s32 $_tile_overlayer_lowered  }
0x9b: {  	s22 =	simm.s32 $0x1BFF;
	s21 =	sshll.u32 s6, $0x1;
	s3 =	sadd.s32 s4, s19  }
0x9c: {  	s7 =	simm.s32 $0x0;
	s20 =	sshll.u32 s5, $0x1;
	s5 =	sadd.s32 s21, s3  }
0x9d: {  	[timem:s7], [sflag:s22] =	dma.local [hbm:s5], s20  }
0x9e: {  	_ =	swait.ge [sflag:s22], s20  }
0x9f: {  	s4 =	ssub.s32 $0x0, s20;
	[sflag:s22] =	ssyncset.done $0x0  }
0xa0: {  	[sflag:s22] =	ssyncadd.s32 s4;
	_ =	sdelay $0x1  }
0xa1: {  	s23 =	simm.s32 $0x1B8B  }
0xa2: {  	_ =	swait.ge [sflag:s23], $0x1  }
0xa3: {  	[sflag:s23] =	ssyncset.done $0x0  }
0xa4: {  	s25 =	simm.s32 $0x1B8E;
	s24 =	sld [smem:$0x3FFE];
	[sflag:s23] =	ssyncadd.s32 $0xFFFFFFFF  }
0xa5: {  	s26 =	simm.s32 $execute0_lowered;
	[smem:$0x3FD2] =	sst s25  }
0xa6: {  	s5 =	sshll.u32 s26, $0x1;
	_ =	strace $0x80000046;
	[dreg:$0x1] =	wrdreg $0xFFFFFFFF  }
0xa7: {  	s28 =	simm.s32 $_size_execute0_lowered;
	s3 =	sadd.s32 s3, s5;
	[dreg:$0x0] =	wrdreg $0x0  }
0xa8: {  	s5 =	sshll.u32 s28, $0x1;
	[dreg:$0x2] =	wrdreg s3  }
0xa9: {  	[dreg:$0x3] =	wrdreg s5  }
0xaa: {  	[dreg:$0x4] =	wrdreg $0xC0  }
0xab: {  	_ =	task [dreg:s7], $0x5FFFF  }
0xac: {  	[dreg:$0x1] =	wrdreg $0xFFFFFFFF  }
0xad: {  	[dreg:$0x0] =	wrdreg $0x60  }
0xae: {  	[dreg:$0x2] =	wrdreg s2  }
0xaf: {  	[dreg:$0x3] =	wrdreg s24  }
0xb0: {  	[dreg:$0x4] =	wrdreg $0x9  }
0xb1: {  	_ =	task.clear_ibuf [dreg:s7], $0x5FFFF;
	_ =	strace $0x90000046  }
0xb2: {  	s29 =	simm.s32 $0x9;
	_ =	strace $0x80000048  }
0xb3: {  	_ =	swait.ge [sflag:s29], $0x1  }
0xb4: {  	[sflag:s29] =	ssyncadd.s32 $0xFFFFFFFF  }
0xb5: {  	_ =	strace $0x90000048  }
0xb6: {  	_ =	sfence  }
0xb7: {  	s30 =	sld [smem:$0x0];
	_ =	sdelay $0x2  }
0xb8: {  	s31 =	sshll.u32 s1, $0xD;
	s1 =	sshrl.u32 s1, $0x2  }
0xb9: {  	s3 =	sand.u32 $0x4000, s31;
	s1 =	sadd.s32 s1, s30  }
0xba: {  	s0 =	sor.u32 s3, s0;
	s1 =	sshll.u32 s1, $0x11  }
0xbb: {  	s0 =	sor.u32 s1, s0  }
0xbc: {  	s0 =	sadd.s32 $0x8F2B, s0  }
0xbd: {  	[sflag:s0] =	ssyncadd.remote.s32 $0x1  }
0xbe: {  	_ =	sfence.sel $0xFFFF  }
0xbf: {  	[dreg:$0x0] =	wrdreg $0xFFFFFFFF;
	(pc) =	sbr.abs _section_cstart, $3  }
0xc0: {  	[dreg:$0x1] =	wrdreg $0xFFFFFFFF  }
0xc1: {  	_ =	task.clear_ibuf [dreg:s7], $0x2FFFF;
	_ =	strace $0x9FFFFFFF  }
0xc2: {  	(tm) =	ssettm $0x7FFFFFFF  }
0xc3: {  	_ =	shalt  }
tec
execute0_lowered:
.L_overlay_start_1:
0x0: {  	(tag) =	ssettag $0x1  }
0x1: {  	s3 =	rddreg [dreg:$0x0]  }
0x2: {  	s4 =	rddreg [dreg:$0x1]  }
0x3: {  	s0 =	rddreg [dreg:$0x2];
	s5 =	srdreg.scid  }
0x4: {  	s2 =	simm.s32 $0x0;
	s1 =	stileid.u32;
	s8 =	simm.s32 $0x0  }
0x5: {  	s5 =	sand.u32 $0x1, s5;
	s6 =	sshll.u32 s1, $0xB;
	[smem:$0x7FF] =	sst s2  }
0x6: {  	s7 =	sshll.u32 s5, $0xA;
	s5 =	ssub.s32 $0x2, s5;
	_ =	strace $0x80000047  }
0x7: {  	s6 =	sor.u32 s7, s6;
	s31 =	sshrl.u32 s5, $0x1;
	s7 =	simm.s32 $0x2000  }
0x8: {  	s4 =	sadd.s32 s6, s4;
	s5 =	ssub.s32 s5, s31;
	s3 =	sadd.s32 s3, s6  }
0x9: {  	s6 =	simm.s32 $0x1;
	s4 =	sadd.s32 $0x800, s4;
	s5 =	smax.u32 s5, $0x1  }
.LBB2_1:
0xa: {  	[tilespmem:s2], [sflag:$0x1] =	stream.linear.gather [hbm4b:s3+s2], $0x2000, $0x38;
	[tilespmem:$0x4000] =	vst v63  }
0xb: {  	_ =	swait.ge [sflag:s6], $0x2000  }
0xc: {  	[sflag:s6] =	ssyncset.done $0x0  }
0xd: {  	s10 =	simm.s32 $0x0;
	[sflag:s6] =	ssyncadd.s32 $0xFFFFE000  }
0xe: {  	v10 =	vld [tilespmem:s10+$0x80]  }
0xf: {  	v1 =	vld [tilespmem:s10+$0x90]  }
0x10: {  	v2 =	vld [tilespmem:s10+$0xA0]  }
0x11: {  	v9 =	vld [tilespmem:s10+$0x0]  }
0x12: {  	v0 =	vimm.f32 $-Inf;
	v7 =	vld [tilespmem:s10+$0x10]  }
0x13: {  	s9 =	simm.s32 $0x400;
	v8 =	vimm.f32 $-Inf;
	v5 =	vimm.f32 $-Inf;
	v3 =	vimm.f32 $-Inf;
	v6 =	vld [tilespmem:s10+$0x20]  }
.LBB2_2:
0x14: {  	p0 =	sne.s32 s9, $0x7C00;
	v11 =	vld [tilespmem:s10+$0x30];
	v12 =	vmov v1  }
0x15: {  	v13 =	vld [tilespmem:s10+$0xB0];
	s10 =	sshra.s32 s9, $0x2;
	v14 =	vmov v2  }
0x16: {  	v15 =	vld [tilespmem:s10+$0x80]  }
.Ltmp0:
0x17: {  	v0 =	vmax.f32 v0, v9;
	v1 =	vld [tilespmem:s10+$0x90];
	(pc) =	sbr.rel @p0 .LBB2_2-.Ltmp0, $4  }
0x18: {  	v4 =	vimm.f32 $0.0e+00;
	v0 =	vmax.f32 v0, v10;
	v2 =	vld [tilespmem:s10+$0xA0]  }
0x19: {  	v8 =	vmax.f32 v8, v7;
	v5 =	vmax.f32 v5, v6;
	v9 =	vld [tilespmem:s10+$0x0];
	v3 =	vmax.f32 v3, v11  }
0x1a: {  	v8 =	vmax.f32 v8, v12;
	v5 =	vmax.f32 v5, v14;
	v7 =	vld [tilespmem:s10+$0x10];
	v3 =	vmax.f32 v3, v13  }
0x1b: {  	s9 =	sadd.s32 $0x400, s9;
	v6 =	vld [tilespmem:s10+$0x20];
	v10 =	vmov v15  }
0x1c: {  	s9 =	simm.s32 $0x0  }
0x1d: {  	v11 =	vld [tilespmem:s9+$0x0]  }
0x1e: {  	v12 =	vld [tilespmem:s9+$0x80];
	_ =	sdelay $0x1  }
0x1f: {  	v0 =	vmax.f32 v0, v9;
	v9 =	vld [tilespmem:s9+$0x10];
	v7 =	vmax.f32 v8, v7  }
0x20: {  	v0 =	vmax.f32 v0, v10;
	v1 =	vmax.f32 v7, v1;
	v7 =	vld [tilespmem:s9+$0x20]  }
0x21: {  	v10 =	vsub.f32 v11, v0;
	v11 =	vld [tilespmem:s9+$0x90]  }
0x22: {  	v5 =	vmax.f32 v5, v6;
	v6 =	vld [tilespmem:s9+$0xA0];
	v8 =	vsub.f32 v12, v0  }
0x23: {  	v2 =	vmax.f32 v5, v2;
	v5 =	vld [tilespmem:s9+$0x30];
	v10 =	vmul.f32 $1.442695020e+00, v10  }
0x24: {  	v12 =	vld [tilespmem:s10+$0x30];
	v8 =	vmul.f32 $1.442695020e+00, v8  }
0x25: {  	v9 =	vsub.f32 v9, v1;
	(erf) = vpow2.f32 v10;
	v10 =	vld [tilespmem:s10+$0xB0]  }
0x26: {  	v11 =	vsub.f32 v11, v1;
	(erf) = vpow2.f32 v8;
	v8 =	vld [tilespmem:s9+$0xB0]  }
0x27: {  	v9 =	vmul.f32 $1.442695020e+00, v9;
	v7 =	vsub.f32 v7, v2  }
0x28: {  	v11 =	vmul.f32 $1.442695020e+00, v11  }
0x29: {  	v3 =	vmax.f32 v3, v12;
	v7 =	vmul.f32 $1.442695020e+00, v7;
	(erf) = vpow2.f32 v9  }
0x2a: {  	v6 =	vsub.f32 v6, v2;
	(erf) = vpow2.f32 v11;
	v3 =	vmax.f32 v3, v10  }
0x2b: {  	v5 =	vsub.f32 v5, v3;
	(erf) = vpow2.f32 v7;
	v7 =	vsub.f32 v8, v3  }
0x2c: {  	v6 =	vmul.f32 $1.442695020e+00, v6  }
0x2d: {  	v5 =	vmul.f32 $1.442695020e+00, v5  }
0x2e: {  	v8 =	vpop (erf);
	(erf) = vpow2.f32 v6;
	v6 =	vmul.f32 $1.442695020e+00, v7  }
0x2f: {  	v7 =	vpop (erf);
	(erf) = vpow2.f32 v5  }
0x30: {  	(erf) = vpow2.f32 v6;
	_ =	sdelay $0x2  }
0x31: {  	s11 =	simm.s32 $0x100;
	[tilespmem:s9+$0x0] =	vst v8  }
0x32: {  	v9 =	vld [tilespmem:s11+$0x0];
	[tilespmem:s9+$0x80] =	vst v7;
	v6 =	vpop (erf)  }
0x33: {  	v10 =	vld [tilespmem:s11+$0x80];
	[tilespmem:s9+$0x10] =	vst v6;
	v12 =	vpop (erf)  }
0x34: {  	v5 =	vld [tilespmem:s11+$0x10];
	[tilespmem:s9+$0x90] =	vst v12;
	v14 =	vpop (erf)  }
0x35: {  	v8 =	vmax.f32 v4, v8;
	v6 =	vmax.f32 v4, v6;
	v11 =	vld [tilespmem:s11+$0x90];
	[tilespmem:s9+$0x20] =	vst v14;
	v15 =	vpop (erf)  }
0x36: {  	v8 =	vmax.f32 v8, v7;
	v6 =	vmax.f32 v6, v12;
	v7 =	vmax.f32 v4, v14;
	v13 =	vld [tilespmem:s11+$0x20];
	[tilespmem:s9+$0xA0] =	vst v15;
	v12 =	vpop (erf)  }
0x37: {  	s12 =	simm.s32 $0x800;
	s13 =	simm.s32 $0x0;
	s10 =	simm.s32 $0x400;
	v7 =	vmax.f32 v7, v15;
	v15 =	vsub.f32 v9, v0;
	v14 =	vld [tilespmem:s11+$0xA0];
	[tilespmem:s9+$0x30] =	vst v12;
	v9 =	vmax.f32 v4, v12;
	v12 =	vpop (erf)  }
.LBB2_4:
0x38: {  	p0 =	sne.s32 s12, $0x7C00;
	v16 =	vld [tilespmem:s11+$0x30];
	v10 =	vsub.f32 v10, v0;
	[tilespmem:s13+$0xB0] =	vst v12;
	v9 =	vmax.f32 v9, v12;
	s13 =	smov.u32 s11  }
0x39: {  	v12 =	vmul.f32 $1.442695020e+00, v15;
	v5 =	vsub.f32 v5, v1;
	v15 =	vld [tilespmem:s13+$0xB0]  }
0x3a: {  	v10 =	vmul.f32 $1.442695020e+00, v10;
	v11 =	vsub.f32 v11, v1  }
0x3b: {  	v5 =	vmul.f32 $1.442695020e+00, v5;
	v13 =	vsub.f32 v13, v2;
	(erf) = vpow2.f32 v12  }
0x3c: {  	v11 =	vmul.f32 $1.442695020e+00, v11;
	v12 =	vsub.f32 v14, v2;
	(erf) = vpow2.f32 v10  }
0x3d: {  	v10 =	vmul.f32 $1.442695020e+00, v13;
	v13 =	vsub.f32 v16, v3;
	(erf) = vpow2.f32 v5  }
0x3e: {  	v5 =	vmul.f32 $1.442695020e+00, v12;
	v12 =	vsub.f32 v15, v3;
	(erf) = vpow2.f32 v11  }
0x3f: {  	v11 =	vmul.f32 $1.442695020e+00, v13;
	(erf) = vpow2.f32 v10  }
0x40: {  	v10 =	vmul.f32 $1.442695020e+00, v12;
	(erf) = vpow2.f32 v5  }
0x41: {  	(erf) = vpow2.f32 v11  }
0x42: {  	(erf) = vpow2.f32 v10;
	_ =	sdelay $0x1  }
0x43: {  	v5 =	vpop (erf)  }
0x44: {  	s11 =	sshra.s32 s12, $0x2;
	[tilespmem:s13+$0x0] =	vst v5;
	v10 =	vmax.f32 v8, v5;
	v8 =	vpop (erf)  }
0x45: {  	v12 =	vld [tilespmem:s11+$0x0];
	[tilespmem:s13+$0x80] =	vst v8;
	v8 =	vmax.f32 v10, v8;
	v5 =	vpop (erf)  }
.Ltmp1:
0x46: {  	v10 =	vld [tilespmem:s11+$0x80];
	[tilespmem:s13+$0x10] =	vst v5;
	v6 =	vmax.f32 v6, v5;
	v11 =	vpop (erf);
	(pc) =	sbr.rel @p0 .LBB2_4-.Ltmp1, $4  }
0x47: {  	v5 =	vld [tilespmem:s11+$0x10];
	[tilespmem:s13+$0x90] =	vst v11;
	v6 =	vmax.f32 v6, v11;
	v13 =	vpop (erf)  }
0x48: {  	v11 =	vld [tilespmem:s11+$0x90];
	[tilespmem:s13+$0x20] =	vst v13;
	v7 =	vmax.f32 v7, v13;
	v14 =	vpop (erf)  }
0x49: {  	v13 =	vld [tilespmem:s11+$0x20];
	[tilespmem:s13+$0xA0] =	vst v14;
	v7 =	vmax.f32 v7, v14;
	v16 =	vpop (erf)  }
0x4a: {  	s12 =	sadd.s32 $0x400, s12;
	v15 =	vsub.f32 v12, v0;
	v14 =	vld [tilespmem:s11+$0xA0];
	[tilespmem:s13+$0x30] =	vst v16;
	v9 =	vmax.f32 v9, v16;
	v12 =	vpop (erf)  }
0x4b: {  	v16 =	vld [tilespmem:s11+$0x30];
	v0 =	vsub.f32 v10, v0;
	[tilespmem:s13+$0xB0] =	vst v12  }
0x4c: {  	v10 =	vmul.f32 $1.442695020e+00, v15;
	v5 =	vsub.f32 v5, v1;
	v15 =	vld [tilespmem:s11+$0xB0]  }
0x4d: {  	v0 =	vmul.f32 $1.442695020e+00, v0;
	v1 =	vsub.f32 v11, v1  }
0x4e: {  	v5 =	vmul.f32 $1.442695020e+00, v5;
	v11 =	vsub.f32 v13, v2;
	(erf) = vpow2.f32 v10  }
0x4f: {  	v1 =	vmul.f32 $1.442695020e+00, v1;
	v2 =	vsub.f32 v14, v2;
	(erf) = vpow2.f32 v0  }
0x50: {  	v0 =	vmul.f32 $1.442695020e+00, v11;
	v10 =	vsub.f32 v16, v3;
	(erf) = vpow2.f32 v5  }
0x51: {  	v2 =	vmul.f32 $1.442695020e+00, v2;
	v3 =	vsub.f32 v15, v3;
	(erf) = vpow2.f32 v1  }
0x52: {  	v1 =	vmul.f32 $1.442695020e+00, v10;
	(erf) = vpow2.f32 v0  }
0x53: {  	v0 =	vmul.f32 $1.442695020e+00, v3;
	(erf) = vpow2.f32 v2  }
0x54: {  	(erf) = vpow2.f32 v1  }
0x55: {  	(erf) = vpow2.f32 v0;
	_ =	sdelay $0x1  }
0x56: {  	v0 =	vpop (erf)  }
0x57: {  	[tilespmem:s11+$0x0] =	vst v0;
	v1 =	vpop (erf)  }
0x58: {  	[tilespmem:s11+$0x80] =	vst v1;
	v2 =	vpop (erf)  }
0x59: {  	[tilespmem:s11+$0x10] =	vst v2;
	v3 =	vpop (erf)  }
0x5a: {  	[tilespmem:s11+$0x90] =	vst v3;
	v10 =	vpop (erf)  }
0x5b: {  	[tilespmem:s11+$0x20] =	vst v10;
	v11 =	vpop (erf)  }
0x5c: {  	[tilespmem:s11+$0xA0] =	vst v11;
	v13 =	vpop (erf)  }
0x5d: {  	[tilespmem:s11+$0x30] =	vst v13;
	v14 =	vpop (erf)  }
0x5e: {  	[tilespmem:s11+$0xB0] =	vst v14  }
0x5f: {  	v15 =	vld [tilespmem:s9+$0x20]  }
0x60: {  	v16 =	vld [tilespmem:s9+$0x90]  }
0x61: {  	v5 =	vld [tilespmem:s9+$0xB0]  }
0x62: {  	v0 =	vmax.f32 v8, v0;
	v8 =	vld [tilespmem:s9+$0x30]  }
0x63: {  	v9 =	vmax.f32 v9, v12;
	v0 =	vmax.f32 v0, v1;
	v1 =	vmax.f32 v6, v2;
	v6 =	vld [tilespmem:s9+$0xA0]  }
0x64: {  	v2 =	vmax.f32 v7, v10;
	v7 =	vmax.f32 v9, v13;
	v10 =	vld [tilespmem:s9+$0x10]  }
0x65: {  	v1 =	vmax.f32 v1, v3;
	v3 =	vmax.f32 v2, v11;
	v2 =	vmax.f32 v7, v14;
	v7 =	vld [tilespmem:s9+$0x80]  }
0x66: {  	vm3 =	vlt.f32 v4, $5.000000000e-01;
	v17 =	vld [tilespmem:s9+$0x0]  }
0x67: {  	v12 =	vsub.f32 $0.0e+00, v15;
	v19 =	vsub.f32 $0.0e+00, v16;
	vm0 =	veq.f32 v5, v2  }
0x68: {  	v14 =	vsub.f32 $0.0e+00, v5;
	vm1 =	veq.f32 v8, v2;
	vm4 =	veq.f32 v16, v1  }
0x69: {  	vm5 =	veq.f32 v15, v3;
	v11 =	vsub.f32 $0.0e+00, v8;
	v9 =	vsub.f32 $0.0e+00, v6  }
0x6a: {  	vm6 =	veq.f32 v10, v1;
	v18 =	vsub.f32 $0.0e+00, v10;
	vm2 =	veq.f32 v6, v3  }
0x6b: {  	v13 =	vsub.f32 $0.0e+00, v7;
	vm8 =	veq.f32 v17, v0;
	v22 =	vsub.f32 $0.0e+00, v17  }
0x6c: {  	vm6 =	vmand vm3, vm6;
	vm7 =	vmand vm3, vm1;
	vm5 =	vmand vm3, vm5  }
0x6d: {  	vm1 =	veq.f32 v7, v0;
	vm3 =	vmand vm3, vm8;
	v20 =	vsel vm6, $0x3F800000, v4  }
0x6e: {  	v18 =	vsel vm6, v18, v10;
	v8 =	vsel vm7, v11, v8;
	vm6 =	vlt.f32 v20, $5.000000000e-01  }
0x6f: {  	v21 =	vsel vm5, $0x3F800000, v4;
	v23 =	vsel vm7, $0x3F800000, v4;
	[tilespmem:s9+$0x10] =	vst v18;
	vm4 =	vmand vm6, vm4  }
0x70: {  	v10 =	vimm.f32 $0.0e+00;
	v11 =	vmax.f32 v4, v8;
	[tilespmem:s9+$0x30] =	vst v8;
	v19 =	vsel vm4, v19, v16  }
0x71: {  	v8 =	vimm.f32 $0.0e+00;
	v16 =	vsel vm4, $0x3F800000, v20;
	v20 =	vsel vm5, v12, v15;
	[tilespmem:s9+$0x90] =	vst v19  }
0x72: {  	vm4 =	vlt.f32 v21, $5.000000000e-01;
	vm5 =	vlt.f32 v23, $5.000000000e-01;
	v15 =	vimm.f32 $0.0e+00;
	[tilespmem:s9+$0x20] =	vst v20  }
.LBB2_6:
0x73: {  	s11 =	sshra.s32 s10, $0x2;
	p0 =	sne.s32 s10, $0x7C00;
	s10 =	sadd.s32 $0x400, s10;
	v4 =	vsel vm3, $0x3F800000, v4;
	vm2 =	vmand vm4, vm2;
	vm0 =	vmand vm5, vm0  }
0x74: {  	v12 =	vsel vm3, v22, v17;
	v24 =	vld [tilespmem:s11+$0x20];
	v14 =	vsel vm0, v14, v5;
	v23 =	vsel vm0, $0x3F800000, v23  }
0x75: {  	v8 =	vmax.f32 v8, v18;
	v10 =	vmax.f32 v10, v20;
	v15 =	vmax.f32 v15, v12;
	v25 =	vld [tilespmem:s11+$0x90];
	[tilespmem:s9+$0xB0] =	vst v14  }
0x76: {  	vm0 =	vlt.f32 v4, $5.000000000e-01;
	v8 =	vmax.f32 v8, v19;
	v6 =	vsel vm2, v9, v6;
	v5 =	vld [tilespmem:s11+$0xB0];
	[tilespmem:s9+$0x0] =	vst v12  }
0x77: {  	v21 =	vsel vm2, $0x3F800000, v21;
	vm0 =	vmand vm0, vm1;
	v10 =	vmax.f32 v10, v6;
	v19 =	vld [tilespmem:s11+$0x30];
	[tilespmem:s9+$0xA0] =	vst v6  }
0x78: {  	vm1 =	vlt.f32 v21, $5.000000000e-01;
	v7 =	vsel vm0, v13, v7;
	v4 =	vsel vm0, $0x3F800000, v4;
	v6 =	vld [tilespmem:s11+$0xA0]  }
0x79: {  	vm4 =	vlt.f32 v16, $5.000000000e-01;
	v11 =	vmax.f32 v11, v14;
	v15 =	vmax.f32 v15, v7;
	v18 =	vld [tilespmem:s11+$0x10];
	[tilespmem:s9+$0x80] =	vst v7;
	s9 =	smov.u32 s11  }
0x7a: {  	vm5 =	vlt.f32 v23, $5.000000000e-01;
	v12 =	vimm.f32 $0.0e+00;
	v20 =	vsub.f32 $0.0e+00, v24;
	v7 =	vld [tilespmem:s9+$0x80]  }
0x7b: {  	v26 =	vsub.f32 $0.0e+00, v25;
	vm0 =	veq.f32 v5, v2;
	v14 =	vsub.f32 $0.0e+00, v5  }
0x7c: {  	vm3 =	vlt.f32 v4, $5.000000000e-01;
	vm7 =	veq.f32 v25, v1;
	vm6 =	veq.f32 v19, v2  }
0x7d: {  	vm8 =	veq.f32 v24, v3;
	v22 =	vsub.f32 $0.0e+00, v19;
	v17 =	vld [tilespmem:s9+$0x0];
	v9 =	vsub.f32 $0.0e+00, v6  }
0x7e: {  	vm2 =	veq.f32 v6, v3;
	vm9 =	veq.f32 v18, v1;
	v27 =	vsub.f32 $0.0e+00, v18  }
0x7f: {  	vm5 =	vmand vm5, vm6;
	vm4 =	vmand vm4, vm9;
	v13 =	vsub.f32 $0.0e+00, v7  }
0x80: {  	vm6 =	vmand vm1, vm8;
	vm1 =	veq.f32 v7, v0;
	v16 =	vsel vm4, $0x3F800000, v16  }
.Ltmp2:
0x81: {  	v19 =	vsel vm5, v22, v19;
	v18 =	vsel vm4, v27, v18;
	vm4 =	vlt.f32 v16, $5.000000000e-01;
	(pc) =	sbr.rel @p0 .LBB2_6-.Ltmp2, $4  }
0x82: {  	v11 =	vmax.f32 v11, v19;
	vm8 =	veq.f32 v17, v0;
	[tilespmem:s9+$0x10] =	vst v18;
	vm4 =	vmand vm4, vm7  }
0x83: {  	v22 =	vsub.f32 $0.0e+00, v17;
	[tilespmem:s9+$0x30] =	vst v19;
	v19 =	vsel vm4, v26, v25;
	v16 =	vsel vm4, $0x3F800000, v16  }
0x84: {  	v20 =	vsel vm6, v20, v24;
	v21 =	vsel vm6, $0x3F800000, v21;
	v23 =	vsel vm5, $0x3F800000, v23;
	[tilespmem:s9+$0x90] =	vst v19  }
0x85: {  	vm5 =	vlt.f32 v23, $5.000000000e-01;
	vm3 =	vmand vm3, vm8;
	vm4 =	vlt.f32 v21, $5.000000000e-01;
	[tilespmem:s9+$0x20] =	vst v20  }
0x86: {  	vm0 =	vmand vm5, vm0  }
0x87: {  	v4 =	vsel vm3, $0x3F800000, v4;
	v14 =	vsel vm0, v14, v5  }
0x88: {  	vm0 =	vmand vm4, vm2;
	v5 =	vsel vm3, v22, v17;
	vm2 =	vlt.f32 v4, $5.000000000e-01;
	[tilespmem:s9+$0xB0] =	vst v14  }
0x89: {  	[tilespmem:s9+$0x0] =	vst v5;
	v6 =	vsel vm0, v9, v6;
	vm0 =	vmand vm2, vm1  }
0x8a: {  	[tilespmem:s9+$0xA0] =	vst v6;
	v7 =	vsel vm0, v13, v7  }
0x8b: {  	[tilespmem:s9+$0x80] =	vst v7;
	s9 =	simm.s32 $0x0  }
0x8c: {  	v16 =	vld [tilespmem:s9+$0xB0]  }
0x8d: {  	v21 =	vld [tilespmem:s9+$0x90]  }
0x8e: {  	v22 =	vld [tilespmem:s9+$0x30]  }
0x8f: {  	v9 =	vld [tilespmem:s9+$0x10]  }
0x90: {  	v4 =	vmax.f32 v8, v18;
	v13 =	vld [tilespmem:s9+$0x0]  }
0x91: {  	v15 =	vmax.f32 v15, v5;
	v5 =	vmax.f32 v10, v20;
	v4 =	vmax.f32 v4, v19;
	v10 =	vld [tilespmem:s9+$0x80]  }
0x92: {  	v5 =	vmax.f32 v5, v6;
	v6 =	vmax.f32 v11, v14;
	vm0 =	vlt.f32 v12, $5.000000000e-01;
	v14 =	vld [tilespmem:s9+$0x20]  }
0x93: {  	v7 =	vmax.f32 v15, v7;
	v8 =	vld [tilespmem:s9+$0xA0];
	vm1 =	veq.f32 v22, v6;
	v11 =	vsub.f32 $0.0e+00, v22  }
0x94: {  	vm4 =	veq.f32 v21, v4;
	v15 =	vsub.f32 $0.0e+00, v21;
	vm3 =	veq.f32 v9, v4  }
0x95: {  	v17 =	vsub.f32 $0.0e+00, v9;
	v23 =	vsub.f32 $0.0e+00, v16;
	vm6 =	veq.f32 v13, v7  }
0x96: {  	vm7 =	veq.f32 v16, v6;
	v26 =	vsub.f32 $0.0e+00, v13;
	vm2 =	veq.f32 v10, v7  }
0x97: {  	v18 =	vsub.f32 $0.0e+00, v10;
	vm9 =	veq.f32 v14, v5;
	v27 =	vsub.f32 $0.0e+00, v14  }
0x98: {  	vm5 =	vmand vm0, vm1;
	vm1 =	veq.f32 v8, v5;
	vm3 =	vmand vm0, vm3  }
0x99: {  	vm6 =	vmand vm0, vm6;
	v11 =	vsel vm5, v11, v22;
	v19 =	vsel vm5, $0x3F800000, v12  }
0x9a: {  	v22 =	vsub.f32 $0.0e+00, v8;
	v28 =	vsel vm3, $0x3F800000, v12;
	v25 =	vsel vm6, $0x3F800000, v12  }
0x9b: {  	v20 =	vmax.f32 v12, v11;
	vm5 =	vlt.f32 v19, $5.000000000e-01;
	vm8 =	vlt.f32 v28, $5.000000000e-01  }
0x9c: {  	[tilespmem:s9+$0x30] =	vst v11;
	v11 =	vimm.f32 $0.0e+00;
	vm7 =	vmand vm5, vm7;
	vm8 =	vmand vm8, vm4  }
0x9d: {  	vm4 =	vlt.f32 v25, $5.000000000e-01;
	vm5 =	vmand vm0, vm9;
	v24 =	vsel vm8, v15, v21  }
0x9e: {  	v19 =	vsel vm7, $0x3F800000, v19;
	v21 =	vsel vm8, $0x3F800000, v28;
	v28 =	vsel vm7, v23, v16  }
0x9f: {  	s11 =	simm.s32 $0x400;
	s10 =	simm.s32 $0x0;
	v23 =	vimm.f32 $0.0e+00;
	v16 =	vimm.f32 $0.0e+00;
	v15 =	vimm.f32 $0.0e+00;
	[tilespmem:s9+$0x90] =	vst v24  }
.LBB2_8:
0xa0: {  	s12 =	sshra.s32 s11, $0x2;
	p0 =	sne.s32 s11, $0x7C00;
	s11 =	sadd.s32 $0x400, s11;
	v13 =	vsel vm6, v26, v13;
	v23 =	vsel vm5, $0x3F800000, v23;
	[tilespmem:s10+$0xB0] =	vst v28;
	v20 =	vmax.f32 v20, v28  }
0xa1: {  	v9 =	vsel vm3, v17, v9;
	v28 =	vld [tilespmem:s12+$0xB0];
	[tilespmem:s10+$0x0] =	vst v13;
	v13 =	vmax.f32 v16, v13;
	vm3 =	vlt.f32 v23, $5.000000000e-01  }
0xa2: {  	v14 =	vsel vm5, v27, v14;
	v29 =	vld [tilespmem:s12+$0x90];
	[tilespmem:s10+$0x10] =	vst v9;
	v9 =	vmax.f32 v11, v9;
	vm1 =	vmand vm3, vm1  }
0xa3: {  	vm2 =	vmand vm4, vm2;
	v26 =	vld [tilespmem:s12+$0x30];
	[tilespmem:s10+$0x20] =	vst v14;
	v11 =	vmax.f32 v9, v24;
	v17 =	vsel vm1, v22, v8  }
0xa4: {  	v10 =	vsel vm2, v18, v10;
	v14 =	vmax.f32 v15, v14;
	v23 =	vsel vm1, $0x3F800000, v23;
	v9 =	vld [tilespmem:s12+$0x10];
	[tilespmem:s10+$0xA0] =	vst v17  }
0xa5: {  	v16 =	vmax.f32 v13, v10;
	vm1 =	vlt.f32 v19, $5.000000000e-01;
	v15 =	vmax.f32 v14, v17;
	v8 =	vld [tilespmem:s12+$0xA0];
	[tilespmem:s10+$0x80] =	vst v10;
	s10 =	smov.u32 s12  }
0xa6: {  	v24 =	vsel vm2, $0x3F800000, v25;
	vm5 =	vlt.f32 v23, $5.000000000e-01;
	v13 =	vld [tilespmem:s10+$0x0]  }
0xa7: {  	vm3 =	vlt.f32 v21, $5.000000000e-01;
	vm6 =	vlt.f32 v24, $5.000000000e-01;
	v10 =	vld [tilespmem:s10+$0x80];
	vm4 =	veq.f32 v29, v4  }
0xa8: {  	v30 =	vsub.f32 $0.0e+00, v29;
	vm2 =	veq.f32 v26, v6;
	v18 =	vsub.f32 $0.0e+00, v26  }
0xa9: {  	vm7 =	veq.f32 v9, v4;
	v17 =	vsub.f32 $0.0e+00, v9;
	vm8 =	vmand vm1, vm2  }
0xaa: {  	v31 =	vsub.f32 $0.0e+00, v28;
	v14 =	vld [tilespmem:s10+$0x20];
	v18 =	vsel vm8, v18, v26;
	vm1 =	veq.f32 v8, v5  }
0xab: {  	vm10 =	veq.f32 v28, v6;
	vm9 =	veq.f32 v13, v7;
	[tilespmem:s10+$0x30] =	vst v18;
	v20 =	vmax.f32 v20, v18  }
0xac: {  	v26 =	vsub.f32 $0.0e+00, v13;
	vm2 =	veq.f32 v10, v7;
	v18 =	vsub.f32 $0.0e+00, v10  }
0xad: {  	vm3 =	vmand vm3, vm7;
	v19 =	vsel vm8, $0x3F800000, v19;
	v22 =	vsub.f32 $0.0e+00, v8  }
.Ltmp3:
0xae: {  	v21 =	vsel vm3, $0x3F800000, v21;
	vm7 =	vlt.f32 v19, $5.000000000e-01;
	vm6 =	vmand vm6, vm9;
	(pc) =	sbr.rel @p0 .LBB2_8-.Ltmp3, $4  }
0xaf: {  	vm9 =	vlt.f32 v21, $5.000000000e-01;
	vm7 =	vmand vm7, vm10;
	vm8 =	veq.f32 v14, v5  }
0xb0: {  	v25 =	vsel vm6, $0x3F800000, v24;
	vm9 =	vmand vm9, vm4;
	v27 =	vsub.f32 $0.0e+00, v14  }
0xb1: {  	v19 =	vsel vm7, $0x3F800000, v19;
	vm4 =	vlt.f32 v25, $5.000000000e-01;
	v24 =	vsel vm9, v30, v29  }
0xb2: {  	v28 =	vsel vm7, v31, v28;
	v21 =	vsel vm9, $0x3F800000, v21;
	vm5 =	vmand vm5, vm8;
	[tilespmem:s10+$0x90] =	vst v24  }
0xb3: {  	v19 =	vsel vm6, v26, v13;
	[tilespmem:s10+$0xB0] =	vst v28  }
0xb4: {  	v13 =	vsel vm5, $0x3F800000, v23;
	v9 =	vsel vm3, v17, v9;
	[tilespmem:s10+$0x0] =	vst v19  }
0xb5: {  	v17 =	vsel vm5, v27, v14;
	vm2 =	vmand vm4, vm2;
	vm3 =	vlt.f32 v13, $5.000000000e-01;
	[tilespmem:s10+$0x10] =	vst v9  }
0xb6: {  	[tilespmem:s10+$0x20] =	vst v17;
	v10 =	vsel vm2, v18, v10;
	vm1 =	vmand vm3, vm1  }
0xb7: {  	[tilespmem:s10+$0x80] =	vst v10;
	v21 =	vsel vm1, v22, v8  }
0xb8: {  	[tilespmem:s10+$0xA0] =	vst v21  }
0xb9: {  	v18 =	vld [tilespmem:s9+$0x20]  }
0xba: {  	v23 =	vld [tilespmem:s9+$0x90]  }
0xbb: {  	v14 =	vld [tilespmem:s9+$0xB0]  }
0xbc: {  	v27 =	vld [tilespmem:s9+$0x30]  }
0xbd: {  	v13 =	vld [tilespmem:s9+$0xA0]  }
0xbe: {  	v16 =	vmax.f32 v16, v19;
	v15 =	vmax.f32 v15, v17;
	v19 =	vld [tilespmem:s9+$0x10]  }
0xbf: {  	v9 =	vmax.f32 v11, v9;
	v11 =	vmax.f32 v16, v10;
	v10 =	vmax.f32 v15, v21;
	v15 =	vld [tilespmem:s9+$0x80]  }
0xc0: {  	v9 =	vmax.f32 v9, v24;
	v8 =	vmax.f32 v20, v28;
	v25 =	vld [tilespmem:s9+$0x0]  }
0xc1: {  	v16 =	vsub.f32 $0.0e+00, v18;
	v20 =	vsub.f32 $0.0e+00, v23;
	vm1 =	veq.f32 v14, v8  }
0xc2: {  	v22 =	vsub.f32 $0.0e+00, v14;
	vm2 =	veq.f32 v27, v8;
	vm4 =	veq.f32 v23, v9  }
0xc3: {  	vm5 =	veq.f32 v18, v10;
	v24 =	vsub.f32 $0.0e+00, v27;
	v17 =	vsub.f32 $0.0e+00, v13  }
0xc4: {  	vm6 =	veq.f32 v19, v9;
	v26 =	vsub.f32 $0.0e+00, v19;
	vm3 =	veq.f32 v13, v10  }
0xc5: {  	v21 =	vsub.f32 $0.0e+00, v15;
	vm8 =	veq.f32 v25, v11;
	v30 =	vsub.f32 $0.0e+00, v25  }
0xc6: {  	vm6 =	vmand vm0, vm6;
	vm7 =	vmand vm0, vm2;
	vm5 =	vmand vm0, vm5  }
0xc7: {  	vm2 =	veq.f32 v15, v11;
	vm0 =	vmand vm0, vm8;
	v28 =	vsel vm6, $0x3F800000, v12  }
0xc8: {  	v26 =	vsel vm6, v26, v19;
	v29 =	vsel vm7, v24, v27;
	vm6 =	vlt.f32 v28, $5.000000000e-01  }
0xc9: {  	v31 =	vsel vm7, $0x3F800000, v12;
	v19 =	vmax.f32 v12, v29;
	[tilespmem:s9+$0x10] =	vst v26;
	vm4 =	vmand vm6, vm4  }
0xca: {  	[tilespmem:s9+$0x30] =	vst v29;
	v29 =	vsel vm5, $0x3F800000, v12;
	v27 =	vsel vm4, v20, v23;
	v24 =	vsel vm4, $0x3F800000, v28  }
0xcb: {  	v28 =	vsel vm5, v16, v18;
	vm4 =	vlt.f32 v29, $5.000000000e-01;
	vm5 =	vlt.f32 v31, $5.000000000e-01;
	[tilespmem:s9+$0x90] =	vst v27  }
0xcc: {  	s10 =	simm.s32 $0x400;
	v23 =	vimm.f32 $0.0e+00;
	v16 =	vimm.f32 $0.0e+00;
	v18 =	vimm.f32 $0.0e+00;
	[tilespmem:s9+$0x20] =	vst v28  }
.LBB2_10:
0xcd: {  	s11 =	sshra.s32 s10, $0x2;
	p0 =	sne.s32 s10, $0x7C00;
	s10 =	sadd.s32 $0x400, s10;
	v12 =	vsel vm0, $0x3F800000, v12;
	vm3 =	vmand vm4, vm3;
	vm1 =	vmand vm5, vm1  }
0xce: {  	v20 =	vsel vm0, v30, v25;
	v32 =	vld [tilespmem:s11+$0x20];
	v22 =	vsel vm1, v22, v14;
	v31 =	vsel vm1, $0x3F800000, v31  }
0xcf: {  	v16 =	vmax.f32 v16, v26;
	v18 =	vmax.f32 v18, v28;
	v23 =	vmax.f32 v23, v20;
	v33 =	vld [tilespmem:s11+$0x90];
	[tilespmem:s9+$0xB0] =	vst v22  }
0xd0: {  	vm0 =	vlt.f32 v12, $5.000000000e-01;
	v16 =	vmax.f32 v16, v27;
	v13 =	vsel vm3, v17, v13;
	v14 =	vld [tilespmem:s11+$0xB0];
	[tilespmem:s9+$0x0] =	vst v20  }
0xd1: {  	v29 =	vsel vm3, $0x3F800000, v29;
	vm0 =	vmand vm0, vm2;
	v18 =	vmax.f32 v18, v13;
	v27 =	vld [tilespmem:s11+$0x30];
	[tilespmem:s9+$0xA0] =	vst v13  }
0xd2: {  	vm2 =	vlt.f32 v29, $5.000000000e-01;
	v15 =	vsel vm0, v21, v15;
	v12 =	vsel vm0, $0x3F800000, v12;
	v13 =	vld [tilespmem:s11+$0xA0]  }
0xd3: {  	vm4 =	vlt.f32 v24, $5.000000000e-01;
	v19 =	vmax.f32 v19, v22;
	v23 =	vmax.f32 v23, v15;
	v26 =	vld [tilespmem:s11+$0x10];
	[tilespmem:s9+$0x80] =	vst v15;
	s9 =	smov.u32 s11  }
0xd4: {  	vm5 =	vlt.f32 v31, $5.000000000e-01;
	v20 =	vimm.f32 $0.0e+00;
	v28 =	vsub.f32 $0.0e+00, v32;
	v15 =	vld [tilespmem:s9+$0x80]  }
0xd5: {  	v34 =	vsub.f32 $0.0e+00, v33;
	vm1 =	veq.f32 v14, v8;
	v22 =	vsub.f32 $0.0e+00, v14  }
0xd6: {  	vm0 =	vlt.f32 v12, $5.000000000e-01;
	vm7 =	veq.f32 v33, v9;
	vm6 =	veq.f32 v27, v8  }
0xd7: {  	vm8 =	veq.f32 v32, v10;
	v30 =	vsub.f32 $0.0e+00, v27;
	v25 =	vld [tilespmem:s9+$0x0];
	v17 =	vsub.f32 $0.0e+00, v13  }
0xd8: {  	vm3 =	veq.f32 v13, v10;
	vm9 =	veq.f32 v26, v9;
	v35 =	vsub.f32 $0.0e+00, v26  }
0xd9: {  	vm5 =	vmand vm5, vm6;
	vm4 =	vmand vm4, vm9;
	v21 =	vsub.f32 $0.0e+00, v15  }
0xda: {  	vm6 =	vmand vm2, vm8;
	vm2 =	veq.f32 v15, v11;
	v24 =	vsel vm4, $0x3F800000, v24  }
.Ltmp4:
0xdb: {  	v27 =	vsel vm5, v30, v27;
	v26 =	vsel vm4, v35, v26;
	vm4 =	vlt.f32 v24, $5.000000000e-01;
	(pc) =	sbr.rel @p0 .LBB2_10-.Ltmp4, $4  }
0xdc: {  	v19 =	vmax.f32 v19, v27;
	vm8 =	veq.f32 v25, v11;
	[tilespmem:s9+$0x10] =	vst v26;
	vm4 =	vmand vm4, vm7  }
0xdd: {  	v30 =	vsub.f32 $0.0e+00, v25;
	[tilespmem:s9+$0x30] =	vst v27;
	v27 =	vsel vm4, v34, v33;
	v24 =	vsel vm4, $0x3F800000, v24  }
0xde: {  	v28 =	vsel vm6, v28, v32;
	v29 =	vsel vm6, $0x3F800000, v29;
	v31 =	vsel vm5, $0x3F800000, v31;
	[tilespmem:s9+$0x90] =	vst v27  }
0xdf: {  	vm5 =	vlt.f32 v31, $5.000000000e-01;
	vm0 =	vmand vm0, vm8;
	vm4 =	vlt.f32 v29, $5.000000000e-01;
	[tilespmem:s9+$0x20] =	vst v28  }
0xe0: {  	vm1 =	vmand vm5, vm1  }
0xe1: {  	v12 =	vsel vm0, $0x3F800000, v12;
	v22 =	vsel vm1, v22, v14  }
0xe2: {  	vm1 =	vmand vm4, vm3;
	v14 =	vsel vm0, v30, v25;
	vm0 =	vlt.f32 v12, $5.000000000e-01;
	[tilespmem:s9+$0xB0] =	vst v22  }
0xe3: {  	[tilespmem:s9+$0x0] =	vst v14;
	v12 =	vsel vm1, v17, v13;
	vm0 =	vmand vm0, vm2  }
0xe4: {  	[tilespmem:s9+$0xA0] =	vst v12;
	v15 =	vsel vm0, v21, v15  }
0xe5: {  	[tilespmem:s9+$0x80] =	vst v15;
	s9 =	simm.s32 $0x0  }
0xe6: {  	v24 =	vld [tilespmem:s9+$0xB0]  }
0xe7: {  	v29 =	vld [tilespmem:s9+$0x90]  }
0xe8: {  	v30 =	vld [tilespmem:s9+$0x30]  }
0xe9: {  	v17 =	vld [tilespmem:s9+$0x10]  }
0xea: {  	v13 =	vmax.f32 v16, v26;
	v21 =	vld [tilespmem:s9+$0x0]  }
0xeb: {  	v23 =	vmax.f32 v23, v14;
	v14 =	vmax.f32 v18, v28;
	v13 =	vmax.f32 v13, v27;
	v18 =	vld [tilespmem:s9+$0x80]  }
0xec: {  	v14 =	vmax.f32 v14, v12;
	v12 =	vmax.f32 v19, v22;
	vm0 =	vlt.f32 v20, $5.000000000e-01;
	v22 =	vld [tilespmem:s9+$0x20]  }
0xed: {  	v15 =	vmax.f32 v23, v15;
	v16 =	vld [tilespmem:s9+$0xA0];
	vm1 =	veq.f32 v30, v12;
	v19 =	vsub.f32 $0.0e+00, v30  }
0xee: {  	vm4 =	veq.f32 v29, v13;
	v23 =	vsub.f32 $0.0e+00, v29;
	vm3 =	veq.f32 v17, v13  }
0xef: {  	v25 =	vsub.f32 $0.0e+00, v17;
	v31 =	vsub.f32 $0.0e+00, v24;
	vm6 =	veq.f32 v21, v15  }
0xf0: {  	vm7 =	veq.f32 v24, v12;
	v34 =	vsub.f32 $0.0e+00, v21;
	vm2 =	veq.f32 v18, v15  }
0xf1: {  	v26 =	vsub.f32 $0.0e+00, v18;
	vm9 =	veq.f32 v22, v14;
	v35 =	vsub.f32 $0.0e+00, v22  }
0xf2: {  	vm5 =	vmand vm0, vm1;
	vm1 =	veq.f32 v16, v14;
	vm3 =	vmand vm0, vm3  }
0xf3: {  	vm6 =	vmand vm0, vm6;
	v19 =	vsel vm5, v19, v30;
	v27 =	vsel vm5, $0x3F800000, v20  }
0xf4: {  	v30 =	vsub.f32 $0.0e+00, v16;
	v36 =	vsel vm3, $0x3F800000, v20;
	v33 =	vsel vm6, $0x3F800000, v20  }
0xf5: {  	v28 =	vmax.f32 v20, v19;
	vm5 =	vlt.f32 v27, $5.000000000e-01;
	vm8 =	vlt.f32 v36, $5.000000000e-01  }
0xf6: {  	[tilespmem:s9+$0x30] =	vst v19;
	v19 =	vimm.f32 $0.0e+00;
	vm7 =	vmand vm5, vm7;
	vm8 =	vmand vm8, vm4  }
0xf7: {  	vm4 =	vlt.f32 v33, $5.000000000e-01;
	vm5 =	vmand vm0, vm9;
	v32 =	vsel vm8, v23, v29  }
0xf8: {  	v27 =	vsel vm7, $0x3F800000, v27;
	v29 =	vsel vm8, $0x3F800000, v36;
	v36 =	vsel vm7, v31, v24  }
0xf9: {  	s11 =	simm.s32 $0x400;
	s10 =	simm.s32 $0x0;
	v31 =	vimm.f32 $0.0e+00;
	v24 =	vimm.f32 $0.0e+00;
	v23 =	vimm.f32 $0.0e+00;
	[tilespmem:s9+$0x90] =	vst v32  }
.LBB2_12:
0xfa: {  	s12 =	sshra.s32 s11, $0x2;
	p0 =	sne.s32 s11, $0x7C00;
	s11 =	sadd.s32 $0x400, s11;
	v21 =	vsel vm6, v34, v21;
	v31 =	vsel vm5, $0x3F800000, v31;
	[tilespmem:s10+$0xB0] =	vst v36;
	v28 =	vmax.f32 v28, v36  }
0xfb: {  	v17 =	vsel vm3, v25, v17;
	v36 =	vld [tilespmem:s12+$0xB0];
	[tilespmem:s10+$0x0] =	vst v21;
	v21 =	vmax.f32 v24, v21;
	vm3 =	vlt.f32 v31, $5.000000000e-01  }
0xfc: {  	v22 =	vsel vm5, v35, v22;
	v37 =	vld [tilespmem:s12+$0x90];
	[tilespmem:s10+$0x10] =	vst v17;
	v17 =	vmax.f32 v19, v17;
	vm1 =	vmand vm3, vm1  }
0xfd: {  	vm2 =	vmand vm4, vm2;
	v34 =	vld [tilespmem:s12+$0x30];
	[tilespmem:s10+$0x20] =	vst v22;
	v19 =	vmax.f32 v17, v32;
	v25 =	vsel vm1, v30, v16  }
0xfe: {  	v18 =	vsel vm2, v26, v18;
	v22 =	vmax.f32 v23, v22;
	v31 =	vsel vm1, $0x3F800000, v31;
	v17 =	vld [tilespmem:s12+$0x10];
	[tilespmem:s10+$0xA0] =	vst v25  }
0xff: {  	v24 =	vmax.f32 v21, v18;
	vm1 =	vlt.f32 v27, $5.000000000e-01;
	v23 =	vmax.f32 v22, v25;
	v16 =	vld [tilespmem:s12+$0xA0];
	[tilespmem:s10+$0x80] =	vst v18;
	s10 =	smov.u32 s12  }
0x100: {  	v32 =	vsel vm2, $0x3F800000, v33;
	vm5 =	vlt.f32 v31, $5.000000000e-01;
	v21 =	vld [tilespmem:s10+$0x0]  }
0x101: {  	vm3 =	vlt.f32 v29, $5.000000000e-01;
	vm6 =	vlt.f32 v32, $5.000000000e-01;
	v18 =	vld [tilespmem:s10+$0x80];
	vm4 =	veq.f32 v37, v13  }
0x102: {  	v38 =	vsub.f32 $0.0e+00, v37;
	vm2 =	veq.f32 v34, v12;
	v26 =	vsub.f32 $0.0e+00, v34  }
0x103: {  	vm7 =	veq.f32 v17, v13;
	v25 =	vsub.f32 $0.0e+00, v17;
	vm8 =	vmand vm1, vm2  }
0x104: {  	v39 =	vsub.f32 $0.0e+00, v36;
	v22 =	vld [tilespmem:s10+$0x20];
	v26 =	vsel vm8, v26, v34;
	vm1 =	veq.f32 v16, v14  }
0x105: {  	vm10 =	veq.f32 v36, v12;
	vm9 =	veq.f32 v21, v15;
	[tilespmem:s10+$0x30] =	vst v26;
	v28 =	vmax.f32 v28, v26  }
0x106: {  	v34 =	vsub.f32 $0.0e+00, v21;
	vm2 =	veq.f32 v18, v15;
	v26 =	vsub.f32 $0.0e+00, v18  }
0x107: {  	vm3 =	vmand vm3, vm7;
	v27 =	vsel vm8, $0x3F800000, v27;
	v30 =	vsub.f32 $0.0e+00, v16  }
.Ltmp5:
0x108: {  	v29 =	vsel vm3, $0x3F800000, v29;
	vm7 =	vlt.f32 v27, $5.000000000e-01;
	vm6 =	vmand vm6, vm9;
	(pc) =	sbr.rel @p0 .LBB2_12-.Ltmp5, $4  }
0x109: {  	vm9 =	vlt.f32 v29, $5.000000000e-01;
	vm7 =	vmand vm7, vm10;
	vm8 =	veq.f32 v22, v14  }
0x10a: {  	v33 =	vsel vm6, $0x3F800000, v32;
	vm9 =	vmand vm9, vm4;
	v35 =	vsub.f32 $0.0e+00, v22  }
0x10b: {  	v27 =	vsel vm7, $0x3F800000, v27;
	vm4 =	vlt.f32 v33, $5.000000000e-01;
	v32 =	vsel vm9, v38, v37  }
0x10c: {  	v36 =	vsel vm7, v39, v36;
	v29 =	vsel vm9, $0x3F800000, v29;
	vm5 =	vmand vm5, vm8;
	[tilespmem:s10+$0x90] =	vst v32  }
0x10d: {  	v27 =	vsel vm6, v34, v21;
	[tilespmem:s10+$0xB0] =	vst v36  }
0x10e: {  	v21 =	vsel vm5, $0x3F800000, v31;
	v17 =	vsel vm3, v25, v17;
	[tilespmem:s10+$0x0] =	vst v27  }
0x10f: {  	v25 =	vsel vm5, v35, v22;
	vm2 =	vmand vm4, vm2;
	vm3 =	vlt.f32 v21, $5.000000000e-01;
	[tilespmem:s10+$0x10] =	vst v17  }
0x110: {  	[tilespmem:s10+$0x20] =	vst v25;
	v18 =	vsel vm2, v26, v18;
	vm1 =	vmand vm3, vm1  }
0x111: {  	[tilespmem:s10+$0x80] =	vst v18;
	v29 =	vsel vm1, v30, v16  }
0x112: {  	[tilespmem:s10+$0xA0] =	vst v29  }
0x113: {  	v31 =	vld [tilespmem:s9+$0x20]  }
0x114: {  	v61 =	vld [tilespmem:s9+$0x90]  }
0x115: {  	v22 =	vld [tilespmem:s9+$0xB0]  }
0x116: {  	v37 =	vld [tilespmem:s9+$0x30]  }
0x117: {  	v21 =	vld [tilespmem:s9+$0xA0]  }
0x118: {  	v24 =	vmax.f32 v24, v27;
	v23 =	vmax.f32 v23, v25;
	v25 =	vld [tilespmem:s9+$0x10]  }
0x119: {  	v17 =	vmax.f32 v19, v17;
	v19 =	vmax.f32 v24, v18;
	v18 =	vmax.f32 v23, v29;
	v23 =	vld [tilespmem:s9+$0x80]  }
0x11a: {  	v17 =	vmax.f32 v17, v32;
	v16 =	vmax.f32 v28, v36;
	v33 =	vld [tilespmem:s9+$0x0]  }
0x11b: {  	v24 =	vsub.f32 $0.0e+00, v31;
	v27 =	vsub.f32 $0.0e+00, v61;
	vm1 =	veq.f32 v22, v16  }
0x11c: {  	v30 =	vsub.f32 $0.0e+00, v22;
	vm2 =	veq.f32 v37, v16;
	vm4 =	veq.f32 v61, v17  }
0x11d: {  	vm5 =	veq.f32 v31, v18;
	v28 =	vsub.f32 $0.0e+00, v37;
	v26 =	vsub.f32 $0.0e+00, v21  }
0x11e: {  	vm6 =	veq.f32 v25, v17;
	v62 =	vsub.f32 $0.0e+00, v25;
	vm3 =	veq.f32 v21, v18  }
0x11f: {  	v29 =	vsub.f32 $0.0e+00, v23;
	vm8 =	veq.f32 v33, v19;
	v38 =	vsub.f32 $0.0e+00, v33  }
0x120: {  	vm6 =	vmand vm0, vm6;
	vm7 =	vmand vm0, vm2;
	vm5 =	vmand vm0, vm5  }
0x121: {  	vm2 =	veq.f32 v23, v19;
	vm0 =	vmand vm0, vm8;
	v63 =	vsel vm6, $0x3F800000, v20  }
0x122: {  	v34 =	vsel vm6, v62, v25;
	v25 =	vsel vm7, v28, v37;
	v36 =	vsel vm5, v24, v31  }
0x123: {  	v37 =	vsel vm5, $0x3F800000, v20;
	v39 =	vsel vm7, $0x3F800000, v20;
	vm6 =	vlt.f32 v63, $5.000000000e-01;
	[tilespmem:s9+$0x10] =	vst v34  }
0x124: {  	v31 =	vimm.f32 $0.0e+00;
	v28 =	vmax.f32 v20, v25;
	[tilespmem:s9+$0x30] =	vst v25;
	vm4 =	vmand vm6, vm4  }
0x125: {  	vm5 =	vlt.f32 v39, $5.000000000e-01;
	[tilespmem:s9+$0x20] =	vst v36;
	v25 =	vimm.f32 $0.0e+00;
	v35 =	vsel vm4, v27, v61  }
0x126: {  	s10 =	simm.s32 $0x400;
	v32 =	vsel vm4, $0x3F800000, v63;
	vm4 =	vlt.f32 v37, $5.000000000e-01;
	v27 =	vimm.f32 $0.0e+00;
	[tilespmem:s9+$0x90] =	vst v35  }
.LBB2_14:
0x127: {  	s11 =	sshra.s32 s10, $0x2;
	p0 =	sne.s32 s10, $0x7C00;
	s10 =	sadd.s32 $0x400, s10;
	v20 =	vsel vm0, $0x3F800000, v20;
	vm3 =	vmand vm4, vm3;
	vm1 =	vmand vm5, vm1  }
0x128: {  	v24 =	vsel vm0, v38, v33;
	v40 =	vld [tilespmem:s11+$0x20];
	v30 =	vsel vm1, v30, v22;
	v39 =	vsel vm1, $0x3F800000, v39  }
0x129: {  	v25 =	vmax.f32 v25, v34;
	v27 =	vmax.f32 v27, v36;
	v31 =	vmax.f32 v31, v24;
	v41 =	vld [tilespmem:s11+$0x90];
	[tilespmem:s9+$0xB0] =	vst v30  }
0x12a: {  	vm0 =	vlt.f32 v20, $5.000000000e-01;
	v25 =	vmax.f32 v25, v35;
	v21 =	vsel vm3, v26, v21;
	v22 =	vld [tilespmem:s11+$0xB0];
	[tilespmem:s9+$0x0] =	vst v24  }
0x12b: {  	v37 =	vsel vm3, $0x3F800000, v37;
	vm0 =	vmand vm0, vm2;
	v27 =	vmax.f32 v27, v21;
	v35 =	vld [tilespmem:s11+$0x30];
	[tilespmem:s9+$0xA0] =	vst v21  }
0x12c: {  	vm2 =	vlt.f32 v37, $5.000000000e-01;
	v23 =	vsel vm0, v29, v23;
	v20 =	vsel vm0, $0x3F800000, v20;
	v21 =	vld [tilespmem:s11+$0xA0]  }
0x12d: {  	vm4 =	vlt.f32 v32, $5.000000000e-01;
	v28 =	vmax.f32 v28, v30;
	v31 =	vmax.f32 v31, v23;
	v34 =	vld [tilespmem:s11+$0x10];
	[tilespmem:s9+$0x80] =	vst v23;
	s9 =	smov.u32 s11  }
0x12e: {  	vm5 =	vlt.f32 v39, $5.000000000e-01;
	v24 =	vimm.f32 $0.0e+00;
	v36 =	vsub.f32 $0.0e+00, v40;
	v23 =	vld [tilespmem:s9+$0x80]  }
0x12f: {  	v42 =	vsub.f32 $0.0e+00, v41;
	vm1 =	veq.f32 v22, v16;
	v30 =	vsub.f32 $0.0e+00, v22  }
0x130: {  	vm0 =	vlt.f32 v20, $5.000000000e-01;
	vm7 =	veq.f32 v41, v17;
	vm6 =	veq.f32 v35, v16  }
0x131: {  	vm8 =	veq.f32 v40, v18;
	v38 =	vsub.f32 $0.0e+00, v35;
	v33 =	vld [tilespmem:s9+$0x0];
	v26 =	vsub.f32 $0.0e+00, v21  }
0x132: {  	vm3 =	veq.f32 v21, v18;
	vm9 =	veq.f32 v34, v17;
	v43 =	vsub.f32 $0.0e+00, v34  }
0x133: {  	vm5 =	vmand vm5, vm6;
	vm4 =	vmand vm4, vm9;
	v29 =	vsub.f32 $0.0e+00, v23  }
0x134: {  	vm6 =	vmand vm2, vm8;
	vm2 =	veq.f32 v23, v19;
	v32 =	vsel vm4, $0x3F800000, v32  }
.Ltmp6:
0x135: {  	v35 =	vsel vm5, v38, v35;
	v34 =	vsel vm4, v43, v34;
	vm4 =	vlt.f32 v32, $5.000000000e-01;
	(pc) =	sbr.rel @p0 .LBB2_14-.Ltmp6, $4  }
0x136: {  	v28 =	vmax.f32 v28, v35;
	vm8 =	veq.f32 v33, v19;
	[tilespmem:s9+$0x10] =	vst v34;
	vm4 =	vmand vm4, vm7  }
0x137: {  	v38 =	vsub.f32 $0.0e+00, v33;
	[tilespmem:s9+$0x30] =	vst v35;
	v35 =	vsel vm4, v42, v41;
	v32 =	vsel vm4, $0x3F800000, v32  }
0x138: {  	v36 =	vsel vm6, v36, v40;
	v37 =	vsel vm6, $0x3F800000, v37;
	v39 =	vsel vm5, $0x3F800000, v39;
	[tilespmem:s9+$0x90] =	vst v35  }
0x139: {  	vm5 =	vlt.f32 v39, $5.000000000e-01;
	vm0 =	vmand vm0, vm8;
	vm4 =	vlt.f32 v37, $5.000000000e-01;
	[tilespmem:s9+$0x20] =	vst v36  }
0x13a: {  	vm1 =	vmand vm5, vm1  }
0x13b: {  	v20 =	vsel vm0, $0x3F800000, v20;
	v32 =	vsel vm1, v30, v22  }
0x13c: {  	vm1 =	vmand vm4, vm3;
	v22 =	vsel vm0, v38, v33;
	vm0 =	vlt.f32 v20, $5.000000000e-01;
	[tilespmem:s9+$0xB0] =	vst v32  }
0x13d: {  	[tilespmem:s9+$0x0] =	vst v22;
	v20 =	vsel vm1, v26, v21;
	vm0 =	vmand vm0, vm2  }
0x13e: {  	[tilespmem:s9+$0xA0] =	vst v20;
	v23 =	vsel vm0, v29, v23  }
0x13f: {  	[tilespmem:s9+$0x80] =	vst v23;
	s9 =	simm.s32 $0x0  }
0x140: {  	v29 =	vld [tilespmem:s9+$0xB0]  }
0x141: {  	v37 =	vld [tilespmem:s9+$0x90]  }
0x142: {  	v61 =	vld [tilespmem:s9+$0x30]  }
0x143: {  	v26 =	vld [tilespmem:s9+$0x10]  }
0x144: {  	v21 =	vmax.f32 v25, v34;
	v25 =	vld [tilespmem:s9+$0xA0]  }
0x145: {  	v31 =	vmax.f32 v31, v22;
	v22 =	vmax.f32 v27, v36;
	v21 =	vmax.f32 v21, v35;
	v30 =	vld [tilespmem:s9+$0x0]  }
0x146: {  	v22 =	vmax.f32 v22, v20;
	v20 =	vmax.f32 v28, v32;
	vm0 =	vlt.f32 v24, $5.000000000e-01;
	v27 =	vld [tilespmem:s9+$0x80]  }
0x147: {  	v32 =	vimm.f32 $0.0e+00;
	v23 =	vmax.f32 v31, v23;
	v31 =	vld [tilespmem:s9+$0x20];
	vm1 =	veq.f32 v61, v20  }
0x148: {  	v28 =	vsub.f32 $0.0e+00, v61;
	vm4 =	veq.f32 v37, v21;
	v62 =	vsub.f32 $0.0e+00, v37  }
0x149: {  	vm3 =	veq.f32 v26, v21;
	v33 =	vsub.f32 $0.0e+00, v26;
	v39 =	vsub.f32 $0.0e+00, v29  }
0x14a: {  	vm6 =	veq.f32 v30, v23;
	vm7 =	veq.f32 v29, v20;
	v42 =	vsub.f32 $0.0e+00, v30  }
0x14b: {  	vm2 =	veq.f32 v27, v23;
	v34 =	vsub.f32 $0.0e+00, v27;
	v38 =	vsub.f32 $0.0e+00, v25  }
0x14c: {  	vm9 =	veq.f32 v31, v22;
	v43 =	vsub.f32 $0.0e+00, v31;
	vm5 =	vmand vm0, vm1  }
0x14d: {  	vm1 =	veq.f32 v25, v22;
	vm3 =	vmand vm0, vm3;
	vm6 =	vmand vm0, vm6  }
0x14e: {  	v28 =	vsel vm5, v28, v61;
	v63 =	vsel vm5, $0x3F800000, v24;
	v44 =	vsel vm3, $0x3F800000, v24  }
0x14f: {  	v40 =	vsel vm6, $0x3F800000, v24;
	v36 =	vmax.f32 v24, v28;
	vm5 =	vlt.f32 v63, $5.000000000e-01  }
0x150: {  	vm8 =	vlt.f32 v44, $5.000000000e-01;
	[tilespmem:s9+$0x30] =	vst v28;
	v28 =	vimm.f32 $0.0e+00;
	vm7 =	vmand vm5, vm7  }
0x151: {  	vm8 =	vmand vm8, vm4;
	vm4 =	vlt.f32 v40, $5.000000000e-01;
	vm5 =	vmand vm0, vm9  }
0x152: {  	v41 =	vsel vm8, v62, v37;
	v35 =	vsel vm7, $0x3F800000, v63;
	v37 =	vsel vm8, $0x3F800000, v44  }
0x153: {  	s11 =	simm.s32 $0x400;
	s10 =	simm.s32 $0x0;
	v44 =	vsel vm7, v39, v29;
	v39 =	vimm.f32 $0.0e+00;
	v29 =	vimm.f32 $0.0e+00;
	[tilespmem:s9+$0x90] =	vst v41  }
.LBB2_16:
0x154: {  	s12 =	sshra.s32 s11, $0x2;
	p0 =	sne.s32 s11, $0x7C00;
	s11 =	sadd.s32 $0x400, s11;
	v30 =	vsel vm6, v42, v30;
	v39 =	vsel vm5, $0x3F800000, v39;
	[tilespmem:s10+$0xB0] =	vst v44;
	v36 =	vmax.f32 v36, v44  }
0x155: {  	v26 =	vsel vm3, v33, v26;
	v44 =	vld [tilespmem:s12+$0xB0];
	[tilespmem:s10+$0x0] =	vst v30;
	v30 =	vmax.f32 v32, v30;
	vm3 =	vlt.f32 v39, $5.000000000e-01  }
0x156: {  	v31 =	vsel vm5, v43, v31;
	v45 =	vld [tilespmem:s12+$0x90];
	[tilespmem:s10+$0x10] =	vst v26;
	v26 =	vmax.f32 v29, v26;
	vm1 =	vmand vm3, vm1  }
0x157: {  	vm2 =	vmand vm4, vm2;
	v42 =	vld [tilespmem:s12+$0x30];
	[tilespmem:s10+$0x20] =	vst v31;
	v29 =	vmax.f32 v26, v41;
	v33 =	vsel vm1, v38, v25  }
0x158: {  	v28 =	vmax.f32 v28, v31;
	v27 =	vsel vm2, v34, v27;
	v39 =	vsel vm1, $0x3F800000, v39;
	v26 =	vld [tilespmem:s12+$0x10];
	[tilespmem:s10+$0xA0] =	vst v33  }
0x159: {  	v32 =	vmax.f32 v30, v27;
	vm1 =	vlt.f32 v35, $5.000000000e-01;
	v28 =	vmax.f32 v28, v33;
	v25 =	vld [tilespmem:s12+$0xA0];
	[tilespmem:s10+$0x80] =	vst v27;
	s10 =	smov.u32 s12  }
0x15a: {  	v40 =	vsel vm2, $0x3F800000, v40;
	vm5 =	vlt.f32 v39, $5.000000000e-01;
	v30 =	vld [tilespmem:s10+$0x0]  }
0x15b: {  	vm6 =	vlt.f32 v40, $5.000000000e-01;
	vm3 =	vlt.f32 v37, $5.000000000e-01;
	v27 =	vld [tilespmem:s10+$0x80];
	vm4 =	veq.f32 v45, v21  }
0x15c: {  	v41 =	vsub.f32 $0.0e+00, v45;
	vm2 =	veq.f32 v42, v20;
	v34 =	vsub.f32 $0.0e+00, v42  }
0x15d: {  	vm7 =	veq.f32 v26, v21;
	v33 =	vsub.f32 $0.0e+00, v26;
	vm8 =	vmand vm1, vm2  }
0x15e: {  	v46 =	vsub.f32 $0.0e+00, v44;
	v31 =	vld [tilespmem:s10+$0x20];
	v34 =	vsel vm8, v34, v42;
	vm1 =	veq.f32 v25, v22  }
0x15f: {  	vm10 =	veq.f32 v44, v20;
	vm9 =	veq.f32 v30, v23;
	[tilespmem:s10+$0x30] =	vst v34;
	v36 =	vmax.f32 v36, v34  }
0x160: {  	v42 =	vsub.f32 $0.0e+00, v30;
	vm2 =	veq.f32 v27, v23;
	v34 =	vsub.f32 $0.0e+00, v27  }
0x161: {  	vm3 =	vmand vm3, vm7;
	v35 =	vsel vm8, $0x3F800000, v35;
	v38 =	vsub.f32 $0.0e+00, v25  }
.Ltmp7:
0x162: {  	v37 =	vsel vm3, $0x3F800000, v37;
	vm7 =	vlt.f32 v35, $5.000000000e-01;
	vm6 =	vmand vm6, vm9;
	(pc) =	sbr.rel @p0 .LBB2_16-.Ltmp7, $4  }
0x163: {  	vm9 =	vlt.f32 v37, $5.000000000e-01;
	vm7 =	vmand vm7, vm10;
	vm8 =	veq.f32 v31, v22  }
0x164: {  	v40 =	vsel vm6, $0x3F800000, v40;
	vm9 =	vmand vm9, vm4;
	v43 =	vsub.f32 $0.0e+00, v31  }
0x165: {  	v35 =	vsel vm7, $0x3F800000, v35;
	vm4 =	vlt.f32 v40, $5.000000000e-01;
	v41 =	vsel vm9, v41, v45  }
0x166: {  	v44 =	vsel vm7, v46, v44;
	v37 =	vsel vm9, $0x3F800000, v37;
	vm5 =	vmand vm5, vm8;
	[tilespmem:s10+$0x90] =	vst v41  }
0x167: {  	v35 =	vsel vm6, v42, v30;
	[tilespmem:s10+$0xB0] =	vst v44  }
0x168: {  	v30 =	vsel vm5, $0x3F800000, v39;
	v26 =	vsel vm3, v33, v26;
	[tilespmem:s10+$0x0] =	vst v35  }
0x169: {  	v31 =	vsel vm5, v43, v31;
	vm2 =	vmand vm4, vm2;
	vm3 =	vlt.f32 v30, $5.000000000e-01;
	[tilespmem:s10+$0x10] =	vst v26  }
0x16a: {  	[tilespmem:s10+$0x20] =	vst v31;
	v27 =	vsel vm2, v34, v27;
	vm1 =	vmand vm3, vm1  }
0x16b: {  	[tilespmem:s10+$0x80] =	vst v27;
	v57 =	vsel vm1, v38, v25  }
0x16c: {  	[tilespmem:s10+$0xA0] =	vst v57  }
0x16d: {  	v47 =	vld [tilespmem:s9+$0xB0]  }
0x16e: {  	v58 =	vld [tilespmem:s9+$0x90]  }
0x16f: {  	v59 =	vld [tilespmem:s9+$0x30]  }
0x170: {  	v30 =	vld [tilespmem:s9+$0x10]  }
0x171: {  	v26 =	vmax.f32 v29, v26;
	v29 =	vld [tilespmem:s9+$0xA0]  }
0x172: {  	v32 =	vmax.f32 v32, v35;
	v31 =	vmax.f32 v28, v31;
	v34 =	vld [tilespmem:s9+$0x0]  }
0x173: {  	v28 =	vmax.f32 v32, v27;
	v27 =	vmax.f32 v31, v57;
	v31 =	vld [tilespmem:s9+$0x80]  }
0x174: {  	v33 =	vimm.f32 $0.0e+00;
	v26 =	vmax.f32 v26, v41;
	v25 =	vmax.f32 v36, v44;
	v35 =	vld [tilespmem:s9+$0x20]  }
0x175: {  	v36 =	vimm.f32 $0.0e+00;
	vm4 =	veq.f32 v58, v26;
	vm1 =	veq.f32 v59, v25  }
0x176: {  	v60 =	vsub.f32 $0.0e+00, v59;
	v61 =	vsub.f32 $0.0e+00, v58;
	vm3 =	veq.f32 v30, v26  }
0x177: {  	v37 =	vsub.f32 $0.0e+00, v30;
	v62 =	vsub.f32 $0.0e+00, v47;
	vm6 =	veq.f32 v34, v28  }
0x178: {  	vm7 =	veq.f32 v47, v25;
	v45 =	vsub.f32 $0.0e+00, v34;
	vm2 =	veq.f32 v31, v28  }
0x179: {  	v38 =	vsub.f32 $0.0e+00, v31;
	v42 =	vsub.f32 $0.0e+00, v29;
	vm8 =	veq.f32 v35, v27  }
0x17a: {  	v46 =	vsub.f32 $0.0e+00, v35;
	vm5 =	vmand vm0, vm1;
	vm1 =	veq.f32 v29, v27  }
0x17b: {  	vm3 =	vmand vm0, vm3;
	v32 =	vsel vm5, v60, v59;
	v63 =	vsel vm5, $0x3F800000, v24  }
0x17c: {  	vm5 =	vmand vm0, vm6;
	v48 =	vsel vm3, $0x3F800000, v24;
	vm0 =	vmand vm0, vm8  }
0x17d: {  	v40 =	vmax.f32 v24, v32;
	vm6 =	vlt.f32 v63, $5.000000000e-01;
	vm9 =	vlt.f32 v48, $5.000000000e-01  }
0x17e: {  	v43 =	vsel vm5, $0x3F800000, v24;
	vm6 =	vmand vm6, vm7;
	vm7 =	vmand vm9, vm4  }
0x17f: {  	[tilespmem:s9+$0x30] =	vst v32;
	v32 =	vimm.f32 $0.0e+00;
	vm4 =	vlt.f32 v43, $5.000000000e-01;
	v44 =	vsel vm7, v61, v58  }
0x180: {  	s10 =	simm.s32 $0x400;
	v39 =	vsel vm6, $0x3F800000, v63;
	v41 =	vsel vm7, $0x3F800000, v48;
	v47 =	vsel vm6, v62, v47;
	[tilespmem:s9+$0x90] =	vst v44  }
.LBB2_18:
0x181: {  	s11 =	sshra.s32 s10, $0x2;
	p0 =	sne.s32 s10, $0x7C00;
	s10 =	sadd.s32 $0x400, s10;
	v34 =	vsel vm5, v45, v34;
	v24 =	vsel vm0, $0x3F800000, v24;
	[tilespmem:s9+$0xB0] =	vst v47;
	v40 =	vmax.f32 v40, v47  }
0x182: {  	v30 =	vsel vm3, v37, v30;
	v47 =	vld [tilespmem:s11+$0xB0];
	[tilespmem:s9+$0x0] =	vst v34;
	v34 =	vmax.f32 v36, v34;
	vm3 =	vlt.f32 v24, $5.000000000e-01  }
0x183: {  	v35 =	vsel vm0, v46, v35;
	v48 =	vld [tilespmem:s11+$0x90];
	[tilespmem:s9+$0x10] =	vst v30;
	v30 =	vmax.f32 v33, v30;
	vm0 =	vmand vm3, vm1  }
0x184: {  	vm1 =	vmand vm4, vm2;
	v45 =	vld [tilespmem:s11+$0x30];
	[tilespmem:s9+$0x20] =	vst v35;
	v33 =	vmax.f32 v30, v44;
	v37 =	vsel vm0, v42, v29  }
0x185: {  	v32 =	vmax.f32 v32, v35;
	v31 =	vsel vm1, v38, v31;
	v24 =	vsel vm0, $0x3F800000, v24;
	v30 =	vld [tilespmem:s11+$0x10];
	[tilespmem:s9+$0xA0] =	vst v37  }
0x186: {  	vm2 =	vlt.f32 v39, $5.000000000e-01;
	v36 =	vmax.f32 v34, v31;
	v32 =	vmax.f32 v32, v37;
	v29 =	vld [tilespmem:s11+$0xA0];
	[tilespmem:s9+$0x80] =	vst v31;
	s9 =	smov.u32 s11  }
0x187: {  	v43 =	vsel vm1, $0x3F800000, v43;
	vm0 =	vlt.f32 v24, $5.000000000e-01;
	v34 =	vld [tilespmem:s9+$0x0]  }
0x188: {  	vm3 =	vlt.f32 v41, $5.000000000e-01;
	vm5 =	vlt.f32 v43, $5.000000000e-01;
	v31 =	vld [tilespmem:s9+$0x80];
	vm4 =	veq.f32 v48, v26  }
0x189: {  	v44 =	vsub.f32 $0.0e+00, v48;
	vm1 =	veq.f32 v45, v25;
	v38 =	vsub.f32 $0.0e+00, v45  }
0x18a: {  	vm6 =	veq.f32 v30, v26;
	v37 =	vsub.f32 $0.0e+00, v30;
	vm7 =	vmand vm2, vm1  }
0x18b: {  	v49 =	vsub.f32 $0.0e+00, v47;
	v35 =	vld [tilespmem:s9+$0x20];
	v38 =	vsel vm7, v38, v45;
	vm1 =	veq.f32 v29, v27  }
0x18c: {  	vm9 =	veq.f32 v47, v25;
	vm8 =	veq.f32 v34, v28;
	[tilespmem:s9+$0x30] =	vst v38;
	v40 =	vmax.f32 v40, v38  }
0x18d: {  	v45 =	vsub.f32 $0.0e+00, v34;
	vm2 =	veq.f32 v31, v28;
	v38 =	vsub.f32 $0.0e+00, v31  }
0x18e: {  	vm3 =	vmand vm3, vm6;
	v39 =	vsel vm7, $0x3F800000, v39;
	v42 =	vsub.f32 $0.0e+00, v29  }
.Ltmp8:
0x18f: {  	v41 =	vsel vm3, $0x3F800000, v41;
	vm6 =	vlt.f32 v39, $5.000000000e-01;
	vm5 =	vmand vm5, vm8;
	(pc) =	sbr.rel @p0 .LBB2_18-.Ltmp8, $4  }
0x190: {  	vm8 =	vlt.f32 v41, $5.000000000e-01;
	vm6 =	vmand vm6, vm9;
	vm7 =	veq.f32 v35, v27  }
0x191: {  	v43 =	vsel vm5, $0x3F800000, v43;
	vm8 =	vmand vm8, vm4;
	v46 =	vsub.f32 $0.0e+00, v35  }
0x192: {  	v39 =	vsel vm6, $0x3F800000, v39;
	vm4 =	vlt.f32 v43, $5.000000000e-01;
	v44 =	vsel vm8, v44, v48  }
0x193: {  	v47 =	vsel vm6, v49, v47;
	v41 =	vsel vm8, $0x3F800000, v41;
	vm0 =	vmand vm0, vm7;
	[tilespmem:s9+$0x90] =	vst v44  }
0x194: {  	v34 =	vsel vm5, v45, v34;
	v24 =	vsel vm0, $0x3F800000, v24;
	[tilespmem:s9+$0xB0] =	vst v47  }
0x195: {  	v30 =	vsel vm3, v37, v30;
	[tilespmem:s9+$0x0] =	vst v34;
	vm3 =	vlt.f32 v24, $5.000000000e-01  }
0x196: {  	v35 =	vsel vm0, v46, v35;
	[tilespmem:s9+$0x10] =	vst v30;
	vm0 =	vmand vm3, vm1  }
0x197: {  	[tilespmem:s9+$0x20] =	vst v35;
	vm1 =	vmand vm4, vm2;
	v57 =	vsel vm0, v42, v29  }
0x198: {  	v31 =	vsel vm1, v38, v31;
	[tilespmem:s9+$0xA0] =	vst v57  }
0x199: {  	[tilespmem:s9+$0x80] =	vst v31;
	s9 =	simm.s32 $0x0  }
0x19a: {  	v39 =	vld [tilespmem:s9+$0xB0]  }
0x19b: {  	v58 =	vld [tilespmem:s9+$0x30]  }
0x19c: {  	v59 =	vld [tilespmem:s9+$0x0]  }
0x19d: {  	v29 =	vmax.f32 v33, v30;
	v30 =	vmax.f32 v36, v34;
	v34 =	vld [tilespmem:s9+$0x80]  }
0x19e: {  	v32 =	vmax.f32 v32, v35;
	v33 =	vld [tilespmem:s9+$0x10]  }
0x19f: {  	v37 =	vimm.f32 $0.0e+00;
	v31 =	vmax.f32 v30, v31;
	v30 =	vmax.f32 v32, v57;
	v32 =	vld [tilespmem:s9+$0xA0]  }
0x1a0: {  	v24 =	vmax.f32 v40, v47;
	vm2 =	vlt.f32 v37, $5.000000000e-01;
	v29 =	vmax.f32 v29, v44  }
0x1a1: {  	vm0 =	veq.f32 v39, v24;
	vm1 =	veq.f32 v58, v24;
	v60 =	vsub.f32 $0.0e+00, v58  }
0x1a2: {  	v43 =	vsub.f32 $0.0e+00, v39;
	v61 =	vsub.f32 $0.0e+00, v59;
	vm3 =	veq.f32 v59, v31  }
0x1a3: {  	v35 =	vld [tilespmem:s9+$0x90];
	v41 =	vsub.f32 $0.0e+00, v34;
	v38 =	vsub.f32 $0.0e+00, v33;
	vm1 =	vmand vm2, vm1  }
0x1a4: {  	v36 =	vld [tilespmem:s9+$0x20];
	v40 =	vsub.f32 $0.0e+00, v32;
	vm5 =	vmand vm2, vm3;
	v62 =	vsel vm1, $0x3F800000, v37  }
0x1a5: {  	vm3 =	veq.f32 v34, v31;
	v63 =	vsel vm1, v60, v58;
	vm4 =	vlt.f32 v62, $5.000000000e-01  }
0x1a6: {  	v44 =	vsel vm5, $0x3F800000, v37;
	vm1 =	vmmov vm2;
	vm0 =	vmand vm4, vm0  }
0x1a7: {  	[tilespmem:s9+$0x30] =	vst v63;
	vm4 =	veq.f32 v33, v29;
	v39 =	vsel vm0, v43, v39;
	v42 =	vsel vm0, $0x3F800000, v62  }
0x1a8: {  	s10 =	simm.s32 $0x400;
	v43 =	vsel vm5, v61, v59;
	vm0 =	veq.f32 v32, v30;
	[tilespmem:s9+$0xB0] =	vst v39;
	v39 =	vimm.f32 $0.0e+00  }
.LBB2_20:
0x1a9: {  	s11 =	sshra.s32 s10, $0x2;
	p0 =	sne.s32 s10, $0x7C00;
	s10 =	sadd.s32 $0x400, s10;
	[tilespmem:s9+$0x0] =	vst v43;
	vm2 =	vmand vm2, vm4;
	v43 =	vsub.f32 $0.0e+00, v36;
	v45 =	vsub.f32 $0.0e+00, v35  }
0x1aa: {  	vm4 =	vlt.f32 v44, $5.000000000e-01;
	vm5 =	veq.f32 v35, v29;
	v46 =	vld [tilespmem:s11+$0xB0];
	v37 =	vsel vm2, $0x3F800000, v37  }
0x1ab: {  	vm6 =	veq.f32 v36, v30;
	vm3 =	vmand vm4, vm3;
	vm4 =	vlt.f32 v37, $5.000000000e-01  }
0x1ac: {  	vm1 =	vmand vm1, vm6;
	v34 =	vsel vm3, v41, v34;
	v47 =	vld [tilespmem:s11+$0x30];
	vm4 =	vmand vm4, vm5  }
0x1ad: {  	v39 =	vsel vm1, $0x3F800000, v39;
	v44 =	vsel vm3, $0x3F800000, v44;
	[tilespmem:s9+$0x80] =	vst v34;
	v37 =	vsel vm4, $0x3F800000, v37  }
0x1ae: {  	v33 =	vsel vm2, v38, v33;
	vm2 =	vlt.f32 v39, $5.000000000e-01;
	v35 =	vsel vm4, v45, v35;
	v48 =	vld [tilespmem:s11+$0x0]  }
0x1af: {  	v36 =	vsel vm1, v43, v36;
	vm0 =	vmand vm2, vm0;
	v34 =	vld [tilespmem:s11+$0x80];
	vm3 =	veq.f32 v46, v24;
	[tilespmem:s9+$0x10] =	vst v33  }
0x1b0: {  	vm2 =	vlt.f32 v42, $5.000000000e-01;
	v32 =	vsel vm0, v40, v32;
	v39 =	vsel vm0, $0x3F800000, v39;
	v33 =	vld [tilespmem:s11+$0x10];
	[tilespmem:s9+$0x20] =	vst v36  }
0x1b1: {  	vm0 =	vlt.f32 v44, $5.000000000e-01;
	vm4 =	veq.f32 v47, v24;
	v40 =	vsub.f32 $0.0e+00, v47;
	[tilespmem:s9+$0xA0] =	vst v32  }
0x1b2: {  	vm1 =	vlt.f32 v39, $5.000000000e-01;
	v43 =	vsub.f32 $0.0e+00, v46;
	vm4 =	vmand vm2, vm4;
	v32 =	vld [tilespmem:s11+$0xA0];
	[tilespmem:s9+$0x90] =	vst v35;
	s9 =	smov.u32 s11  }
0x1b3: {  	vm2 =	vlt.f32 v37, $5.000000000e-01;
	v45 =	vsub.f32 $0.0e+00, v48;
	v42 =	vsel vm4, $0x3F800000, v42;
	v35 =	vld [tilespmem:s9+$0x90]  }
.Ltmp9:
0x1b4: {  	vm5 =	veq.f32 v48, v31;
	v36 =	vld [tilespmem:s9+$0x20];
	v41 =	vsub.f32 $0.0e+00, v34;
	vm6 =	vlt.f32 v42, $5.000000000e-01;
	(pc) =	sbr.rel @p0 .LBB2_20-.Ltmp9, $4  }
0x1b5: {  	vm5 =	vmand vm0, vm5;
	v38 =	vsub.f32 $0.0e+00, v33;
	vm0 =	vmand vm6, vm3  }
0x1b6: {  	v40 =	vsel vm4, v40, v47;
	v46 =	vsel vm0, v43, v46;
	v42 =	vsel vm0, $0x3F800000, v42  }
0x1b7: {  	vm3 =	veq.f32 v34, v31;
	v43 =	vsel vm5, v45, v48;
	vm0 =	veq.f32 v32, v30;
	[tilespmem:s9+$0xB0] =	vst v46  }
0x1b8: {  	v44 =	vsel vm5, $0x3F800000, v44;
	vm4 =	veq.f32 v33, v29;
	[tilespmem:s9+$0x30] =	vst v40;
	v40 =	vsub.f32 $0.0e+00, v32  }
0x1b9: {  	v0 =	vadd.f32 $0.0e+00, v0;
	v42 =	vsub.f32 $0.0e+00, v36  }
0x1ba: {  	v1 =	vadd.f32 $0.0e+00, v1;
	v3 =	vadd.f32 $0.0e+00, v3  }
0x1bb: {  	v2 =	vadd.f32 $0.0e+00, v2;
	v0 =	vadd.f32 v7, v0  }
0x1bc: {  	v7 =	vsub.f32 $0.0e+00, v35;
	v1 =	vadd.f32 v4, v1  }
0x1bd: {  	v3 =	vadd.f32 v5, v3;
	v0 =	vadd.f32 v11, v0  }
0x1be: {  	v2 =	vadd.f32 v6, v2;
	v1 =	vadd.f32 v9, v1  }
0x1bf: {  	vm4 =	vmand vm2, vm4;
	v3 =	vadd.f32 v10, v3;
	v0 =	vadd.f32 v15, v0  }
0x1c0: {  	vm5 =	vlt.f32 v44, $5.000000000e-01;
	v2 =	vadd.f32 v8, v2;
	v1 =	vadd.f32 v13, v1  }
0x1c1: {  	vm2 =	veq.f32 v35, v29;
	v3 =	vadd.f32 v14, v3;
	v0 =	vadd.f32 v19, v0  }
0x1c2: {  	vm6 =	veq.f32 v36, v30;
	v2 =	vadd.f32 v12, v2;
	v1 =	vadd.f32 v17, v1  }
0x1c3: {  	vm3 =	vmand vm5, vm3;
	v3 =	vadd.f32 v18, v3;
	v0 =	vadd.f32 v23, v0  }
0x1c4: {  	vm1 =	vmand vm1, vm6;
	v2 =	vadd.f32 v16, v2;
	v1 =	vadd.f32 v21, v1  }
0x1c5: {  	v4 =	vsel vm4, $0x3F800000, v37;
	v3 =	vadd.f32 v22, v3;
	v0 =	vadd.f32 v28, v0  }
0x1c6: {  	v5 =	vsel vm1, $0x3F800000, v39;
	v2 =	vadd.f32 v20, v2;
	v1 =	vadd.f32 v26, v1  }
0x1c7: {  	v6 =	vsel vm4, v38, v33;
	v3 =	vadd.f32 v27, v3;
	v0 =	vadd.f32 v31, v0  }
0x1c8: {  	vm14 =	vlt.f32 v4, $5.000000000e-01;
	v2 =	vadd.f32 v25, v2;
	v1 =	vadd.f32 v29, v1  }
0x1c9: {  	[tilespmem:s9+$0x0] =	vst v43;
	v4 =	vsel vm3, v41, v34;
	v3 =	vadd.f32 v30, v3;
	(erf) = vrcp.f32 v0  }
0x1ca: {  	vm3 =	vlt.f32 v5, $5.000000000e-01;
	[tilespmem:s9+$0x10] =	vst v6;
	v0 =	vadd.f32 v24, v2;
	(erf) = vrcp.f32 v1  }
0x1cb: {  	[tilespmem:s9+$0x80] =	vst v4;
	vm0 =	vmand vm3, vm0;
	v1 =	vsel vm1, v42, v36;
	(erf) = vrcp.f32 v3  }
0x1cc: {  	vm1 =	vmand vm14, vm2;
	[tilespmem:s9+$0x20] =	vst v1;
	v1 =	vsel vm0, v40, v32;
	(erf) = vrcp.f32 v0  }
0x1cd: {  	v0 =	vsel vm1, v7, v35;
	[tilespmem:s9+$0xA0] =	vst v1  }
0x1ce: {  	s10 =	simm.s32 $0x0;
	[tilespmem:s9+$0x90] =	vst v0  }
0x1cf: {  	v4 =	vld [tilespmem:s10+$0xB0];
	_ =	sdelay $0x1  }
0x1d0: {  	v6 =	vld [tilespmem:s10+$0x10]  }
0x1d1: {  	v7 =	vld [tilespmem:s10+$0x20];
	v2 =	vpop (erf)  }
0x1d2: {  	v9 =	vld [tilespmem:s10+$0x30];
	v1 =	vpop (erf)  }
0x1d3: {  	v5 =	vld [tilespmem:s10+$0x0];
	v8 =	vsub.f32 $0.0e+00, v4;
	v0 =	vpop (erf)  }
0x1d4: {  	v11 =	vld [tilespmem:s10+$0x90];
	v3 =	vpop (erf)  }
0x1d5: {  	v12 =	vld [tilespmem:s10+$0xA0];
	v8 =	vmul.f32 v8, v3  }
0x1d6: {  	v10 =	vld [tilespmem:s10+$0x80];
	vm0 =	vlt.f32 v4, $0.0e+00;
	vm1 =	vlt.f32 v6, $0.0e+00;
	vm2 =	vlt.f32 v7, $0.0e+00  }
0x1d7: {  	vm3 =	vlt.f32 v9, $0.0e+00;
	v4 =	vnsel vm0, $0x0, v8;
	v8 =	vsub.f32 $0.0e+00, v6  }
0x1d8: {  	s9 =	simm.s32 $0x100;
	vm0 =	vlt.f32 v5, $0.0e+00;
	[tilespmem:s10+$0x20B0] =	vst v4;
	v4 =	vsub.f32 $0.0e+00, v5;
	v5 =	vsub.f32 $0.0e+00, v7  }
0x1d9: {  	v62 =	vsub.f32 $0.0e+00, v11;
	v13 =	vld [tilespmem:s9+$0xB0];
	v6 =	vmul.f32 v8, v1;
	v8 =	vsub.f32 $0.0e+00, v9  }
0x1da: {  	vm15 =	vlt.f32 v12, $0.0e+00;
	v14 =	vld [tilespmem:s9+$0x0];
	v4 =	vmul.f32 v4, v2;
	v7 =	vmul.f32 v5, v0  }
0x1db: {  	v15 =	vld [tilespmem:s9+$0x10];
	v5 =	vsub.f32 $0.0e+00, v10;
	v8 =	vmul.f32 v8, v3;
	v6 =	vnsel vm1, $0x0, v6  }
0x1dc: {  	v61 =	vld [tilespmem:s9+$0x20];
	v9 =	vnsel vm0, $0x0, v4;
	vm0 =	vlt.f32 v10, $0.0e+00;
	v10 =	vsub.f32 $0.0e+00, v12  }
0x1dd: {  	vm1 =	vlt.f32 v11, $0.0e+00;
	v11 =	vmul.f32 v62, v1;
	v4 =	vld [tilespmem:s9+$0x30];
	[tilespmem:s10+$0x2000] =	vst v9;
	v9 =	vmul.f32 v5, v2  }
0x1de: {  	v7 =	vnsel vm2, $0x0, v7;
	v12 =	vnsel vm3, $0x0, v8;
	v10 =	vmul.f32 v10, v0  }
0x1df: {  	v11 =	vnsel vm1, $0x0, v11;
	v5 =	vld [tilespmem:s9+$0x80];
	[tilespmem:s10+$0x2010] =	vst v6;
	v63 =	vnsel vm0, $0x0, v9;
	v9 =	vsub.f32 $0.0e+00, v13  }
0x1e0: {  	vm1 =	vlt.f32 v14, $0.0e+00;
	v6 =	vld [tilespmem:s9+$0x90];
	[tilespmem:s10+$0x2020] =	vst v7;
	vm0 =	vlt.f32 v15, $0.0e+00;
	v8 =	vnsel vm15, $0x0, v10  }
0x1e1: {  	v10 =	vsub.f32 $0.0e+00, v14;
	v7 =	vld [tilespmem:s9+$0xA0];
	v14 =	vsub.f32 $0.0e+00, v15;
	[tilespmem:s10+$0x2030] =	vst v12;
	v15 =	vmul.f32 v9, v3  }
0x1e2: {  	vm2 =	vlt.f32 v13, $0.0e+00;
	v12 =	vsub.f32 $0.0e+00, v61;
	[tilespmem:s10+$0x2080] =	vst v63;
	v13 =	vsub.f32 $0.0e+00, v4  }
0x1e3: {  	[tilespmem:s10+$0x2090] =	vst v11;
	v9 =	vmul.f32 v10, v2;
	v10 =	vmul.f32 v14, v1;
	v14 =	vnsel vm2, $0x0, v15  }
0x1e4: {  	s11 =	simm.s32 $0x200;
	s12 =	simm.s32 $0xC00;
	v11 =	vmul.f32 v12, v0;
	vm2 =	vlt.f32 v61, $0.0e+00;
	v12 =	vsub.f32 $0.0e+00, v5;
	[tilespmem:s9+$0x20B0] =	vst v14  }
.LBB2_22:
0x1e5: {  	p0 =	sne.s32 s12, $0x7C00;
	v14 =	vld [tilespmem:s11+$0xB0];
	vm3 =	vlt.f32 v4, $0.0e+00;
	v13 =	vmul.f32 v13, v3;
	v4 =	vsub.f32 $0.0e+00, v6;
	[tilespmem:s10+$0x20A0] =	vst v8;
	s10 =	smov.u32 s9;
	s9 =	smov.u32 s11  }
0x1e6: {  	vm4 =	vlt.f32 v5, $0.0e+00;
	v15 =	vld [tilespmem:s9+$0x0];
	v5 =	vmul.f32 v12, v2;
	v8 =	vsub.f32 $0.0e+00, v7  }
0x1e7: {  	vm5 =	vlt.f32 v6, $0.0e+00;
	vm6 =	vlt.f32 v7, $0.0e+00;
	v12 =	vld [tilespmem:s9+$0x10];
	v6 =	vmul.f32 v4, v1  }
0x1e8: {  	v7 =	vnsel vm1, $0x0, v9;
	v9 =	vnsel vm0, $0x0, v10;
	v16 =	vld [tilespmem:s9+$0x20];
	v8 =	vmul.f32 v8, v0  }
0x1e9: {  	v10 =	vnsel vm3, $0x0, v13;
	v4 =	vld [tilespmem:s9+$0x30];
	[tilespmem:s10+$0x2000] =	vst v7;
	v7 =	vnsel vm2, $0x0, v11;
	v11 =	vnsel vm4, $0x0, v5  }
0x1ea: {  	v17 =	vnsel vm5, $0x0, v6;
	v5 =	vld [tilespmem:s9+$0x80];
	v13 =	vsub.f32 $0.0e+00, v14;
	[tilespmem:s10+$0x2010] =	vst v9;
	v8 =	vnsel vm6, $0x0, v8  }
.Ltmp10:
0x1eb: {  	vm1 =	vlt.f32 v15, $0.0e+00;
	v9 =	vsub.f32 $0.0e+00, v15;
	v6 =	vld [tilespmem:s9+$0x90];
	[tilespmem:s10+$0x2020] =	vst v7;
	(pc) =	sbr.rel @p0 .LBB2_22-.Ltmp10, $4  }
0x1ec: {  	vm0 =	vlt.f32 v12, $0.0e+00;
	v12 =	vsub.f32 $0.0e+00, v12;
	v7 =	vld [tilespmem:s9+$0xA0];
	v15 =	vmul.f32 v13, v3;
	[tilespmem:s10+$0x2030] =	vst v10  }
0x1ed: {  	vm2 =	vlt.f32 v14, $0.0e+00;
	v9 =	vmul.f32 v9, v2;
	v18 =	vsub.f32 $0.0e+00, v16;
	[tilespmem:s10+$0x2080] =	vst v11  }
0x1ee: {  	v10 =	vmul.f32 v12, v1;
	v13 =	vsub.f32 $0.0e+00, v4;
	v14 =	vnsel vm2, $0x0, v15;
	[tilespmem:s10+$0x2090] =	vst v17  }
0x1ef: {  	s11 =	sshra.s32 s12, $0x2;
	s12 =	sadd.s32 $0x400, s12;
	vm2 =	vlt.f32 v16, $0.0e+00;
	v11 =	vmul.f32 v18, v0;
	v12 =	vsub.f32 $0.0e+00, v5;
	[tilespmem:s9+$0x20B0] =	vst v14  }
0x1f0: {  	v14 =	vld [tilespmem:s11+$0xB0];
	[tilespmem:s10+$0x20A0] =	vst v8;
	v9 =	vnsel vm1, $0x0, v9  }
0x1f1: {  	vm14 =	vlt.f32 v4, $0.0e+00;
	v38 =	vmul.f32 v13, v3;
	v39 =	vsub.f32 $0.0e+00, v6;
	v8 =	vld [tilespmem:s11+$0x0]  }
0x1f2: {  	vm3 =	vlt.f32 v5, $0.0e+00;
	v41 =	vnsel vm0, $0x0, v10;
	v15 =	vld [tilespmem:s11+$0x10];
	v40 =	vsub.f32 $0.0e+00, v7  }
0x1f3: {  	vm15 =	vlt.f32 v6, $0.0e+00;
	v16 =	vld [tilespmem:s11+$0x20];
	v43 =	vmul.f32 v12, v2;
	vm4 =	vlt.f32 v7, $0.0e+00  }
0x1f4: {  	v17 =	vld [tilespmem:s11+$0x30];
	[tilespmem:s9+$0x2000] =	vst v9;
	v45 =	vnsel vm2, $0x0, v11;
	v44 =	vmul.f32 v39, v1;
	v5 =	vmul.f32 v40, v0  }
0x1f5: {  	v42 =	vld [tilespmem:s11+$0x80];
	[tilespmem:s9+$0x2010] =	vst v41;
	v4 =	vnsel vm14, $0x0, v38;
	v6 =	vnsel vm3, $0x0, v43;
	v46 =	vsub.f32 $0.0e+00, v14  }
0x1f6: {  	v9 =	vld [tilespmem:s11+$0x90];
	[tilespmem:s9+$0x2020] =	vst v45;
	v47 =	vnsel vm15, $0x0, v44;
	v5 =	vnsel vm4, $0x0, v5;
	vm10 =	vlt.f32 v14, $0.0e+00  }
0x1f7: {  	v48 =	vld [tilespmem:s11+$0xA0];
	[tilespmem:s9+$0x2030] =	vst v4;
	vm8 =	vlt.f32 v8, $0.0e+00;
	v8 =	vsub.f32 $0.0e+00, v8;
	v11 =	vmul.f32 v46, v3  }
0x1f8: {  	[tilespmem:s9+$0x2080] =	vst v6;
	v49 =	vsub.f32 $0.0e+00, v15;
	vm9 =	vlt.f32 v15, $0.0e+00;
	v50 =	vsub.f32 $0.0e+00, v16  }
0x1f9: {  	[tilespmem:s9+$0x2090] =	vst v47;
	v53 =	vsub.f32 $0.0e+00, v17;
	v51 =	vmul.f32 v8, v2;
	v52 =	vnsel vm10, $0x0, v11  }
0x1fa: {  	vm11 =	vlt.f32 v16, $0.0e+00;
	vm12 =	vlt.f32 v17, $0.0e+00;
	v4 =	vmul.f32 v49, v1;
	[tilespmem:s11+$0x20B0] =	vst v52  }
0x1fb: {  	v55 =	vsub.f32 $0.0e+00, v42;
	v54 =	vmul.f32 v50, v0;
	v56 =	vnsel vm8, $0x0, v51;
	[tilespmem:s9+$0x20A0] =	vst v5  }
0x1fc: {  	v57 =	vmul.f32 v53, v3;
	v58 =	vsub.f32 $0.0e+00, v9;
	v4 =	vnsel vm9, $0x0, v4;
	[tilespmem:s11+$0x2000] =	vst v56  }
0x1fd: {  	v59 =	vmul.f32 v55, v2;
	v60 =	vsub.f32 $0.0e+00, v48;
	v61 =	vnsel vm11, $0x0, v54;
	[tilespmem:s11+$0x2010] =	vst v4  }
0x1fe: {  	vm13 =	vlt.f32 v42, $0.0e+00;
	v62 =	vmul.f32 v58, v1;
	v3 =	vnsel vm12, $0x0, v57;
	[tilespmem:s11+$0x2020] =	vst v61  }
0x1ff: {  	vm14 =	vlt.f32 v9, $0.0e+00;
	v63 =	vmul.f32 v60, v0;
	v2 =	vnsel vm13, $0x0, v59;
	[tilespmem:s11+$0x2030] =	vst v3  }
0x200: {  	s8 =	sadd.s32 $0x1, s8;
	vm15 =	vlt.f32 v48, $0.0e+00;
	v1 =	vnsel vm14, $0x0, v62;
	[tilespmem:s11+$0x2080] =	vst v2  }
0x201: {  	p0 =	sne.s32 s8, s5;
	v0 =	vnsel vm15, $0x0, v63;
	[tilespmem:s11+$0x2090] =	vst v1  }
.Ltmp11:
0x202: {  	[tilespmem:s11+$0x20A0] =	vst v0;
	(pc) =	sbr.rel @p0 .LBB2_1-.Ltmp11, $4  }
0x203: {  	[hbm4b:s4+s2] =	stream.linear.scatter [tilespmem:s7], [sflag:$0x1], $0x2000, $0x38;
	[tilespmem:$0x4000] =	vst v63  }
0x204: {  	_ =	swait.ge [sflag:s6], $0x2000  }
0x205: {  	[sflag:s6] =	ssyncset.done $0x0  }
0x206: {  	[sflag:s6] =	ssyncadd.s32 $0xFFFFE000  }
0x207: {  	_ =	sfence.sel $0x180000  }
0x208: {  	[bflag:$0x0] =	sbarrier.arrive $0xFFFF  }
0x209: {  	p0 =	sne.s32 s1, $0x0;
	_ =	strace $0x90000047  }
0x20a: {  	s0 =	sadd.s32 @!p0 $0x100000, s0;
	[bflag:$0x2] =	sbarrier.arrive $0xFFFF  }
0x20b: {  	[sflag:s0] =	ssyncadd.tile.s32 @!p0 $0x1;
	_ =	shalt  }
.Lfunc_end2:
_tile_overlayer_lowered:
.L_overlay_start_2:
0x20c: {  	(tag) =	ssettag $0x2  }
0x20d: {  	s0 =	rddreg [dreg:$0x0];
	s2 =	stileid.u32  }
0x20e: {  	s1 =	rddreg [dreg:$0x1];
	p0 =	sne.s32 s2, $0x0  }
0x20f: {  	s3 =	rddreg [dreg:$0x2];
	[bflag:$0x3] =	sbarrier.arrive $0xFFFF;
	s2 =	simm.s32 @!p0 $0x1C01  }
0x210: {  	[timem:s3], [sflag:s2] =	dma.local @!p0 [hbm:s0], s1  }
0x211: {  	s0 =	simm.s32 @!p0 $0x1  }
0x212: {  	_ =	swait.ge @!p0 [sflag:s0], s1  }
0x213: {  	s1 =	ssub.s32 @!p0 $0x0, s1;
	[sflag:s0] =	ssyncset.done @!p0 $0x0  }
0x214: {  	[sflag:s0] =	ssyncadd.s32 @!p0 s1  }
0x215: {  	[bflag:$0x3] =	sbarrier.arrive $0xFFFF  }
0x216: {  	_ =	shalt  }

</sc_bundles>
